<compile_context>
chip_gen: v7x
topology: tpu7x:2x2x1
jax: 0.10.2.dev20260603
libtpu: 0.0.44.dev20260713+nightly
codegen_flags: <defaults>
</compile_context>

<pallas_src>
import functools

import jax
import jax.numpy as jnp
from jax import lax
from jax.experimental import pallas as pl
from jax.experimental.pallas import tpu as pltpu
from jax.experimental.pallas import tpu_sc as plsc

N = 10000
E = 320000
D_IN = 128
HID = 512
H1 = 8
C1 = 64
D_OUT = 128

NW = 32
NSUB = 16
NP = 10240
RPS = NP // NSUB
CE = 256
NCH = E // CE
KSUB = CE // 128
CEA = 128
NCHA = E // CEA
KSUBA = CEA // 128

_mesh = plsc.VectorSubcoreMesh(core_axis_name="c", subcore_axis_name="s")
_sc_params = pltpu.CompilerParams(needs_layout_passes=False)


def _sc_edge_softmax(srcT, dstT, AS, AD):

  @functools.partial(
      pl.kernel,
      out_type=jax.ShapeDtypeStruct((2, NP, 128), jnp.float32),
      mesh=_mesh,
      compiler_params=_sc_params,
      scratch_types=[
          pltpu.VMEM((KSUBA, 128), jnp.int32),
          pltpu.VMEM((KSUBA, 128), jnp.int32),
          pltpu.VMEM((CEA, 128), jnp.float32),
          pltpu.VMEM((CEA, 128), jnp.float32),
          pltpu.VMEM_SHARED((NP, 128), jnp.float32),
          pltpu.SemaphoreType.DMA,
      ])
  def k(srcT_h, dstT_h, AS_h, AD_h, dP_h,
        sbuf, dbuf, rs, rd, acc, sem):
    c = lax.axis_index("c")
    s = lax.axis_index("s")
    w = s * 2 + c
    r0 = s * RPS

    @pl.loop(0, CEA)
    def _(i):
      for t in range(8):
        rs[i, pl.ds(16 * t, 16)] = jnp.zeros((16,), jnp.float32)

    for t in range(RPS // CEA):
      pltpu.sync_copy(rs, acc.at[pl.ds(r0 + t * CEA, CEA)])
    plsc.subcore_barrier()

    @pl.loop(0, NCHA)
    def _(j):
      @pl.when(lax.rem(j, NW) == w)
      def _():
        pltpu.sync_copy(srcT_h.at[j], sbuf)
        pltpu.sync_copy(dstT_h.at[j], dbuf)
        for t in range(KSUBA):
          pltpu.async_copy(AS_h.at[sbuf.at[t]], rs.at[pl.ds(t * 128, 128)],
                           sem)
          pltpu.async_copy(AD_h.at[dbuf.at[t]], rd.at[pl.ds(t * 128, 128)],
                           sem)
        for t in range(KSUBA):
          pltpu.make_async_copy(AS_h.at[sbuf.at[t]],
                                rs.at[pl.ds(t * 128, 128)], sem).wait()
          pltpu.make_async_copy(AD_h.at[dbuf.at[t]],
                                rd.at[pl.ds(t * 128, 128)], sem).wait()

        @pl.loop(0, CEA)
        def _(e):
          a = rs[e, pl.ds(0, 16)] + rd[e, pl.ds(0, 16)]
          a = jnp.maximum(a, a * 0.2)
          rs[e, pl.ds(0, 16)] = jnp.exp(a)

        for t in range(KSUBA):
          pltpu.async_copy(rs.at[pl.ds(t * 128, 128)], acc.at[dbuf.at[t]],
                           sem, add=True)
        for t in range(KSUBA):
          pltpu.make_async_copy(rs.at[pl.ds(t * 128, 128)],
                                acc.at[dbuf.at[t]], sem).wait()

    plsc.subcore_barrier()
    for t in range(RPS // CEA):
      pltpu.sync_copy(acc.at[pl.ds(r0 + t * CEA, CEA)], rs)
      pltpu.sync_copy(rs, dP_h.at[c, pl.ds(r0 + t * CEA, CEA)])

  return k(srcT, dstT, AS, AD)


def _sc_coef(srcT, dstT, AS, AD, den):

  @functools.partial(
      pl.kernel,
      out_type=jax.ShapeDtypeStruct((E, 16), jnp.float32),
      mesh=_mesh,
      compiler_params=_sc_params,
      scratch_types=[
          pltpu.VMEM((KSUBA, 128), jnp.int32),
          pltpu.VMEM((KSUBA, 128), jnp.int32),
          pltpu.VMEM((CEA, 128), jnp.float32),
          pltpu.VMEM((CEA, 128), jnp.float32),
          pltpu.VMEM((CEA, 128), jnp.float32),
          pltpu.VMEM((CEA, 16), jnp.float32),
          pltpu.SemaphoreType.DMA,
      ])
  def k(srcT_h, dstT_h, AS_h, AD_h, den_h, coef_h,
        sbuf, dbuf, rs, rd, g0, exc, sem):
    c = lax.axis_index("c")
    s = lax.axis_index("s")
    w = s * 2 + c

    @pl.loop(0, NCHA)
    def _(j):
      @pl.when(lax.rem(j, NW) == w)
      def _():
        pltpu.sync_copy(srcT_h.at[j], sbuf)
        pltpu.sync_copy(dstT_h.at[j], dbuf)
        for t in range(KSUBA):
          pltpu.async_copy(AS_h.at[sbuf.at[t]], rs.at[pl.ds(t * 128, 128)],
                           sem)
          pltpu.async_copy(AD_h.at[dbuf.at[t]], rd.at[pl.ds(t * 128, 128)],
                           sem)
          pltpu.async_copy(den_h.at[dbuf.at[t]], g0.at[pl.ds(t * 128, 128)],
                           sem)
        for t in range(KSUBA):
          pltpu.make_async_copy(AS_h.at[sbuf.at[t]],
                                rs.at[pl.ds(t * 128, 128)], sem).wait()
          pltpu.make_async_copy(AD_h.at[dbuf.at[t]],
                                rd.at[pl.ds(t * 128, 128)], sem).wait()
          pltpu.make_async_copy(den_h.at[dbuf.at[t]],
                                g0.at[pl.ds(t * 128, 128)], sem).wait()

        @pl.loop(0, CEA)
        def _(e):
          a = rs[e, pl.ds(0, 16)] + rd[e, pl.ds(0, 16)]
          a = jnp.maximum(a, a * 0.2)
          exc[e] = jnp.exp(a) / g0[e, pl.ds(0, 16)]

        pltpu.sync_copy(exc, coef_h.at[pl.ds(j * CEA, CEA)])

  return k(srcT, dstT, AS, AD, den)


def _sc_agg8(srcI4, dstTA, XL4, coef):

  @functools.partial(
      pl.kernel,
      out_type=jax.ShapeDtypeStruct((NP, HID), jnp.float32),
      mesh=_mesh,
      compiler_params=_sc_params,
      scratch_types=[
          pltpu.VMEM((KSUBA, 128), jnp.int32),
          pltpu.VMEM((KSUBA, 128), jnp.int32),
          pltpu.VMEM((CEA, 128), jnp.float32),
          pltpu.VMEM((CEA, 16), jnp.float32),
          pltpu.VMEM_SHARED((NP, 128), jnp.float32),
          pltpu.SemaphoreType.DMA,
      ])
  def k(srcI4_h, dstTA_h, XL4_h, coef_h, out_h,
        ibuf, dbuf, rows, cbuf, acc, sem):
    c = lax.axis_index("c")
    s = lax.axis_index("s")
    r0 = s * RPS
    lane = lax.broadcasted_iota(jnp.int32, (16,), 0)

    for p in range(2):
      q = c * 2 + p
      oh0 = (lane == 2 * q).astype(jnp.float32)
      oh1 = (lane == 2 * q + 1).astype(jnp.float32)

      @pl.loop(0, CEA)
      def _(i):
        for t in range(8):
          rows[i, pl.ds(16 * t, 16)] = jnp.zeros((16,), jnp.float32)

      for t in range(RPS // CEA):
        pltpu.sync_copy(rows, acc.at[pl.ds(r0 + t * CEA, CEA)])
      plsc.subcore_barrier()

      @pl.loop(0, NCHA)
      def _(j):
        @pl.when(lax.rem(j, NSUB) == s)
        def _():
          pltpu.sync_copy(srcI4_h.at[q, j], ibuf)
          pltpu.sync_copy(dstTA_h.at[j], dbuf)
          pltpu.sync_copy(coef_h.at[pl.ds(j * CEA, CEA)], cbuf)
          for t in range(KSUBA):
            pltpu.async_copy(XL4_h.at[ibuf.at[t]],
                             rows.at[pl.ds(t * 128, 128)], sem)
          for t in range(KSUBA):
            pltpu.make_async_copy(XL4_h.at[ibuf.at[t]],
                                  rows.at[pl.ds(t * 128, 128)], sem).wait()

          @pl.loop(0, CEA)
          def _(e):
            crow = cbuf[e]
            sc0 = jnp.sum(crow * oh0)
            sc1 = jnp.sum(crow * oh1)
            for t in range(4):
              rows[e, pl.ds(16 * t, 16)] = rows[e, pl.ds(16 * t, 16)] * sc0
            for t in range(4, 8):
              rows[e, pl.ds(16 * t, 16)] = rows[e, pl.ds(16 * t, 16)] * sc1

          for t in range(KSUBA):
            pltpu.async_copy(rows.at[pl.ds(t * 128, 128)], acc.at[dbuf.at[t]],
                             sem, add=True)
          for t in range(KSUBA):
            pltpu.make_async_copy(rows.at[pl.ds(t * 128, 128)],
                                  acc.at[dbuf.at[t]], sem).wait()

      plsc.subcore_barrier()
      for t in range(RPS // CEA):
        pltpu.sync_copy(acc.at[pl.ds(r0 + t * CEA, CEA)], rows)
        pltpu.sync_copy(rows, out_h.at[pl.ds(r0 + t * CEA, CEA),
                                       pl.ds(q * 128, 128)])
      plsc.subcore_barrier()

  return k(srcI4, dstTA, XL4, coef)


def _sc_agg1(srcTA, dstTA, HL, coef2):

  @functools.partial(
      pl.kernel,
      out_type=jax.ShapeDtypeStruct((2, NP, D_OUT), jnp.float32),
      mesh=_mesh,
      compiler_params=_sc_params,
      scratch_types=[
          pltpu.VMEM((KSUBA, 128), jnp.int32),
          pltpu.VMEM((KSUBA, 128), jnp.int32),
          pltpu.VMEM((CEA, D_OUT), jnp.float32),
          pltpu.VMEM((CEA, 16), jnp.float32),
          pltpu.VMEM_SHARED((NP, D_OUT), jnp.float32),
          pltpu.SemaphoreType.DMA,
      ])
  def k(srcTA_h, dstTA_h, HL_h, coef_h, outP_h,
        ibuf, dbuf, rows, cbuf, acc, sem):
    c = lax.axis_index("c")
    s = lax.axis_index("s")
    w = s * 2 + c
    r0 = s * RPS

    @pl.loop(0, CEA)
    def _(i):
      for t in range(8):
        rows[i, pl.ds(16 * t, 16)] = jnp.zeros((16,), jnp.float32)

    for t in range(RPS // CEA):
      pltpu.sync_copy(rows, acc.at[pl.ds(r0 + t * CEA, CEA)])
    plsc.subcore_barrier()

    @pl.loop(0, NCHA)
    def _(j):
      @pl.when(lax.rem(j, NW) == w)
      def _():
        pltpu.sync_copy(srcTA_h.at[j], ibuf)
        pltpu.sync_copy(dstTA_h.at[j], dbuf)
        pltpu.sync_copy(coef_h.at[pl.ds(j * CEA, CEA)], cbuf)
        for t in range(KSUBA):
          pltpu.async_copy(HL_h.at[ibuf.at[t]],
                           rows.at[pl.ds(t * 128, 128)], sem)
        for t in range(KSUBA):
          pltpu.make_async_copy(HL_h.at[ibuf.at[t]],
                                rows.at[pl.ds(t * 128, 128)], sem).wait()

        @pl.loop(0, CEA)
        def _(e):
          crow = cbuf[e]
          for t in range(D_OUT // 16):
            rows[e, pl.ds(16 * t, 16)] = rows[e, pl.ds(16 * t, 16)] * crow

        for t in range(KSUBA):
          pltpu.async_copy(rows.at[pl.ds(t * 128, 128)], acc.at[dbuf.at[t]],
                           sem, add=True)
        for t in range(KSUBA):
          pltpu.make_async_copy(rows.at[pl.ds(t * 128, 128)],
                                acc.at[dbuf.at[t]], sem).wait()

    plsc.subcore_barrier()
    for t in range(RPS // CEA):
      pltpu.sync_copy(acc.at[pl.ds(r0 + t * CEA, CEA)], rows)
      pltpu.sync_copy(rows, outP_h.at[c, pl.ds(r0 + t * CEA, CEA)])

  return k(srcTA, dstTA, HL, coef2)


def _tc_dense1(x, W1, ase, ade):
  TB = 1000

  def body(x_ref, w_ref, as_ref, ad_ref, xl_ref, As_ref, Ad_ref):
    xl = jnp.dot(x_ref[...], w_ref[...], preferred_element_type=jnp.float32)
    xl_ref[...] = xl
    As_ref[...] = jnp.dot(xl, as_ref[...], preferred_element_type=jnp.float32)
    Ad_ref[...] = jnp.dot(xl, ad_ref[...], preferred_element_type=jnp.float32)

  return pl.pallas_call(
      body,
      grid=(N // TB,),
      in_specs=[
          pl.BlockSpec((TB, D_IN), lambda i: (i, 0)),
          pl.BlockSpec((D_IN, HID), lambda i: (0, 0)),
          pl.BlockSpec((HID, 128), lambda i: (0, 0)),
          pl.BlockSpec((HID, 128), lambda i: (0, 0)),
      ],
      out_specs=[
          pl.BlockSpec((TB, HID), lambda i: (i, 0)),
          pl.BlockSpec((TB, 128), lambda i: (i, 0)),
          pl.BlockSpec((TB, 128), lambda i: (i, 0)),
      ],
      out_shape=(
          jax.ShapeDtypeStruct((N, HID), jnp.float32),
          jax.ShapeDtypeStruct((N, 128), jnp.float32),
          jax.ShapeDtypeStruct((N, 128), jnp.float32),
      ))(x, W1, ase, ade)


def _tc_denom(dP):
  TB = 1000

  def body(d_ref, o_ref):
    d = d_ref[0, :, :16] + d_ref[1, :, :16] + 1e-16
    o_ref[...] = jnp.concatenate([d] * 8, axis=1)

  return pl.pallas_call(
      body,
      grid=(N // TB,),
      in_specs=[pl.BlockSpec((2, TB, 128), lambda i: (0, i, 0))],
      out_specs=pl.BlockSpec((TB, 128), lambda i: (i, 0)),
      out_shape=jax.ShapeDtypeStruct((N, 128), jnp.float32))(dP)


def _tc_dense2(out1, b1, W2, ase2, ade2):
  TB = 1000

  def body(o_ref, b_ref, w_ref, as_ref, ad_ref, hl_ref, As_ref, Ad_ref):
    hmat = o_ref[...] + b_ref[...]
    hmat = jnp.where(hmat > 0, hmat, jnp.exp(hmat) - 1.0)
    hl = jnp.dot(hmat, w_ref[...], preferred_element_type=jnp.float32)
    hl_ref[...] = hl
    As_ref[...] = jnp.dot(hl, as_ref[...], preferred_element_type=jnp.float32)
    Ad_ref[...] = jnp.dot(hl, ad_ref[...], preferred_element_type=jnp.float32)

  return pl.pallas_call(
      body,
      grid=(N // TB,),
      in_specs=[
          pl.BlockSpec((TB, HID), lambda i: (i, 0)),
          pl.BlockSpec((1, HID), lambda i: (0, 0)),
          pl.BlockSpec((HID, D_OUT), lambda i: (0, 0)),
          pl.BlockSpec((D_OUT, 128), lambda i: (0, 0)),
          pl.BlockSpec((D_OUT, 128), lambda i: (0, 0)),
      ],
      out_specs=[
          pl.BlockSpec((TB, D_OUT), lambda i: (i, 0)),
          pl.BlockSpec((TB, 128), lambda i: (i, 0)),
          pl.BlockSpec((TB, 128), lambda i: (i, 0)),
      ],
      out_shape=(
          jax.ShapeDtypeStruct((N, D_OUT), jnp.float32),
          jax.ShapeDtypeStruct((N, 128), jnp.float32),
          jax.ShapeDtypeStruct((N, 128), jnp.float32),
      ))(out1, b1, W2, ase2, ade2)


def _tc_final(p0, p1, b2):
  TB = 1000

  def body(p0_ref, p1_ref, b_ref, o_ref):
    s0 = p0_ref[...] + p1_ref[...] + b_ref[...]
    m = jnp.max(s0, axis=1, keepdims=True)
    ex = jnp.exp(s0 - m)
    lse = jnp.log(jnp.sum(ex, axis=1, keepdims=True))
    o_ref[...] = s0 - m - lse

  return pl.pallas_call(
      body,
      grid=(N // TB,),
      in_specs=[
          pl.BlockSpec((TB, D_OUT), lambda i: (i, 0)),
          pl.BlockSpec((TB, D_OUT), lambda i: (i, 0)),
          pl.BlockSpec((1, D_OUT), lambda i: (0, 0)),
      ],
      out_specs=pl.BlockSpec((TB, D_OUT), lambda i: (i, 0)),
      out_shape=jax.ShapeDtypeStruct((N, D_OUT), jnp.float32))(p0, p1, b2)


def kernel(x, edge_index, W1, att_src1, att_dst1, b1,
           W2, att_src2, att_dst2, b2):
  ei = edge_index.astype(jnp.int32)
  src = ei[0]
  dst = ei[1]
  srcT = src.reshape(NCH, KSUB, 128)
  dstT = dst.reshape(NCH, KSUB, 128)
  dstTA = dst.reshape(NCHA, KSUBA, 128)
  srcTA = src.reshape(NCHA, KSUBA, 128)
  pairs = jnp.arange(4, dtype=jnp.int32)
  srcI4 = (src[None, :] * 4 + pairs[:, None]).reshape(4, NCHA, KSUBA, 128)

  mask8 = ((jnp.arange(128) % H1)[None, :] ==
           jnp.arange(H1)[:, None]).astype(jnp.float32)
  ase = (att_src1[:, :, None] * mask8[:, None, :]).reshape(HID, 128)
  ade = (att_dst1[:, :, None] * mask8[:, None, :]).reshape(HID, 128)

  xl, AS1, AD1 = _tc_dense1(x, W1, ase, ade)
  XL4 = xl.reshape(N * 4, 128)

  dP1 = _sc_edge_softmax(srcTA, dstTA, AS1, AD1)
  den1 = _tc_denom(dP1)
  coef1 = _sc_coef(srcTA, dstTA, AS1, AD1, den1)
  out1 = _sc_agg8(srcI4, dstTA, XL4, coef1)

  ase2 = jnp.broadcast_to(att_src2.reshape(D_OUT, 1), (D_OUT, 128))
  ade2 = jnp.broadcast_to(att_dst2.reshape(D_OUT, 1), (D_OUT, 128))
  hl, AS2, AD2 = _tc_dense2(out1[:N], b1.reshape(1, HID), W2, ase2, ade2)

  dP2 = _sc_edge_softmax(srcTA, dstTA, AS2, AD2)
  den2 = _tc_denom(dP2)
  coef2 = _sc_coef(srcTA, dstTA, AS2, AD2, den2)
  outP = _sc_agg1(srcTA, dstTA, hl, coef2)

  return _tc_final(outP[0, :N], outP[1, :N], b2.reshape(1, D_OUT))

# --- scband reference (transcript-rebuilt; emitter-appended) ---
"""Pipeline reference for scband-gatlayer-50311246905882 (READ-ONLY COPY).

The authoritative reference and input builder live on the scoring server;
editing this copy changes nothing except your own understanding.
"""

import jax, jax.numpy as jnp
import numpy as np

N = 10000
E = 320000
D_IN = 128
HIDDEN = 512
H1 = 8
C1 = HIDDEN // H1  # 64
D_OUT = 128


def gat_conv(x, edge_index, W, att_src, att_dst, bias, heads, out_ch, n_nodes):
    src = edge_index[0]
    dst = edge_index[1]
    xl = (x @ W).reshape(n_nodes, heads, out_ch)
    a_src = (xl * att_src[None, :, :]).sum(-1)  # [N, H]
    a_dst = (xl * att_dst[None, :, :]).sum(-1)  # [N, H]
    alpha = a_src[src] + a_dst[dst]             # [E, H]
    alpha = jax.nn.leaky_relu(alpha, negative_slope=0.2)
    amax = jax.ops.segment_max(alpha, dst, num_segments=n_nodes)
    amax = jnp.where(jnp.isfinite(amax), amax, 0.0)
    amax = jax.lax.stop_gradient(amax)
    ex = jnp.exp(alpha - amax[dst])
    denom = jax.ops.segment_sum(ex, dst, num_segments=n_nodes)
    coef = ex / (denom[dst] + 1e-16)            # [E, H]
    msg = xl[src] * coef[:, :, None]            # [E, H, C]
    out = jax.ops.segment_sum(msg, dst, num_segments=n_nodes)
    return out.reshape(n_nodes, heads * out_ch) + bias


def setup_inputs(seed: int = 0) -> dict:
    key = jax.random.key(seed)
    ks = jax.random.split(key, 12)
    x = jax.random.normal(ks[0], (N, D_IN), dtype=jnp.float32)
    edge_index = jax.random.randint(ks[1], (2, E), 0, N, dtype=jnp.int64)
    s1 = 1.0 / np.sqrt(D_IN)
    W1 = jax.random.normal(ks[2], (D_IN, H1 * C1), dtype=jnp.float32) * s1
    att_src1 = jax.random.normal(ks[3], (H1, C1), dtype=jnp.float32) * 0.1
    att_dst1 = jax.random.normal(ks[4], (H1, C1), dtype=jnp.float32) * 0.1
    b1 = jnp.zeros((H1 * C1,), dtype=jnp.float32)
    s2 = 1.0 / np.sqrt(HIDDEN)
    W2 = jax.random.normal(ks[5], (HIDDEN, 1 * D_OUT), dtype=jnp.float32) * s2
    att_src2 = jax.random.normal(ks[6], (1, D_OUT), dtype=jnp.float32) * 0.1
    att_dst2 = jax.random.normal(ks[7], (1, D_OUT), dtype=jnp.float32) * 0.1
    b2 = jnp.zeros((D_OUT,), dtype=jnp.float32)
    return {"x": x, "edge_index": edge_index, "W1": W1, "att_src1": att_src1,
            "att_dst1": att_dst1, "b1": b1, "W2": W2, "att_src2": att_src2,
            "att_dst2": att_dst2, "b2": b2}


def reference(x, edge_index, W1, att_src1, att_dst1, b1, W2, att_src2, att_dst2, b2):
    # eval mode: dropout is identity
    h = gat_conv(x, edge_index, W1, att_src1, att_dst1, b1, H1, C1, N)
    h = jax.nn.elu(h)
    out = gat_conv(h, edge_index, W2, att_src2, att_dst2, b2, 1, D_OUT, N)
    return jax.nn.log_softmax(out, axis=1)

if __name__ == "__main__":
    import jax
    _d = setup_inputs()
    print(jax.jit(kernel)(*tuple(_d.values())))

</pallas_src>

<mosaic_0001>
#map = affine_map<(d0, d1) -> (0, 0, 0)>
#map1 = affine_map<(d0, d1) -> (0, 0)>
module attributes {stable_mosaic.version = 14 : i64} {
  func.func @k(%arg0: i32, %arg1: i32, %arg2: memref<2500x1x128xi32, #tpu.memory_space<hbm>>, %arg3: memref<2500x1x128xi32, #tpu.memory_space<hbm>>, %arg4: memref<10000x128xf32, #tpu.memory_space<hbm>>, %arg5: memref<10000x128xf32, #tpu.memory_space<hbm>>, %arg6: memref<2x10240x128xf32, #tpu.memory_space<hbm>>, %arg7: memref<1x128xi32, #tpu.memory_space<vmem>>, %arg8: memref<1x128xi32, #tpu.memory_space<vmem>>, %arg9: memref<128x128xf32, #tpu.memory_space<vmem>>, %arg10: memref<128x128xf32, #tpu.memory_space<vmem>>, %arg11: memref<10240x128xf32, #tpu.memory_space<vmem_shared>>, %arg12: memref<!tpu.dma_semaphore, #tpu.memory_space<semaphore_mem>>) attributes {dimension_semantics = [#tpu.dimension_semantics<core_parallel>, #tpu.dimension_semantics<subcore_parallel>], iteration_bounds = array<i64: 2, 16>, scalar_prefetch = 0 : i64, scratch_operands = 6 : i64, tpu.core_type = #tpu.core_type<sc_vector_subcore>, window_params = [{transform_indices = #map}, {transform_indices = #map}, {transform_indices = #map1}, {transform_indices = #map1}, {transform_indices = #map}]} {
    %mul3A = arith.constant 2 : i32
    %mul3A_0 = arith.muli %arg1, %mul3A : i32
    %add3A = arith.addi %mul3A_0, %arg0 : i32
    %mul3A_1 = arith.constant 640 : i32
    %mul3A_2 = arith.muli %arg1, %mul3A_1 : i32
    %scan3A = arith.constant 0 : i32
    %scan3A_3 = arith.constant 128 : i32
    %scan3A_4 = arith.addi %scan3A, %scan3A_3 : i32
    %scan3A_5 = arith.constant 1 : i32
    scf.for %scan3A_43 = %scan3A to %scan3A_4 step %scan3A_5  : i32 {
      %mul3A_44 = arith.constant 1 : i32
      %mul3A_45 = arith.muli %scan3A_43, %mul3A_44 : i32
      %add3A_46 = arith.constant 0 : i32
      %add3A_47 = arith.addi %add3A_46, %mul3A_45 : i32
      %broadcast_in_dim3A = arith.constant 0.000000e+00 : f32
      %broadcast_in_dim3A_48 = vector.broadcast %broadcast_in_dim3A : f32 to vector<16xf32>
      %swap3A = arith.index_cast %add3A_47 : i32 to index
      %swap3A_49 = arith.constant 0 : index
      %swap3A_50 = tpu.vector_load %arg9[%swap3A, %swap3A_49] {strides = array<i32>} : memref<128x128xf32, #tpu.memory_space<vmem>>, vector<16xf32>,
      tpu.vector_store %arg9[%swap3A, %swap3A_49], %broadcast_in_dim3A_48 {strides = array<i32>} : memref<128x128xf32, #tpu.memory_space<vmem>>, vector<16xf32>,
      %broadcast_in_dim3A_51 = arith.constant 0.000000e+00 : f32
      %broadcast_in_dim3A_52 = vector.broadcast %broadcast_in_dim3A_51 : f32 to vector<16xf32>
      %swap3A_53 = arith.index_cast %add3A_47 : i32 to index
      %swap3A_54 = arith.constant 16 : index
      %swap3A_55 = tpu.vector_load %arg9[%swap3A_53, %swap3A_54] {strides = array<i32>} : memref<128x128xf32, #tpu.memory_space<vmem>>, vector<16xf32>,
      tpu.vector_store %arg9[%swap3A_53, %swap3A_54], %broadcast_in_dim3A_52 {strides = array<i32>} : memref<128x128xf32, #tpu.memory_space<vmem>>, vector<16xf32>,
      %broadcast_in_dim3A_56 = arith.constant 0.000000e+00 : f32
      %broadcast_in_dim3A_57 = vector.broadcast %broadcast_in_dim3A_56 : f32 to vector<16xf32>
      %swap3A_58 = arith.index_cast %add3A_47 : i32 to index
      %swap3A_59 = arith.constant 32 : index
      %swap3A_60 = tpu.vector_load %arg9[%swap3A_58, %swap3A_59] {strides = array<i32>} : memref<128x128xf32, #tpu.memory_space<vmem>>, vector<16xf32>,
      tpu.vector_store %arg9[%swap3A_58, %swap3A_59], %broadcast_in_dim3A_57 {strides = array<i32>} : memref<128x128xf32, #tpu.memory_space<vmem>>, vector<16xf32>,
      %broadcast_in_dim3A_61 = arith.constant 0.000000e+00 : f32
      %broadcast_in_dim3A_62 = vector.broadcast %broadcast_in_dim3A_61 : f32 to vector<16xf32>
      %swap3A_63 = arith.index_cast %add3A_47 : i32 to index
      %swap3A_64 = arith.constant 48 : index
      %swap3A_65 = tpu.vector_load %arg9[%swap3A_63, %swap3A_64] {strides = array<i32>} : memref<128x128xf32, #tpu.memory_space<vmem>>, vector<16xf32>,
      tpu.vector_store %arg9[%swap3A_63, %swap3A_64], %broadcast_in_dim3A_62 {strides = array<i32>} : memref<128x128xf32, #tpu.memory_space<vmem>>, vector<16xf32>,
      %broadcast_in_dim3A_66 = arith.constant 0.000000e+00 : f32
      %broadcast_in_dim3A_67 = vector.broadcast %broadcast_in_dim3A_66 : f32 to vector<16xf32>
      %swap3A_68 = arith.index_cast %add3A_47 : i32 to index
      %swap3A_69 = arith.constant 64 : index
      %swap3A_70 = tpu.vector_load %arg9[%swap3A_68, %swap3A_69] {strides = array<i32>} : memref<128x128xf32, #tpu.memory_space<vmem>>, vector<16xf32>,
      tpu.vector_store %arg9[%swap3A_68, %swap3A_69], %broadcast_in_dim3A_67 {strides = array<i32>} : memref<128x128xf32, #tpu.memory_space<vmem>>, vector<16xf32>,
      %broadcast_in_dim3A_71 = arith.constant 0.000000e+00 : f32
      %broadcast_in_dim3A_72 = vector.broadcast %broadcast_in_dim3A_71 : f32 to vector<16xf32>
      %swap3A_73 = arith.index_cast %add3A_47 : i32 to index
      %swap3A_74 = arith.constant 80 : index
      %swap3A_75 = tpu.vector_load %arg9[%swap3A_73, %swap3A_74] {strides = array<i32>} : memref<128x128xf32, #tpu.memory_space<vmem>>, vector<16xf32>,
      tpu.vector_store %arg9[%swap3A_73, %swap3A_74], %broadcast_in_dim3A_72 {strides = array<i32>} : memref<128x128xf32, #tpu.memory_space<vmem>>, vector<16xf32>,
      %broadcast_in_dim3A_76 = arith.constant 0.000000e+00 : f32
      %broadcast_in_dim3A_77 = vector.broadcast %broadcast_in_dim3A_76 : f32 to vector<16xf32>
      %swap3A_78 = arith.index_cast %add3A_47 : i32 to index
      %swap3A_79 = arith.constant 96 : index
      %swap3A_80 = tpu.vector_load %arg9[%swap3A_78, %swap3A_79] {strides = array<i32>} : memref<128x128xf32, #tpu.memory_space<vmem>>, vector<16xf32>,
      tpu.vector_store %arg9[%swap3A_78, %swap3A_79], %broadcast_in_dim3A_77 {strides = array<i32>} : memref<128x128xf32, #tpu.memory_space<vmem>>, vector<16xf32>,
      %broadcast_in_dim3A_81 = arith.constant 0.000000e+00 : f32
      %broadcast_in_dim3A_82 = vector.broadcast %broadcast_in_dim3A_81 : f32 to vector<16xf32>
      %swap3A_83 = arith.index_cast %add3A_47 : i32 to index
      %swap3A_84 = arith.constant 112 : index
      %swap3A_85 = tpu.vector_load %arg9[%swap3A_83, %swap3A_84] {strides = array<i32>} : memref<128x128xf32, #tpu.memory_space<vmem>>, vector<16xf32>,
      tpu.vector_store %arg9[%swap3A_83, %swap3A_84], %broadcast_in_dim3A_82 {strides = array<i32>} : memref<128x128xf32, #tpu.memory_space<vmem>>, vector<16xf32>,
    }
    %scan3A_6 = arith.constant 128 : i32
    %add3A_7 = arith.constant 0 : i32
    %add3A_8 = arith.addi %mul3A_2, %add3A_7 : i32
    "tpu.region"() ({
      %run_scoped3A = tpu.sem_alloc : memref<!tpu.dma_semaphore, #tpu.memory_space<semaphore_mem>>
      %dma_start3A = arith.constant 0 : i32
      %dma_start3A_43 = tpu.memref_slice %arg11[%add3A_8, %dma_start3A] : memref<10240x128xf32, #tpu.memory_space<vmem_shared>> -> memref<128x128xf32, #tpu.memory_space<vmem_shared>>
      %dma_start3A_44 = arith.constant 0 : i32
      %dma_start3A_45 = tpu.memref_slice %arg11[%add3A_8, %dma_start3A_44] : memref<10240x128xf32, #tpu.memory_space<vmem_shared>> -> memref<128x128xf32, #tpu.memory_space<vmem_shared>>
      tpu.enqueue_dma source(%arg9 : memref<128x128xf32, #tpu.memory_space<vmem>>) target(%dma_start3A_45 : memref<128x128xf32, #tpu.memory_space<vmem_shared>>) target_semaphore(%run_scoped3A : memref<!tpu.dma_semaphore, #tpu.memory_space<semaphore_mem>>)
      %dma_wait3A = arith.constant 0 : i32
      %dma_wait3A_46 = tpu.memref_slice %arg11[%add3A_8, %dma_wait3A] : memref<10240x128xf32, #tpu.memory_space<vmem_shared>> -> memref<128x128xf32, #tpu.memory_space<vmem_shared>>
      %dma_wait3A_47 = arith.constant 0 : i32
      %dma_wait3A_48 = tpu.memref_slice %arg11[%add3A_8, %dma_wait3A_47] : memref<10240x128xf32, #tpu.memory_space<vmem_shared>> -> memref<128x128xf32, #tpu.memory_space<vmem_shared>>
      tpu.wait_dma2 semaphore(%run_scoped3A : memref<!tpu.dma_semaphore, #tpu.memory_space<semaphore_mem>>) src(%arg9 : memref<128x128xf32, #tpu.memory_space<vmem>>) dst(%dma_wait3A_48 : memref<128x128xf32, #tpu.memory_space<vmem_shared>>)
      tpu.yield
    }) : () -> ()
    %add3A_9 = arith.constant 128 : i32
    %add3A_10 = arith.addi %mul3A_2, %add3A_9 : i32
    "tpu.region"() ({
      %run_scoped3A = tpu.sem_alloc : memref<!tpu.dma_semaphore, #tpu.memory_space<semaphore_mem>>
      %dma_start3A = arith.constant 0 : i32
      %dma_start3A_43 = tpu.memref_slice %arg11[%add3A_10, %dma_start3A] : memref<10240x128xf32, #tpu.memory_space<vmem_shared>> -> memref<128x128xf32, #tpu.memory_space<vmem_shared>>
      %dma_start3A_44 = arith.constant 0 : i32
      %dma_start3A_45 = tpu.memref_slice %arg11[%add3A_10, %dma_start3A_44] : memref<10240x128xf32, #tpu.memory_space<vmem_shared>> -> memref<128x128xf32, #tpu.memory_space<vmem_shared>>
      tpu.enqueue_dma source(%arg9 : memref<128x128xf32, #tpu.memory_space<vmem>>) target(%dma_start3A_45 : memref<128x128xf32, #tpu.memory_space<vmem_shared>>) target_semaphore(%run_scoped3A : memref<!tpu.dma_semaphore, #tpu.memory_space<semaphore_mem>>)
      %dma_wait3A = arith.constant 0 : i32
      %dma_wait3A_46 = tpu.memref_slice %arg11[%add3A_10, %dma_wait3A] : memref<10240x128xf32, #tpu.memory_space<vmem_shared>> -> memref<128x128xf32, #tpu.memory_space<vmem_shared>>
      %dma_wait3A_47 = arith.constant 0 : i32
      %dma_wait3A_48 = tpu.memref_slice %arg11[%add3A_10, %dma_wait3A_47] : memref<10240x128xf32, #tpu.memory_space<vmem_shared>> -> memref<128x128xf32, #tpu.memory_space<vmem_shared>>
      tpu.wait_dma2 semaphore(%run_scoped3A : memref<!tpu.dma_semaphore, #tpu.memory_space<semaphore_mem>>) src(%arg9 : memref<128x128xf32, #tpu.memory_space<vmem>>) dst(%dma_wait3A_48 : memref<128x128xf32, #tpu.memory_space<vmem_shared>>)
      tpu.yield
    }) : () -> ()
    %add3A_11 = arith.constant 256 : i32
    %add3A_12 = arith.addi %mul3A_2, %add3A_11 : i32
    "tpu.region"() ({
      %run_scoped3A = tpu.sem_alloc : memref<!tpu.dma_semaphore, #tpu.memory_space<semaphore_mem>>
      %dma_start3A = arith.constant 0 : i32
      %dma_start3A_43 = tpu.memref_slice %arg11[%add3A_12, %dma_start3A] : memref<10240x128xf32, #tpu.memory_space<vmem_shared>> -> memref<128x128xf32, #tpu.memory_space<vmem_shared>>
      %dma_start3A_44 = arith.constant 0 : i32
      %dma_start3A_45 = tpu.memref_slice %arg11[%add3A_12, %dma_start3A_44] : memref<10240x128xf32, #tpu.memory_space<vmem_shared>> -> memref<128x128xf32, #tpu.memory_space<vmem_shared>>
      tpu.enqueue_dma source(%arg9 : memref<128x128xf32, #tpu.memory_space<vmem>>) target(%dma_start3A_45 : memref<128x128xf32, #tpu.memory_space<vmem_shared>>) target_semaphore(%run_scoped3A : memref<!tpu.dma_semaphore, #tpu.memory_space<semaphore_mem>>)
      %dma_wait3A = arith.constant 0 : i32
      %dma_wait3A_46 = tpu.memref_slice %arg11[%add3A_12, %dma_wait3A] : memref<10240x128xf32, #tpu.memory_space<vmem_shared>> -> memref<128x128xf32, #tpu.memory_space<vmem_shared>>
      %dma_wait3A_47 = arith.constant 0 : i32
      %dma_wait3A_48 = tpu.memref_slice %arg11[%add3A_12, %dma_wait3A_47] : memref<10240x128xf32, #tpu.memory_space<vmem_shared>> -> memref<128x128xf32, #tpu.memory_space<vmem_shared>>
      tpu.wait_dma2 semaphore(%run_scoped3A : memref<!tpu.dma_semaphore, #tpu.memory_space<semaphore_mem>>) src(%arg9 : memref<128x128xf32, #tpu.memory_space<vmem>>) dst(%dma_wait3A_48 : memref<128x128xf32, #tpu.memory_space<vmem_shared>>)
      tpu.yield
    }) : () -> ()
    %add3A_13 = arith.constant 384 : i32
    %add3A_14 = arith.addi %mul3A_2, %add3A_13 : i32
    "tpu.region"() ({
      %run_scoped3A = tpu.sem_alloc : memref<!tpu.dma_semaphore, #tpu.memory_space<semaphore_mem>>
      %dma_start3A = arith.constant 0 : i32
      %dma_start3A_43 = tpu.memref_slice %arg11[%add3A_14, %dma_start3A] : memref<10240x128xf32, #tpu.memory_space<vmem_shared>> -> memref<128x128xf32, #tpu.memory_space<vmem_shared>>
      %dma_start3A_44 = arith.constant 0 : i32
      %dma_start3A_45 = tpu.memref_slice %arg11[%add3A_14, %dma_start3A_44] : memref<10240x128xf32, #tpu.memory_space<vmem_shared>> -> memref<128x128xf32, #tpu.memory_space<vmem_shared>>
      tpu.enqueue_dma source(%arg9 : memref<128x128xf32, #tpu.memory_space<vmem>>) target(%dma_start3A_45 : memref<128x128xf32, #tpu.memory_space<vmem_shared>>) target_semaphore(%run_scoped3A : memref<!tpu.dma_semaphore, #tpu.memory_space<semaphore_mem>>)
      %dma_wait3A = arith.constant 0 : i32
      %dma_wait3A_46 = tpu.memref_slice %arg11[%add3A_14, %dma_wait3A] : memref<10240x128xf32, #tpu.memory_space<vmem_shared>> -> memref<128x128xf32, #tpu.memory_space<vmem_shared>>
      %dma_wait3A_47 = arith.constant 0 : i32
      %dma_wait3A_48 = tpu.memref_slice %arg11[%add3A_14, %dma_wait3A_47] : memref<10240x128xf32, #tpu.memory_space<vmem_shared>> -> memref<128x128xf32, #tpu.memory_space<vmem_shared>>
      tpu.wait_dma2 semaphore(%run_scoped3A : memref<!tpu.dma_semaphore, #tpu.memory_space<semaphore_mem>>) src(%arg9 : memref<128x128xf32, #tpu.memory_space<vmem>>) dst(%dma_wait3A_48 : memref<128x128xf32, #tpu.memory_space<vmem_shared>>)
      tpu.yield
    }) : () -> ()
    %add3A_15 = arith.constant 512 : i32
    %add3A_16 = arith.addi %mul3A_2, %add3A_15 : i32
    "tpu.region"() ({
      %run_scoped3A = tpu.sem_alloc : memref<!tpu.dma_semaphore, #tpu.memory_space<semaphore_mem>>
      %dma_start3A = arith.constant 0 : i32
      %dma_start3A_43 = tpu.memref_slice %arg11[%add3A_16, %dma_start3A] : memref<10240x128xf32, #tpu.memory_space<vmem_shared>> -> memref<128x128xf32, #tpu.memory_space<vmem_shared>>
      %dma_start3A_44 = arith.constant 0 : i32
      %dma_start3A_45 = tpu.memref_slice %arg11[%add3A_16, %dma_start3A_44] : memref<10240x128xf32, #tpu.memory_space<vmem_shared>> -> memref<128x128xf32, #tpu.memory_space<vmem_shared>>
      tpu.enqueue_dma source(%arg9 : memref<128x128xf32, #tpu.memory_space<vmem>>) target(%dma_start3A_45 : memref<128x128xf32, #tpu.memory_space<vmem_shared>>) target_semaphore(%run_scoped3A : memref<!tpu.dma_semaphore, #tpu.memory_space<semaphore_mem>>)
      %dma_wait3A = arith.constant 0 : i32
      %dma_wait3A_46 = tpu.memref_slice %arg11[%add3A_16, %dma_wait3A] : memref<10240x128xf32, #tpu.memory_space<vmem_shared>> -> memref<128x128xf32, #tpu.memory_space<vmem_shared>>
      %dma_wait3A_47 = arith.constant 0 : i32
      %dma_wait3A_48 = tpu.memref_slice %arg11[%add3A_16, %dma_wait3A_47] : memref<10240x128xf32, #tpu.memory_space<vmem_shared>> -> memref<128x128xf32, #tpu.memory_space<vmem_shared>>
      tpu.wait_dma2 semaphore(%run_scoped3A : memref<!tpu.dma_semaphore, #tpu.memory_space<semaphore_mem>>) src(%arg9 : memref<128x128xf32, #tpu.memory_space<vmem>>) dst(%dma_wait3A_48 : memref<128x128xf32, #tpu.memory_space<vmem_shared>>)
      tpu.yield
    }) : () -> ()
    %barrier3A = arith.constant 0 : index
    tpu.barrier barrier_id(%barrier3A)
    %scan3A_17 = arith.constant 0 : i32
    %scan3A_18 = arith.constant 2500 : i32
    %scan3A_19 = arith.addi %scan3A_17, %scan3A_18 : i32
    %scan3A_20 = arith.constant 1 : i32
    scf.for %scan3A_43 = %scan3A_17 to %scan3A_19 step %scan3A_20  : i32 {
      %mul3A_44 = arith.constant 1 : i32
      %mul3A_45 = arith.muli %scan3A_43, %mul3A_44 : i32
      %add3A_46 = arith.constant 0 : i32
      %add3A_47 = arith.addi %add3A_46, %mul3A_45 : i32
      %rem3A = arith.constant 32 : i32
      %rem3A_48 = arith.remsi %add3A_47, %rem3A : i32
      %eq3A = arith.cmpi eq, %rem3A_48, %add3A : i32
      %convert_element_type3A = arith.extui %eq3A : i1 to i32
      %cond3A = arith.constant 0 : i32
      %cond3A_49 = arith.cmpi ne, %convert_element_type3A, %cond3A : i32
      scf.if %cond3A_49 {
        "tpu.region"() ({
          %run_scoped3A = tpu.sem_alloc : memref<!tpu.dma_semaphore, #tpu.memory_space<semaphore_mem>>
          %dma_start3A_113 = arith.constant 0 : i32
          %dma_start3A_114 = arith.constant 0 : i32
          %dma_start3A_115 = tpu.memref_slice %arg2[%add3A_47, %dma_start3A_113, %dma_start3A_114] : memref<2500x1x128xi32, #tpu.memory_space<hbm>> -> memref<1x1x128xi32, #tpu.memory_space<hbm>>
          %dma_start3A_116 = tpu.memref_squeeze %dma_start3A_115 : memref<1x1x128xi32, #tpu.memory_space<hbm>> -> memref<1x128xi32, #tpu.memory_space<hbm>>
          %dma_start3A_117 = arith.constant 0 : i32
          %dma_start3A_118 = arith.constant 0 : i32
          %dma_start3A_119 = tpu.memref_slice %arg2[%add3A_47, %dma_start3A_117, %dma_start3A_118] : memref<2500x1x128xi32, #tpu.memory_space<hbm>> -> memref<1x1x128xi32, #tpu.memory_space<hbm>>
          %dma_start3A_120 = tpu.memref_squeeze %dma_start3A_119 : memref<1x1x128xi32, #tpu.memory_space<hbm>> -> memref<1x128xi32, #tpu.memory_space<hbm>>
          tpu.enqueue_dma source(%dma_start3A_120 : memref<1x128xi32, #tpu.memory_space<hbm>>) target(%arg7 : memref<1x128xi32, #tpu.memory_space<vmem>>) target_semaphore(%run_scoped3A : memref<!tpu.dma_semaphore, #tpu.memory_space<semaphore_mem>>)
          %dma_wait3A_121 = arith.constant 0 : i32
          %dma_wait3A_122 = arith.constant 0 : i32
          %dma_wait3A_123 = tpu.memref_slice %arg2[%add3A_47, %dma_wait3A_121, %dma_wait3A_122] : memref<2500x1x128xi32, #tpu.memory_space<hbm>> -> memref<1x1x128xi32, #tpu.memory_space<hbm>>
          %dma_wait3A_124 = tpu.memref_squeeze %dma_wait3A_123 : memref<1x1x128xi32, #tpu.memory_space<hbm>> -> memref<1x128xi32, #tpu.memory_space<hbm>>
          %dma_wait3A_125 = arith.constant 0 : i32
          %dma_wait3A_126 = arith.constant 0 : i32
          %dma_wait3A_127 = tpu.memref_slice %arg2[%add3A_47, %dma_wait3A_125, %dma_wait3A_126] : memref<2500x1x128xi32, #tpu.memory_space<hbm>> -> memref<1x1x128xi32, #tpu.memory_space<hbm>>
          %dma_wait3A_128 = tpu.memref_squeeze %dma_wait3A_127 : memref<1x1x128xi32, #tpu.memory_space<hbm>> -> memref<1x128xi32, #tpu.memory_space<hbm>>
          tpu.wait_dma2 semaphore(%run_scoped3A : memref<!tpu.dma_semaphore, #tpu.memory_space<semaphore_mem>>) src(%dma_wait3A_128 : memref<1x128xi32, #tpu.memory_space<hbm>>) dst(%arg7 : memref<1x128xi32, #tpu.memory_space<vmem>>)
          tpu.yield
        }) : () -> ()
        "tpu.region"() ({
          %run_scoped3A = tpu.sem_alloc : memref<!tpu.dma_semaphore, #tpu.memory_space<semaphore_mem>>
          %dma_start3A_113 = arith.constant 0 : i32
          %dma_start3A_114 = arith.constant 0 : i32
          %dma_start3A_115 = tpu.memref_slice %arg3[%add3A_47, %dma_start3A_113, %dma_start3A_114] : memref<2500x1x128xi32, #tpu.memory_space<hbm>> -> memref<1x1x128xi32, #tpu.memory_space<hbm>>
          %dma_start3A_116 = tpu.memref_squeeze %dma_start3A_115 : memref<1x1x128xi32, #tpu.memory_space<hbm>> -> memref<1x128xi32, #tpu.memory_space<hbm>>
          %dma_start3A_117 = arith.constant 0 : i32
          %dma_start3A_118 = arith.constant 0 : i32
          %dma_start3A_119 = tpu.memref_slice %arg3[%add3A_47, %dma_start3A_117, %dma_start3A_118] : memref<2500x1x128xi32, #tpu.memory_space<hbm>> -> memref<1x1x128xi32, #tpu.memory_space<hbm>>
          %dma_start3A_120 = tpu.memref_squeeze %dma_start3A_119 : memref<1x1x128xi32, #tpu.memory_space<hbm>> -> memref<1x128xi32, #tpu.memory_space<hbm>>
          tpu.enqueue_dma source(%dma_start3A_120 : memref<1x128xi32, #tpu.memory_space<hbm>>) target(%arg8 : memref<1x128xi32, #tpu.memory_space<vmem>>) target_semaphore(%run_scoped3A : memref<!tpu.dma_semaphore, #tpu.memory_space<semaphore_mem>>)
          %dma_wait3A_121 = arith.constant 0 : i32
          %dma_wait3A_122 = arith.constant 0 : i32
          %dma_wait3A_123 = tpu.memref_slice %arg3[%add3A_47, %dma_wait3A_121, %dma_wait3A_122] : memref<2500x1x128xi32, #tpu.memory_space<hbm>> -> memref<1x1x128xi32, #tpu.memory_space<hbm>>
          %dma_wait3A_124 = tpu.memref_squeeze %dma_wait3A_123 : memref<1x1x128xi32, #tpu.memory_space<hbm>> -> memref<1x128xi32, #tpu.memory_space<hbm>>
          %dma_wait3A_125 = arith.constant 0 : i32
          %dma_wait3A_126 = arith.constant 0 : i32
          %dma_wait3A_127 = tpu.memref_slice %arg3[%add3A_47, %dma_wait3A_125, %dma_wait3A_126] : memref<2500x1x128xi32, #tpu.memory_space<hbm>> -> memref<1x1x128xi32, #tpu.memory_space<hbm>>
          %dma_wait3A_128 = tpu.memref_squeeze %dma_wait3A_127 : memref<1x1x128xi32, #tpu.memory_space<hbm>> -> memref<1x128xi32, #tpu.memory_space<hbm>>
          tpu.wait_dma2 semaphore(%run_scoped3A : memref<!tpu.dma_semaphore, #tpu.memory_space<semaphore_mem>>) src(%dma_wait3A_128 : memref<1x128xi32, #tpu.memory_space<hbm>>) dst(%arg8 : memref<1x128xi32, #tpu.memory_space<vmem>>)
          tpu.yield
        }) : () -> ()
        %dma_start3A = arith.constant 0 : i32
        %dma_start3A_50 = arith.constant 0 : i32
        %dma_start3A_51 = arith.constant 0 : i32
        %dma_start3A_52 = tpu.memref_slice %arg9[%dma_start3A_50, %dma_start3A_51] : memref<128x128xf32, #tpu.memory_space<vmem>> -> memref<128x128xf32, #tpu.memory_space<vmem>>
        %dma_start3A_53 = arith.constant 0 : i32
        %dma_start3A_54 = tpu.memref_slice %arg7[%dma_start3A, %dma_start3A_53] : memref<1x128xi32, #tpu.memory_space<vmem>> -> memref<1x128xi32, #tpu.memory_space<vmem>>
        %dma_start3A_55 = tpu.memref_squeeze %dma_start3A_54 : memref<1x128xi32, #tpu.memory_space<vmem>> -> memref<128xi32, #tpu.memory_space<vmem>>
        %dma_start3A_56 = arith.constant 0 : i32
        %dma_start3A_57 = arith.constant 0 : i32
        %dma_start3A_58 = tpu.memref_slice %arg4[%dma_start3A_56, %dma_start3A_57] : memref<10000x128xf32, #tpu.memory_space<hbm>> -> memref<10000x128xf32, #tpu.memory_space<hbm>>
        tpu.enqueue_indirect_dma source(%dma_start3A_58 : memref<10000x128xf32, #tpu.memory_space<hbm>>) target(%dma_start3A_52 : memref<128x128xf32, #tpu.memory_space<vmem>>) offsets(%dma_start3A_55 : memref<128xi32, #tpu.memory_space<vmem>>) semaphore(%arg12 : memref<!tpu.dma_semaphore, #tpu.memory_space<semaphore_mem>>)
        %dma_start3A_59 = arith.constant 0 : i32
        %dma_start3A_60 = arith.constant 0 : i32
        %dma_start3A_61 = arith.constant 0 : i32
        %dma_start3A_62 = tpu.memref_slice %arg10[%dma_start3A_60, %dma_start3A_61] : memref<128x128xf32, #tpu.memory_space<vmem>> -> memref<128x128xf32, #tpu.memory_space<vmem>>
        %dma_start3A_63 = arith.constant 0 : i32
        %dma_start3A_64 = tpu.memref_slice %arg8[%dma_start3A_59, %dma_start3A_63] : memref<1x128xi32, #tpu.memory_space<vmem>> -> memref<1x128xi32, #tpu.memory_space<vmem>>
        %dma_start3A_65 = tpu.memref_squeeze %dma_start3A_64 : memref<1x128xi32, #tpu.memory_space<vmem>> -> memref<128xi32, #tpu.memory_space<vmem>>
        %dma_start3A_66 = arith.constant 0 : i32
        %dma_start3A_67 = arith.constant 0 : i32
        %dma_start3A_68 = tpu.memref_slice %arg5[%dma_start3A_66, %dma_start3A_67] : memref<10000x128xf32, #tpu.memory_space<hbm>> -> memref<10000x128xf32, #tpu.memory_space<hbm>>
        tpu.enqueue_indirect_dma source(%dma_start3A_68 : memref<10000x128xf32, #tpu.memory_space<hbm>>) target(%dma_start3A_62 : memref<128x128xf32, #tpu.memory_space<vmem>>) offsets(%dma_start3A_65 : memref<128xi32, #tpu.memory_space<vmem>>) semaphore(%arg12 : memref<!tpu.dma_semaphore, #tpu.memory_space<semaphore_mem>>)
        %dma_wait3A = arith.constant 0 : i32
        %dma_wait3A_69 = arith.constant 0 : i32
        %dma_wait3A_70 = arith.constant 0 : i32
        %dma_wait3A_71 = tpu.memref_slice %arg9[%dma_wait3A_69, %dma_wait3A_70] : memref<128x128xf32, #tpu.memory_space<vmem>> -> memref<128x128xf32, #tpu.memory_space<vmem>>
        %dma_wait3A_72 = arith.constant 0 : i32
        %dma_wait3A_73 = tpu.memref_slice %arg7[%dma_wait3A, %dma_wait3A_72] : memref<1x128xi32, #tpu.memory_space<vmem>> -> memref<1x128xi32, #tpu.memory_space<vmem>>
        %dma_wait3A_74 = tpu.memref_squeeze %dma_wait3A_73 : memref<1x128xi32, #tpu.memory_space<vmem>> -> memref<128xi32, #tpu.memory_space<vmem>>
        %dma_wait3A_75 = arith.constant 0 : i32
        %dma_wait3A_76 = arith.constant 0 : i32
        %dma_wait3A_77 = tpu.memref_slice %arg4[%dma_wait3A_75, %dma_wait3A_76] : memref<10000x128xf32, #tpu.memory_space<hbm>> -> memref<10000x128xf32, #tpu.memory_space<hbm>>
        tpu.wait_indirect_dma semaphore(%arg12 : memref<!tpu.dma_semaphore, #tpu.memory_space<semaphore_mem>>) src(%dma_wait3A_77 : memref<10000x128xf32, #tpu.memory_space<hbm>>) dst(%dma_wait3A_71 : memref<128x128xf32, #tpu.memory_space<vmem>>)
        %dma_wait3A_78 = arith.constant 0 : i32
        %dma_wait3A_79 = arith.constant 0 : i32
        %dma_wait3A_80 = arith.constant 0 : i32
        %dma_wait3A_81 = tpu.memref_slice %arg10[%dma_wait3A_79, %dma_wait3A_80] : memref<128x128xf32, #tpu.memory_space<vmem>> -> memref<128x128xf32, #tpu.memory_space<vmem>>
        %dma_wait3A_82 = arith.constant 0 : i32
        %dma_wait3A_83 = tpu.memref_slice %arg8[%dma_wait3A_78, %dma_wait3A_82] : memref<1x128xi32, #tpu.memory_space<vmem>> -> memref<1x128xi32, #tpu.memory_space<vmem>>
        %dma_wait3A_84 = tpu.memref_squeeze %dma_wait3A_83 : memref<1x128xi32, #tpu.memory_space<vmem>> -> memref<128xi32, #tpu.memory_space<vmem>>
        %dma_wait3A_85 = arith.constant 0 : i32
        %dma_wait3A_86 = arith.constant 0 : i32
        %dma_wait3A_87 = tpu.memref_slice %arg5[%dma_wait3A_85, %dma_wait3A_86] : memref<10000x128xf32, #tpu.memory_space<hbm>> -> memref<10000x128xf32, #tpu.memory_space<hbm>>
        tpu.wait_indirect_dma semaphore(%arg12 : memref<!tpu.dma_semaphore, #tpu.memory_space<semaphore_mem>>) src(%dma_wait3A_87 : memref<10000x128xf32, #tpu.memory_space<hbm>>) dst(%dma_wait3A_81 : memref<128x128xf32, #tpu.memory_space<vmem>>)
        %scan3A_88 = arith.constant 0 : i32
        %scan3A_89 = arith.constant 128 : i32
        %scan3A_90 = arith.addi %scan3A_88, %scan3A_89 : i32
        %scan3A_91 = arith.constant 1 : i32
        scf.for %scan3A_113 = %scan3A_88 to %scan3A_90 step %scan3A_91  : i32 {
          %mul3A_114 = arith.constant 1 : i32
          %mul3A_115 = arith.muli %scan3A_113, %mul3A_114 : i32
          %add3A_116 = arith.constant 0 : i32
          %add3A_117 = arith.addi %add3A_116, %mul3A_115 : i32
          %get3A = arith.index_cast %add3A_117 : i32 to index
          %get3A_118 = arith.constant 0 : index
          %get3A_119 = tpu.vector_load %arg9[%get3A, %get3A_118] {strides = array<i32>} : memref<128x128xf32, #tpu.memory_space<vmem>>, vector<16xf32>,
          %get3A_120 = arith.index_cast %add3A_117 : i32 to index
          %get3A_121 = arith.constant 0 : index
          %get3A_122 = tpu.vector_load %arg10[%get3A_120, %get3A_121] {strides = array<i32>} : memref<128x128xf32, #tpu.memory_space<vmem>>, vector<16xf32>,
          %add3A_123 = arith.addf %get3A_119, %get3A_122 : vector<16xf32>
          %mul3A_124 = arith.constant 2.000000e-01 : f32
          %mul3A_125 = vector.broadcast %mul3A_124 : f32 to vector<16xf32>
          %mul3A_126 = arith.mulf %add3A_123, %mul3A_125 : vector<16xf32>
          %max3A = arith.maximumf %add3A_123, %mul3A_126 : vector<16xf32>
          %exp3A = math.exp %max3A : vector<16xf32>
          %swap3A = arith.index_cast %add3A_117 : i32 to index
          %swap3A_127 = arith.constant 0 : index
          %swap3A_128 = tpu.vector_load %arg9[%swap3A, %swap3A_127] {strides = array<i32>} : memref<128x128xf32, #tpu.memory_space<vmem>>, vector<16xf32>,
          tpu.vector_store %arg9[%swap3A, %swap3A_127], %exp3A {strides = array<i32>} : memref<128x128xf32, #tpu.memory_space<vmem>>, vector<16xf32>,
        }
        %scan3A_92 = arith.constant 128 : i32
        %dma_start3A_93 = arith.constant 0 : i32
        %dma_start3A_94 = arith.constant 0 : i32
        %dma_start3A_95 = arith.constant 0 : i32
        %dma_start3A_96 = tpu.memref_slice %arg9[%dma_start3A_94, %dma_start3A_95] : memref<128x128xf32, #tpu.memory_space<vmem>> -> memref<128x128xf32, #tpu.memory_space<vmem>>
        %dma_start3A_97 = arith.constant 0 : i32
        %dma_start3A_98 = tpu.memref_slice %arg8[%dma_start3A_93, %dma_start3A_97] : memref<1x128xi32, #tpu.memory_space<vmem>> -> memref<1x128xi32, #tpu.memory_space<vmem>>
        %dma_start3A_99 = tpu.memref_squeeze %dma_start3A_98 : memref<1x128xi32, #tpu.memory_space<vmem>> -> memref<128xi32, #tpu.memory_space<vmem>>
        %dma_start3A_100 = arith.constant 0 : i32
        %dma_start3A_101 = arith.constant 0 : i32
        %dma_start3A_102 = tpu.memref_slice %arg11[%dma_start3A_100, %dma_start3A_101] : memref<10240x128xf32, #tpu.memory_space<vmem_shared>> -> memref<10240x128xf32, #tpu.memory_space<vmem_shared>>
        tpu.enqueue_indirect_dma source(%dma_start3A_96 : memref<128x128xf32, #tpu.memory_space<vmem>>) target(%dma_start3A_102 : memref<10240x128xf32, #tpu.memory_space<vmem_shared>>) offsets(%dma_start3A_99 : memref<128xi32, #tpu.memory_space<vmem>>) semaphore(%arg12 : memref<!tpu.dma_semaphore, #tpu.memory_space<semaphore_mem>>) {add = true}
        %dma_wait3A_103 = arith.constant 0 : i32
        %dma_wait3A_104 = arith.constant 0 : i32
        %dma_wait3A_105 = arith.constant 0 : i32
        %dma_wait3A_106 = tpu.memref_slice %arg9[%dma_wait3A_104, %dma_wait3A_105] : memref<128x128xf32, #tpu.memory_space<vmem>> -> memref<128x128xf32, #tpu.memory_space<vmem>>
        %dma_wait3A_107 = arith.constant 0 : i32
        %dma_wait3A_108 = tpu.memref_slice %arg8[%dma_wait3A_103, %dma_wait3A_107] : memref<1x128xi32, #tpu.memory_space<vmem>> -> memref<1x128xi32, #tpu.memory_space<vmem>>
        %dma_wait3A_109 = tpu.memref_squeeze %dma_wait3A_108 : memref<1x128xi32, #tpu.memory_space<vmem>> -> memref<128xi32, #tpu.memory_space<vmem>>
        %dma_wait3A_110 = arith.constant 0 : i32
        %dma_wait3A_111 = arith.constant 0 : i32
        %dma_wait3A_112 = tpu.memref_slice %arg11[%dma_wait3A_110, %dma_wait3A_111] : memref<10240x128xf32, #tpu.memory_space<vmem_shared>> -> memref<10240x128xf32, #tpu.memory_space<vmem_shared>>
        tpu.wait_indirect_dma semaphore(%arg12 : memref<!tpu.dma_semaphore, #tpu.memory_space<semaphore_mem>>) src(%dma_wait3A_106 : memref<128x128xf32, #tpu.memory_space<vmem>>) dst(%dma_wait3A_112 : memref<10240x128xf32, #tpu.memory_space<vmem_shared>>)
      } else {
      }
    }
    %scan3A_21 = arith.constant 2500 : i32
    %barrier3A_22 = arith.constant 0 : index
    tpu.barrier barrier_id(%barrier3A_22)
    %add3A_23 = arith.constant 0 : i32
    %add3A_24 = arith.addi %mul3A_2, %add3A_23 : i32
    "tpu.region"() ({
      %run_scoped3A = tpu.sem_alloc : memref<!tpu.dma_semaphore, #tpu.memory_space<semaphore_mem>>
      %dma_start3A = arith.constant 0 : i32
      %dma_start3A_43 = tpu.memref_slice %arg11[%add3A_24, %dma_start3A] : memref<10240x128xf32, #tpu.memory_space<vmem_shared>> -> memref<128x128xf32, #tpu.memory_space<vmem_shared>>
      %dma_start3A_44 = arith.constant 0 : i32
      %dma_start3A_45 = tpu.memref_slice %arg11[%add3A_24, %dma_start3A_44] : memref<10240x128xf32, #tpu.memory_space<vmem_shared>> -> memref<128x128xf32, #tpu.memory_space<vmem_shared>>
      tpu.enqueue_dma source(%dma_start3A_45 : memref<128x128xf32, #tpu.memory_space<vmem_shared>>) target(%arg9 : memref<128x128xf32, #tpu.memory_space<vmem>>) target_semaphore(%run_scoped3A : memref<!tpu.dma_semaphore, #tpu.memory_space<semaphore_mem>>)
      %dma_wait3A = arith.constant 0 : i32
      %dma_wait3A_46 = tpu.memref_slice %arg11[%add3A_24, %dma_wait3A] : memref<10240x128xf32, #tpu.memory_space<vmem_shared>> -> memref<128x128xf32, #tpu.memory_space<vmem_shared>>
      %dma_wait3A_47 = arith.constant 0 : i32
      %dma_wait3A_48 = tpu.memref_slice %arg11[%add3A_24, %dma_wait3A_47] : memref<10240x128xf32, #tpu.memory_space<vmem_shared>> -> memref<128x128xf32, #tpu.memory_space<vmem_shared>>
      tpu.wait_dma2 semaphore(%run_scoped3A : memref<!tpu.dma_semaphore, #tpu.memory_space<semaphore_mem>>) src(%dma_wait3A_48 : memref<128x128xf32, #tpu.memory_space<vmem_shared>>) dst(%arg9 : memref<128x128xf32, #tpu.memory_space<vmem>>)
      tpu.yield
    }) : () -> ()
    %add3A_25 = arith.constant 0 : i32
    %add3A_26 = arith.addi %mul3A_2, %add3A_25 : i32
    "tpu.region"() ({
      %run_scoped3A = tpu.sem_alloc : memref<!tpu.dma_semaphore, #tpu.memory_space<semaphore_mem>>
      %dma_start3A = arith.constant 0 : i32
      %dma_start3A_43 = tpu.memref_slice %arg6[%arg0, %add3A_26, %dma_start3A] : memref<2x10240x128xf32, #tpu.memory_space<hbm>> -> memref<1x128x128xf32, #tpu.memory_space<hbm>>
      %dma_start3A_44 = tpu.memref_squeeze %dma_start3A_43 : memref<1x128x128xf32, #tpu.memory_space<hbm>> -> memref<128x128xf32, #tpu.memory_space<hbm>>
      %dma_start3A_45 = arith.constant 0 : i32
      %dma_start3A_46 = tpu.memref_slice %arg6[%arg0, %add3A_26, %dma_start3A_45] : memref<2x10240x128xf32, #tpu.memory_space<hbm>> -> memref<1x128x128xf32, #tpu.memory_space<hbm>>
      %dma_start3A_47 = tpu.memref_squeeze %dma_start3A_46 : memref<1x128x128xf32, #tpu.memory_space<hbm>> -> memref<128x128xf32, #tpu.memory_space<hbm>>
      tpu.enqueue_dma source(%arg9 : memref<128x128xf32, #tpu.memory_space<vmem>>) target(%dma_start3A_47 : memref<128x128xf32, #tpu.memory_space<hbm>>) target_semaphore(%run_scoped3A : memref<!tpu.dma_semaphore, #tpu.memory_space<semaphore_mem>>)
      %dma_wait3A = arith.constant 0 : i32
      %dma_wait3A_48 = tpu.memref_slice %arg6[%arg0, %add3A_26, %dma_wait3A] : memref<2x10240x128xf32, #tpu.memory_space<hbm>> -> memref<1x128x128xf32, #tpu.memory_space<hbm>>
      %dma_wait3A_49 = tpu.memref_squeeze %dma_wait3A_48 : memref<1x128x128xf32, #tpu.memory_space<hbm>> -> memref<128x128xf32, #tpu.memory_space<hbm>>
      %dma_wait3A_50 = arith.constant 0 : i32
      %dma_wait3A_51 = tpu.memref_slice %arg6[%arg0, %add3A_26, %dma_wait3A_50] : memref<2x10240x128xf32, #tpu.memory_space<hbm>> -> memref<1x128x128xf32, #tpu.memory_space<hbm>>
      %dma_wait3A_52 = tpu.memref_squeeze %dma_wait3A_51 : memref<1x128x128xf32, #tpu.memory_space<hbm>> -> memref<128x128xf32, #tpu.memory_space<hbm>>
      tpu.wait_dma2 semaphore(%run_scoped3A : memref<!tpu.dma_semaphore, #tpu.memory_space<semaphore_mem>>) src(%arg9 : memref<128x128xf32, #tpu.memory_space<vmem>>) dst(%dma_wait3A_52 : memref<128x128xf32, #tpu.memory_space<hbm>>)
      tpu.yield
    }) : () -> ()
    %add3A_27 = arith.constant 128 : i32
    %add3A_28 = arith.addi %mul3A_2, %add3A_27 : i32
    "tpu.region"() ({
      %run_scoped3A = tpu.sem_alloc : memref<!tpu.dma_semaphore, #tpu.memory_space<semaphore_mem>>
      %dma_start3A = arith.constant 0 : i32
      %dma_start3A_43 = tpu.memref_slice %arg11[%add3A_28, %dma_start3A] : memref<10240x128xf32, #tpu.memory_space<vmem_shared>> -> memref<128x128xf32, #tpu.memory_space<vmem_shared>>
      %dma_start3A_44 = arith.constant 0 : i32
      %dma_start3A_45 = tpu.memref_slice %arg11[%add3A_28, %dma_start3A_44] : memref<10240x128xf32, #tpu.memory_space<vmem_shared>> -> memref<128x128xf32, #tpu.memory_space<vmem_shared>>
      tpu.enqueue_dma source(%dma_start3A_45 : memref<128x128xf32, #tpu.memory_space<vmem_shared>>) target(%arg9 : memref<128x128xf32, #tpu.memory_space<vmem>>) target_semaphore(%run_scoped3A : memref<!tpu.dma_semaphore, #tpu.memory_space<semaphore_mem>>)
      %dma_wait3A = arith.constant 0 : i32
      %dma_wait3A_46 = tpu.memref_slice %arg11[%add3A_28, %dma_wait3A] : memref<10240x128xf32, #tpu.memory_space<vmem_shared>> -> memref<128x128xf32, #tpu.memory_space<vmem_shared>>
      %dma_wait3A_47 = arith.constant 0 : i32
      %dma_wait3A_48 = tpu.memref_slice %arg11[%add3A_28, %dma_wait3A_47] : memref<10240x128xf32, #tpu.memory_space<vmem_shared>> -> memref<128x128xf32, #tpu.memory_space<vmem_shared>>
      tpu.wait_dma2 semaphore(%run_scoped3A : memref<!tpu.dma_semaphore, #tpu.memory_space<semaphore_mem>>) src(%dma_wait3A_48 : memref<128x128xf32, #tpu.memory_space<vmem_shared>>) dst(%arg9 : memref<128x128xf32, #tpu.memory_space<vmem>>)
      tpu.yield
    }) : () -> ()
    %add3A_29 = arith.constant 128 : i32
    %add3A_30 = arith.addi %mul3A_2, %add3A_29 : i32
    "tpu.region"() ({
      %run_scoped3A = tpu.sem_alloc : memref<!tpu.dma_semaphore, #tpu.memory_space<semaphore_mem>>
      %dma_start3A = arith.constant 0 : i32
      %dma_start3A_43 = tpu.memref_slice %arg6[%arg0, %add3A_30, %dma_start3A] : memref<2x10240x128xf32, #tpu.memory_space<hbm>> -> memref<1x128x128xf32, #tpu.memory_space<hbm>>
      %dma_start3A_44 = tpu.memref_squeeze %dma_start3A_43 : memref<1x128x128xf32, #tpu.memory_space<hbm>> -> memref<128x128xf32, #tpu.memory_space<hbm>>
      %dma_start3A_45 = arith.constant 0 : i32
      %dma_start3A_46 = tpu.memref_slice %arg6[%arg0, %add3A_30, %dma_start3A_45] : memref<2x10240x128xf32, #tpu.memory_space<hbm>> -> memref<1x128x128xf32, #tpu.memory_space<hbm>>
      %dma_start3A_47 = tpu.memref_squeeze %dma_start3A_46 : memref<1x128x128xf32, #tpu.memory_space<hbm>> -> memref<128x128xf32, #tpu.memory_space<hbm>>
      tpu.enqueue_dma source(%arg9 : memref<128x128xf32, #tpu.memory_space<vmem>>) target(%dma_start3A_47 : memref<128x128xf32, #tpu.memory_space<hbm>>) target_semaphore(%run_scoped3A : memref<!tpu.dma_semaphore, #tpu.memory_space<semaphore_mem>>)
      %dma_wait3A = arith.constant 0 : i32
      %dma_wait3A_48 = tpu.memref_slice %arg6[%arg0, %add3A_30, %dma_wait3A] : memref<2x10240x128xf32, #tpu.memory_space<hbm>> -> memref<1x128x128xf32, #tpu.memory_space<hbm>>
      %dma_wait3A_49 = tpu.memref_squeeze %dma_wait3A_48 : memref<1x128x128xf32, #tpu.memory_space<hbm>> -> memref<128x128xf32, #tpu.memory_space<hbm>>
      %dma_wait3A_50 = arith.constant 0 : i32
      %dma_wait3A_51 = tpu.memref_slice %arg6[%arg0, %add3A_30, %dma_wait3A_50] : memref<2x10240x128xf32, #tpu.memory_space<hbm>> -> memref<1x128x128xf32, #tpu.memory_space<hbm>>
      %dma_wait3A_52 = tpu.memref_squeeze %dma_wait3A_51 : memref<1x128x128xf32, #tpu.memory_space<hbm>> -> memref<128x128xf32, #tpu.memory_space<hbm>>
      tpu.wait_dma2 semaphore(%run_scoped3A : memref<!tpu.dma_semaphore, #tpu.memory_space<semaphore_mem>>) src(%arg9 : memref<128x128xf32, #tpu.memory_space<vmem>>) dst(%dma_wait3A_52 : memref<128x128xf32, #tpu.memory_space<hbm>>)
      tpu.yield
    }) : () -> ()
    %add3A_31 = arith.constant 256 : i32
    %add3A_32 = arith.addi %mul3A_2, %add3A_31 : i32
    "tpu.region"() ({
      %run_scoped3A = tpu.sem_alloc : memref<!tpu.dma_semaphore, #tpu.memory_space<semaphore_mem>>
      %dma_start3A = arith.constant 0 : i32
      %dma_start3A_43 = tpu.memref_slice %arg11[%add3A_32, %dma_start3A] : memref<10240x128xf32, #tpu.memory_space<vmem_shared>> -> memref<128x128xf32, #tpu.memory_space<vmem_shared>>
      %dma_start3A_44 = arith.constant 0 : i32
      %dma_start3A_45 = tpu.memref_slice %arg11[%add3A_32, %dma_start3A_44] : memref<10240x128xf32, #tpu.memory_space<vmem_shared>> -> memref<128x128xf32, #tpu.memory_space<vmem_shared>>
      tpu.enqueue_dma source(%dma_start3A_45 : memref<128x128xf32, #tpu.memory_space<vmem_shared>>) target(%arg9 : memref<128x128xf32, #tpu.memory_space<vmem>>) target_semaphore(%run_scoped3A : memref<!tpu.dma_semaphore, #tpu.memory_space<semaphore_mem>>)
      %dma_wait3A = arith.constant 0 : i32
      %dma_wait3A_46 = tpu.memref_slice %arg11[%add3A_32, %dma_wait3A] : memref<10240x128xf32, #tpu.memory_space<vmem_shared>> -> memref<128x128xf32, #tpu.memory_space<vmem_shared>>
      %dma_wait3A_47 = arith.constant 0 : i32
      %dma_wait3A_48 = tpu.memref_slice %arg11[%add3A_32, %dma_wait3A_47] : memref<10240x128xf32, #tpu.memory_space<vmem_shared>> -> memref<128x128xf32, #tpu.memory_space<vmem_shared>>
      tpu.wait_dma2 semaphore(%run_scoped3A : memref<!tpu.dma_semaphore, #tpu.memory_space<semaphore_mem>>) src(%dma_wait3A_48 : memref<128x128xf32, #tpu.memory_space<vmem_shared>>) dst(%arg9 : memref<128x128xf32, #tpu.memory_space<vmem>>)
      tpu.yield
    }) : () -> ()
    %add3A_33 = arith.constant 256 : i32
    %add3A_34 = arith.addi %mul3A_2, %add3A_33 : i32
    "tpu.region"() ({
      %run_scoped3A = tpu.sem_alloc : memref<!tpu.dma_semaphore, #tpu.memory_space<semaphore_mem>>
      %dma_start3A = arith.constant 0 : i32
      %dma_start3A_43 = tpu.memref_slice %arg6[%arg0, %add3A_34, %dma_start3A] : memref<2x10240x128xf32, #tpu.memory_space<hbm>> -> memref<1x128x128xf32, #tpu.memory_space<hbm>>
      %dma_start3A_44 = tpu.memref_squeeze %dma_start3A_43 : memref<1x128x128xf32, #tpu.memory_space<hbm>> -> memref<128x128xf32, #tpu.memory_space<hbm>>
      %dma_start3A_45 = arith.constant 0 : i32
      %dma_start3A_46 = tpu.memref_slice %arg6[%arg0, %add3A_34, %dma_start3A_45] : memref<2x10240x128xf32, #tpu.memory_space<hbm>> -> memref<1x128x128xf32, #tpu.memory_space<hbm>>
      %dma_start3A_47 = tpu.memref_squeeze %dma_start3A_46 : memref<1x128x128xf32, #tpu.memory_space<hbm>> -> memref<128x128xf32, #tpu.memory_space<hbm>>
      tpu.enqueue_dma source(%arg9 : memref<128x128xf32, #tpu.memory_space<vmem>>) target(%dma_start3A_47 : memref<128x128xf32, #tpu.memory_space<hbm>>) target_semaphore(%run_scoped3A : memref<!tpu.dma_semaphore, #tpu.memory_space<semaphore_mem>>)
      %dma_wait3A = arith.constant 0 : i32
      %dma_wait3A_48 = tpu.memref_slice %arg6[%arg0, %add3A_34, %dma_wait3A] : memref<2x10240x128xf32, #tpu.memory_space<hbm>> -> memref<1x128x128xf32, #tpu.memory_space<hbm>>
      %dma_wait3A_49 = tpu.memref_squeeze %dma_wait3A_48 : memref<1x128x128xf32, #tpu.memory_space<hbm>> -> memref<128x128xf32, #tpu.memory_space<hbm>>
      %dma_wait3A_50 = arith.constant 0 : i32
      %dma_wait3A_51 = tpu.memref_slice %arg6[%arg0, %add3A_34, %dma_wait3A_50] : memref<2x10240x128xf32, #tpu.memory_space<hbm>> -> memref<1x128x128xf32, #tpu.memory_space<hbm>>
      %dma_wait3A_52 = tpu.memref_squeeze %dma_wait3A_51 : memref<1x128x128xf32, #tpu.memory_space<hbm>> -> memref<128x128xf32, #tpu.memory_space<hbm>>
      tpu.wait_dma2 semaphore(%run_scoped3A : memref<!tpu.dma_semaphore, #tpu.memory_space<semaphore_mem>>) src(%arg9 : memref<128x128xf32, #tpu.memory_space<vmem>>) dst(%dma_wait3A_52 : memref<128x128xf32, #tpu.memory_space<hbm>>)
      tpu.yield
    }) : () -> ()
    %add3A_35 = arith.constant 384 : i32
    %add3A_36 = arith.addi %mul3A_2, %add3A_35 : i32
    "tpu.region"() ({
      %run_scoped3A = tpu.sem_alloc : memref<!tpu.dma_semaphore, #tpu.memory_space<semaphore_mem>>
      %dma_start3A = arith.constant 0 : i32
      %dma_start3A_43 = tpu.memref_slice %arg11[%add3A_36, %dma_start3A] : memref<10240x128xf32, #tpu.memory_space<vmem_shared>> -> memref<128x128xf32, #tpu.memory_space<vmem_shared>>
      %dma_start3A_44 = arith.constant 0 : i32
      %dma_start3A_45 = tpu.memref_slice %arg11[%add3A_36, %dma_start3A_44] : memref<10240x128xf32, #tpu.memory_space<vmem_shared>> -> memref<128x128xf32, #tpu.memory_space<vmem_shared>>
      tpu.enqueue_dma source(%dma_start3A_45 : memref<128x128xf32, #tpu.memory_space<vmem_shared>>) target(%arg9 : memref<128x128xf32, #tpu.memory_space<vmem>>) target_semaphore(%run_scoped3A : memref<!tpu.dma_semaphore, #tpu.memory_space<semaphore_mem>>)
      %dma_wait3A = arith.constant 0 : i32
      %dma_wait3A_46 = tpu.memref_slice %arg11[%add3A_36, %dma_wait3A] : memref<10240x128xf32, #tpu.memory_space<vmem_shared>> -> memref<128x128xf32, #tpu.memory_space<vmem_shared>>
      %dma_wait3A_47 = arith.constant 0 : i32
      %dma_wait3A_48 = tpu.memref_slice %arg11[%add3A_36, %dma_wait3A_47] : memref<10240x128xf32, #tpu.memory_space<vmem_shared>> -> memref<128x128xf32, #tpu.memory_space<vmem_shared>>
      tpu.wait_dma2 semaphore(%run_scoped3A : memref<!tpu.dma_semaphore, #tpu.memory_space<semaphore_mem>>) src(%dma_wait3A_48 : memref<128x128xf32, #tpu.memory_space<vmem_shared>>) dst(%arg9 : memref<128x128xf32, #tpu.memory_space<vmem>>)
      tpu.yield
    }) : () -> ()
    %add3A_37 = arith.constant 384 : i32
    %add3A_38 = arith.addi %mul3A_2, %add3A_37 : i32
    "tpu.region"() ({
      %run_scoped3A = tpu.sem_alloc : memref<!tpu.dma_semaphore, #tpu.memory_space<semaphore_mem>>
      %dma_start3A = arith.constant 0 : i32
      %dma_start3A_43 = tpu.memref_slice %arg6[%arg0, %add3A_38, %dma_start3A] : memref<2x10240x128xf32, #tpu.memory_space<hbm>> -> memref<1x128x128xf32, #tpu.memory_space<hbm>>
      %dma_start3A_44 = tpu.memref_squeeze %dma_start3A_43 : memref<1x128x128xf32, #tpu.memory_space<hbm>> -> memref<128x128xf32, #tpu.memory_space<hbm>>
      %dma_start3A_45 = arith.constant 0 : i32
      %dma_start3A_46 = tpu.memref_slice %arg6[%arg0, %add3A_38, %dma_start3A_45] : memref<2x10240x128xf32, #tpu.memory_space<hbm>> -> memref<1x128x128xf32, #tpu.memory_space<hbm>>
      %dma_start3A_47 = tpu.memref_squeeze %dma_start3A_46 : memref<1x128x128xf32, #tpu.memory_space<hbm>> -> memref<128x128xf32, #tpu.memory_space<hbm>>
      tpu.enqueue_dma source(%arg9 : memref<128x128xf32, #tpu.memory_space<vmem>>) target(%dma_start3A_47 : memref<128x128xf32, #tpu.memory_space<hbm>>) target_semaphore(%run_scoped3A : memref<!tpu.dma_semaphore, #tpu.memory_space<semaphore_mem>>)
      %dma_wait3A = arith.constant 0 : i32
      %dma_wait3A_48 = tpu.memref_slice %arg6[%arg0, %add3A_38, %dma_wait3A] : memref<2x10240x128xf32, #tpu.memory_space<hbm>> -> memref<1x128x128xf32, #tpu.memory_space<hbm>>
      %dma_wait3A_49 = tpu.memref_squeeze %dma_wait3A_48 : memref<1x128x128xf32, #tpu.memory_space<hbm>> -> memref<128x128xf32, #tpu.memory_space<hbm>>
      %dma_wait3A_50 = arith.constant 0 : i32
      %dma_wait3A_51 = tpu.memref_slice %arg6[%arg0, %add3A_38, %dma_wait3A_50] : memref<2x10240x128xf32, #tpu.memory_space<hbm>> -> memref<1x128x128xf32, #tpu.memory_space<hbm>>
      %dma_wait3A_52 = tpu.memref_squeeze %dma_wait3A_51 : memref<1x128x128xf32, #tpu.memory_space<hbm>> -> memref<128x128xf32, #tpu.memory_space<hbm>>
      tpu.wait_dma2 semaphore(%run_scoped3A : memref<!tpu.dma_semaphore, #tpu.memory_space<semaphore_mem>>) src(%arg9 : memref<128x128xf32, #tpu.memory_space<vmem>>) dst(%dma_wait3A_52 : memref<128x128xf32, #tpu.memory_space<hbm>>)
      tpu.yield
    }) : () -> ()
    %add3A_39 = arith.constant 512 : i32
    %add3A_40 = arith.addi %mul3A_2, %add3A_39 : i32
    "tpu.region"() ({
      %run_scoped3A = tpu.sem_alloc : memref<!tpu.dma_semaphore, #tpu.memory_space<semaphore_mem>>
      %dma_start3A = arith.constant 0 : i32
      %dma_start3A_43 = tpu.memref_slice %arg11[%add3A_40, %dma_start3A] : memref<10240x128xf32, #tpu.memory_space<vmem_shared>> -> memref<128x128xf32, #tpu.memory_space<vmem_shared>>
      %dma_start3A_44 = arith.constant 0 : i32
      %dma_start3A_45 = tpu.memref_slice %arg11[%add3A_40, %dma_start3A_44] : memref<10240x128xf32, #tpu.memory_space<vmem_shared>> -> memref<128x128xf32, #tpu.memory_space<vmem_shared>>
      tpu.enqueue_dma source(%dma_start3A_45 : memref<128x128xf32, #tpu.memory_space<vmem_shared>>) target(%arg9 : memref<128x128xf32, #tpu.memory_space<vmem>>) target_semaphore(%run_scoped3A : memref<!tpu.dma_semaphore, #tpu.memory_space<semaphore_mem>>)
      %dma_wait3A = arith.constant 0 : i32
      %dma_wait3A_46 = tpu.memref_slice %arg11[%add3A_40, %dma_wait3A] : memref<10240x128xf32, #tpu.memory_space<vmem_shared>> -> memref<128x128xf32, #tpu.memory_space<vmem_shared>>
      %dma_wait3A_47 = arith.constant 0 : i32
      %dma_wait3A_48 = tpu.memref_slice %arg11[%add3A_40, %dma_wait3A_47] : memref<10240x128xf32, #tpu.memory_space<vmem_shared>> -> memref<128x128xf32, #tpu.memory_space<vmem_shared>>
      tpu.wait_dma2 semaphore(%run_scoped3A : memref<!tpu.dma_semaphore, #tpu.memory_space<semaphore_mem>>) src(%dma_wait3A_48 : memref<128x128xf32, #tpu.memory_space<vmem_shared>>) dst(%arg9 : memref<128x128xf32, #tpu.memory_space<vmem>>)
      tpu.yield
    }) : () -> ()
    %add3A_41 = arith.constant 512 : i32
    %add3A_42 = arith.addi %mul3A_2, %add3A_41 : i32
    "tpu.region"() ({
      %run_scoped3A = tpu.sem_alloc : memref<!tpu.dma_semaphore, #tpu.memory_space<semaphore_mem>>
      %dma_start3A = arith.constant 0 : i32
      %dma_start3A_43 = tpu.memref_slice %arg6[%arg0, %add3A_42, %dma_start3A] : memref<2x10240x128xf32, #tpu.memory_space<hbm>> -> memref<1x128x128xf32, #tpu.memory_space<hbm>>
      %dma_start3A_44 = tpu.memref_squeeze %dma_start3A_43 : memref<1x128x128xf32, #tpu.memory_space<hbm>> -> memref<128x128xf32, #tpu.memory_space<hbm>>
      %dma_start3A_45 = arith.constant 0 : i32
      %dma_start3A_46 = tpu.memref_slice %arg6[%arg0, %add3A_42, %dma_start3A_45] : memref<2x10240x128xf32, #tpu.memory_space<hbm>> -> memref<1x128x128xf32, #tpu.memory_space<hbm>>
      %dma_start3A_47 = tpu.memref_squeeze %dma_start3A_46 : memref<1x128x128xf32, #tpu.memory_space<hbm>> -> memref<128x128xf32, #tpu.memory_space<hbm>>
      tpu.enqueue_dma source(%arg9 : memref<128x128xf32, #tpu.memory_space<vmem>>) target(%dma_start3A_47 : memref<128x128xf32, #tpu.memory_space<hbm>>) target_semaphore(%run_scoped3A : memref<!tpu.dma_semaphore, #tpu.memory_space<semaphore_mem>>)
      %dma_wait3A = arith.constant 0 : i32
      %dma_wait3A_48 = tpu.memref_slice %arg6[%arg0, %add3A_42, %dma_wait3A] : memref<2x10240x128xf32, #tpu.memory_space<hbm>> -> memref<1x128x128xf32, #tpu.memory_space<hbm>>
      %dma_wait3A_49 = tpu.memref_squeeze %dma_wait3A_48 : memref<1x128x128xf32, #tpu.memory_space<hbm>> -> memref<128x128xf32, #tpu.memory_space<hbm>>
      %dma_wait3A_50 = arith.constant 0 : i32
      %dma_wait3A_51 = tpu.memref_slice %arg6[%arg0, %add3A_42, %dma_wait3A_50] : memref<2x10240x128xf32, #tpu.memory_space<hbm>> -> memref<1x128x128xf32, #tpu.memory_space<hbm>>
      %dma_wait3A_52 = tpu.memref_squeeze %dma_wait3A_51 : memref<1x128x128xf32, #tpu.memory_space<hbm>> -> memref<128x128xf32, #tpu.memory_space<hbm>>
      tpu.wait_dma2 semaphore(%run_scoped3A : memref<!tpu.dma_semaphore, #tpu.memory_space<semaphore_mem>>) src(%arg9 : memref<128x128xf32, #tpu.memory_space<vmem>>) dst(%dma_wait3A_52 : memref<128x128xf32, #tpu.memory_space<hbm>>)
      tpu.yield
    }) : () -> ()
    return
  }
}

#map = affine_map<(d0, d1) -> (0, 0, 0, 0)>
#map1 = affine_map<(d0, d1) -> (0, 0, 0)>
#map2 = affine_map<(d0, d1) -> (0, 0)>
module attributes {stable_mosaic.version = 14 : i64} {
  func.func @k(%arg0: i32, %arg1: i32, %arg2: memref<4x2500x1x128xi32, #tpu.memory_space<hbm>>, %arg3: memref<2500x1x128xi32, #tpu.memory_space<hbm>>, %arg4: memref<40000x128xf32, #tpu.memory_space<hbm>>, %arg5: memref<320000x16xf32, #tpu.memory_space<hbm>>, %arg6: memref<10240x512xf32, #tpu.memory_space<hbm>>, %arg7: memref<1x128xi32, #tpu.memory_space<vmem>>, %arg8: memref<1x128xi32, #tpu.memory_space<vmem>>, %arg9: memref<128x128xf32, #tpu.memory_space<vmem>>, %arg10: memref<128x16xf32, #tpu.memory_space<vmem>>, %arg11: memref<10240x128xf32, #tpu.memory_space<vmem_shared>>, %arg12: memref<!tpu.dma_semaphore, #tpu.memory_space<semaphore_mem>>) attributes {dimension_semantics = [#tpu.dimension_semantics<core_parallel>, #tpu.dimension_semantics<subcore_parallel>], iteration_bounds = array<i64: 2, 16>, scalar_prefetch = 0 : i64, scratch_operands = 6 : i64, tpu.core_type = #tpu.core_type<sc_vector_subcore>, window_params = [{transform_indices = #map}, {transform_indices = #map1}, {transform_indices = #map2}, {transform_indices = #map2}, {transform_indices = #map2}]} {
    %mul3A = arith.constant 640 : i32
    %mul3A_0 = arith.muli %arg1, %mul3A : i32
    %iota3A = tpu.iota {dimensions = array<i32: 0>} : vector<16xi32>
    %mul3A_1 = arith.constant 2 : i32
    %mul3A_2 = arith.muli %arg0, %mul3A_1 : i32
    %add3A = arith.constant 0 : i32
    %add3A_3 = arith.addi %mul3A_2, %add3A : i32
    %mul3A_4 = arith.constant 2 : i32
    %mul3A_5 = arith.muli %mul3A_4, %add3A_3 : i32
    %eq3A = vector.broadcast %mul3A_5 : i32 to vector<16xi32>
    %eq3A_6 = arith.cmpi eq, %iota3A, %eq3A : vector<16xi32>
    %convert_element_type3A = arith.extui %eq3A_6 : vector<16xi1> to vector<16xi32>
    %convert_element_type3A_7 = arith.sitofp %convert_element_type3A : vector<16xi32> to vector<16xf32>
    %mul3A_8 = arith.constant 2 : i32
    %mul3A_9 = arith.muli %mul3A_8, %add3A_3 : i32
    %add3A_10 = arith.constant 1 : i32
    %add3A_11 = arith.addi %mul3A_9, %add3A_10 : i32
    %eq3A_12 = vector.broadcast %add3A_11 : i32 to vector<16xi32>
    %eq3A_13 = arith.cmpi eq, %iota3A, %eq3A_12 : vector<16xi32>
    %convert_element_type3A_14 = arith.extui %eq3A_13 : vector<16xi1> to vector<16xi32>
    %convert_element_type3A_15 = arith.sitofp %convert_element_type3A_14 : vector<16xi32> to vector<16xf32>
    %scan3A = arith.constant 0 : i32
    %scan3A_16 = arith.constant 128 : i32
    %scan3A_17 = arith.addi %scan3A, %scan3A_16 : i32
    %scan3A_18 = arith.constant 1 : i32
    scf.for %scan3A_138 = %scan3A to %scan3A_17 step %scan3A_18  : i32 {
      %mul3A_139 = arith.constant 1 : i32
      %mul3A_140 = arith.muli %scan3A_138, %mul3A_139 : i32
      %add3A_141 = arith.constant 0 : i32
      %add3A_142 = arith.addi %add3A_141, %mul3A_140 : i32
      %broadcast_in_dim3A = arith.constant 0.000000e+00 : f32
      %broadcast_in_dim3A_143 = vector.broadcast %broadcast_in_dim3A : f32 to vector<16xf32>
      %swap3A = arith.index_cast %add3A_142 : i32 to index
      %swap3A_144 = arith.constant 0 : index
      %swap3A_145 = tpu.vector_load %arg9[%swap3A, %swap3A_144] {strides = array<i32>} : memref<128x128xf32, #tpu.memory_space<vmem>>, vector<16xf32>,
      tpu.vector_store %arg9[%swap3A, %swap3A_144], %broadcast_in_dim3A_143 {strides = array<i32>} : memref<128x128xf32, #tpu.memory_space<vmem>>, vector<16xf32>,
      %broadcast_in_dim3A_146 = arith.constant 0.000000e+00 : f32
      %broadcast_in_dim3A_147 = vector.broadcast %broadcast_in_dim3A_146 : f32 to vector<16xf32>
      %swap3A_148 = arith.index_cast %add3A_142 : i32 to index
      %swap3A_149 = arith.constant 16 : index
      %swap3A_150 = tpu.vector_load %arg9[%swap3A_148, %swap3A_149] {strides = array<i32>} : memref<128x128xf32, #tpu.memory_space<vmem>>, vector<16xf32>,
      tpu.vector_store %arg9[%swap3A_148, %swap3A_149], %broadcast_in_dim3A_147 {strides = array<i32>} : memref<128x128xf32, #tpu.memory_space<vmem>>, vector<16xf32>,
      %broadcast_in_dim3A_151 = arith.constant 0.000000e+00 : f32
      %broadcast_in_dim3A_152 = vector.broadcast %broadcast_in_dim3A_151 : f32 to vector<16xf32>
      %swap3A_153 = arith.index_cast %add3A_142 : i32 to index
      %swap3A_154 = arith.constant 32 : index
      %swap3A_155 = tpu.vector_load %arg9[%swap3A_153, %swap3A_154] {strides = array<i32>} : memref<128x128xf32, #tpu.memory_space<vmem>>, vector<16xf32>,
      tpu.vector_store %arg9[%swap3A_153, %swap3A_154], %broadcast_in_dim3A_152 {strides = array<i32>} : memref<128x128xf32, #tpu.memory_space<vmem>>, vector<16xf32>,
      %broadcast_in_dim3A_156 = arith.constant 0.000000e+00 : f32
      %broadcast_in_dim3A_157 = vector.broadcast %broadcast_in_dim3A_156 : f32 to vector<16xf32>
      %swap3A_158 = arith.index_cast %add3A_142 : i32 to index
      %swap3A_159 = arith.constant 48 : index
      %swap3A_160 = tpu.vector_load %arg9[%swap3A_158, %swap3A_159] {strides = array<i32>} : memref<128x128xf32, #tpu.memory_space<vmem>>, vector<16xf32>,
      tpu.vector_store %arg9[%swap3A_158, %swap3A_159], %broadcast_in_dim3A_157 {strides = array<i32>} : memref<128x128xf32, #tpu.memory_space<vmem>>, vector<16xf32>,
      %broadcast_in_dim3A_161 = arith.constant 0.000000e+00 : f32
      %broadcast_in_dim3A_162 = vector.broadcast %broadcast_in_dim3A_161 : f32 to vector<16xf32>
      %swap3A_163 = arith.index_cast %add3A_142 : i32 to index
      %swap3A_164 = arith.constant 64 : index
      %swap3A_165 = tpu.vector_load %arg9[%swap3A_163, %swap3A_164] {strides = array<i32>} : memref<128x128xf32, #tpu.memory_space<vmem>>, vector<16xf32>,
      tpu.vector_store %arg9[%swap3A_163, %swap3A_164], %broadcast_in_dim3A_162 {strides = array<i32>} : memref<128x128xf32, #tpu.memory_space<vmem>>, vector<16xf32>,
      %broadcast_in_dim3A_166 = arith.constant 0.000000e+00 : f32
      %broadcast_in_dim3A_167 = vector.broadcast %broadcast_in_dim3A_166 : f32 to vector<16xf32>
      %swap3A_168 = arith.index_cast %add3A_142 : i32 to index
      %swap3A_169 = arith.constant 80 : index
      %swap3A_170 = tpu.vector_load %arg9[%swap3A_168, %swap3A_169] {strides = array<i32>} : memref<128x128xf32, #tpu.memory_space<vmem>>, vector<16xf32>,
      tpu.vector_store %arg9[%swap3A_168, %swap3A_169], %broadcast_in_dim3A_167 {strides = array<i32>} : memref<128x128xf32, #tpu.memory_space<vmem>>, vector<16xf32>,
      %broadcast_in_dim3A_171 = arith.constant 0.000000e+00 : f32
      %broadcast_in_dim3A_172 = vector.broadcast %broadcast_in_dim3A_171 : f32 to vector<16xf32>
      %swap3A_173 = arith.index_cast %add3A_142 : i32 to index
      %swap3A_174 = arith.constant 96 : index
      %swap3A_175 = tpu.vector_load %arg9[%swap3A_173, %swap3A_174] {strides = array<i32>} : memref<128x128xf32, #tpu.memory_space<vmem>>, vector<16xf32>,
      tpu.vector_store %arg9[%swap3A_173, %swap3A_174], %broadcast_in_dim3A_172 {strides = array<i32>} : memref<128x128xf32, #tpu.memory_space<vmem>>, vector<16xf32>,
      %broadcast_in_dim3A_176 = arith.constant 0.000000e+00 : f32
      %broadcast_in_dim3A_177 = vector.broadcast %broadcast_in_dim3A_176 : f32 to vector<16xf32>
      %swap3A_178 = arith.index_cast %add3A_142 : i32 to index
      %swap3A_179 = arith.constant 112 : index
      %swap3A_180 = tpu.vector_load %arg9[%swap3A_178, %swap3A_179] {strides = array<i32>} : memref<128x128xf32, #tpu.memory_space<vmem>>, vector<16xf32>,
      tpu.vector_store %arg9[%swap3A_178, %swap3A_179], %broadcast_in_dim3A_177 {strides = array<i32>} : memref<128x128xf32, #tpu.memory_space<vmem>>, vector<16xf32>,
    }
    %scan3A_19 = arith.constant 128 : i32
    %add3A_20 = arith.constant 0 : i32
    %add3A_21 = arith.addi %mul3A_0, %add3A_20 : i32
    "tpu.region"() ({
      %run_scoped3A = tpu.sem_alloc : memref<!tpu.dma_semaphore, #tpu.memory_space<semaphore_mem>>
      %dma_start3A = arith.constant 0 : i32
      %dma_start3A_138 = tpu.memref_slice %arg11[%add3A_21, %dma_start3A] : memref<10240x128xf32, #tpu.memory_space<vmem_shared>> -> memref<128x128xf32, #tpu.memory_space<vmem_shared>>
      %dma_start3A_139 = arith.constant 0 : i32
      %dma_start3A_140 = tpu.memref_slice %arg11[%add3A_21, %dma_start3A_139] : memref<10240x128xf32, #tpu.memory_space<vmem_shared>> -> memref<128x128xf32, #tpu.memory_space<vmem_shared>>
      tpu.enqueue_dma source(%arg9 : memref<128x128xf32, #tpu.memory_space<vmem>>) target(%dma_start3A_140 : memref<128x128xf32, #tpu.memory_space<vmem_shared>>) target_semaphore(%run_scoped3A : memref<!tpu.dma_semaphore, #tpu.memory_space<semaphore_mem>>)
      %dma_wait3A = arith.constant 0 : i32
      %dma_wait3A_141 = tpu.memref_slice %arg11[%add3A_21, %dma_wait3A] : memref<10240x128xf32, #tpu.memory_space<vmem_shared>> -> memref<128x128xf32, #tpu.memory_space<vmem_shared>>
      %dma_wait3A_142 = arith.constant 0 : i32
      %dma_wait3A_143 = tpu.memref_slice %arg11[%add3A_21, %dma_wait3A_142] : memref<10240x128xf32, #tpu.memory_space<vmem_shared>> -> memref<128x128xf32, #tpu.memory_space<vmem_shared>>
      tpu.wait_dma2 semaphore(%run_scoped3A : memref<!tpu.dma_semaphore, #tpu.memory_space<semaphore_mem>>) src(%arg9 : memref<128x128xf32, #tpu.memory_space<vmem>>) dst(%dma_wait3A_143 : memref<128x128xf32, #tpu.memory_space<vmem_shared>>)
      tpu.yield
    }) : () -> ()
    %add3A_22 = arith.constant 128 : i32
    %add3A_23 = arith.addi %mul3A_0, %add3A_22 : i32
    "tpu.region"() ({
      %run_scoped3A = tpu.sem_alloc : memref<!tpu.dma_semaphore, #tpu.memory_space<semaphore_mem>>
      %dma_start3A = arith.constant 0 : i32
      %dma_start3A_138 = tpu.memref_slice %arg11[%add3A_23, %dma_start3A] : memref<10240x128xf32, #tpu.memory_space<vmem_shared>> -> memref<128x128xf32, #tpu.memory_space<vmem_shared>>
      %dma_start3A_139 = arith.constant 0 : i32
      %dma_start3A_140 = tpu.memref_slice %arg11[%add3A_23, %dma_start3A_139] : memref<10240x128xf32, #tpu.memory_space<vmem_shared>> -> memref<128x128xf32, #tpu.memory_space<vmem_shared>>
      tpu.enqueue_dma source(%arg9 : memref<128x128xf32, #tpu.memory_space<vmem>>) target(%dma_start3A_140 : memref<128x128xf32, #tpu.memory_space<vmem_shared>>) target_semaphore(%run_scoped3A : memref<!tpu.dma_semaphore, #tpu.memory_space<semaphore_mem>>)
      %dma_wait3A = arith.constant 0 : i32
      %dma_wait3A_141 = tpu.memref_slice %arg11[%add3A_23, %dma_wait3A] : memref<10240x128xf32, #tpu.memory_space<vmem_shared>> -> memref<128x128xf32, #tpu.memory_space<vmem_shared>>
      %dma_wait3A_142 = arith.constant 0 : i32
      %dma_wait3A_143 = tpu.memref_slice %arg11[%add3A_23, %dma_wait3A_142] : memref<10240x128xf32, #tpu.memory_space<vmem_shared>> -> memref<128x128xf32, #tpu.memory_space<vmem_shared>>
      tpu.wait_dma2 semaphore(%run_scoped3A : memref<!tpu.dma_semaphore, #tpu.memory_space<semaphore_mem>>) src(%arg9 : memref<128x128xf32, #tpu.memory_space<vmem>>) dst(%dma_wait3A_143 : memref<128x128xf32, #tpu.memory_space<vmem_shared>>)
      tpu.yield
    }) : () -> ()
    %add3A_24 = arith.constant 256 : i32
    %add3A_25 = arith.addi %mul3A_0, %add3A_24 : i32
    "tpu.region"() ({
      %run_scoped3A = tpu.sem_alloc : memref<!tpu.dma_semaphore, #tpu.memory_space<semaphore_mem>>
      %dma_start3A = arith.constant 0 : i32
      %dma_start3A_138 = tpu.memref_slice %arg11[%add3A_25, %dma_start3A] : memref<10240x128xf32, #tpu.memory_space<vmem_shared>> -> memref<128x128xf32, #tpu.memory_space<vmem_shared>>
      %dma_start3A_139 = arith.constant 0 : i32
      %dma_start3A_140 = tpu.memref_slice %arg11[%add3A_25, %dma_start3A_139] : memref<10240x128xf32, #tpu.memory_space<vmem_shared>> -> memref<128x128xf32, #tpu.memory_space<vmem_shared>>
      tpu.enqueue_dma source(%arg9 : memref<128x128xf32, #tpu.memory_space<vmem>>) target(%dma_start3A_140 : memref<128x128xf32, #tpu.memory_space<vmem_shared>>) target_semaphore(%run_scoped3A : memref<!tpu.dma_semaphore, #tpu.memory_space<semaphore_mem>>)
      %dma_wait3A = arith.constant 0 : i32
      %dma_wait3A_141 = tpu.memref_slice %arg11[%add3A_25, %dma_wait3A] : memref<10240x128xf32, #tpu.memory_space<vmem_shared>> -> memref<128x128xf32, #tpu.memory_space<vmem_shared>>
      %dma_wait3A_142 = arith.constant 0 : i32
      %dma_wait3A_143 = tpu.memref_slice %arg11[%add3A_25, %dma_wait3A_142] : memref<10240x128xf32, #tpu.memory_space<vmem_shared>> -> memref<128x128xf32, #tpu.memory_space<vmem_shared>>
      tpu.wait_dma2 semaphore(%run_scoped3A : memref<!tpu.dma_semaphore, #tpu.memory_space<semaphore_mem>>) src(%arg9 : memref<128x128xf32, #tpu.memory_space<vmem>>) dst(%dma_wait3A_143 : memref<128x128xf32, #tpu.memory_space<vmem_shared>>)
      tpu.yield
    }) : () -> ()
    %add3A_26 = arith.constant 384 : i32
    %add3A_27 = arith.addi %mul3A_0, %add3A_26 : i32
    "tpu.region"() ({
      %run_scoped3A = tpu.sem_alloc : memref<!tpu.dma_semaphore, #tpu.memory_space<semaphore_mem>>
      %dma_start3A = arith.constant 0 : i32
      %dma_start3A_138 = tpu.memref_slice %arg11[%add3A_27, %dma_start3A] : memref<10240x128xf32, #tpu.memory_space<vmem_shared>> -> memref<128x128xf32, #tpu.memory_space<vmem_shared>>
      %dma_start3A_139 = arith.constant 0 : i32
      %dma_start3A_140 = tpu.memref_slice %arg11[%add3A_27, %dma_start3A_139] : memref<10240x128xf32, #tpu.memory_space<vmem_shared>> -> memref<128x128xf32, #tpu.memory_space<vmem_shared>>
      tpu.enqueue_dma source(%arg9 : memref<128x128xf32, #tpu.memory_space<vmem>>) target(%dma_start3A_140 : memref<128x128xf32, #tpu.memory_space<vmem_shared>>) target_semaphore(%run_scoped3A : memref<!tpu.dma_semaphore, #tpu.memory_space<semaphore_mem>>)
      %dma_wait3A = arith.constant 0 : i32
      %dma_wait3A_141 = tpu.memref_slice %arg11[%add3A_27, %dma_wait3A] : memref<10240x128xf32, #tpu.memory_space<vmem_shared>> -> memref<128x128xf32, #tpu.memory_space<vmem_shared>>
      %dma_wait3A_142 = arith.constant 0 : i32
      %dma_wait3A_143 = tpu.memref_slice %arg11[%add3A_27, %dma_wait3A_142] : memref<10240x128xf32, #tpu.memory_space<vmem_shared>> -> memref<128x128xf32, #tpu.memory_space<vmem_shared>>
      tpu.wait_dma2 semaphore(%run_scoped3A : memref<!tpu.dma_semaphore, #tpu.memory_space<semaphore_mem>>) src(%arg9 : memref<128x128xf32, #tpu.memory_space<vmem>>) dst(%dma_wait3A_143 : memref<128x128xf32, #tpu.memory_space<vmem_shared>>)
      tpu.yield
    }) : () -> ()
    %add3A_28 = arith.constant 512 : i32
    %add3A_29 = arith.addi %mul3A_0, %add3A_28 : i32
    "tpu.region"() ({
      %run_scoped3A = tpu.sem_alloc : memref<!tpu.dma_semaphore, #tpu.memory_space<semaphore_mem>>
      %dma_start3A = arith.constant 0 : i32
      %dma_start3A_138 = tpu.memref_slice %arg11[%add3A_29, %dma_start3A] : memref<10240x128xf32, #tpu.memory_space<vmem_shared>> -> memref<128x128xf32, #tpu.memory_space<vmem_shared>>
      %dma_start3A_139 = arith.constant 0 : i32
      %dma_start3A_140 = tpu.memref_slice %arg11[%add3A_29, %dma_start3A_139] : memref<10240x128xf32, #tpu.memory_space<vmem_shared>> -> memref<128x128xf32, #tpu.memory_space<vmem_shared>>
      tpu.enqueue_dma source(%arg9 : memref<128x128xf32, #tpu.memory_space<vmem>>) target(%dma_start3A_140 : memref<128x128xf32, #tpu.memory_space<vmem_shared>>) target_semaphore(%run_scoped3A : memref<!tpu.dma_semaphore, #tpu.memory_space<semaphore_mem>>)
      %dma_wait3A = arith.constant 0 : i32
      %dma_wait3A_141 = tpu.memref_slice %arg11[%add3A_29, %dma_wait3A] : memref<10240x128xf32, #tpu.memory_space<vmem_shared>> -> memref<128x128xf32, #tpu.memory_space<vmem_shared>>
      %dma_wait3A_142 = arith.constant 0 : i32
      %dma_wait3A_143 = tpu.memref_slice %arg11[%add3A_29, %dma_wait3A_142] : memref<10240x128xf32, #tpu.memory_space<vmem_shared>> -> memref<128x128xf32, #tpu.memory_space<vmem_shared>>
      tpu.wait_dma2 semaphore(%run_scoped3A : memref<!tpu.dma_semaphore, #tpu.memory_space<semaphore_mem>>) src(%arg9 : memref<128x128xf32, #tpu.memory_space<vmem>>) dst(%dma_wait3A_143 : memref<128x128xf32, #tpu.memory_space<vmem_shared>>)
      tpu.yield
    }) : () -> ()
    %barrier3A = arith.constant 0 : index
    tpu.barrier barrier_id(%barrier3A)
    %scan3A_30 = arith.constant 0 : i32
    %scan3A_31 = arith.constant 2500 : i32
    %scan3A_32 = arith.addi %scan3A_30, %scan3A_31 : i32
    %scan3A_33 = arith.constant 1 : i32
    scf.for %scan3A_138 = %scan3A_30 to %scan3A_32 step %scan3A_33  : i32 {
      %mul3A_139 = arith.constant 1 : i32
      %mul3A_140 = arith.muli %scan3A_138, %mul3A_139 : i32
      %add3A_141 = arith.constant 0 : i32
      %add3A_142 = arith.addi %add3A_141, %mul3A_140 : i32
      %rem3A = arith.constant 16 : i32
      %rem3A_143 = arith.remsi %add3A_142, %rem3A : i32
      %eq3A_144 = arith.cmpi eq, %rem3A_143, %arg1 : i32
      %convert_element_type3A_145 = arith.extui %eq3A_144 : i1 to i32
      %cond3A = arith.constant 0 : i32
      %cond3A_146 = arith.cmpi ne, %convert_element_type3A_145, %cond3A : i32
      scf.if %cond3A_146 {
        "tpu.region"() ({
          %run_scoped3A = tpu.sem_alloc : memref<!tpu.dma_semaphore, #tpu.memory_space<semaphore_mem>>
          %dma_start3A_192 = arith.constant 0 : i32
          %dma_start3A_193 = arith.constant 0 : i32
          %dma_start3A_194 = tpu.memref_slice %arg2[%add3A_3, %add3A_142, %dma_start3A_192, %dma_start3A_193] : memref<4x2500x1x128xi32, #tpu.memory_space<hbm>> -> memref<1x1x1x128xi32, #tpu.memory_space<hbm>>
          %dma_start3A_195 = tpu.memref_squeeze %dma_start3A_194 : memref<1x1x1x128xi32, #tpu.memory_space<hbm>> -> memref<1x128xi32, #tpu.memory_space<hbm>>
          %dma_start3A_196 = arith.constant 0 : i32
          %dma_start3A_197 = arith.constant 0 : i32
          %dma_start3A_198 = tpu.memref_slice %arg2[%add3A_3, %add3A_142, %dma_start3A_196, %dma_start3A_197] : memref<4x2500x1x128xi32, #tpu.memory_space<hbm>> -> memref<1x1x1x128xi32, #tpu.memory_space<hbm>>
          %dma_start3A_199 = tpu.memref_squeeze %dma_start3A_198 : memref<1x1x1x128xi32, #tpu.memory_space<hbm>> -> memref<1x128xi32, #tpu.memory_space<hbm>>
          tpu.enqueue_dma source(%dma_start3A_199 : memref<1x128xi32, #tpu.memory_space<hbm>>) target(%arg7 : memref<1x128xi32, #tpu.memory_space<vmem>>) target_semaphore(%run_scoped3A : memref<!tpu.dma_semaphore, #tpu.memory_space<semaphore_mem>>)
          %dma_wait3A_200 = arith.constant 0 : i32
          %dma_wait3A_201 = arith.constant 0 : i32
          %dma_wait3A_202 = tpu.memref_slice %arg2[%add3A_3, %add3A_142, %dma_wait3A_200, %dma_wait3A_201] : memref<4x2500x1x128xi32, #tpu.memory_space<hbm>> -> memref<1x1x1x128xi32, #tpu.memory_space<hbm>>
          %dma_wait3A_203 = tpu.memref_squeeze %dma_wait3A_202 : memref<1x1x1x128xi32, #tpu.memory_space<hbm>> -> memref<1x128xi32, #tpu.memory_space<hbm>>
          %dma_wait3A_204 = arith.constant 0 : i32
          %dma_wait3A_205 = arith.constant 0 : i32
          %dma_wait3A_206 = tpu.memref_slice %arg2[%add3A_3, %add3A_142, %dma_wait3A_204, %dma_wait3A_205] : memref<4x2500x1x128xi32, #tpu.memory_space<hbm>> -> memref<1x1x1x128xi32, #tpu.memory_space<hbm>>
          %dma_wait3A_207 = tpu.memref_squeeze %dma_wait3A_206 : memref<1x1x1x128xi32, #tpu.memory_space<hbm>> -> memref<1x128xi32, #tpu.memory_space<hbm>>
          tpu.wait_dma2 semaphore(%run_scoped3A : memref<!tpu.dma_semaphore, #tpu.memory_space<semaphore_mem>>) src(%dma_wait3A_207 : memref<1x128xi32, #tpu.memory_space<hbm>>) dst(%arg7 : memref<1x128xi32, #tpu.memory_space<vmem>>)
          tpu.yield
        }) : () -> ()
        "tpu.region"() ({
          %run_scoped3A = tpu.sem_alloc : memref<!tpu.dma_semaphore, #tpu.memory_space<semaphore_mem>>
          %dma_start3A_192 = arith.constant 0 : i32
          %dma_start3A_193 = arith.constant 0 : i32
          %dma_start3A_194 = tpu.memref_slice %arg3[%add3A_142, %dma_start3A_192, %dma_start3A_193] : memref<2500x1x128xi32, #tpu.memory_space<hbm>> -> memref<1x1x128xi32, #tpu.memory_space<hbm>>
          %dma_start3A_195 = tpu.memref_squeeze %dma_start3A_194 : memref<1x1x128xi32, #tpu.memory_space<hbm>> -> memref<1x128xi32, #tpu.memory_space<hbm>>
          %dma_start3A_196 = arith.constant 0 : i32
          %dma_start3A_197 = arith.constant 0 : i32
          %dma_start3A_198 = tpu.memref_slice %arg3[%add3A_142, %dma_start3A_196, %dma_start3A_197] : memref<2500x1x128xi32, #tpu.memory_space<hbm>> -> memref<1x1x128xi32, #tpu.memory_space<hbm>>
          %dma_start3A_199 = tpu.memref_squeeze %dma_start3A_198 : memref<1x1x128xi32, #tpu.memory_space<hbm>> -> memref<1x128xi32, #tpu.memory_space<hbm>>
          tpu.enqueue_dma source(%dma_start3A_199 : memref<1x128xi32, #tpu.memory_space<hbm>>) target(%arg8 : memref<1x128xi32, #tpu.memory_space<vmem>>) target_semaphore(%run_scoped3A : memref<!tpu.dma_semaphore, #tpu.memory_space<semaphore_mem>>)
          %dma_wait3A_200 = arith.constant 0 : i32
          %dma_wait3A_201 = arith.constant 0 : i32
          %dma_wait3A_202 = tpu.memref_slice %arg3[%add3A_142, %dma_wait3A_200, %dma_wait3A_201] : memref<2500x1x128xi32, #tpu.memory_space<hbm>> -> memref<1x1x128xi32, #tpu.memory_space<hbm>>
          %dma_wait3A_203 = tpu.memref_squeeze %dma_wait3A_202 : memref<1x1x128xi32, #tpu.memory_space<hbm>> -> memref<1x128xi32, #tpu.memory_space<hbm>>
          %dma_wait3A_204 = arith.constant 0 : i32
          %dma_wait3A_205 = arith.constant 0 : i32
          %dma_wait3A_206 = tpu.memref_slice %arg3[%add3A_142, %dma_wait3A_204, %dma_wait3A_205] : memref<2500x1x128xi32, #tpu.memory_space<hbm>> -> memref<1x1x128xi32, #tpu.memory_space<hbm>>
          %dma_wait3A_207 = tpu.memref_squeeze %dma_wait3A_206 : memref<1x1x128xi32, #tpu.memory_space<hbm>> -> memref<1x128xi32, #tpu.memory_space<hbm>>
          tpu.wait_dma2 semaphore(%run_scoped3A : memref<!tpu.dma_semaphore, #tpu.memory_space<semaphore_mem>>) src(%dma_wait3A_207 : memref<1x128xi32, #tpu.memory_space<hbm>>) dst(%arg8 : memref<1x128xi32, #tpu.memory_space<vmem>>)
          tpu.yield
        }) : () -> ()
        %mul3A_147 = arith.constant 128 : i32
        %mul3A_148 = arith.muli %add3A_142, %mul3A_147 : i32
        "tpu.region"() ({
          %run_scoped3A = tpu.sem_alloc : memref<!tpu.dma_semaphore, #tpu.memory_space<semaphore_mem>>
          %dma_start3A_192 = arith.constant 0 : i32
          %dma_start3A_193 = tpu.memref_slice %arg5[%mul3A_148, %dma_start3A_192] : memref<320000x16xf32, #tpu.memory_space<hbm>> -> memref<128x16xf32, #tpu.memory_space<hbm>>
          %dma_start3A_194 = arith.constant 0 : i32
          %dma_start3A_195 = tpu.memref_slice %arg5[%mul3A_148, %dma_start3A_194] : memref<320000x16xf32, #tpu.memory_space<hbm>> -> memref<128x16xf32, #tpu.memory_space<hbm>>
          tpu.enqueue_dma source(%dma_start3A_195 : memref<128x16xf32, #tpu.memory_space<hbm>>) target(%arg10 : memref<128x16xf32, #tpu.memory_space<vmem>>) target_semaphore(%run_scoped3A : memref<!tpu.dma_semaphore, #tpu.memory_space<semaphore_mem>>)
          %dma_wait3A_196 = arith.constant 0 : i32
          %dma_wait3A_197 = tpu.memref_slice %arg5[%mul3A_148, %dma_wait3A_196] : memref<320000x16xf32, #tpu.memory_space<hbm>> -> memref<128x16xf32, #tpu.memory_space<hbm>>
          %dma_wait3A_198 = arith.constant 0 : i32
          %dma_wait3A_199 = tpu.memref_slice %arg5[%mul3A_148, %dma_wait3A_198] : memref<320000x16xf32, #tpu.memory_space<hbm>> -> memref<128x16xf32, #tpu.memory_space<hbm>>
          tpu.wait_dma2 semaphore(%run_scoped3A : memref<!tpu.dma_semaphore, #tpu.memory_space<semaphore_mem>>) src(%dma_wait3A_199 : memref<128x16xf32, #tpu.memory_space<hbm>>) dst(%arg10 : memref<128x16xf32, #tpu.memory_space<vmem>>)
          tpu.yield
        }) : () -> ()
        %dma_start3A = arith.constant 0 : i32
        %dma_start3A_149 = arith.constant 0 : i32
        %dma_start3A_150 = arith.constant 0 : i32
        %dma_start3A_151 = tpu.memref_slice %arg9[%dma_start3A_149, %dma_start3A_150] : memref<128x128xf32, #tpu.memory_space<vmem>> -> memref<128x128xf32, #tpu.memory_space<vmem>>
        %dma_start3A_152 = arith.constant 0 : i32
        %dma_start3A_153 = tpu.memref_slice %arg7[%dma_start3A, %dma_start3A_152] : memref<1x128xi32, #tpu.memory_space<vmem>> -> memref<1x128xi32, #tpu.memory_space<vmem>>
        %dma_start3A_154 = tpu.memref_squeeze %dma_start3A_153 : memref<1x128xi32, #tpu.memory_space<vmem>> -> memref<128xi32, #tpu.memory_space<vmem>>
        %dma_start3A_155 = arith.constant 0 : i32
        %dma_start3A_156 = arith.constant 0 : i32
        %dma_start3A_157 = tpu.memref_slice %arg4[%dma_start3A_155, %dma_start3A_156] : memref<40000x128xf32, #tpu.memory_space<hbm>> -> memref<40000x128xf32, #tpu.memory_space<hbm>>
        tpu.enqueue_indirect_dma source(%dma_start3A_157 : memref<40000x128xf32, #tpu.memory_space<hbm>>) target(%dma_start3A_151 : memref<128x128xf32, #tpu.memory_space<vmem>>) offsets(%dma_start3A_154 : memref<128xi32, #tpu.memory_space<vmem>>) semaphore(%arg12 : memref<!tpu.dma_semaphore, #tpu.memory_space<semaphore_mem>>)
        %dma_wait3A = arith.constant 0 : i32
        %dma_wait3A_158 = arith.constant 0 : i32
        %dma_wait3A_159 = arith.constant 0 : i32
        %dma_wait3A_160 = tpu.memref_slice %arg9[%dma_wait3A_158, %dma_wait3A_159] : memref<128x128xf32, #tpu.memory_space<vmem>> -> memref<128x128xf32, #tpu.memory_space<vmem>>
        %dma_wait3A_161 = arith.constant 0 : i32
        %dma_wait3A_162 = tpu.memref_slice %arg7[%dma_wait3A, %dma_wait3A_161] : memref<1x128xi32, #tpu.memory_space<vmem>> -> memref<1x128xi32, #tpu.memory_space<vmem>>
        %dma_wait3A_163 = tpu.memref_squeeze %dma_wait3A_162 : memref<1x128xi32, #tpu.memory_space<vmem>> -> memref<128xi32, #tpu.memory_space<vmem>>
        %dma_wait3A_164 = arith.constant 0 : i32
        %dma_wait3A_165 = arith.constant 0 : i32
        %dma_wait3A_166 = tpu.memref_slice %arg4[%dma_wait3A_164, %dma_wait3A_165] : memref<40000x128xf32, #tpu.memory_space<hbm>> -> memref<40000x128xf32, #tpu.memory_space<hbm>>
        tpu.wait_indirect_dma semaphore(%arg12 : memref<!tpu.dma_semaphore, #tpu.memory_space<semaphore_mem>>) src(%dma_wait3A_166 : memref<40000x128xf32, #tpu.memory_space<hbm>>) dst(%dma_wait3A_160 : memref<128x128xf32, #tpu.memory_space<vmem>>)
        %scan3A_167 = arith.constant 0 : i32
        %scan3A_168 = arith.constant 128 : i32
        %scan3A_169 = arith.addi %scan3A_167, %scan3A_168 : i32
        %scan3A_170 = arith.constant 1 : i32
        scf.for %scan3A_192 = %scan3A_167 to %scan3A_169 step %scan3A_170  : i32 {
          %mul3A_193 = arith.constant 1 : i32
          %mul3A_194 = arith.muli %scan3A_192, %mul3A_193 : i32
          %add3A_195 = arith.constant 0 : i32
          %add3A_196 = arith.addi %add3A_195, %mul3A_194 : i32
          %get3A = arith.index_cast %add3A_196 : i32 to index
          %get3A_197 = arith.constant 0 : index
          %get3A_198 = tpu.vector_load %arg10[%get3A, %get3A_197] {strides = array<i32>} : memref<128x16xf32, #tpu.memory_space<vmem>>, vector<16xf32>,
          %mul3A_199 = arith.mulf %get3A_198, %convert_element_type3A_7 : vector<16xf32>
          %reduce_sum3A = arith.constant true
          %reduce_sum3A_200 = vector.broadcast %reduce_sum3A : i1 to vector<16xi1>
          %reduce_sum3A_201 = tpu.scan <sum>, %mul3A_199 masked %reduce_sum3A_200 : vector<16xf32>, vector<16xi1> -> vector<16xf32>
          %reduce_sum3A_202 = vector.extract %reduce_sum3A_201[15] : f32 from vector<16xf32>
          %mul3A_203 = arith.mulf %get3A_198, %convert_element_type3A_15 : vector<16xf32>
          %reduce_sum3A_204 = arith.constant true
          %reduce_sum3A_205 = vector.broadcast %reduce_sum3A_204 : i1 to vector<16xi1>
          %reduce_sum3A_206 = tpu.scan <sum>, %mul3A_203 masked %reduce_sum3A_205 : vector<16xf32>, vector<16xi1> -> vector<16xf32>
          %reduce_sum3A_207 = vector.extract %reduce_sum3A_206[15] : f32 from vector<16xf32>
          %get3A_208 = arith.index_cast %add3A_196 : i32 to index
          %get3A_209 = arith.constant 0 : index
          %get3A_210 = tpu.vector_load %arg9[%get3A_208, %get3A_209] {strides = array<i32>} : memref<128x128xf32, #tpu.memory_space<vmem>>, vector<16xf32>,
          %mul3A_211 = vector.broadcast %reduce_sum3A_202 : f32 to vector<16xf32>
          %mul3A_212 = arith.mulf %get3A_210, %mul3A_211 : vector<16xf32>
          %swap3A = arith.index_cast %add3A_196 : i32 to index
          %swap3A_213 = arith.constant 0 : index
          %swap3A_214 = tpu.vector_load %arg9[%swap3A, %swap3A_213] {strides = array<i32>} : memref<128x128xf32, #tpu.memory_space<vmem>>, vector<16xf32>,
          tpu.vector_store %arg9[%swap3A, %swap3A_213], %mul3A_212 {strides = array<i32>} : memref<128x128xf32, #tpu.memory_space<vmem>>, vector<16xf32>,
          %get3A_215 = arith.index_cast %add3A_196 : i32 to index
          %get3A_216 = arith.constant 16 : index
          %get3A_217 = tpu.vector_load %arg9[%get3A_215, %get3A_216] {strides = array<i32>} : memref<128x128xf32, #tpu.memory_space<vmem>>, vector<16xf32>,
          %mul3A_218 = vector.broadcast %reduce_sum3A_202 : f32 to vector<16xf32>
          %mul3A_219 = arith.mulf %get3A_217, %mul3A_218 : vector<16xf32>
          %swap3A_220 = arith.index_cast %add3A_196 : i32 to index
          %swap3A_221 = arith.constant 16 : index
          %swap3A_222 = tpu.vector_load %arg9[%swap3A_220, %swap3A_221] {strides = array<i32>} : memref<128x128xf32, #tpu.memory_space<vmem>>, vector<16xf32>,
          tpu.vector_store %arg9[%swap3A_220, %swap3A_221], %mul3A_219 {strides = array<i32>} : memref<128x128xf32, #tpu.memory_space<vmem>>, vector<16xf32>,
          %get3A_223 = arith.index_cast %add3A_196 : i32 to index
          %get3A_224 = arith.constant 32 : index
          %get3A_225 = tpu.vector_load %arg9[%get3A_223, %get3A_224] {strides = array<i32>} : memref<128x128xf32, #tpu.memory_space<vmem>>, vector<16xf32>,
          %mul3A_226 = vector.broadcast %reduce_sum3A_202 : f32 to vector<16xf32>
          %mul3A_227 = arith.mulf %get3A_225, %mul3A_226 : vector<16xf32>
          %swap3A_228 = arith.index_cast %add3A_196 : i32 to index
          %swap3A_229 = arith.constant 32 : index
          %swap3A_230 = tpu.vector_load %arg9[%swap3A_228, %swap3A_229] {strides = array<i32>} : memref<128x128xf32, #tpu.memory_space<vmem>>, vector<16xf32>,
          tpu.vector_store %arg9[%swap3A_228, %swap3A_229], %mul3A_227 {strides = array<i32>} : memref<128x128xf32, #tpu.memory_space<vmem>>, vector<16xf32>,
          %get3A_231 = arith.index_cast %add3A_196 : i32 to index
          %get3A_232 = arith.constant 48 : index
          %get3A_233 = tpu.vector_load %arg9[%get3A_231, %get3A_232] {strides = array<i32>} : memref<128x128xf32, #tpu.memory_space<vmem>>, vector<16xf32>,
          %mul3A_234 = vector.broadcast %reduce_sum3A_202 : f32 to vector<16xf32>
          %mul3A_235 = arith.mulf %get3A_233, %mul3A_234 : vector<16xf32>
          %swap3A_236 = arith.index_cast %add3A_196 : i32 to index
          %swap3A_237 = arith.constant 48 : index
          %swap3A_238 = tpu.vector_load %arg9[%swap3A_236, %swap3A_237] {strides = array<i32>} : memref<128x128xf32, #tpu.memory_space<vmem>>, vector<16xf32>,
          tpu.vector_store %arg9[%swap3A_236, %swap3A_237], %mul3A_235 {strides = array<i32>} : memref<128x128xf32, #tpu.memory_space<vmem>>, vector<16xf32>,
          %get3A_239 = arith.index_cast %add3A_196 : i32 to index
          %get3A_240 = arith.constant 64 : index
          %get3A_241 = tpu.vector_load %arg9[%get3A_239, %get3A_240] {strides = array<i32>} : memref<128x128xf32, #tpu.memory_space<vmem>>, vector<16xf32>,
          %mul3A_242 = vector.broadcast %reduce_sum3A_207 : f32 to vector<16xf32>
          %mul3A_243 = arith.mulf %get3A_241, %mul3A_242 : vector<16xf32>
          %swap3A_244 = arith.index_cast %add3A_196 : i32 to index
          %swap3A_245 = arith.constant 64 : index
          %swap3A_246 = tpu.vector_load %arg9[%swap3A_244, %swap3A_245] {strides = array<i32>} : memref<128x128xf32, #tpu.memory_space<vmem>>, vector<16xf32>,
          tpu.vector_store %arg9[%swap3A_244, %swap3A_245], %mul3A_243 {strides = array<i32>} : memref<128x128xf32, #tpu.memory_space<vmem>>, vector<16xf32>,
          %get3A_247 = arith.index_cast %add3A_196 : i32 to index
          %get3A_248 = arith.constant 80 : index
          %get3A_249 = tpu.vector_load %arg9[%get3A_247, %get3A_248] {strides = array<i32>} : memref<128x128xf32, #tpu.memory_space<vmem>>, vector<16xf32>,
          %mul3A_250 = vector.broadcast %reduce_sum3A_207 : f32 to vector<16xf32>
          %mul3A_251 = arith.mulf %get3A_249, %mul3A_250 : vector<16xf32>
          %swap3A_252 = arith.index_cast %add3A_196 : i32 to index
          %swap3A_253 = arith.constant 80 : index
          %swap3A_254 = tpu.vector_load %arg9[%swap3A_252, %swap3A_253] {strides = array<i32>} : memref<128x128xf32, #tpu.memory_space<vmem>>, vector<16xf32>,
          tpu.vector_store %arg9[%swap3A_252, %swap3A_253], %mul3A_251 {strides = array<i32>} : memref<128x128xf32, #tpu.memory_space<vmem>>, vector<16xf32>,
          %get3A_255 = arith.index_cast %add3A_196 : i32 to index
          %get3A_256 = arith.constant 96 : index
          %get3A_257 = tpu.vector_load %arg9[%get3A_255, %get3A_256] {strides = array<i32>} : memref<128x128xf32, #tpu.memory_space<vmem>>, vector<16xf32>,
          %mul3A_258 = vector.broadcast %reduce_sum3A_207 : f32 to vector<16xf32>
          %mul3A_259 = arith.mulf %get3A_257, %mul3A_258 : vector<16xf32>
          %swap3A_260 = arith.index_cast %add3A_196 : i32 to index
          %swap3A_261 = arith.constant 96 : index
          %swap3A_262 = tpu.vector_load %arg9[%swap3A_260, %swap3A_261] {strides = array<i32>} : memref<128x128xf32, #tpu.memory_space<vmem>>, vector<16xf32>,
          tpu.vector_store %arg9[%swap3A_260, %swap3A_261], %mul3A_259 {strides = array<i32>} : memref<128x128xf32, #tpu.memory_space<vmem>>, vector<16xf32>,
          %get3A_263 = arith.index_cast %add3A_196 : i32 to index
          %get3A_264 = arith.constant 112 : index
          %get3A_265 = tpu.vector_load %arg9[%get3A_263, %get3A_264] {strides = array<i32>} : memref<128x128xf32, #tpu.memory_space<vmem>>, vector<16xf32>,
          %mul3A_266 = vector.broadcast %reduce_sum3A_207 : f32 to vector<16xf32>
          %mul3A_267 = arith.mulf %get3A_265, %mul3A_266 : vector<16xf32>
          %swap3A_268 = arith.index_cast %add3A_196 : i32 to index
          %swap3A_269 = arith.constant 112 : index
          %swap3A_270 = tpu.vector_load %arg9[%swap3A_268, %swap3A_269] {strides = array<i32>} : memref<128x128xf32, #tpu.memory_space<vmem>>, vector<16xf32>,
          tpu.vector_store %arg9[%swap3A_268, %swap3A_269], %mul3A_267 {strides = array<i32>} : memref<128x128xf32, #tpu.memory_space<vmem>>, vector<16xf32>,
        }
        %scan3A_171 = arith.constant 128 : i32
        %dma_start3A_172 = arith.constant 0 : i32
        %dma_start3A_173 = arith.constant 0 : i32
        %dma_start3A_174 = arith.constant 0 : i32
        %dma_start3A_175 = tpu.memref_slice %arg9[%dma_start3A_173, %dma_start3A_174] : memref<128x128xf32, #tpu.memory_space<vmem>> -> memref<128x128xf32, #tpu.memory_space<vmem>>
        %dma_start3A_176 = arith.constant 0 : i32
        %dma_start3A_177 = tpu.memref_slice %arg8[%dma_start3A_172, %dma_start3A_176] : memref<1x128xi32, #tpu.memory_space<vmem>> -> memref<1x128xi32, #tpu.memory_space<vmem>>
        %dma_start3A_178 = tpu.memref_squeeze %dma_start3A_177 : memref<1x128xi32, #tpu.memory_space<vmem>> -> memref<128xi32, #tpu.memory_space<vmem>>
        %dma_start3A_179 = arith.constant 0 : i32
        %dma_start3A_180 = arith.constant 0 : i32
        %dma_start3A_181 = tpu.memref_slice %arg11[%dma_start3A_179, %dma_start3A_180] : memref<10240x128xf32, #tpu.memory_space<vmem_shared>> -> memref<10240x128xf32, #tpu.memory_space<vmem_shared>>
        tpu.enqueue_indirect_dma source(%dma_start3A_175 : memref<128x128xf32, #tpu.memory_space<vmem>>) target(%dma_start3A_181 : memref<10240x128xf32, #tpu.memory_space<vmem_shared>>) offsets(%dma_start3A_178 : memref<128xi32, #tpu.memory_space<vmem>>) semaphore(%arg12 : memref<!tpu.dma_semaphore, #tpu.memory_space<semaphore_mem>>) {add = true}
        %dma_wait3A_182 = arith.constant 0 : i32
        %dma_wait3A_183 = arith.constant 0 : i32
        %dma_wait3A_184 = arith.constant 0 : i32
        %dma_wait3A_185 = tpu.memref_slice %arg9[%dma_wait3A_183, %dma_wait3A_184] : memref<128x128xf32, #tpu.memory_space<vmem>> -> memref<128x128xf32, #tpu.memory_space<vmem>>
        %dma_wait3A_186 = arith.constant 0 : i32
        %dma_wait3A_187 = tpu.memref_slice %arg8[%dma_wait3A_182, %dma_wait3A_186] : memref<1x128xi32, #tpu.memory_space<vmem>> -> memref<1x128xi32, #tpu.memory_space<vmem>>
        %dma_wait3A_188 = tpu.memref_squeeze %dma_wait3A_187 : memref<1x128xi32, #tpu.memory_space<vmem>> -> memref<128xi32, #tpu.memory_space<vmem>>
        %dma_wait3A_189 = arith.constant 0 : i32
        %dma_wait3A_190 = arith.constant 0 : i32
        %dma_wait3A_191 = tpu.memref_slice %arg11[%dma_wait3A_189, %dma_wait3A_190] : memref<10240x128xf32, #tpu.memory_space<vmem_shared>> -> memref<10240x128xf32, #tpu.memory_space<vmem_shared>>
        tpu.wait_indirect_dma semaphore(%arg12 : memref<!tpu.dma_semaphore, #tpu.memory_space<semaphore_mem>>) src(%dma_wait3A_185 : memref<128x128xf32, #tpu.memory_space<vmem>>) dst(%dma_wait3A_191 : memref<10240x128xf32, #tpu.memory_space<vmem_shared>>)
      } else {
      }
    }
    %scan3A_34 = arith.constant 2500 : i32
    %barrier3A_35 = arith.constant 0 : index
    tpu.barrier barrier_id(%barrier3A_35)
    %add3A_36 = arith.constant 0 : i32
    %add3A_37 = arith.addi %mul3A_0, %add3A_36 : i32
    "tpu.region"() ({
      %run_scoped3A = tpu.sem_alloc : memref<!tpu.dma_semaphore, #tpu.memory_space<semaphore_mem>>
      %dma_start3A = arith.constant 0 : i32
      %dma_start3A_138 = tpu.memref_slice %arg11[%add3A_37, %dma_start3A] : memref<10240x128xf32, #tpu.memory_space<vmem_shared>> -> memref<128x128xf32, #tpu.memory_space<vmem_shared>>
      %dma_start3A_139 = arith.constant 0 : i32
      %dma_start3A_140 = tpu.memref_slice %arg11[%add3A_37, %dma_start3A_139] : memref<10240x128xf32, #tpu.memory_space<vmem_shared>> -> memref<128x128xf32, #tpu.memory_space<vmem_shared>>
      tpu.enqueue_dma source(%dma_start3A_140 : memref<128x128xf32, #tpu.memory_space<vmem_shared>>) target(%arg9 : memref<128x128xf32, #tpu.memory_space<vmem>>) target_semaphore(%run_scoped3A : memref<!tpu.dma_semaphore, #tpu.memory_space<semaphore_mem>>)
      %dma_wait3A = arith.constant 0 : i32
      %dma_wait3A_141 = tpu.memref_slice %arg11[%add3A_37, %dma_wait3A] : memref<10240x128xf32, #tpu.memory_space<vmem_shared>> -> memref<128x128xf32, #tpu.memory_space<vmem_shared>>
      %dma_wait3A_142 = arith.constant 0 : i32
      %dma_wait3A_143 = tpu.memref_slice %arg11[%add3A_37, %dma_wait3A_142] : memref<10240x128xf32, #tpu.memory_space<vmem_shared>> -> memref<128x128xf32, #tpu.memory_space<vmem_shared>>
      tpu.wait_dma2 semaphore(%run_scoped3A : memref<!tpu.dma_semaphore, #tpu.memory_space<semaphore_mem>>) src(%dma_wait3A_143 : memref<128x128xf32, #tpu.memory_space<vmem_shared>>) dst(%arg9 : memref<128x128xf32, #tpu.memory_space<vmem>>)
      tpu.yield
    }) : () -> ()
    %add3A_38 = arith.constant 0 : i32
    %add3A_39 = arith.addi %mul3A_0, %add3A_38 : i32
    %mul3A_40 = arith.constant 128 : i32
    %mul3A_41 = arith.muli %add3A_3, %mul3A_40 : i32
    "tpu.region"() ({
      %run_scoped3A = tpu.sem_alloc : memref<!tpu.dma_semaphore, #tpu.memory_space<semaphore_mem>>
      %dma_start3A = tpu.memref_slice %arg6[%add3A_39, %mul3A_41] : memref<10240x512xf32, #tpu.memory_space<hbm>> -> memref<128x128xf32, #tpu.memory_space<hbm>>
      %dma_start3A_138 = tpu.memref_slice %arg6[%add3A_39, %mul3A_41] : memref<10240x512xf32, #tpu.memory_space<hbm>> -> memref<128x128xf32, #tpu.memory_space<hbm>>
      tpu.enqueue_dma source(%arg9 : memref<128x128xf32, #tpu.memory_space<vmem>>) target(%dma_start3A_138 : memref<128x128xf32, #tpu.memory_space<hbm>>) target_semaphore(%run_scoped3A : memref<!tpu.dma_semaphore, #tpu.memory_space<semaphore_mem>>)
      %dma_wait3A = tpu.memref_slice %arg6[%add3A_39, %mul3A_41] : memref<10240x512xf32, #tpu.memory_space<hbm>> -> memref<128x128xf32, #tpu.memory_space<hbm>>
      %dma_wait3A_139 = tpu.memref_slice %arg6[%add3A_39, %mul3A_41] : memref<10240x512xf32, #tpu.memory_space<hbm>> -> memref<128x128xf32, #tpu.memory_space<hbm>>
      tpu.wait_dma2 semaphore(%run_scoped3A : memref<!tpu.dma_semaphore, #tpu.memory_space<semaphore_mem>>) src(%arg9 : memref<128x128xf32, #tpu.memory_space<vmem>>) dst(%dma_wait3A_139 : memref<128x128xf32, #tpu.memory_space<hbm>>)
      tpu.yield
    }) : () -> ()
    %add3A_42 = arith.constant 128 : i32
    %add3A_43 = arith.addi %mul3A_0, %add3A_42 : i32
    "tpu.region"() ({
      %run_scoped3A = tpu.sem_alloc : memref<!tpu.dma_semaphore, #tpu.memory_space<semaphore_mem>>
      %dma_start3A = arith.constant 0 : i32
      %dma_start3A_138 = tpu.memref_slice %arg11[%add3A_43, %dma_start3A] : memref<10240x128xf32, #tpu.memory_space<vmem_shared>> -> memref<128x128xf32, #tpu.memory_space<vmem_shared>>
      %dma_start3A_139 = arith.constant 0 : i32
      %dma_start3A_140 = tpu.memref_slice %arg11[%add3A_43, %dma_start3A_139] : memref<10240x128xf32, #tpu.memory_space<vmem_shared>> -> memref<128x128xf32, #tpu.memory_space<vmem_shared>>
      tpu.enqueue_dma source(%dma_start3A_140 : memref<128x128xf32, #tpu.memory_space<vmem_shared>>) target(%arg9 : memref<128x128xf32, #tpu.memory_space<vmem>>) target_semaphore(%run_scoped3A : memref<!tpu.dma_semaphore, #tpu.memory_space<semaphore_mem>>)
      %dma_wait3A = arith.constant 0 : i32
      %dma_wait3A_141 = tpu.memref_slice %arg11[%add3A_43, %dma_wait3A] : memref<10240x128xf32, #tpu.memory_space<vmem_shared>> -> memref<128x128xf32, #tpu.memory_space<vmem_shared>>
      %dma_wait3A_142 = arith.constant 0 : i32
      %dma_wait3A_143 = tpu.memref_slice %arg11[%add3A_43, %dma_wait3A_142] : memref<10240x128xf32, #tpu.memory_space<vmem_shared>> -> memref<128x128xf32, #tpu.memory_space<vmem_shared>>
      tpu.wait_dma2 semaphore(%run_scoped3A : memref<!tpu.dma_semaphore, #tpu.memory_space<semaphore_mem>>) src(%dma_wait3A_143 : memref<128x128xf32, #tpu.memory_space<vmem_shared>>) dst(%arg9 : memref<128x128xf32, #tpu.memory_space<vmem>>)
      tpu.yield
    }) : () -> ()
    %add3A_44 = arith.constant 128 : i32
    %add3A_45 = arith.addi %mul3A_0, %add3A_44 : i32
    %mul3A_46 = arith.constant 128 : i32
    %mul3A_47 = arith.muli %add3A_3, %mul3A_46 : i32
    "tpu.region"() ({
      %run_scoped3A = tpu.sem_alloc : memref<!tpu.dma_semaphore, #tpu.memory_space<semaphore_mem>>
      %dma_start3A = tpu.memref_slice %arg6[%add3A_45, %mul3A_47] : memref<10240x512xf32, #tpu.memory_space<hbm>> -> memref<128x128xf32, #tpu.memory_space<hbm>>
      %dma_start3A_138 = tpu.memref_slice %arg6[%add3A_45, %mul3A_47] : memref<10240x512xf32, #tpu.memory_space<hbm>> -> memref<128x128xf32, #tpu.memory_space<hbm>>
      tpu.enqueue_dma source(%arg9 : memref<128x128xf32, #tpu.memory_space<vmem>>) target(%dma_start3A_138 : memref<128x128xf32, #tpu.memory_space<hbm>>) target_semaphore(%run_scoped3A : memref<!tpu.dma_semaphore, #tpu.memory_space<semaphore_mem>>)
      %dma_wait3A = tpu.memref_slice %arg6[%add3A_45, %mul3A_47] : memref<10240x512xf32, #tpu.memory_space<hbm>> -> memref<128x128xf32, #tpu.memory_space<hbm>>
      %dma_wait3A_139 = tpu.memref_slice %arg6[%add3A_45, %mul3A_47] : memref<10240x512xf32, #tpu.memory_space<hbm>> -> memref<128x128xf32, #tpu.memory_space<hbm>>
      tpu.wait_dma2 semaphore(%run_scoped3A : memref<!tpu.dma_semaphore, #tpu.memory_space<semaphore_mem>>) src(%arg9 : memref<128x128xf32, #tpu.memory_space<vmem>>) dst(%dma_wait3A_139 : memref<128x128xf32, #tpu.memory_space<hbm>>)
      tpu.yield
    }) : () -> ()
    %add3A_48 = arith.constant 256 : i32
    %add3A_49 = arith.addi %mul3A_0, %add3A_48 : i32
    "tpu.region"() ({
      %run_scoped3A = tpu.sem_alloc : memref<!tpu.dma_semaphore, #tpu.memory_space<semaphore_mem>>
      %dma_start3A = arith.constant 0 : i32
      %dma_start3A_138 = tpu.memref_slice %arg11[%add3A_49, %dma_start3A] : memref<10240x128xf32, #tpu.memory_space<vmem_shared>> -> memref<128x128xf32, #tpu.memory_space<vmem_shared>>
      %dma_start3A_139 = arith.constant 0 : i32
      %dma_start3A_140 = tpu.memref_slice %arg11[%add3A_49, %dma_start3A_139] : memref<10240x128xf32, #tpu.memory_space<vmem_shared>> -> memref<128x128xf32, #tpu.memory_space<vmem_shared>>
      tpu.enqueue_dma source(%dma_start3A_140 : memref<128x128xf32, #tpu.memory_space<vmem_shared>>) target(%arg9 : memref<128x128xf32, #tpu.memory_space<vmem>>) target_semaphore(%run_scoped3A : memref<!tpu.dma_semaphore, #tpu.memory_space<semaphore_mem>>)
      %dma_wait3A = arith.constant 0 : i32
      %dma_wait3A_141 = tpu.memref_slice %arg11[%add3A_49, %dma_wait3A] : memref<10240x128xf32, #tpu.memory_space<vmem_shared>> -> memref<128x128xf32, #tpu.memory_space<vmem_shared>>
      %dma_wait3A_142 = arith.constant 0 : i32
      %dma_wait3A_143 = tpu.memref_slice %arg11[%add3A_49, %dma_wait3A_142] : memref<10240x128xf32, #tpu.memory_space<vmem_shared>> -> memref<128x128xf32, #tpu.memory_space<vmem_shared>>
      tpu.wait_dma2 semaphore(%run_scoped3A : memref<!tpu.dma_semaphore, #tpu.memory_space<semaphore_mem>>) src(%dma_wait3A_143 : memref<128x128xf32, #tpu.memory_space<vmem_shared>>) dst(%arg9 : memref<128x128xf32, #tpu.memory_space<vmem>>)
      tpu.yield
    }) : () -> ()
    %add3A_50 = arith.constant 256 : i32
    %add3A_51 = arith.addi %mul3A_0, %add3A_50 : i32
    %mul3A_52 = arith.constant 128 : i32
    %mul3A_53 = arith.muli %add3A_3, %mul3A_52 : i32
    "tpu.region"() ({
      %run_scoped3A = tpu.sem_alloc : memref<!tpu.dma_semaphore, #tpu.memory_space<semaphore_mem>>
      %dma_start3A = tpu.memref_slice %arg6[%add3A_51, %mul3A_53] : memref<10240x512xf32, #tpu.memory_space<hbm>> -> memref<128x128xf32, #tpu.memory_space<hbm>>
      %dma_start3A_138 = tpu.memref_slice %arg6[%add3A_51, %mul3A_53] : memref<10240x512xf32, #tpu.memory_space<hbm>> -> memref<128x128xf32, #tpu.memory_space<hbm>>
      tpu.enqueue_dma source(%arg9 : memref<128x128xf32, #tpu.memory_space<vmem>>) target(%dma_start3A_138 : memref<128x128xf32, #tpu.memory_space<hbm>>) target_semaphore(%run_scoped3A : memref<!tpu.dma_semaphore, #tpu.memory_space<semaphore_mem>>)
      %dma_wait3A = tpu.memref_slice %arg6[%add3A_51, %mul3A_53] : memref<10240x512xf32, #tpu.memory_space<hbm>> -> memref<128x128xf32, #tpu.memory_space<hbm>>
      %dma_wait3A_139 = tpu.memref_slice %arg6[%add3A_51, %mul3A_53] : memref<10240x512xf32, #tpu.memory_space<hbm>> -> memref<128x128xf32, #tpu.memory_space<hbm>>
      tpu.wait_dma2 semaphore(%run_scoped3A : memref<!tpu.dma_semaphore, #tpu.memory_space<semaphore_mem>>) src(%arg9 : memref<128x128xf32, #tpu.memory_space<vmem>>) dst(%dma_wait3A_139 : memref<128x128xf32, #tpu.memory_space<hbm>>)
      tpu.yield
    }) : () -> ()
    %add3A_54 = arith.constant 384 : i32
    %add3A_55 = arith.addi %mul3A_0, %add3A_54 : i32
    "tpu.region"() ({
      %run_scoped3A = tpu.sem_alloc : memref<!tpu.dma_semaphore, #tpu.memory_space<semaphore_mem>>
      %dma_start3A = arith.constant 0 : i32
      %dma_start3A_138 = tpu.memref_slice %arg11[%add3A_55, %dma_start3A] : memref<10240x128xf32, #tpu.memory_space<vmem_shared>> -> memref<128x128xf32, #tpu.memory_space<vmem_shared>>
      %dma_start3A_139 = arith.constant 0 : i32
      %dma_start3A_140 = tpu.memref_slice %arg11[%add3A_55, %dma_start3A_139] : memref<10240x128xf32, #tpu.memory_space<vmem_shared>> -> memref<128x128xf32, #tpu.memory_space<vmem_shared>>
      tpu.enqueue_dma source(%dma_start3A_140 : memref<128x128xf32, #tpu.memory_space<vmem_shared>>) target(%arg9 : memref<128x128xf32, #tpu.memory_space<vmem>>) target_semaphore(%run_scoped3A : memref<!tpu.dma_semaphore, #tpu.memory_space<semaphore_mem>>)
      %dma_wait3A = arith.constant 0 : i32
      %dma_wait3A_141 = tpu.memref_slice %arg11[%add3A_55, %dma_wait3A] : memref<10240x128xf32, #tpu.memory_space<vmem_shared>> -> memref<128x128xf32, #tpu.memory_space<vmem_shared>>
      %dma_wait3A_142 = arith.constant 0 : i32
      %dma_wait3A_143 = tpu.memref_slice %arg11[%add3A_55, %dma_wait3A_142] : memref<10240x128xf32, #tpu.memory_space<vmem_shared>> -> memref<128x128xf32, #tpu.memory_space<vmem_shared>>
      tpu.wait_dma2 semaphore(%run_scoped3A : memref<!tpu.dma_semaphore, #tpu.memory_space<semaphore_mem>>) src(%dma_wait3A_143 : memref<128x128xf32, #tpu.memory_space<vmem_shared>>) dst(%arg9 : memref<128x128xf32, #tpu.memory_space<vmem>>)
      tpu.yield
    }) : () -> ()
    %add3A_56 = arith.constant 384 : i32
    %add3A_57 = arith.addi %mul3A_0, %add3A_56 : i32
    %mul3A_58 = arith.constant 128 : i32
    %mul3A_59 = arith.muli %add3A_3, %mul3A_58 : i32
    "tpu.region"() ({
      %run_scoped3A = tpu.sem_alloc : memref<!tpu.dma_semaphore, #tpu.memory_space<semaphore_mem>>
      %dma_start3A = tpu.memref_slice %arg6[%add3A_57, %mul3A_59] : memref<10240x512xf32, #tpu.memory_space<hbm>> -> memref<128x128xf32, #tpu.memory_space<hbm>>
      %dma_start3A_138 = tpu.memref_slice %arg6[%add3A_57, %mul3A_59] : memref<10240x512xf32, #tpu.memory_space<hbm>> -> memref<128x128xf32, #tpu.memory_space<hbm>>
      tpu.enqueue_dma source(%arg9 : memref<128x128xf32, #tpu.memory_space<vmem>>) target(%dma_start3A_138 : memref<128x128xf32, #tpu.memory_space<hbm>>) target_semaphore(%run_scoped3A : memref<!tpu.dma_semaphore, #tpu.memory_space<semaphore_mem>>)
      %dma_wait3A = tpu.memref_slice %arg6[%add3A_57, %mul3A_59] : memref<10240x512xf32, #tpu.memory_space<hbm>> -> memref<128x128xf32, #tpu.memory_space<hbm>>
      %dma_wait3A_139 = tpu.memref_slice %arg6[%add3A_57, %mul3A_59] : memref<10240x512xf32, #tpu.memory_space<hbm>> -> memref<128x128xf32, #tpu.memory_space<hbm>>
      tpu.wait_dma2 semaphore(%run_scoped3A : memref<!tpu.dma_semaphore, #tpu.memory_space<semaphore_mem>>) src(%arg9 : memref<128x128xf32, #tpu.memory_space<vmem>>) dst(%dma_wait3A_139 : memref<128x128xf32, #tpu.memory_space<hbm>>)
      tpu.yield
    }) : () -> ()
    %add3A_60 = arith.constant 512 : i32
    %add3A_61 = arith.addi %mul3A_0, %add3A_60 : i32
    "tpu.region"() ({
      %run_scoped3A = tpu.sem_alloc : memref<!tpu.dma_semaphore, #tpu.memory_space<semaphore_mem>>
      %dma_start3A = arith.constant 0 : i32
      %dma_start3A_138 = tpu.memref_slice %arg11[%add3A_61, %dma_start3A] : memref<10240x128xf32, #tpu.memory_space<vmem_shared>> -> memref<128x128xf32, #tpu.memory_space<vmem_shared>>
      %dma_start3A_139 = arith.constant 0 : i32
      %dma_start3A_140 = tpu.memref_slice %arg11[%add3A_61, %dma_start3A_139] : memref<10240x128xf32, #tpu.memory_space<vmem_shared>> -> memref<128x128xf32, #tpu.memory_space<vmem_shared>>
      tpu.enqueue_dma source(%dma_start3A_140 : memref<128x128xf32, #tpu.memory_space<vmem_shared>>) target(%arg9 : memref<128x128xf32, #tpu.memory_space<vmem>>) target_semaphore(%run_scoped3A : memref<!tpu.dma_semaphore, #tpu.memory_space<semaphore_mem>>)
      %dma_wait3A = arith.constant 0 : i32
      %dma_wait3A_141 = tpu.memref_slice %arg11[%add3A_61, %dma_wait3A] : memref<10240x128xf32, #tpu.memory_space<vmem_shared>> -> memref<128x128xf32, #tpu.memory_space<vmem_shared>>
      %dma_wait3A_142 = arith.constant 0 : i32
      %dma_wait3A_143 = tpu.memref_slice %arg11[%add3A_61, %dma_wait3A_142] : memref<10240x128xf32, #tpu.memory_space<vmem_shared>> -> memref<128x128xf32, #tpu.memory_space<vmem_shared>>
      tpu.wait_dma2 semaphore(%run_scoped3A : memref<!tpu.dma_semaphore, #tpu.memory_space<semaphore_mem>>) src(%dma_wait3A_143 : memref<128x128xf32, #tpu.memory_space<vmem_shared>>) dst(%arg9 : memref<128x128xf32, #tpu.memory_space<vmem>>)
      tpu.yield
    }) : () -> ()
    %add3A_62 = arith.constant 512 : i32
    %add3A_63 = arith.addi %mul3A_0, %add3A_62 : i32
    %mul3A_64 = arith.constant 128 : i32
    %mul3A_65 = arith.muli %add3A_3, %mul3A_64 : i32
    "tpu.region"() ({
      %run_scoped3A = tpu.sem_alloc : memref<!tpu.dma_semaphore, #tpu.memory_space<semaphore_mem>>
      %dma_start3A = tpu.memref_slice %arg6[%add3A_63, %mul3A_65] : memref<10240x512xf32, #tpu.memory_space<hbm>> -> memref<128x128xf32, #tpu.memory_space<hbm>>
      %dma_start3A_138 = tpu.memref_slice %arg6[%add3A_63, %mul3A_65] : memref<10240x512xf32, #tpu.memory_space<hbm>> -> memref<128x128xf32, #tpu.memory_space<hbm>>
      tpu.enqueue_dma source(%arg9 : memref<128x128xf32, #tpu.memory_space<vmem>>) target(%dma_start3A_138 : memref<128x128xf32, #tpu.memory_space<hbm>>) target_semaphore(%run_scoped3A : memref<!tpu.dma_semaphore, #tpu.memory_space<semaphore_mem>>)
      %dma_wait3A = tpu.memref_slice %arg6[%add3A_63, %mul3A_65] : memref<10240x512xf32, #tpu.memory_space<hbm>> -> memref<128x128xf32, #tpu.memory_space<hbm>>
      %dma_wait3A_139 = tpu.memref_slice %arg6[%add3A_63, %mul3A_65] : memref<10240x512xf32, #tpu.memory_space<hbm>> -> memref<128x128xf32, #tpu.memory_space<hbm>>
      tpu.wait_dma2 semaphore(%run_scoped3A : memref<!tpu.dma_semaphore, #tpu.memory_space<semaphore_mem>>) src(%arg9 : memref<128x128xf32, #tpu.memory_space<vmem>>) dst(%dma_wait3A_139 : memref<128x128xf32, #tpu.memory_space<hbm>>)
      tpu.yield
    }) : () -> ()
    %barrier3A_66 = arith.constant 0 : index
    tpu.barrier barrier_id(%barrier3A_66)
    %mul3A_67 = arith.constant 2 : i32
    %mul3A_68 = arith.muli %arg0, %mul3A_67 : i32
    %add3A_69 = arith.constant 1 : i32
    %add3A_70 = arith.addi %mul3A_68, %add3A_69 : i32
    %mul3A_71 = arith.constant 2 : i32
    %mul3A_72 = arith.muli %mul3A_71, %add3A_70 : i32
    %eq3A_73 = vector.broadcast %mul3A_72 : i32 to vector<16xi32>
    %eq3A_74 = arith.cmpi eq, %iota3A, %eq3A_73 : vector<16xi32>
    %convert_element_type3A_75 = arith.extui %eq3A_74 : vector<16xi1> to vector<16xi32>
    %convert_element_type3A_76 = arith.sitofp %convert_element_type3A_75 : vector<16xi32> to vector<16xf32>
    %mul3A_77 = arith.constant 2 : i32
    %mul3A_78 = arith.muli %mul3A_77, %add3A_70 : i32
    %add3A_79 = arith.constant 1 : i32
    %add3A_80 = arith.addi %mul3A_78, %add3A_79 : i32
    %eq3A_81 = vector.broadcast %add3A_80 : i32 to vector<16xi32>
    %eq3A_82 = arith.cmpi eq, %iota3A, %eq3A_81 : vector<16xi32>
    %convert_element_type3A_83 = arith.extui %eq3A_82 : vector<16xi1> to vector<16xi32>
    %convert_element_type3A_84 = arith.sitofp %convert_element_type3A_83 : vector<16xi32> to vector<16xf32>
    %scan3A_85 = arith.constant 0 : i32
    %scan3A_86 = arith.constant 128 : i32
    %scan3A_87 = arith.addi %scan3A_85, %scan3A_86 : i32
    %scan3A_88 = arith.constant 1 : i32
    scf.for %scan3A_138 = %scan3A_85 to %scan3A_87 step %scan3A_88  : i32 {
      %mul3A_139 = arith.constant 1 : i32
      %mul3A_140 = arith.muli %scan3A_138, %mul3A_139 : i32
      %add3A_141 = arith.constant 0 : i32
      %add3A_142 = arith.addi %add3A_141, %mul3A_140 : i32
      %broadcast_in_dim3A = arith.constant 0.000000e+00 : f32
      %broadcast_in_dim3A_143 = vector.broadcast %broadcast_in_dim3A : f32 to vector<16xf32>
      %swap3A = arith.index_cast %add3A_142 : i32 to index
      %swap3A_144 = arith.constant 0 : index
      %swap3A_145 = tpu.vector_load %arg9[%swap3A, %swap3A_144] {strides = array<i32>} : memref<128x128xf32, #tpu.memory_space<vmem>>, vector<16xf32>,
      tpu.vector_store %arg9[%swap3A, %swap3A_144], %broadcast_in_dim3A_143 {strides = array<i32>} : memref<128x128xf32, #tpu.memory_space<vmem>>, vector<16xf32>,
      %broadcast_in_dim3A_146 = arith.constant 0.000000e+00 : f32
      %broadcast_in_dim3A_147 = vector.broadcast %broadcast_in_dim3A_146 : f32 to vector<16xf32>
      %swap3A_148 = arith.index_cast %add3A_142 : i32 to index
      %swap3A_149 = arith.constant 16 : index
      %swap3A_150 = tpu.vector_load %arg9[%swap3A_148, %swap3A_149] {strides = array<i32>} : memref<128x128xf32, #tpu.memory_space<vmem>>, vector<16xf32>,
      tpu.vector_store %arg9[%swap3A_148, %swap3A_149], %broadcast_in_dim3A_147 {strides = array<i32>} : memref<128x128xf32, #tpu.memory_space<vmem>>, vector<16xf32>,
      %broadcast_in_dim3A_151 = arith.constant 0.000000e+00 : f32
      %broadcast_in_dim3A_152 = vector.broadcast %broadcast_in_dim3A_151 : f32 to vector<16xf32>
      %swap3A_153 = arith.index_cast %add3A_142 : i32 to index
      %swap3A_154 = arith.constant 32 : index
      %swap3A_155 = tpu.vector_load %arg9[%swap3A_153, %swap3A_154] {strides = array<i32>} : memref<128x128xf32, #tpu.memory_space<vmem>>, vector<16xf32>,
      tpu.vector_store %arg9[%swap3A_153, %swap3A_154], %broadcast_in_dim3A_152 {strides = array<i32>} : memref<128x128xf32, #tpu.memory_space<vmem>>, vector<16xf32>,
      %broadcast_in_dim3A_156 = arith.constant 0.000000e+00 : f32
      %broadcast_in_dim3A_157 = vector.broadcast %broadcast_in_dim3A_156 : f32 to vector<16xf32>
      %swap3A_158 = arith.index_cast %add3A_142 : i32 to index
      %swap3A_159 = arith.constant 48 : index
      %swap3A_160 = tpu.vector_load %arg9[%swap3A_158, %swap3A_159] {strides = array<i32>} : memref<128x128xf32, #tpu.memory_space<vmem>>, vector<16xf32>,
      tpu.vector_store %arg9[%swap3A_158, %swap3A_159], %broadcast_in_dim3A_157 {strides = array<i32>} : memref<128x128xf32, #tpu.memory_space<vmem>>, vector<16xf32>,
      %broadcast_in_dim3A_161 = arith.constant 0.000000e+00 : f32
      %broadcast_in_dim3A_162 = vector.broadcast %broadcast_in_dim3A_161 : f32 to vector<16xf32>
      %swap3A_163 = arith.index_cast %add3A_142 : i32 to index
      %swap3A_164 = arith.constant 64 : index
      %swap3A_165 = tpu.vector_load %arg9[%swap3A_163, %swap3A_164] {strides = array<i32>} : memref<128x128xf32, #tpu.memory_space<vmem>>, vector<16xf32>,
      tpu.vector_store %arg9[%swap3A_163, %swap3A_164], %broadcast_in_dim3A_162 {strides = array<i32>} : memref<128x128xf32, #tpu.memory_space<vmem>>, vector<16xf32>,
      %broadcast_in_dim3A_166 = arith.constant 0.000000e+00 : f32
      %broadcast_in_dim3A_167 = vector.broadcast %broadcast_in_dim3A_166 : f32 to vector<16xf32>
      %swap3A_168 = arith.index_cast %add3A_142 : i32 to index
      %swap3A_169 = arith.constant 80 : index
      %swap3A_170 = tpu.vector_load %arg9[%swap3A_168, %swap3A_169] {strides = array<i32>} : memref<128x128xf32, #tpu.memory_space<vmem>>, vector<16xf32>,
      tpu.vector_store %arg9[%swap3A_168, %swap3A_169], %broadcast_in_dim3A_167 {strides = array<i32>} : memref<128x128xf32, #tpu.memory_space<vmem>>, vector<16xf32>,
      %broadcast_in_dim3A_171 = arith.constant 0.000000e+00 : f32
      %broadcast_in_dim3A_172 = vector.broadcast %broadcast_in_dim3A_171 : f32 to vector<16xf32>
      %swap3A_173 = arith.index_cast %add3A_142 : i32 to index
      %swap3A_174 = arith.constant 96 : index
      %swap3A_175 = tpu.vector_load %arg9[%swap3A_173, %swap3A_174] {strides = array<i32>} : memref<128x128xf32, #tpu.memory_space<vmem>>, vector<16xf32>,
      tpu.vector_store %arg9[%swap3A_173, %swap3A_174], %broadcast_in_dim3A_172 {strides = array<i32>} : memref<128x128xf32, #tpu.memory_space<vmem>>, vector<16xf32>,
      %broadcast_in_dim3A_176 = arith.constant 0.000000e+00 : f32
      %broadcast_in_dim3A_177 = vector.broadcast %broadcast_in_dim3A_176 : f32 to vector<16xf32>
      %swap3A_178 = arith.index_cast %add3A_142 : i32 to index
      %swap3A_179 = arith.constant 112 : index
      %swap3A_180 = tpu.vector_load %arg9[%swap3A_178, %swap3A_179] {strides = array<i32>} : memref<128x128xf32, #tpu.memory_space<vmem>>, vector<16xf32>,
      tpu.vector_store %arg9[%swap3A_178, %swap3A_179], %broadcast_in_dim3A_177 {strides = array<i32>} : memref<128x128xf32, #tpu.memory_space<vmem>>, vector<16xf32>,
    }
    %scan3A_89 = arith.constant 128 : i32
    %add3A_90 = arith.constant 0 : i32
    %add3A_91 = arith.addi %mul3A_0, %add3A_90 : i32
    "tpu.region"() ({
      %run_scoped3A = tpu.sem_alloc : memref<!tpu.dma_semaphore, #tpu.memory_space<semaphore_mem>>
      %dma_start3A = arith.constant 0 : i32
      %dma_start3A_138 = tpu.memref_slice %arg11[%add3A_91, %dma_start3A] : memref<10240x128xf32, #tpu.memory_space<vmem_shared>> -> memref<128x128xf32, #tpu.memory_space<vmem_shared>>
      %dma_start3A_139 = arith.constant 0 : i32
      %dma_start3A_140 = tpu.memref_slice %arg11[%add3A_91, %dma_start3A_139] : memref<10240x128xf32, #tpu.memory_space<vmem_shared>> -> memref<128x128xf32, #tpu.memory_space<vmem_shared>>
      tpu.enqueue_dma source(%arg9 : memref<128x128xf32, #tpu.memory_space<vmem>>) target(%dma_start3A_140 : memref<128x128xf32, #tpu.memory_space<vmem_shared>>) target_semaphore(%run_scoped3A : memref<!tpu.dma_semaphore, #tpu.memory_space<semaphore_mem>>)
      %dma_wait3A = arith.constant 0 : i32
      %dma_wait3A_141 = tpu.memref_slice %arg11[%add3A_91, %dma_wait3A] : memref<10240x128xf32, #tpu.memory_space<vmem_shared>> -> memref<128x128xf32, #tpu.memory_space<vmem_shared>>
      %dma_wait3A_142 = arith.constant 0 : i32
      %dma_wait3A_143 = tpu.memref_slice %arg11[%add3A_91, %dma_wait3A_142] : memref<10240x128xf32, #tpu.memory_space<vmem_shared>> -> memref<128x128xf32, #tpu.memory_space<vmem_shared>>
      tpu.wait_dma2 semaphore(%run_scoped3A : memref<!tpu.dma_semaphore, #tpu.memory_space<semaphore_mem>>) src(%arg9 : memref<128x128xf32, #tpu.memory_space<vmem>>) dst(%dma_wait3A_143 : memref<128x128xf32, #tpu.memory_space<vmem_shared>>)
      tpu.yield
    }) : () -> ()
    %add3A_92 = arith.constant 128 : i32
    %add3A_93 = arith.addi %mul3A_0, %add3A_92 : i32
    "tpu.region"() ({
      %run_scoped3A = tpu.sem_alloc : memref<!tpu.dma_semaphore, #tpu.memory_space<semaphore_mem>>
      %dma_start3A = arith.constant 0 : i32
      %dma_start3A_138 = tpu.memref_slice %arg11[%add3A_93, %dma_start3A] : memref<10240x128xf32, #tpu.memory_space<vmem_shared>> -> memref<128x128xf32, #tpu.memory_space<vmem_shared>>
      %dma_start3A_139 = arith.constant 0 : i32
      %dma_start3A_140 = tpu.memref_slice %arg11[%add3A_93, %dma_start3A_139] : memref<10240x128xf32, #tpu.memory_space<vmem_shared>> -> memref<128x128xf32, #tpu.memory_space<vmem_shared>>
      tpu.enqueue_dma source(%arg9 : memref<128x128xf32, #tpu.memory_space<vmem>>) target(%dma_start3A_140 : memref<128x128xf32, #tpu.memory_space<vmem_shared>>) target_semaphore(%run_scoped3A : memref<!tpu.dma_semaphore, #tpu.memory_space<semaphore_mem>>)
      %dma_wait3A = arith.constant 0 : i32
      %dma_wait3A_141 = tpu.memref_slice %arg11[%add3A_93, %dma_wait3A] : memref<10240x128xf32, #tpu.memory_space<vmem_shared>> -> memref<128x128xf32, #tpu.memory_space<vmem_shared>>
      %dma_wait3A_142 = arith.constant 0 : i32
      %dma_wait3A_143 = tpu.memref_slice %arg11[%add3A_93, %dma_wait3A_142] : memref<10240x128xf32, #tpu.memory_space<vmem_shared>> -> memref<128x128xf32, #tpu.memory_space<vmem_shared>>
      tpu.wait_dma2 semaphore(%run_scoped3A : memref<!tpu.dma_semaphore, #tpu.memory_space<semaphore_mem>>) src(%arg9 : memref<128x128xf32, #tpu.memory_space<vmem>>) dst(%dma_wait3A_143 : memref<128x128xf32, #tpu.memory_space<vmem_shared>>)
      tpu.yield
    }) : () -> ()
    %add3A_94 = arith.constant 256 : i32
    %add3A_95 = arith.addi %mul3A_0, %add3A_94 : i32
    "tpu.region"() ({
      %run_scoped3A = tpu.sem_alloc : memref<!tpu.dma_semaphore, #tpu.memory_space<semaphore_mem>>
      %dma_start3A = arith.constant 0 : i32
      %dma_start3A_138 = tpu.memref_slice %arg11[%add3A_95, %dma_start3A] : memref<10240x128xf32, #tpu.memory_space<vmem_shared>> -> memref<128x128xf32, #tpu.memory_space<vmem_shared>>
      %dma_start3A_139 = arith.constant 0 : i32
      %dma_start3A_140 = tpu.memref_slice %arg11[%add3A_95, %dma_start3A_139] : memref<10240x128xf32, #tpu.memory_space<vmem_shared>> -> memref<128x128xf32, #tpu.memory_space<vmem_shared>>
      tpu.enqueue_dma source(%arg9 : memref<128x128xf32, #tpu.memory_space<vmem>>) target(%dma_start3A_140 : memref<128x128xf32, #tpu.memory_space<vmem_shared>>) target_semaphore(%run_scoped3A : memref<!tpu.dma_semaphore, #tpu.memory_space<semaphore_mem>>)
      %dma_wait3A = arith.constant 0 : i32
      %dma_wait3A_141 = tpu.memref_slice %arg11[%add3A_95, %dma_wait3A] : memref<10240x128xf32, #tpu.memory_space<vmem_shared>> -> memref<128x128xf32, #tpu.memory_space<vmem_shared>>
      %dma_wait3A_142 = arith.constant 0 : i32
      %dma_wait3A_143 = tpu.memref_slice %arg11[%add3A_95, %dma_wait3A_142] : memref<10240x128xf32, #tpu.memory_space<vmem_shared>> -> memref<128x128xf32, #tpu.memory_space<vmem_shared>>
      tpu.wait_dma2 semaphore(%run_scoped3A : memref<!tpu.dma_semaphore, #tpu.memory_space<semaphore_mem>>) src(%arg9 : memref<128x128xf32, #tpu.memory_space<vmem>>) dst(%dma_wait3A_143 : memref<128x128xf32, #tpu.memory_space<vmem_shared>>)
      tpu.yield
    }) : () -> ()
    %add3A_96 = arith.constant 384 : i32
    %add3A_97 = arith.addi %mul3A_0, %add3A_96 : i32
    "tpu.region"() ({
      %run_scoped3A = tpu.sem_alloc : memref<!tpu.dma_semaphore, #tpu.memory_space<semaphore_mem>>
      %dma_start3A = arith.constant 0 : i32
      %dma_start3A_138 = tpu.memref_slice %arg11[%add3A_97, %dma_start3A] : memref<10240x128xf32, #tpu.memory_space<vmem_shared>> -> memref<128x128xf32, #tpu.memory_space<vmem_shared>>
      %dma_start3A_139 = arith.constant 0 : i32
      %dma_start3A_140 = tpu.memref_slice %arg11[%add3A_97, %dma_start3A_139] : memref<10240x128xf32, #tpu.memory_space<vmem_shared>> -> memref<128x128xf32, #tpu.memory_space<vmem_shared>>
      tpu.enqueue_dma source(%arg9 : memref<128x128xf32, #tpu.memory_space<vmem>>) target(%dma_start3A_140 : memref<128x128xf32, #tpu.memory_space<vmem_shared>>) target_semaphore(%run_scoped3A : memref<!tpu.dma_semaphore, #tpu.memory_space<semaphore_mem>>)
      %dma_wait3A = arith.constant 0 : i32
      %dma_wait3A_141 = tpu.memref_slice %arg11[%add3A_97, %dma_wait3A] : memref<10240x128xf32, #tpu.memory_space<vmem_shared>> -> memref<128x128xf32, #tpu.memory_space<vmem_shared>>
      %dma_wait3A_142 = arith.constant 0 : i32
      %dma_wait3A_143 = tpu.memref_slice %arg11[%add3A_97, %dma_wait3A_142] : memref<10240x128xf32, #tpu.memory_space<vmem_shared>> -> memref<128x128xf32, #tpu.memory_space<vmem_shared>>
      tpu.wait_dma2 semaphore(%run_scoped3A : memref<!tpu.dma_semaphore, #tpu.memory_space<semaphore_mem>>) src(%arg9 : memref<128x128xf32, #tpu.memory_space<vmem>>) dst(%dma_wait3A_143 : memref<128x128xf32, #tpu.memory_space<vmem_shared>>)
      tpu.yield
    }) : () -> ()
    %add3A_98 = arith.constant 512 : i32
    %add3A_99 = arith.addi %mul3A_0, %add3A_98 : i32
    "tpu.region"() ({
      %run_scoped3A = tpu.sem_alloc : memref<!tpu.dma_semaphore, #tpu.memory_space<semaphore_mem>>
      %dma_start3A = arith.constant 0 : i32
      %dma_start3A_138 = tpu.memref_slice %arg11[%add3A_99, %dma_start3A] : memref<10240x128xf32, #tpu.memory_space<vmem_shared>> -> memref<128x128xf32, #tpu.memory_space<vmem_shared>>
      %dma_start3A_139 = arith.constant 0 : i32
      %dma_start3A_140 = tpu.memref_slice %arg11[%add3A_99, %dma_start3A_139] : memref<10240x128xf32, #tpu.memory_space<vmem_shared>> -> memref<128x128xf32, #tpu.memory_space<vmem_shared>>
      tpu.enqueue_dma source(%arg9 : memref<128x128xf32, #tpu.memory_space<vmem>>) target(%dma_start3A_140 : memref<128x128xf32, #tpu.memory_space<vmem_shared>>) target_semaphore(%run_scoped3A : memref<!tpu.dma_semaphore, #tpu.memory_space<semaphore_mem>>)
      %dma_wait3A = arith.constant 0 : i32
      %dma_wait3A_141 = tpu.memref_slice %arg11[%add3A_99, %dma_wait3A] : memref<10240x128xf32, #tpu.memory_space<vmem_shared>> -> memref<128x128xf32, #tpu.memory_space<vmem_shared>>
      %dma_wait3A_142 = arith.constant 0 : i32
      %dma_wait3A_143 = tpu.memref_slice %arg11[%add3A_99, %dma_wait3A_142] : memref<10240x128xf32, #tpu.memory_space<vmem_shared>> -> memref<128x128xf32, #tpu.memory_space<vmem_shared>>
      tpu.wait_dma2 semaphore(%run_scoped3A : memref<!tpu.dma_semaphore, #tpu.memory_space<semaphore_mem>>) src(%arg9 : memref<128x128xf32, #tpu.memory_space<vmem>>) dst(%dma_wait3A_143 : memref<128x128xf32, #tpu.memory_space<vmem_shared>>)
      tpu.yield
    }) : () -> ()
    %barrier3A_100 = arith.constant 0 : index
    tpu.barrier barrier_id(%barrier3A_100)
    %scan3A_101 = arith.constant 0 : i32
    %scan3A_102 = arith.constant 2500 : i32
    %scan3A_103 = arith.addi %scan3A_101, %scan3A_102 : i32
    %scan3A_104 = arith.constant 1 : i32
    scf.for %scan3A_138 = %scan3A_101 to %scan3A_103 step %scan3A_104  : i32 {
      %mul3A_139 = arith.constant 1 : i32
      %mul3A_140 = arith.muli %scan3A_138, %mul3A_139 : i32
      %add3A_141 = arith.constant 0 : i32
      %add3A_142 = arith.addi %add3A_141, %mul3A_140 : i32
      %rem3A = arith.constant 16 : i32
      %rem3A_143 = arith.remsi %add3A_142, %rem3A : i32
      %eq3A_144 = arith.cmpi eq, %rem3A_143, %arg1 : i32
      %convert_element_type3A_145 = arith.extui %eq3A_144 : i1 to i32
      %cond3A = arith.constant 0 : i32
      %cond3A_146 = arith.cmpi ne, %convert_element_type3A_145, %cond3A : i32
      scf.if %cond3A_146 {
        "tpu.region"() ({
          %run_scoped3A = tpu.sem_alloc : memref<!tpu.dma_semaphore, #tpu.memory_space<semaphore_mem>>
          %dma_start3A_192 = arith.constant 0 : i32
          %dma_start3A_193 = arith.constant 0 : i32
          %dma_start3A_194 = tpu.memref_slice %arg2[%add3A_70, %add3A_142, %dma_start3A_192, %dma_start3A_193] : memref<4x2500x1x128xi32, #tpu.memory_space<hbm>> -> memref<1x1x1x128xi32, #tpu.memory_space<hbm>>
          %dma_start3A_195 = tpu.memref_squeeze %dma_start3A_194 : memref<1x1x1x128xi32, #tpu.memory_space<hbm>> -> memref<1x128xi32, #tpu.memory_space<hbm>>
          %dma_start3A_196 = arith.constant 0 : i32
          %dma_start3A_197 = arith.constant 0 : i32
          %dma_start3A_198 = tpu.memref_slice %arg2[%add3A_70, %add3A_142, %dma_start3A_196, %dma_start3A_197] : memref<4x2500x1x128xi32, #tpu.memory_space<hbm>> -> memref<1x1x1x128xi32, #tpu.memory_space<hbm>>
          %dma_start3A_199 = tpu.memref_squeeze %dma_start3A_198 : memref<1x1x1x128xi32, #tpu.memory_space<hbm>> -> memref<1x128xi32, #tpu.memory_space<hbm>>
          tpu.enqueue_dma source(%dma_start3A_199 : memref<1x128xi32, #tpu.memory_space<hbm>>) target(%arg7 : memref<1x128xi32, #tpu.memory_space<vmem>>) target_semaphore(%run_scoped3A : memref<!tpu.dma_semaphore, #tpu.memory_space<semaphore_mem>>)
          %dma_wait3A_200 = arith.constant 0 : i32
          %dma_wait3A_201 = arith.constant 0 : i32
          %dma_wait3A_202 = tpu.memref_slice %arg2[%add3A_70, %add3A_142, %dma_wait3A_200, %dma_wait3A_201] : memref<4x2500x1x128xi32, #tpu.memory_space<hbm>> -> memref<1x1x1x128xi32, #tpu.memory_space<hbm>>
          %dma_wait3A_203 = tpu.memref_squeeze %dma_wait3A_202 : memref<1x1x1x128xi32, #tpu.memory_space<hbm>> -> memref<1x128xi32, #tpu.memory_space<hbm>>
          %dma_wait3A_204 = arith.constant 0 : i32
          %dma_wait3A_205 = arith.constant 0 : i32
          %dma_wait3A_206 = tpu.memref_slice %arg2[%add3A_70, %add3A_142, %dma_wait3A_204, %dma_wait3A_205] : memref<4x2500x1x128xi32, #tpu.memory_space<hbm>> -> memref<1x1x1x128xi32, #tpu.memory_space<hbm>>
          %dma_wait3A_207 = tpu.memref_squeeze %dma_wait3A_206 : memref<1x1x1x128xi32, #tpu.memory_space<hbm>> -> memref<1x128xi32, #tpu.memory_space<hbm>>
          tpu.wait_dma2 semaphore(%run_scoped3A : memref<!tpu.dma_semaphore, #tpu.memory_space<semaphore_mem>>) src(%dma_wait3A_207 : memref<1x128xi32, #tpu.memory_space<hbm>>) dst(%arg7 : memref<1x128xi32, #tpu.memory_space<vmem>>)
          tpu.yield
        }) : () -> ()
        "tpu.region"() ({
          %run_scoped3A = tpu.sem_alloc : memref<!tpu.dma_semaphore, #tpu.memory_space<semaphore_mem>>
          %dma_start3A_192 = arith.constant 0 : i32
          %dma_start3A_193 = arith.constant 0 : i32
          %dma_start3A_194 = tpu.memref_slice %arg3[%add3A_142, %dma_start3A_192, %dma_start3A_193] : memref<2500x1x128xi32, #tpu.memory_space<hbm>> -> memref<1x1x128xi32, #tpu.memory_space<hbm>>
          %dma_start3A_195 = tpu.memref_squeeze %dma_start3A_194 : memref<1x1x128xi32, #tpu.memory_space<hbm>> -> memref<1x128xi32, #tpu.memory_space<hbm>>
          %dma_start3A_196 = arith.constant 0 : i32
          %dma_start3A_197 = arith.constant 0 : i32
          %dma_start3A_198 = tpu.memref_slice %arg3[%add3A_142, %dma_start3A_196, %dma_start3A_197] : memref<2500x1x128xi32, #tpu.memory_space<hbm>> -> memref<1x1x128xi32, #tpu.memory_space<hbm>>
          %dma_start3A_199 = tpu.memref_squeeze %dma_start3A_198 : memref<1x1x128xi32, #tpu.memory_space<hbm>> -> memref<1x128xi32, #tpu.memory_space<hbm>>
          tpu.enqueue_dma source(%dma_start3A_199 : memref<1x128xi32, #tpu.memory_space<hbm>>) target(%arg8 : memref<1x128xi32, #tpu.memory_space<vmem>>) target_semaphore(%run_scoped3A : memref<!tpu.dma_semaphore, #tpu.memory_space<semaphore_mem>>)
          %dma_wait3A_200 = arith.constant 0 : i32
          %dma_wait3A_201 = arith.constant 0 : i32
          %dma_wait3A_202 = tpu.memref_slice %arg3[%add3A_142, %dma_wait3A_200, %dma_wait3A_201] : memref<2500x1x128xi32, #tpu.memory_space<hbm>> -> memref<1x1x128xi32, #tpu.memory_space<hbm>>
          %dma_wait3A_203 = tpu.memref_squeeze %dma_wait3A_202 : memref<1x1x128xi32, #tpu.memory_space<hbm>> -> memref<1x128xi32, #tpu.memory_space<hbm>>
          %dma_wait3A_204 = arith.constant 0 : i32
          %dma_wait3A_205 = arith.constant 0 : i32
          %dma_wait3A_206 = tpu.memref_slice %arg3[%add3A_142, %dma_wait3A_204, %dma_wait3A_205] : memref<2500x1x128xi32, #tpu.memory_space<hbm>> -> memref<1x1x128xi32, #tpu.memory_space<hbm>>
          %dma_wait3A_207 = tpu.memref_squeeze %dma_wait3A_206 : memref<1x1x128xi32, #tpu.memory_space<hbm>> -> memref<1x128xi32, #tpu.memory_space<hbm>>
          tpu.wait_dma2 semaphore(%run_scoped3A : memref<!tpu.dma_semaphore, #tpu.memory_space<semaphore_mem>>) src(%dma_wait3A_207 : memref<1x128xi32, #tpu.memory_space<hbm>>) dst(%arg8 : memref<1x128xi32, #tpu.memory_space<vmem>>)
          tpu.yield
        }) : () -> ()
        %mul3A_147 = arith.constant 128 : i32
        %mul3A_148 = arith.muli %add3A_142, %mul3A_147 : i32
        "tpu.region"() ({
          %run_scoped3A = tpu.sem_alloc : memref<!tpu.dma_semaphore, #tpu.memory_space<semaphore_mem>>
          %dma_start3A_192 = arith.constant 0 : i32
          %dma_start3A_193 = tpu.memref_slice %arg5[%mul3A_148, %dma_start3A_192] : memref<320000x16xf32, #tpu.memory_space<hbm>> -> memref<128x16xf32, #tpu.memory_space<hbm>>
          %dma_start3A_194 = arith.constant 0 : i32
          %dma_start3A_195 = tpu.memref_slice %arg5[%mul3A_148, %dma_start3A_194] : memref<320000x16xf32, #tpu.memory_space<hbm>> -> memref<128x16xf32, #tpu.memory_space<hbm>>
          tpu.enqueue_dma source(%dma_start3A_195 : memref<128x16xf32, #tpu.memory_space<hbm>>) target(%arg10 : memref<128x16xf32, #tpu.memory_space<vmem>>) target_semaphore(%run_scoped3A : memref<!tpu.dma_semaphore, #tpu.memory_space<semaphore_mem>>)
          %dma_wait3A_196 = arith.constant 0 : i32
          %dma_wait3A_197 = tpu.memref_slice %arg5[%mul3A_148, %dma_wait3A_196] : memref<320000x16xf32, #tpu.memory_space<hbm>> -> memref<128x16xf32, #tpu.memory_space<hbm>>
          %dma_wait3A_198 = arith.constant 0 : i32
          %dma_wait3A_199 = tpu.memref_slice %arg5[%mul3A_148, %dma_wait3A_198] : memref<320000x16xf32, #tpu.memory_space<hbm>> -> memref<128x16xf32, #tpu.memory_space<hbm>>
          tpu.wait_dma2 semaphore(%run_scoped3A : memref<!tpu.dma_semaphore, #tpu.memory_space<semaphore_mem>>) src(%dma_wait3A_199 : memref<128x16xf32, #tpu.memory_space<hbm>>) dst(%arg10 : memref<128x16xf32, #tpu.memory_space<vmem>>)
          tpu.yield
        }) : () -> ()
        %dma_start3A = arith.constant 0 : i32
        %dma_start3A_149 = arith.constant 0 : i32
        %dma_start3A_150 = arith.constant 0 : i32
        %dma_start3A_151 = tpu.memref_slice %arg9[%dma_start3A_149, %dma_start3A_150] : memref<128x128xf32, #tpu.memory_space<vmem>> -> memref<128x128xf32, #tpu.memory_space<vmem>>
        %dma_start3A_152 = arith.constant 0 : i32
        %dma_start3A_153 = tpu.memref_slice %arg7[%dma_start3A, %dma_start3A_152] : memref<1x128xi32, #tpu.memory_space<vmem>> -> memref<1x128xi32, #tpu.memory_space<vmem>>
        %dma_start3A_154 = tpu.memref_squeeze %dma_start3A_153 : memref<1x128xi32, #tpu.memory_space<vmem>> -> memref<128xi32, #tpu.memory_space<vmem>>
        %dma_start3A_155 = arith.constant 0 : i32
        %dma_start3A_156 = arith.constant 0 : i32
        %dma_start3A_157 = tpu.memref_slice %arg4[%dma_start3A_155, %dma_start3A_156] : memref<40000x128xf32, #tpu.memory_space<hbm>> -> memref<40000x128xf32, #tpu.memory_space<hbm>>
        tpu.enqueue_indirect_dma source(%dma_start3A_157 : memref<40000x128xf32, #tpu.memory_space<hbm>>) target(%dma_start3A_151 : memref<128x128xf32, #tpu.memory_space<vmem>>) offsets(%dma_start3A_154 : memref<128xi32, #tpu.memory_space<vmem>>) semaphore(%arg12 : memref<!tpu.dma_semaphore, #tpu.memory_space<semaphore_mem>>)
        %dma_wait3A = arith.constant 0 : i32
        %dma_wait3A_158 = arith.constant 0 : i32
        %dma_wait3A_159 = arith.constant 0 : i32
        %dma_wait3A_160 = tpu.memref_slice %arg9[%dma_wait3A_158, %dma_wait3A_159] : memref<128x128xf32, #tpu.memory_space<vmem>> -> memref<128x128xf32, #tpu.memory_space<vmem>>
        %dma_wait3A_161 = arith.constant 0 : i32
        %dma_wait3A_162 = tpu.memref_slice %arg7[%dma_wait3A, %dma_wait3A_161] : memref<1x128xi32, #tpu.memory_space<vmem>> -> memref<1x128xi32, #tpu.memory_space<vmem>>
        %dma_wait3A_163 = tpu.memref_squeeze %dma_wait3A_162 : memref<1x128xi32, #tpu.memory_space<vmem>> -> memref<128xi32, #tpu.memory_space<vmem>>
        %dma_wait3A_164 = arith.constant 0 : i32
        %dma_wait3A_165 = arith.constant 0 : i32
        %dma_wait3A_166 = tpu.memref_slice %arg4[%dma_wait3A_164, %dma_wait3A_165] : memref<40000x128xf32, #tpu.memory_space<hbm>> -> memref<40000x128xf32, #tpu.memory_space<hbm>>
        tpu.wait_indirect_dma semaphore(%arg12 : memref<!tpu.dma_semaphore, #tpu.memory_space<semaphore_mem>>) src(%dma_wait3A_166 : memref<40000x128xf32, #tpu.memory_space<hbm>>) dst(%dma_wait3A_160 : memref<128x128xf32, #tpu.memory_space<vmem>>)
        %scan3A_167 = arith.constant 0 : i32
        %scan3A_168 = arith.constant 128 : i32
        %scan3A_169 = arith.addi %scan3A_167, %scan3A_168 : i32
        %scan3A_170 = arith.constant 1 : i32
        scf.for %scan3A_192 = %scan3A_167 to %scan3A_169 step %scan3A_170  : i32 {
          %mul3A_193 = arith.constant 1 : i32
          %mul3A_194 = arith.muli %scan3A_192, %mul3A_193 : i32
          %add3A_195 = arith.constant 0 : i32
          %add3A_196 = arith.addi %add3A_195, %mul3A_194 : i32
          %get3A = arith.index_cast %add3A_196 : i32 to index
          %get3A_197 = arith.constant 0 : index
          %get3A_198 = tpu.vector_load %arg10[%get3A, %get3A_197] {strides = array<i32>} : memref<128x16xf32, #tpu.memory_space<vmem>>, vector<16xf32>,
          %mul3A_199 = arith.mulf %get3A_198, %convert_element_type3A_76 : vector<16xf32>
          %reduce_sum3A = arith.constant true
          %reduce_sum3A_200 = vector.broadcast %reduce_sum3A : i1 to vector<16xi1>
          %reduce_sum3A_201 = tpu.scan <sum>, %mul3A_199 masked %reduce_sum3A_200 : vector<16xf32>, vector<16xi1> -> vector<16xf32>
          %reduce_sum3A_202 = vector.extract %reduce_sum3A_201[15] : f32 from vector<16xf32>
          %mul3A_203 = arith.mulf %get3A_198, %convert_element_type3A_84 : vector<16xf32>
          %reduce_sum3A_204 = arith.constant true
          %reduce_sum3A_205 = vector.broadcast %reduce_sum3A_204 : i1 to vector<16xi1>
          %reduce_sum3A_206 = tpu.scan <sum>, %mul3A_203 masked %reduce_sum3A_205 : vector<16xf32>, vector<16xi1> -> vector<16xf32>
          %reduce_sum3A_207 = vector.extract %reduce_sum3A_206[15] : f32 from vector<16xf32>
          %get3A_208 = arith.index_cast %add3A_196 : i32 to index
          %get3A_209 = arith.constant 0 : index
          %get3A_210 = tpu.vector_load %arg9[%get3A_208, %get3A_209] {strides = array<i32>} : memref<128x128xf32, #tpu.memory_space<vmem>>, vector<16xf32>,
          %mul3A_211 = vector.broadcast %reduce_sum3A_202 : f32 to vector<16xf32>
          %mul3A_212 = arith.mulf %get3A_210, %mul3A_211 : vector<16xf32>
          %swap3A = arith.index_cast %add3A_196 : i32 to index
          %swap3A_213 = arith.constant 0 : index
          %swap3A_214 = tpu.vector_load %arg9[%swap3A, %swap3A_213] {strides = array<i32>} : memref<128x128xf32, #tpu.memory_space<vmem>>, vector<16xf32>,
          tpu.vector_store %arg9[%swap3A, %swap3A_213], %mul3A_212 {strides = array<i32>} : memref<128x128xf32, #tpu.memory_space<vmem>>, vector<16xf32>,
          %get3A_215 = arith.index_cast %add3A_196 : i32 to index
          %get3A_216 = arith.constant 16 : index
          %get3A_217 = tpu.vector_load %arg9[%get3A_215, %get3A_216] {strides = array<i32>} : memref<128x128xf32, #tpu.memory_space<vmem>>, vector<16xf32>,
          %mul3A_218 = vector.broadcast %reduce_sum3A_202 : f32 to vector<16xf32>
          %mul3A_219 = arith.mulf %get3A_217, %mul3A_218 : vector<16xf32>
          %swap3A_220 = arith.index_cast %add3A_196 : i32 to index
          %swap3A_221 = arith.constant 16 : index
          %swap3A_222 = tpu.vector_load %arg9[%swap3A_220, %swap3A_221] {strides = array<i32>} : memref<128x128xf32, #tpu.memory_space<vmem>>, vector<16xf32>,
          tpu.vector_store %arg9[%swap3A_220, %swap3A_221], %mul3A_219 {strides = array<i32>} : memref<128x128xf32, #tpu.memory_space<vmem>>, vector<16xf32>,
          %get3A_223 = arith.index_cast %add3A_196 : i32 to index
          %get3A_224 = arith.constant 32 : index
          %get3A_225 = tpu.vector_load %arg9[%get3A_223, %get3A_224] {strides = array<i32>} : memref<128x128xf32, #tpu.memory_space<vmem>>, vector<16xf32>,
          %mul3A_226 = vector.broadcast %reduce_sum3A_202 : f32 to vector<16xf32>
          %mul3A_227 = arith.mulf %get3A_225, %mul3A_226 : vector<16xf32>
          %swap3A_228 = arith.index_cast %add3A_196 : i32 to index
          %swap3A_229 = arith.constant 32 : index
          %swap3A_230 = tpu.vector_load %arg9[%swap3A_228, %swap3A_229] {strides = array<i32>} : memref<128x128xf32, #tpu.memory_space<vmem>>, vector<16xf32>,
          tpu.vector_store %arg9[%swap3A_228, %swap3A_229], %mul3A_227 {strides = array<i32>} : memref<128x128xf32, #tpu.memory_space<vmem>>, vector<16xf32>,
          %get3A_231 = arith.index_cast %add3A_196 : i32 to index
          %get3A_232 = arith.constant 48 : index
          %get3A_233 = tpu.vector_load %arg9[%get3A_231, %get3A_232] {strides = array<i32>} : memref<128x128xf32, #tpu.memory_space<vmem>>, vector<16xf32>,
          %mul3A_234 = vector.broadcast %reduce_sum3A_202 : f32 to vector<16xf32>
          %mul3A_235 = arith.mulf %get3A_233, %mul3A_234 : vector<16xf32>
          %swap3A_236 = arith.index_cast %add3A_196 : i32 to index
          %swap3A_237 = arith.constant 48 : index
          %swap3A_238 = tpu.vector_load %arg9[%swap3A_236, %swap3A_237] {strides = array<i32>} : memref<128x128xf32, #tpu.memory_space<vmem>>, vector<16xf32>,
          tpu.vector_store %arg9[%swap3A_236, %swap3A_237], %mul3A_235 {strides = array<i32>} : memref<128x128xf32, #tpu.memory_space<vmem>>, vector<16xf32>,
          %get3A_239 = arith.index_cast %add3A_196 : i32 to index
          %get3A_240 = arith.constant 64 : index
          %get3A_241 = tpu.vector_load %arg9[%get3A_239, %get3A_240] {strides = array<i32>} : memref<128x128xf32, #tpu.memory_space<vmem>>, vector<16xf32>,
          %mul3A_242 = vector.broadcast %reduce_sum3A_207 : f32 to vector<16xf32>
          %mul3A_243 = arith.mulf %get3A_241, %mul3A_242 : vector<16xf32>
          %swap3A_244 = arith.index_cast %add3A_196 : i32 to index
          %swap3A_245 = arith.constant 64 : index
          %swap3A_246 = tpu.vector_load %arg9[%swap3A_244, %swap3A_245] {strides = array<i32>} : memref<128x128xf32, #tpu.memory_space<vmem>>, vector<16xf32>,
          tpu.vector_store %arg9[%swap3A_244, %swap3A_245], %mul3A_243 {strides = array<i32>} : memref<128x128xf32, #tpu.memory_space<vmem>>, vector<16xf32>,
          %get3A_247 = arith.index_cast %add3A_196 : i32 to index
          %get3A_248 = arith.constant 80 : index
          %get3A_249 = tpu.vector_load %arg9[%get3A_247, %get3A_248] {strides = array<i32>} : memref<128x128xf32, #tpu.memory_space<vmem>>, vector<16xf32>,
          %mul3A_250 = vector.broadcast %reduce_sum3A_207 : f32 to vector<16xf32>
          %mul3A_251 = arith.mulf %get3A_249, %mul3A_250 : vector<16xf32>
          %swap3A_252 = arith.index_cast %add3A_196 : i32 to index
          %swap3A_253 = arith.constant 80 : index
          %swap3A_254 = tpu.vector_load %arg9[%swap3A_252, %swap3A_253] {strides = array<i32>} : memref<128x128xf32, #tpu.memory_space<vmem>>, vector<16xf32>,
          tpu.vector_store %arg9[%swap3A_252, %swap3A_253], %mul3A_251 {strides = array<i32>} : memref<128x128xf32, #tpu.memory_space<vmem>>, vector<16xf32>,
          %get3A_255 = arith.index_cast %add3A_196 : i32 to index
          %get3A_256 = arith.constant 96 : index
          %get3A_257 = tpu.vector_load %arg9[%get3A_255, %get3A_256] {strides = array<i32>} : memref<128x128xf32, #tpu.memory_space<vmem>>, vector<16xf32>,
          %mul3A_258 = vector.broadcast %reduce_sum3A_207 : f32 to vector<16xf32>
          %mul3A_259 = arith.mulf %get3A_257, %mul3A_258 : vector<16xf32>
          %swap3A_260 = arith.index_cast %add3A_196 : i32 to index
          %swap3A_261 = arith.constant 96 : index
          %swap3A_262 = tpu.vector_load %arg9[%swap3A_260, %swap3A_261] {strides = array<i32>} : memref<128x128xf32, #tpu.memory_space<vmem>>, vector<16xf32>,
          tpu.vector_store %arg9[%swap3A_260, %swap3A_261], %mul3A_259 {strides = array<i32>} : memref<128x128xf32, #tpu.memory_space<vmem>>, vector<16xf32>,
          %get3A_263 = arith.index_cast %add3A_196 : i32 to index
          %get3A_264 = arith.constant 112 : index
          %get3A_265 = tpu.vector_load %arg9[%get3A_263, %get3A_264] {strides = array<i32>} : memref<128x128xf32, #tpu.memory_space<vmem>>, vector<16xf32>,
          %mul3A_266 = vector.broadcast %reduce_sum3A_207 : f32 to vector<16xf32>
          %mul3A_267 = arith.mulf %get3A_265, %mul3A_266 : vector<16xf32>
          %swap3A_268 = arith.index_cast %add3A_196 : i32 to index
          %swap3A_269 = arith.constant 112 : index
          %swap3A_270 = tpu.vector_load %arg9[%swap3A_268, %swap3A_269] {strides = array<i32>} : memref<128x128xf32, #tpu.memory_space<vmem>>, vector<16xf32>,
          tpu.vector_store %arg9[%swap3A_268, %swap3A_269], %mul3A_267 {strides = array<i32>} : memref<128x128xf32, #tpu.memory_space<vmem>>, vector<16xf32>,
        }
        %scan3A_171 = arith.constant 128 : i32
        %dma_start3A_172 = arith.constant 0 : i32
        %dma_start3A_173 = arith.constant 0 : i32
        %dma_start3A_174 = arith.constant 0 : i32
        %dma_start3A_175 = tpu.memref_slice %arg9[%dma_start3A_173, %dma_start3A_174] : memref<128x128xf32, #tpu.memory_space<vmem>> -> memref<128x128xf32, #tpu.memory_space<vmem>>
        %dma_start3A_176 = arith.constant 0 : i32
        %dma_start3A_177 = tpu.memref_slice %arg8[%dma_start3A_172, %dma_start3A_176] : memref<1x128xi32, #tpu.memory_space<vmem>> -> memref<1x128xi32, #tpu.memory_space<vmem>>
        %dma_start3A_178 = tpu.memref_squeeze %dma_start3A_177 : memref<1x128xi32, #tpu.memory_space<vmem>> -> memref<128xi32, #tpu.memory_space<vmem>>
        %dma_start3A_179 = arith.constant 0 : i32
        %dma_start3A_180 = arith.constant 0 : i32
        %dma_start3A_181 = tpu.memref_slice %arg11[%dma_start3A_179, %dma_start3A_180] : memref<10240x128xf32, #tpu.memory_space<vmem_shared>> -> memref<10240x128xf32, #tpu.memory_space<vmem_shared>>
        tpu.enqueue_indirect_dma source(%dma_start3A_175 : memref<128x128xf32, #tpu.memory_space<vmem>>) target(%dma_start3A_181 : memref<10240x128xf32, #tpu.memory_space<vmem_shared>>) offsets(%dma_start3A_178 : memref<128xi32, #tpu.memory_space<vmem>>) semaphore(%arg12 : memref<!tpu.dma_semaphore, #tpu.memory_space<semaphore_mem>>) {add = true}
        %dma_wait3A_182 = arith.constant 0 : i32
        %dma_wait3A_183 = arith.constant 0 : i32
        %dma_wait3A_184 = arith.constant 0 : i32
        %dma_wait3A_185 = tpu.memref_slice %arg9[%dma_wait3A_183, %dma_wait3A_184] : memref<128x128xf32, #tpu.memory_space<vmem>> -> memref<128x128xf32, #tpu.memory_space<vmem>>
        %dma_wait3A_186 = arith.constant 0 : i32
        %dma_wait3A_187 = tpu.memref_slice %arg8[%dma_wait3A_182, %dma_wait3A_186] : memref<1x128xi32, #tpu.memory_space<vmem>> -> memref<1x128xi32, #tpu.memory_space<vmem>>
        %dma_wait3A_188 = tpu.memref_squeeze %dma_wait3A_187 : memref<1x128xi32, #tpu.memory_space<vmem>> -> memref<128xi32, #tpu.memory_space<vmem>>
        %dma_wait3A_189 = arith.constant 0 : i32
        %dma_wait3A_190 = arith.constant 0 : i32
        %dma_wait3A_191 = tpu.memref_slice %arg11[%dma_wait3A_189, %dma_wait3A_190] : memref<10240x128xf32, #tpu.memory_space<vmem_shared>> -> memref<10240x128xf32, #tpu.memory_space<vmem_shared>>
        tpu.wait_indirect_dma semaphore(%arg12 : memref<!tpu.dma_semaphore, #tpu.memory_space<semaphore_mem>>) src(%dma_wait3A_185 : memref<128x128xf32, #tpu.memory_space<vmem>>) dst(%dma_wait3A_191 : memref<10240x128xf32, #tpu.memory_space<vmem_shared>>)
      } else {
      }
    }
    %scan3A_105 = arith.constant 2500 : i32
    %barrier3A_106 = arith.constant 0 : index
    tpu.barrier barrier_id(%barrier3A_106)
    %add3A_107 = arith.constant 0 : i32
    %add3A_108 = arith.addi %mul3A_0, %add3A_107 : i32
    "tpu.region"() ({
      %run_scoped3A = tpu.sem_alloc : memref<!tpu.dma_semaphore, #tpu.memory_space<semaphore_mem>>
      %dma_start3A = arith.constant 0 : i32
      %dma_start3A_138 = tpu.memref_slice %arg11[%add3A_108, %dma_start3A] : memref<10240x128xf32, #tpu.memory_space<vmem_shared>> -> memref<128x128xf32, #tpu.memory_space<vmem_shared>>
      %dma_start3A_139 = arith.constant 0 : i32
      %dma_start3A_140 = tpu.memref_slice %arg11[%add3A_108, %dma_start3A_139] : memref<10240x128xf32, #tpu.memory_space<vmem_shared>> -> memref<128x128xf32, #tpu.memory_space<vmem_shared>>
      tpu.enqueue_dma source(%dma_start3A_140 : memref<128x128xf32, #tpu.memory_space<vmem_shared>>) target(%arg9 : memref<128x128xf32, #tpu.memory_space<vmem>>) target_semaphore(%run_scoped3A : memref<!tpu.dma_semaphore, #tpu.memory_space<semaphore_mem>>)
      %dma_wait3A = arith.constant 0 : i32
      %dma_wait3A_141 = tpu.memref_slice %arg11[%add3A_108, %dma_wait3A] : memref<10240x128xf32, #tpu.memory_space<vmem_shared>> -> memref<128x128xf32, #tpu.memory_space<vmem_shared>>
      %dma_wait3A_142 = arith.constant 0 : i32
      %dma_wait3A_143 = tpu.memref_slice %arg11[%add3A_108, %dma_wait3A_142] : memref<10240x128xf32, #tpu.memory_space<vmem_shared>> -> memref<128x128xf32, #tpu.memory_space<vmem_shared>>
      tpu.wait_dma2 semaphore(%run_scoped3A : memref<!tpu.dma_semaphore, #tpu.memory_space<semaphore_mem>>) src(%dma_wait3A_143 : memref<128x128xf32, #tpu.memory_space<vmem_shared>>) dst(%arg9 : memref<128x128xf32, #tpu.memory_space<vmem>>)
      tpu.yield
    }) : () -> ()
    %add3A_109 = arith.constant 0 : i32
    %add3A_110 = arith.addi %mul3A_0, %add3A_109 : i32
    %mul3A_111 = arith.constant 128 : i32
    %mul3A_112 = arith.muli %add3A_70, %mul3A_111 : i32
    "tpu.region"() ({
      %run_scoped3A = tpu.sem_alloc : memref<!tpu.dma_semaphore, #tpu.memory_space<semaphore_mem>>
      %dma_start3A = tpu.memref_slice %arg6[%add3A_110, %mul3A_112] : memref<10240x512xf32, #tpu.memory_space<hbm>> -> memref<128x128xf32, #tpu.memory_space<hbm>>
      %dma_start3A_138 = tpu.memref_slice %arg6[%add3A_110, %mul3A_112] : memref<10240x512xf32, #tpu.memory_space<hbm>> -> memref<128x128xf32, #tpu.memory_space<hbm>>
      tpu.enqueue_dma source(%arg9 : memref<128x128xf32, #tpu.memory_space<vmem>>) target(%dma_start3A_138 : memref<128x128xf32, #tpu.memory_space<hbm>>) target_semaphore(%run_scoped3A : memref<!tpu.dma_semaphore, #tpu.memory_space<semaphore_mem>>)
      %dma_wait3A = tpu.memref_slice %arg6[%add3A_110, %mul3A_112] : memref<10240x512xf32, #tpu.memory_space<hbm>> -> memref<128x128xf32, #tpu.memory_space<hbm>>
      %dma_wait3A_139 = tpu.memref_slice %arg6[%add3A_110, %mul3A_112] : memref<10240x512xf32, #tpu.memory_space<hbm>> -> memref<128x128xf32, #tpu.memory_space<hbm>>
      tpu.wait_dma2 semaphore(%run_scoped3A : memref<!tpu.dma_semaphore, #tpu.memory_space<semaphore_mem>>) src(%arg9 : memref<128x128xf32, #tpu.memory_space<vmem>>) dst(%dma_wait3A_139 : memref<128x128xf32, #tpu.memory_space<hbm>>)
      tpu.yield
    }) : () -> ()
    %add3A_113 = arith.constant 128 : i32
    %add3A_114 = arith.addi %mul3A_0, %add3A_113 : i32
    "tpu.region"() ({
      %run_scoped3A = tpu.sem_alloc : memref<!tpu.dma_semaphore, #tpu.memory_space<semaphore_mem>>
      %dma_start3A = arith.constant 0 : i32
      %dma_start3A_138 = tpu.memref_slice %arg11[%add3A_114, %dma_start3A] : memref<10240x128xf32, #tpu.memory_space<vmem_shared>> -> memref<128x128xf32, #tpu.memory_space<vmem_shared>>
      %dma_start3A_139 = arith.constant 0 : i32
      %dma_start3A_140 = tpu.memref_slice %arg11[%add3A_114, %dma_start3A_139] : memref<10240x128xf32, #tpu.memory_space<vmem_shared>> -> memref<128x128xf32, #tpu.memory_space<vmem_shared>>
      tpu.enqueue_dma source(%dma_start3A_140 : memref<128x128xf32, #tpu.memory_space<vmem_shared>>) target(%arg9 : memref<128x128xf32, #tpu.memory_space<vmem>>) target_semaphore(%run_scoped3A : memref<!tpu.dma_semaphore, #tpu.memory_space<semaphore_mem>>)
      %dma_wait3A = arith.constant 0 : i32
      %dma_wait3A_141 = tpu.memref_slice %arg11[%add3A_114, %dma_wait3A] : memref<10240x128xf32, #tpu.memory_space<vmem_shared>> -> memref<128x128xf32, #tpu.memory_space<vmem_shared>>
      %dma_wait3A_142 = arith.constant 0 : i32
      %dma_wait3A_143 = tpu.memref_slice %arg11[%add3A_114, %dma_wait3A_142] : memref<10240x128xf32, #tpu.memory_space<vmem_shared>> -> memref<128x128xf32, #tpu.memory_space<vmem_shared>>
      tpu.wait_dma2 semaphore(%run_scoped3A : memref<!tpu.dma_semaphore, #tpu.memory_space<semaphore_mem>>) src(%dma_wait3A_143 : memref<128x128xf32, #tpu.memory_space<vmem_shared>>) dst(%arg9 : memref<128x128xf32, #tpu.memory_space<vmem>>)
      tpu.yield
    }) : () -> ()
    %add3A_115 = arith.constant 128 : i32
    %add3A_116 = arith.addi %mul3A_0, %add3A_115 : i32
    %mul3A_117 = arith.constant 128 : i32
    %mul3A_118 = arith.muli %add3A_70, %mul3A_117 : i32
    "tpu.region"() ({
      %run_scoped3A = tpu.sem_alloc : memref<!tpu.dma_semaphore, #tpu.memory_space<semaphore_mem>>
      %dma_start3A = tpu.memref_slice %arg6[%add3A_116, %mul3A_118] : memref<10240x512xf32, #tpu.memory_space<hbm>> -> memref<128x128xf32, #tpu.memory_space<hbm>>
      %dma_start3A_138 = tpu.memref_slice %arg6[%add3A_116, %mul3A_118] : memref<10240x512xf32, #tpu.memory_space<hbm>> -> memref<128x128xf32, #tpu.memory_space<hbm>>
      tpu.enqueue_dma source(%arg9 : memref<128x128xf32, #tpu.memory_space<vmem>>) target(%dma_start3A_138 : memref<128x128xf32, #tpu.memory_space<hbm>>) target_semaphore(%run_scoped3A : memref<!tpu.dma_semaphore, #tpu.memory_space<semaphore_mem>>)
      %dma_wait3A = tpu.memref_slice %arg6[%add3A_116, %mul3A_118] : memref<10240x512xf32, #tpu.memory_space<hbm>> -> memref<128x128xf32, #tpu.memory_space<hbm>>
      %dma_wait3A_139 = tpu.memref_slice %arg6[%add3A_116, %mul3A_118] : memref<10240x512xf32, #tpu.memory_space<hbm>> -> memref<128x128xf32, #tpu.memory_space<hbm>>
      tpu.wait_dma2 semaphore(%run_scoped3A : memref<!tpu.dma_semaphore, #tpu.memory_space<semaphore_mem>>) src(%arg9 : memref<128x128xf32, #tpu.memory_space<vmem>>) dst(%dma_wait3A_139 : memref<128x128xf32, #tpu.memory_space<hbm>>)
      tpu.yield
    }) : () -> ()
    %add3A_119 = arith.constant 256 : i32
    %add3A_120 = arith.addi %mul3A_0, %add3A_119 : i32
    "tpu.region"() ({
      %run_scoped3A = tpu.sem_alloc : memref<!tpu.dma_semaphore, #tpu.memory_space<semaphore_mem>>
      %dma_start3A = arith.constant 0 : i32
      %dma_start3A_138 = tpu.memref_slice %arg11[%add3A_120, %dma_start3A] : memref<10240x128xf32, #tpu.memory_space<vmem_shared>> -> memref<128x128xf32, #tpu.memory_space<vmem_shared>>
      %dma_start3A_139 = arith.constant 0 : i32
      %dma_start3A_140 = tpu.memref_slice %arg11[%add3A_120, %dma_start3A_139] : memref<10240x128xf32, #tpu.memory_space<vmem_shared>> -> memref<128x128xf32, #tpu.memory_space<vmem_shared>>
      tpu.enqueue_dma source(%dma_start3A_140 : memref<128x128xf32, #tpu.memory_space<vmem_shared>>) target(%arg9 : memref<128x128xf32, #tpu.memory_space<vmem>>) target_semaphore(%run_scoped3A : memref<!tpu.dma_semaphore, #tpu.memory_space<semaphore_mem>>)
      %dma_wait3A = arith.constant 0 : i32
      %dma_wait3A_141 = tpu.memref_slice %arg11[%add3A_120, %dma_wait3A] : memref<10240x128xf32, #tpu.memory_space<vmem_shared>> -> memref<128x128xf32, #tpu.memory_space<vmem_shared>>
      %dma_wait3A_142 = arith.constant 0 : i32
      %dma_wait3A_143 = tpu.memref_slice %arg11[%add3A_120, %dma_wait3A_142] : memref<10240x128xf32, #tpu.memory_space<vmem_shared>> -> memref<128x128xf32, #tpu.memory_space<vmem_shared>>
      tpu.wait_dma2 semaphore(%run_scoped3A : memref<!tpu.dma_semaphore, #tpu.memory_space<semaphore_mem>>) src(%dma_wait3A_143 : memref<128x128xf32, #tpu.memory_space<vmem_shared>>) dst(%arg9 : memref<128x128xf32, #tpu.memory_space<vmem>>)
      tpu.yield
    }) : () -> ()
    %add3A_121 = arith.constant 256 : i32
    %add3A_122 = arith.addi %mul3A_0, %add3A_121 : i32
    %mul3A_123 = arith.constant 128 : i32
    %mul3A_124 = arith.muli %add3A_70, %mul3A_123 : i32
    "tpu.region"() ({
      %run_scoped3A = tpu.sem_alloc : memref<!tpu.dma_semaphore, #tpu.memory_space<semaphore_mem>>
      %dma_start3A = tpu.memref_slice %arg6[%add3A_122, %mul3A_124] : memref<10240x512xf32, #tpu.memory_space<hbm>> -> memref<128x128xf32, #tpu.memory_space<hbm>>
      %dma_start3A_138 = tpu.memref_slice %arg6[%add3A_122, %mul3A_124] : memref<10240x512xf32, #tpu.memory_space<hbm>> -> memref<128x128xf32, #tpu.memory_space<hbm>>
      tpu.enqueue_dma source(%arg9 : memref<128x128xf32, #tpu.memory_space<vmem>>) target(%dma_start3A_138 : memref<128x128xf32, #tpu.memory_space<hbm>>) target_semaphore(%run_scoped3A : memref<!tpu.dma_semaphore, #tpu.memory_space<semaphore_mem>>)
      %dma_wait3A = tpu.memref_slice %arg6[%add3A_122, %mul3A_124] : memref<10240x512xf32, #tpu.memory_space<hbm>> -> memref<128x128xf32, #tpu.memory_space<hbm>>
      %dma_wait3A_139 = tpu.memref_slice %arg6[%add3A_122, %mul3A_124] : memref<10240x512xf32, #tpu.memory_space<hbm>> -> memref<128x128xf32, #tpu.memory_space<hbm>>
      tpu.wait_dma2 semaphore(%run_scoped3A : memref<!tpu.dma_semaphore, #tpu.memory_space<semaphore_mem>>) src(%arg9 : memref<128x128xf32, #tpu.memory_space<vmem>>) dst(%dma_wait3A_139 : memref<128x128xf32, #tpu.memory_space<hbm>>)
      tpu.yield
    }) : () -> ()
    %add3A_125 = arith.constant 384 : i32
    %add3A_126 = arith.addi %mul3A_0, %add3A_125 : i32
    "tpu.region"() ({
      %run_scoped3A = tpu.sem_alloc : memref<!tpu.dma_semaphore, #tpu.memory_space<semaphore_mem>>
      %dma_start3A = arith.constant 0 : i32
      %dma_start3A_138 = tpu.memref_slice %arg11[%add3A_126, %dma_start3A] : memref<10240x128xf32, #tpu.memory_space<vmem_shared>> -> memref<128x128xf32, #tpu.memory_space<vmem_shared>>
      %dma_start3A_139 = arith.constant 0 : i32
      %dma_start3A_140 = tpu.memref_slice %arg11[%add3A_126, %dma_start3A_139] : memref<10240x128xf32, #tpu.memory_space<vmem_shared>> -> memref<128x128xf32, #tpu.memory_space<vmem_shared>>
      tpu.enqueue_dma source(%dma_start3A_140 : memref<128x128xf32, #tpu.memory_space<vmem_shared>>) target(%arg9 : memref<128x128xf32, #tpu.memory_space<vmem>>) target_semaphore(%run_scoped3A : memref<!tpu.dma_semaphore, #tpu.memory_space<semaphore_mem>>)
      %dma_wait3A = arith.constant 0 : i32
      %dma_wait3A_141 = tpu.memref_slice %arg11[%add3A_126, %dma_wait3A] : memref<10240x128xf32, #tpu.memory_space<vmem_shared>> -> memref<128x128xf32, #tpu.memory_space<vmem_shared>>
      %dma_wait3A_142 = arith.constant 0 : i32
      %dma_wait3A_143 = tpu.memref_slice %arg11[%add3A_126, %dma_wait3A_142] : memref<10240x128xf32, #tpu.memory_space<vmem_shared>> -> memref<128x128xf32, #tpu.memory_space<vmem_shared>>
      tpu.wait_dma2 semaphore(%run_scoped3A : memref<!tpu.dma_semaphore, #tpu.memory_space<semaphore_mem>>) src(%dma_wait3A_143 : memref<128x128xf32, #tpu.memory_space<vmem_shared>>) dst(%arg9 : memref<128x128xf32, #tpu.memory_space<vmem>>)
      tpu.yield
    }) : () -> ()
    %add3A_127 = arith.constant 384 : i32
    %add3A_128 = arith.addi %mul3A_0, %add3A_127 : i32
    %mul3A_129 = arith.constant 128 : i32
    %mul3A_130 = arith.muli %add3A_70, %mul3A_129 : i32
    "tpu.region"() ({
      %run_scoped3A = tpu.sem_alloc : memref<!tpu.dma_semaphore, #tpu.memory_space<semaphore_mem>>
      %dma_start3A = tpu.memref_slice %arg6[%add3A_128, %mul3A_130] : memref<10240x512xf32, #tpu.memory_space<hbm>> -> memref<128x128xf32, #tpu.memory_space<hbm>>
      %dma_start3A_138 = tpu.memref_slice %arg6[%add3A_128, %mul3A_130] : memref<10240x512xf32, #tpu.memory_space<hbm>> -> memref<128x128xf32, #tpu.memory_space<hbm>>
      tpu.enqueue_dma source(%arg9 : memref<128x128xf32, #tpu.memory_space<vmem>>) target(%dma_start3A_138 : memref<128x128xf32, #tpu.memory_space<hbm>>) target_semaphore(%run_scoped3A : memref<!tpu.dma_semaphore, #tpu.memory_space<semaphore_mem>>)
      %dma_wait3A = tpu.memref_slice %arg6[%add3A_128, %mul3A_130] : memref<10240x512xf32, #tpu.memory_space<hbm>> -> memref<128x128xf32, #tpu.memory_space<hbm>>
      %dma_wait3A_139 = tpu.memref_slice %arg6[%add3A_128, %mul3A_130] : memref<10240x512xf32, #tpu.memory_space<hbm>> -> memref<128x128xf32, #tpu.memory_space<hbm>>
      tpu.wait_dma2 semaphore(%run_scoped3A : memref<!tpu.dma_semaphore, #tpu.memory_space<semaphore_mem>>) src(%arg9 : memref<128x128xf32, #tpu.memory_space<vmem>>) dst(%dma_wait3A_139 : memref<128x128xf32, #tpu.memory_space<hbm>>)
      tpu.yield
    }) : () -> ()
    %add3A_131 = arith.constant 512 : i32
    %add3A_132 = arith.addi %mul3A_0, %add3A_131 : i32
    "tpu.region"() ({
      %run_scoped3A = tpu.sem_alloc : memref<!tpu.dma_semaphore, #tpu.memory_space<semaphore_mem>>
      %dma_start3A = arith.constant 0 : i32
      %dma_start3A_138 = tpu.memref_slice %arg11[%add3A_132, %dma_start3A] : memref<10240x128xf32, #tpu.memory_space<vmem_shared>> -> memref<128x128xf32, #tpu.memory_space<vmem_shared>>
      %dma_start3A_139 = arith.constant 0 : i32
      %dma_start3A_140 = tpu.memref_slice %arg11[%add3A_132, %dma_start3A_139] : memref<10240x128xf32, #tpu.memory_space<vmem_shared>> -> memref<128x128xf32, #tpu.memory_space<vmem_shared>>
      tpu.enqueue_dma source(%dma_start3A_140 : memref<128x128xf32, #tpu.memory_space<vmem_shared>>) target(%arg9 : memref<128x128xf32, #tpu.memory_space<vmem>>) target_semaphore(%run_scoped3A : memref<!tpu.dma_semaphore, #tpu.memory_space<semaphore_mem>>)
      %dma_wait3A = arith.constant 0 : i32
      %dma_wait3A_141 = tpu.memref_slice %arg11[%add3A_132, %dma_wait3A] : memref<10240x128xf32, #tpu.memory_space<vmem_shared>> -> memref<128x128xf32, #tpu.memory_space<vmem_shared>>
      %dma_wait3A_142 = arith.constant 0 : i32
      %dma_wait3A_143 = tpu.memref_slice %arg11[%add3A_132, %dma_wait3A_142] : memref<10240x128xf32, #tpu.memory_space<vmem_shared>> -> memref<128x128xf32, #tpu.memory_space<vmem_shared>>
      tpu.wait_dma2 semaphore(%run_scoped3A : memref<!tpu.dma_semaphore, #tpu.memory_space<semaphore_mem>>) src(%dma_wait3A_143 : memref<128x128xf32, #tpu.memory_space<vmem_shared>>) dst(%arg9 : memref<128x128xf32, #tpu.memory_space<vmem>>)
      tpu.yield
    }) : () -> ()
    %add3A_133 = arith.constant 512 : i32
    %add3A_134 = arith.addi %mul3A_0, %add3A_133 : i32
    %mul3A_135 = arith.constant 128 : i32
    %mul3A_136 = arith.muli %add3A_70, %mul3A_135 : i32
    "tpu.region"() ({
      %run_scoped3A = tpu.sem_alloc : memref<!tpu.dma_semaphore, #tpu.memory_space<semaphore_mem>>
      %dma_start3A = tpu.memref_slice %arg6[%add3A_134, %mul3A_136] : memref<10240x512xf32, #tpu.memory_space<hbm>> -> memref<128x128xf32, #tpu.memory_space<hbm>>
      %dma_start3A_138 = tpu.memref_slice %arg6[%add3A_134, %mul3A_136] : memref<10240x512xf32, #tpu.memory_space<hbm>> -> memref<128x128xf32, #tpu.memory_space<hbm>>
      tpu.enqueue_dma source(%arg9 : memref<128x128xf32, #tpu.memory_space<vmem>>) target(%dma_start3A_138 : memref<128x128xf32, #tpu.memory_space<hbm>>) target_semaphore(%run_scoped3A : memref<!tpu.dma_semaphore, #tpu.memory_space<semaphore_mem>>)
      %dma_wait3A = tpu.memref_slice %arg6[%add3A_134, %mul3A_136] : memref<10240x512xf32, #tpu.memory_space<hbm>> -> memref<128x128xf32, #tpu.memory_space<hbm>>
      %dma_wait3A_139 = tpu.memref_slice %arg6[%add3A_134, %mul3A_136] : memref<10240x512xf32, #tpu.memory_space<hbm>> -> memref<128x128xf32, #tpu.memory_space<hbm>>
      tpu.wait_dma2 semaphore(%run_scoped3A : memref<!tpu.dma_semaphore, #tpu.memory_space<semaphore_mem>>) src(%arg9 : memref<128x128xf32, #tpu.memory_space<vmem>>) dst(%dma_wait3A_139 : memref<128x128xf32, #tpu.memory_space<hbm>>)
      tpu.yield
    }) : () -> ()
    %barrier3A_137 = arith.constant 0 : index
    tpu.barrier barrier_id(%barrier3A_137)
    return
  }
}

#map = affine_map<(d0, d1) -> (0, 0, 0)>
#map1 = affine_map<(d0, d1) -> (0, 0)>
module attributes {stable_mosaic.version = 14 : i64} {
  func.func @k(%arg0: i32, %arg1: i32, %arg2: memref<2500x1x128xi32, #tpu.memory_space<hbm>>, %arg3: memref<2500x1x128xi32, #tpu.memory_space<hbm>>, %arg4: memref<10000x128xf32, #tpu.memory_space<hbm>>, %arg5: memref<10000x128xf32, #tpu.memory_space<hbm>>, %arg6: memref<2x10240x128xf32, #tpu.memory_space<hbm>>, %arg7: memref<1x128xi32, #tpu.memory_space<vmem>>, %arg8: memref<1x128xi32, #tpu.memory_space<vmem>>, %arg9: memref<128x128xf32, #tpu.memory_space<vmem>>, %arg10: memref<128x128xf32, #tpu.memory_space<vmem>>, %arg11: memref<10240x128xf32, #tpu.memory_space<vmem_shared>>, %arg12: memref<!tpu.dma_semaphore, #tpu.memory_space<semaphore_mem>>) attributes {dimension_semantics = [#tpu.dimension_semantics<core_parallel>, #tpu.dimension_semantics<subcore_parallel>], iteration_bounds = array<i64: 2, 16>, scalar_prefetch = 0 : i64, scratch_operands = 6 : i64, tpu.core_type = #tpu.core_type<sc_vector_subcore>, window_params = [{transform_indices = #map}, {transform_indices = #map}, {transform_indices = #map1}, {transform_indices = #map1}, {transform_indices = #map}]} {
    %mul3A = arith.constant 2 : i32
    %mul3A_0 = arith.muli %arg1, %mul3A : i32
    %add3A = arith.addi %mul3A_0, %arg0 : i32
    %mul3A_1 = arith.constant 640 : i32
    %mul3A_2 = arith.muli %arg1, %mul3A_1 : i32
    %scan3A = arith.constant 0 : i32
    %scan3A_3 = arith.constant 128 : i32
    %scan3A_4 = arith.addi %scan3A, %scan3A_3 : i32
    %scan3A_5 = arith.constant 1 : i32
    scf.for %scan3A_43 = %scan3A to %scan3A_4 step %scan3A_5  : i32 {
      %mul3A_44 = arith.constant 1 : i32
      %mul3A_45 = arith.muli %scan3A_43, %mul3A_44 : i32
      %add3A_46 = arith.constant 0 : i32
      %add3A_47 = arith.addi %add3A_46, %mul3A_45 : i32
      %broadcast_in_dim3A = arith.constant 0.000000e+00 : f32
      %broadcast_in_dim3A_48 = vector.broadcast %broadcast_in_dim3A : f32 to vector<16xf32>
      %swap3A = arith.index_cast %add3A_47 : i32 to index
      %swap3A_49 = arith.constant 0 : index
      %swap3A_50 = tpu.vector_load %arg9[%swap3A, %swap3A_49] {strides = array<i32>} : memref<128x128xf32, #tpu.memory_space<vmem>>, vector<16xf32>,
      tpu.vector_store %arg9[%swap3A, %swap3A_49], %broadcast_in_dim3A_48 {strides = array<i32>} : memref<128x128xf32, #tpu.memory_space<vmem>>, vector<16xf32>,
      %broadcast_in_dim3A_51 = arith.constant 0.000000e+00 : f32
      %broadcast_in_dim3A_52 = vector.broadcast %broadcast_in_dim3A_51 : f32 to vector<16xf32>
      %swap3A_53 = arith.index_cast %add3A_47 : i32 to index
      %swap3A_54 = arith.constant 16 : index
      %swap3A_55 = tpu.vector_load %arg9[%swap3A_53, %swap3A_54] {strides = array<i32>} : memref<128x128xf32, #tpu.memory_space<vmem>>, vector<16xf32>,
      tpu.vector_store %arg9[%swap3A_53, %swap3A_54], %broadcast_in_dim3A_52 {strides = array<i32>} : memref<128x128xf32, #tpu.memory_space<vmem>>, vector<16xf32>,
      %broadcast_in_dim3A_56 = arith.constant 0.000000e+00 : f32
      %broadcast_in_dim3A_57 = vector.broadcast %broadcast_in_dim3A_56 : f32 to vector<16xf32>
      %swap3A_58 = arith.index_cast %add3A_47 : i32 to index
      %swap3A_59 = arith.constant 32 : index
      %swap3A_60 = tpu.vector_load %arg9[%swap3A_58, %swap3A_59] {strides = array<i32>} : memref<128x128xf32, #tpu.memory_space<vmem>>, vector<16xf32>,
      tpu.vector_store %arg9[%swap3A_58, %swap3A_59], %broadcast_in_dim3A_57 {strides = array<i32>} : memref<128x128xf32, #tpu.memory_space<vmem>>, vector<16xf32>,
      %broadcast_in_dim3A_61 = arith.constant 0.000000e+00 : f32
      %broadcast_in_dim3A_62 = vector.broadcast %broadcast_in_dim3A_61 : f32 to vector<16xf32>
      %swap3A_63 = arith.index_cast %add3A_47 : i32 to index
      %swap3A_64 = arith.constant 48 : index
      %swap3A_65 = tpu.vector_load %arg9[%swap3A_63, %swap3A_64] {strides = array<i32>} : memref<128x128xf32, #tpu.memory_space<vmem>>, vector<16xf32>,
      tpu.vector_store %arg9[%swap3A_63, %swap3A_64], %broadcast_in_dim3A_62 {strides = array<i32>} : memref<128x128xf32, #tpu.memory_space<vmem>>, vector<16xf32>,
      %broadcast_in_dim3A_66 = arith.constant 0.000000e+00 : f32
      %broadcast_in_dim3A_67 = vector.broadcast %broadcast_in_dim3A_66 : f32 to vector<16xf32>
      %swap3A_68 = arith.index_cast %add3A_47 : i32 to index
      %swap3A_69 = arith.constant 64 : index
      %swap3A_70 = tpu.vector_load %arg9[%swap3A_68, %swap3A_69] {strides = array<i32>} : memref<128x128xf32, #tpu.memory_space<vmem>>, vector<16xf32>,
      tpu.vector_store %arg9[%swap3A_68, %swap3A_69], %broadcast_in_dim3A_67 {strides = array<i32>} : memref<128x128xf32, #tpu.memory_space<vmem>>, vector<16xf32>,
      %broadcast_in_dim3A_71 = arith.constant 0.000000e+00 : f32
      %broadcast_in_dim3A_72 = vector.broadcast %broadcast_in_dim3A_71 : f32 to vector<16xf32>
      %swap3A_73 = arith.index_cast %add3A_47 : i32 to index
      %swap3A_74 = arith.constant 80 : index
      %swap3A_75 = tpu.vector_load %arg9[%swap3A_73, %swap3A_74] {strides = array<i32>} : memref<128x128xf32, #tpu.memory_space<vmem>>, vector<16xf32>,
      tpu.vector_store %arg9[%swap3A_73, %swap3A_74], %broadcast_in_dim3A_72 {strides = array<i32>} : memref<128x128xf32, #tpu.memory_space<vmem>>, vector<16xf32>,
      %broadcast_in_dim3A_76 = arith.constant 0.000000e+00 : f32
      %broadcast_in_dim3A_77 = vector.broadcast %broadcast_in_dim3A_76 : f32 to vector<16xf32>
      %swap3A_78 = arith.index_cast %add3A_47 : i32 to index
      %swap3A_79 = arith.constant 96 : index
      %swap3A_80 = tpu.vector_load %arg9[%swap3A_78, %swap3A_79] {strides = array<i32>} : memref<128x128xf32, #tpu.memory_space<vmem>>, vector<16xf32>,
      tpu.vector_store %arg9[%swap3A_78, %swap3A_79], %broadcast_in_dim3A_77 {strides = array<i32>} : memref<128x128xf32, #tpu.memory_space<vmem>>, vector<16xf32>,
      %broadcast_in_dim3A_81 = arith.constant 0.000000e+00 : f32
      %broadcast_in_dim3A_82 = vector.broadcast %broadcast_in_dim3A_81 : f32 to vector<16xf32>
      %swap3A_83 = arith.index_cast %add3A_47 : i32 to index
      %swap3A_84 = arith.constant 112 : index
      %swap3A_85 = tpu.vector_load %arg9[%swap3A_83, %swap3A_84] {strides = array<i32>} : memref<128x128xf32, #tpu.memory_space<vmem>>, vector<16xf32>,
      tpu.vector_store %arg9[%swap3A_83, %swap3A_84], %broadcast_in_dim3A_82 {strides = array<i32>} : memref<128x128xf32, #tpu.memory_space<vmem>>, vector<16xf32>,
    }
    %scan3A_6 = arith.constant 128 : i32
    %add3A_7 = arith.constant 0 : i32
    %add3A_8 = arith.addi %mul3A_2, %add3A_7 : i32
    "tpu.region"() ({
      %run_scoped3A = tpu.sem_alloc : memref<!tpu.dma_semaphore, #tpu.memory_space<semaphore_mem>>
      %dma_start3A = arith.constant 0 : i32
      %dma_start3A_43 = tpu.memref_slice %arg11[%add3A_8, %dma_start3A] : memref<10240x128xf32, #tpu.memory_space<vmem_shared>> -> memref<128x128xf32, #tpu.memory_space<vmem_shared>>
      %dma_start3A_44 = arith.constant 0 : i32
      %dma_start3A_45 = tpu.memref_slice %arg11[%add3A_8, %dma_start3A_44] : memref<10240x128xf32, #tpu.memory_space<vmem_shared>> -> memref<128x128xf32, #tpu.memory_space<vmem_shared>>
      tpu.enqueue_dma source(%arg9 : memref<128x128xf32, #tpu.memory_space<vmem>>) target(%dma_start3A_45 : memref<128x128xf32, #tpu.memory_space<vmem_shared>>) target_semaphore(%run_scoped3A : memref<!tpu.dma_semaphore, #tpu.memory_space<semaphore_mem>>)
      %dma_wait3A = arith.constant 0 : i32
      %dma_wait3A_46 = tpu.memref_slice %arg11[%add3A_8, %dma_wait3A] : memref<10240x128xf32, #tpu.memory_space<vmem_shared>> -> memref<128x128xf32, #tpu.memory_space<vmem_shared>>
      %dma_wait3A_47 = arith.constant 0 : i32
      %dma_wait3A_48 = tpu.memref_slice %arg11[%add3A_8, %dma_wait3A_47] : memref<10240x128xf32, #tpu.memory_space<vmem_shared>> -> memref<128x128xf32, #tpu.memory_space<vmem_shared>>
      tpu.wait_dma2 semaphore(%run_scoped3A : memref<!tpu.dma_semaphore, #tpu.memory_space<semaphore_mem>>) src(%arg9 : memref<128x128xf32, #tpu.memory_space<vmem>>) dst(%dma_wait3A_48 : memref<128x128xf32, #tpu.memory_space<vmem_shared>>)
      tpu.yield
    }) : () -> ()
    %add3A_9 = arith.constant 128 : i32
    %add3A_10 = arith.addi %mul3A_2, %add3A_9 : i32
    "tpu.region"() ({
      %run_scoped3A = tpu.sem_alloc : memref<!tpu.dma_semaphore, #tpu.memory_space<semaphore_mem>>
      %dma_start3A = arith.constant 0 : i32
      %dma_start3A_43 = tpu.memref_slice %arg11[%add3A_10, %dma_start3A] : memref<10240x128xf32, #tpu.memory_space<vmem_shared>> -> memref<128x128xf32, #tpu.memory_space<vmem_shared>>
      %dma_start3A_44 = arith.constant 0 : i32
      %dma_start3A_45 = tpu.memref_slice %arg11[%add3A_10, %dma_start3A_44] : memref<10240x128xf32, #tpu.memory_space<vmem_shared>> -> memref<128x128xf32, #tpu.memory_space<vmem_shared>>
      tpu.enqueue_dma source(%arg9 : memref<128x128xf32, #tpu.memory_space<vmem>>) target(%dma_start3A_45 : memref<128x128xf32, #tpu.memory_space<vmem_shared>>) target_semaphore(%run_scoped3A : memref<!tpu.dma_semaphore, #tpu.memory_space<semaphore_mem>>)
      %dma_wait3A = arith.constant 0 : i32
      %dma_wait3A_46 = tpu.memref_slice %arg11[%add3A_10, %dma_wait3A] : memref<10240x128xf32, #tpu.memory_space<vmem_shared>> -> memref<128x128xf32, #tpu.memory_space<vmem_shared>>
      %dma_wait3A_47 = arith.constant 0 : i32
      %dma_wait3A_48 = tpu.memref_slice %arg11[%add3A_10, %dma_wait3A_47] : memref<10240x128xf32, #tpu.memory_space<vmem_shared>> -> memref<128x128xf32, #tpu.memory_space<vmem_shared>>
      tpu.wait_dma2 semaphore(%run_scoped3A : memref<!tpu.dma_semaphore, #tpu.memory_space<semaphore_mem>>) src(%arg9 : memref<128x128xf32, #tpu.memory_space<vmem>>) dst(%dma_wait3A_48 : memref<128x128xf32, #tpu.memory_space<vmem_shared>>)
      tpu.yield
    }) : () -> ()
    %add3A_11 = arith.constant 256 : i32
    %add3A_12 = arith.addi %mul3A_2, %add3A_11 : i32
    "tpu.region"() ({
      %run_scoped3A = tpu.sem_alloc : memref<!tpu.dma_semaphore, #tpu.memory_space<semaphore_mem>>
      %dma_start3A = arith.constant 0 : i32
      %dma_start3A_43 = tpu.memref_slice %arg11[%add3A_12, %dma_start3A] : memref<10240x128xf32, #tpu.memory_space<vmem_shared>> -> memref<128x128xf32, #tpu.memory_space<vmem_shared>>
      %dma_start3A_44 = arith.constant 0 : i32
      %dma_start3A_45 = tpu.memref_slice %arg11[%add3A_12, %dma_start3A_44] : memref<10240x128xf32, #tpu.memory_space<vmem_shared>> -> memref<128x128xf32, #tpu.memory_space<vmem_shared>>
      tpu.enqueue_dma source(%arg9 : memref<128x128xf32, #tpu.memory_space<vmem>>) target(%dma_start3A_45 : memref<128x128xf32, #tpu.memory_space<vmem_shared>>) target_semaphore(%run_scoped3A : memref<!tpu.dma_semaphore, #tpu.memory_space<semaphore_mem>>)
      %dma_wait3A = arith.constant 0 : i32
      %dma_wait3A_46 = tpu.memref_slice %arg11[%add3A_12, %dma_wait3A] : memref<10240x128xf32, #tpu.memory_space<vmem_shared>> -> memref<128x128xf32, #tpu.memory_space<vmem_shared>>
      %dma_wait3A_47 = arith.constant 0 : i32
      %dma_wait3A_48 = tpu.memref_slice %arg11[%add3A_12, %dma_wait3A_47] : memref<10240x128xf32, #tpu.memory_space<vmem_shared>> -> memref<128x128xf32, #tpu.memory_space<vmem_shared>>
      tpu.wait_dma2 semaphore(%run_scoped3A : memref<!tpu.dma_semaphore, #tpu.memory_space<semaphore_mem>>) src(%arg9 : memref<128x128xf32, #tpu.memory_space<vmem>>) dst(%dma_wait3A_48 : memref<128x128xf32, #tpu.memory_space<vmem_shared>>)
      tpu.yield
    }) : () -> ()
    %add3A_13 = arith.constant 384 : i32
    %add3A_14 = arith.addi %mul3A_2, %add3A_13 : i32
    "tpu.region"() ({
      %run_scoped3A = tpu.sem_alloc : memref<!tpu.dma_semaphore, #tpu.memory_space<semaphore_mem>>
      %dma_start3A = arith.constant 0 : i32
      %dma_start3A_43 = tpu.memref_slice %arg11[%add3A_14, %dma_start3A] : memref<10240x128xf32, #tpu.memory_space<vmem_shared>> -> memref<128x128xf32, #tpu.memory_space<vmem_shared>>
      %dma_start3A_44 = arith.constant 0 : i32
      %dma_start3A_45 = tpu.memref_slice %arg11[%add3A_14, %dma_start3A_44] : memref<10240x128xf32, #tpu.memory_space<vmem_shared>> -> memref<128x128xf32, #tpu.memory_space<vmem_shared>>
      tpu.enqueue_dma source(%arg9 : memref<128x128xf32, #tpu.memory_space<vmem>>) target(%dma_start3A_45 : memref<128x128xf32, #tpu.memory_space<vmem_shared>>) target_semaphore(%run_scoped3A : memref<!tpu.dma_semaphore, #tpu.memory_space<semaphore_mem>>)
      %dma_wait3A = arith.constant 0 : i32
      %dma_wait3A_46 = tpu.memref_slice %arg11[%add3A_14, %dma_wait3A] : memref<10240x128xf32, #tpu.memory_space<vmem_shared>> -> memref<128x128xf32, #tpu.memory_space<vmem_shared>>
      %dma_wait3A_47 = arith.constant 0 : i32
      %dma_wait3A_48 = tpu.memref_slice %arg11[%add3A_14, %dma_wait3A_47] : memref<10240x128xf32, #tpu.memory_space<vmem_shared>> -> memref<128x128xf32, #tpu.memory_space<vmem_shared>>
      tpu.wait_dma2 semaphore(%run_scoped3A : memref<!tpu.dma_semaphore, #tpu.memory_space<semaphore_mem>>) src(%arg9 : memref<128x128xf32, #tpu.memory_space<vmem>>) dst(%dma_wait3A_48 : memref<128x128xf32, #tpu.memory_space<vmem_shared>>)
      tpu.yield
    }) : () -> ()
    %add3A_15 = arith.constant 512 : i32
    %add3A_16 = arith.addi %mul3A_2, %add3A_15 : i32
    "tpu.region"() ({
      %run_scoped3A = tpu.sem_alloc : memref<!tpu.dma_semaphore, #tpu.memory_space<semaphore_mem>>
      %dma_start3A = arith.constant 0 : i32
      %dma_start3A_43 = tpu.memref_slice %arg11[%add3A_16, %dma_start3A] : memref<10240x128xf32, #tpu.memory_space<vmem_shared>> -> memref<128x128xf32, #tpu.memory_space<vmem_shared>>
      %dma_start3A_44 = arith.constant 0 : i32
      %dma_start3A_45 = tpu.memref_slice %arg11[%add3A_16, %dma_start3A_44] : memref<10240x128xf32, #tpu.memory_space<vmem_shared>> -> memref<128x128xf32, #tpu.memory_space<vmem_shared>>
      tpu.enqueue_dma source(%arg9 : memref<128x128xf32, #tpu.memory_space<vmem>>) target(%dma_start3A_45 : memref<128x128xf32, #tpu.memory_space<vmem_shared>>) target_semaphore(%run_scoped3A : memref<!tpu.dma_semaphore, #tpu.memory_space<semaphore_mem>>)
      %dma_wait3A = arith.constant 0 : i32
      %dma_wait3A_46 = tpu.memref_slice %arg11[%add3A_16, %dma_wait3A] : memref<10240x128xf32, #tpu.memory_space<vmem_shared>> -> memref<128x128xf32, #tpu.memory_space<vmem_shared>>
      %dma_wait3A_47 = arith.constant 0 : i32
      %dma_wait3A_48 = tpu.memref_slice %arg11[%add3A_16, %dma_wait3A_47] : memref<10240x128xf32, #tpu.memory_space<vmem_shared>> -> memref<128x128xf32, #tpu.memory_space<vmem_shared>>
      tpu.wait_dma2 semaphore(%run_scoped3A : memref<!tpu.dma_semaphore, #tpu.memory_space<semaphore_mem>>) src(%arg9 : memref<128x128xf32, #tpu.memory_space<vmem>>) dst(%dma_wait3A_48 : memref<128x128xf32, #tpu.memory_space<vmem_shared>>)
      tpu.yield
    }) : () -> ()
    %barrier3A = arith.constant 0 : index
    tpu.barrier barrier_id(%barrier3A)
    %scan3A_17 = arith.constant 0 : i32
    %scan3A_18 = arith.constant 2500 : i32
    %scan3A_19 = arith.addi %scan3A_17, %scan3A_18 : i32
    %scan3A_20 = arith.constant 1 : i32
    scf.for %scan3A_43 = %scan3A_17 to %scan3A_19 step %scan3A_20  : i32 {
      %mul3A_44 = arith.constant 1 : i32
      %mul3A_45 = arith.muli %scan3A_43, %mul3A_44 : i32
      %add3A_46 = arith.constant 0 : i32
      %add3A_47 = arith.addi %add3A_46, %mul3A_45 : i32
      %rem3A = arith.constant 32 : i32
      %rem3A_48 = arith.remsi %add3A_47, %rem3A : i32
      %eq3A = arith.cmpi eq, %rem3A_48, %add3A : i32
      %convert_element_type3A = arith.extui %eq3A : i1 to i32
      %cond3A = arith.constant 0 : i32
      %cond3A_49 = arith.cmpi ne, %convert_element_type3A, %cond3A : i32
      scf.if %cond3A_49 {
        "tpu.region"() ({
          %run_scoped3A = tpu.sem_alloc : memref<!tpu.dma_semaphore, #tpu.memory_space<semaphore_mem>>
          %dma_start3A_113 = arith.constant 0 : i32
          %dma_start3A_114 = arith.constant 0 : i32
          %dma_start3A_115 = tpu.memref_slice %arg2[%add3A_47, %dma_start3A_113, %dma_start3A_114] : memref<2500x1x128xi32, #tpu.memory_space<hbm>> -> memref<1x1x128xi32, #tpu.memory_space<hbm>>
          %dma_start3A_116 = tpu.memref_squeeze %dma_start3A_115 : memref<1x1x128xi32, #tpu.memory_space<hbm>> -> memref<1x128xi32, #tpu.memory_space<hbm>>
          %dma_start3A_117 = arith.constant 0 : i32
          %dma_start3A_118 = arith.constant 0 : i32
          %dma_start3A_119 = tpu.memref_slice %arg2[%add3A_47, %dma_start3A_117, %dma_start3A_118] : memref<2500x1x128xi32, #tpu.memory_space<hbm>> -> memref<1x1x128xi32, #tpu.memory_space<hbm>>
          %dma_start3A_120 = tpu.memref_squeeze %dma_start3A_119 : memref<1x1x128xi32, #tpu.memory_space<hbm>> -> memref<1x128xi32, #tpu.memory_space<hbm>>
          tpu.enqueue_dma source(%dma_start3A_120 : memref<1x128xi32, #tpu.memory_space<hbm>>) target(%arg7 : memref<1x128xi32, #tpu.memory_space<vmem>>) target_semaphore(%run_scoped3A : memref<!tpu.dma_semaphore, #tpu.memory_space<semaphore_mem>>)
          %dma_wait3A_121 = arith.constant 0 : i32
          %dma_wait3A_122 = arith.constant 0 : i32
          %dma_wait3A_123 = tpu.memref_slice %arg2[%add3A_47, %dma_wait3A_121, %dma_wait3A_122] : memref<2500x1x128xi32, #tpu.memory_space<hbm>> -> memref<1x1x128xi32, #tpu.memory_space<hbm>>
          %dma_wait3A_124 = tpu.memref_squeeze %dma_wait3A_123 : memref<1x1x128xi32, #tpu.memory_space<hbm>> -> memref<1x128xi32, #tpu.memory_space<hbm>>
          %dma_wait3A_125 = arith.constant 0 : i32
          %dma_wait3A_126 = arith.constant 0 : i32
          %dma_wait3A_127 = tpu.memref_slice %arg2[%add3A_47, %dma_wait3A_125, %dma_wait3A_126] : memref<2500x1x128xi32, #tpu.memory_space<hbm>> -> memref<1x1x128xi32, #tpu.memory_space<hbm>>
          %dma_wait3A_128 = tpu.memref_squeeze %dma_wait3A_127 : memref<1x1x128xi32, #tpu.memory_space<hbm>> -> memref<1x128xi32, #tpu.memory_space<hbm>>
          tpu.wait_dma2 semaphore(%run_scoped3A : memref<!tpu.dma_semaphore, #tpu.memory_space<semaphore_mem>>) src(%dma_wait3A_128 : memref<1x128xi32, #tpu.memory_space<hbm>>) dst(%arg7 : memref<1x128xi32, #tpu.memory_space<vmem>>)
          tpu.yield
        }) : () -> ()
        "tpu.region"() ({
          %run_scoped3A = tpu.sem_alloc : memref<!tpu.dma_semaphore, #tpu.memory_space<semaphore_mem>>
          %dma_start3A_113 = arith.constant 0 : i32
          %dma_start3A_114 = arith.constant 0 : i32
          %dma_start3A_115 = tpu.memref_slice %arg3[%add3A_47, %dma_start3A_113, %dma_start3A_114] : memref<2500x1x128xi32, #tpu.memory_space<hbm>> -> memref<1x1x128xi32, #tpu.memory_space<hbm>>
          %dma_start3A_116 = tpu.memref_squeeze %dma_start3A_115 : memref<1x1x128xi32, #tpu.memory_space<hbm>> -> memref<1x128xi32, #tpu.memory_space<hbm>>
          %dma_start3A_117 = arith.constant 0 : i32
          %dma_start3A_118 = arith.constant 0 : i32
          %dma_start3A_119 = tpu.memref_slice %arg3[%add3A_47, %dma_start3A_117, %dma_start3A_118] : memref<2500x1x128xi32, #tpu.memory_space<hbm>> -> memref<1x1x128xi32, #tpu.memory_space<hbm>>
          %dma_start3A_120 = tpu.memref_squeeze %dma_start3A_119 : memref<1x1x128xi32, #tpu.memory_space<hbm>> -> memref<1x128xi32, #tpu.memory_space<hbm>>
          tpu.enqueue_dma source(%dma_start3A_120 : memref<1x128xi32, #tpu.memory_space<hbm>>) target(%arg8 : memref<1x128xi32, #tpu.memory_space<vmem>>) target_semaphore(%run_scoped3A : memref<!tpu.dma_semaphore, #tpu.memory_space<semaphore_mem>>)
          %dma_wait3A_121 = arith.constant 0 : i32
          %dma_wait3A_122 = arith.constant 0 : i32
          %dma_wait3A_123 = tpu.memref_slice %arg3[%add3A_47, %dma_wait3A_121, %dma_wait3A_122] : memref<2500x1x128xi32, #tpu.memory_space<hbm>> -> memref<1x1x128xi32, #tpu.memory_space<hbm>>
          %dma_wait3A_124 = tpu.memref_squeeze %dma_wait3A_123 : memref<1x1x128xi32, #tpu.memory_space<hbm>> -> memref<1x128xi32, #tpu.memory_space<hbm>>
          %dma_wait3A_125 = arith.constant 0 : i32
          %dma_wait3A_126 = arith.constant 0 : i32
          %dma_wait3A_127 = tpu.memref_slice %arg3[%add3A_47, %dma_wait3A_125, %dma_wait3A_126] : memref<2500x1x128xi32, #tpu.memory_space<hbm>> -> memref<1x1x128xi32, #tpu.memory_space<hbm>>
          %dma_wait3A_128 = tpu.memref_squeeze %dma_wait3A_127 : memref<1x1x128xi32, #tpu.memory_space<hbm>> -> memref<1x128xi32, #tpu.memory_space<hbm>>
          tpu.wait_dma2 semaphore(%run_scoped3A : memref<!tpu.dma_semaphore, #tpu.memory_space<semaphore_mem>>) src(%dma_wait3A_128 : memref<1x128xi32, #tpu.memory_space<hbm>>) dst(%arg8 : memref<1x128xi32, #tpu.memory_space<vmem>>)
          tpu.yield
        }) : () -> ()
        %dma_start3A = arith.constant 0 : i32
        %dma_start3A_50 = arith.constant 0 : i32
        %dma_start3A_51 = arith.constant 0 : i32
        %dma_start3A_52 = tpu.memref_slice %arg9[%dma_start3A_50, %dma_start3A_51] : memref<128x128xf32, #tpu.memory_space<vmem>> -> memref<128x128xf32, #tpu.memory_space<vmem>>
        %dma_start3A_53 = arith.constant 0 : i32
        %dma_start3A_54 = tpu.memref_slice %arg7[%dma_start3A, %dma_start3A_53] : memref<1x128xi32, #tpu.memory_space<vmem>> -> memref<1x128xi32, #tpu.memory_space<vmem>>
        %dma_start3A_55 = tpu.memref_squeeze %dma_start3A_54 : memref<1x128xi32, #tpu.memory_space<vmem>> -> memref<128xi32, #tpu.memory_space<vmem>>
        %dma_start3A_56 = arith.constant 0 : i32
        %dma_start3A_57 = arith.constant 0 : i32
        %dma_start3A_58 = tpu.memref_slice %arg4[%dma_start3A_56, %dma_start3A_57] : memref<10000x128xf32, #tpu.memory_space<hbm>> -> memref<10000x128xf32, #tpu.memory_space<hbm>>
        tpu.enqueue_indirect_dma source(%dma_start3A_58 : memref<10000x128xf32, #tpu.memory_space<hbm>>) target(%dma_start3A_52 : memref<128x128xf32, #tpu.memory_space<vmem>>) offsets(%dma_start3A_55 : memref<128xi32, #tpu.memory_space<vmem>>) semaphore(%arg12 : memref<!tpu.dma_semaphore, #tpu.memory_space<semaphore_mem>>)
        %dma_start3A_59 = arith.constant 0 : i32
        %dma_start3A_60 = arith.constant 0 : i32
        %dma_start3A_61 = arith.constant 0 : i32
        %dma_start3A_62 = tpu.memref_slice %arg10[%dma_start3A_60, %dma_start3A_61] : memref<128x128xf32, #tpu.memory_space<vmem>> -> memref<128x128xf32, #tpu.memory_space<vmem>>
        %dma_start3A_63 = arith.constant 0 : i32
        %dma_start3A_64 = tpu.memref_slice %arg8[%dma_start3A_59, %dma_start3A_63] : memref<1x128xi32, #tpu.memory_space<vmem>> -> memref<1x128xi32, #tpu.memory_space<vmem>>
        %dma_start3A_65 = tpu.memref_squeeze %dma_start3A_64 : memref<1x128xi32, #tpu.memory_space<vmem>> -> memref<128xi32, #tpu.memory_space<vmem>>
        %dma_start3A_66 = arith.constant 0 : i32
        %dma_start3A_67 = arith.constant 0 : i32
        %dma_start3A_68 = tpu.memref_slice %arg5[%dma_start3A_66, %dma_start3A_67] : memref<10000x128xf32, #tpu.memory_space<hbm>> -> memref<10000x128xf32, #tpu.memory_space<hbm>>
        tpu.enqueue_indirect_dma source(%dma_start3A_68 : memref<10000x128xf32, #tpu.memory_space<hbm>>) target(%dma_start3A_62 : memref<128x128xf32, #tpu.memory_space<vmem>>) offsets(%dma_start3A_65 : memref<128xi32, #tpu.memory_space<vmem>>) semaphore(%arg12 : memref<!tpu.dma_semaphore, #tpu.memory_space<semaphore_mem>>)
        %dma_wait3A = arith.constant 0 : i32
        %dma_wait3A_69 = arith.constant 0 : i32
        %dma_wait3A_70 = arith.constant 0 : i32
        %dma_wait3A_71 = tpu.memref_slice %arg9[%dma_wait3A_69, %dma_wait3A_70] : memref<128x128xf32, #tpu.memory_space<vmem>> -> memref<128x128xf32, #tpu.memory_space<vmem>>
        %dma_wait3A_72 = arith.constant 0 : i32
        %dma_wait3A_73 = tpu.memref_slice %arg7[%dma_wait3A, %dma_wait3A_72] : memref<1x128xi32, #tpu.memory_space<vmem>> -> memref<1x128xi32, #tpu.memory_space<vmem>>
        %dma_wait3A_74 = tpu.memref_squeeze %dma_wait3A_73 : memref<1x128xi32, #tpu.memory_space<vmem>> -> memref<128xi32, #tpu.memory_space<vmem>>
        %dma_wait3A_75 = arith.constant 0 : i32
        %dma_wait3A_76 = arith.constant 0 : i32
        %dma_wait3A_77 = tpu.memref_slice %arg4[%dma_wait3A_75, %dma_wait3A_76] : memref<10000x128xf32, #tpu.memory_space<hbm>> -> memref<10000x128xf32, #tpu.memory_space<hbm>>
        tpu.wait_indirect_dma semaphore(%arg12 : memref<!tpu.dma_semaphore, #tpu.memory_space<semaphore_mem>>) src(%dma_wait3A_77 : memref<10000x128xf32, #tpu.memory_space<hbm>>) dst(%dma_wait3A_71 : memref<128x128xf32, #tpu.memory_space<vmem>>)
        %dma_wait3A_78 = arith.constant 0 : i32
        %dma_wait3A_79 = arith.constant 0 : i32
        %dma_wait3A_80 = arith.constant 0 : i32
        %dma_wait3A_81 = tpu.memref_slice %arg10[%dma_wait3A_79, %dma_wait3A_80] : memref<128x128xf32, #tpu.memory_space<vmem>> -> memref<128x128xf32, #tpu.memory_space<vmem>>
        %dma_wait3A_82 = arith.constant 0 : i32
        %dma_wait3A_83 = tpu.memref_slice %arg8[%dma_wait3A_78, %dma_wait3A_82] : memref<1x128xi32, #tpu.memory_space<vmem>> -> memref<1x128xi32, #tpu.memory_space<vmem>>
        %dma_wait3A_84 = tpu.memref_squeeze %dma_wait3A_83 : memref<1x128xi32, #tpu.memory_space<vmem>> -> memref<128xi32, #tpu.memory_space<vmem>>
        %dma_wait3A_85 = arith.constant 0 : i32
        %dma_wait3A_86 = arith.constant 0 : i32
        %dma_wait3A_87 = tpu.memref_slice %arg5[%dma_wait3A_85, %dma_wait3A_86] : memref<10000x128xf32, #tpu.memory_space<hbm>> -> memref<10000x128xf32, #tpu.memory_space<hbm>>
        tpu.wait_indirect_dma semaphore(%arg12 : memref<!tpu.dma_semaphore, #tpu.memory_space<semaphore_mem>>) src(%dma_wait3A_87 : memref<10000x128xf32, #tpu.memory_space<hbm>>) dst(%dma_wait3A_81 : memref<128x128xf32, #tpu.memory_space<vmem>>)
        %scan3A_88 = arith.constant 0 : i32
        %scan3A_89 = arith.constant 128 : i32
        %scan3A_90 = arith.addi %scan3A_88, %scan3A_89 : i32
        %scan3A_91 = arith.constant 1 : i32
        scf.for %scan3A_113 = %scan3A_88 to %scan3A_90 step %scan3A_91  : i32 {
          %mul3A_114 = arith.constant 1 : i32
          %mul3A_115 = arith.muli %scan3A_113, %mul3A_114 : i32
          %add3A_116 = arith.constant 0 : i32
          %add3A_117 = arith.addi %add3A_116, %mul3A_115 : i32
          %get3A = arith.index_cast %add3A_117 : i32 to index
          %get3A_118 = arith.constant 0 : index
          %get3A_119 = tpu.vector_load %arg9[%get3A, %get3A_118] {strides = array<i32>} : memref<128x128xf32, #tpu.memory_space<vmem>>, vector<16xf32>,
          %get3A_120 = arith.index_cast %add3A_117 : i32 to index
          %get3A_121 = arith.constant 0 : index
          %get3A_122 = tpu.vector_load %arg10[%get3A_120, %get3A_121] {strides = array<i32>} : memref<128x128xf32, #tpu.memory_space<vmem>>, vector<16xf32>,
          %add3A_123 = arith.addf %get3A_119, %get3A_122 : vector<16xf32>
          %mul3A_124 = arith.constant 2.000000e-01 : f32
          %mul3A_125 = vector.broadcast %mul3A_124 : f32 to vector<16xf32>
          %mul3A_126 = arith.mulf %add3A_123, %mul3A_125 : vector<16xf32>
          %max3A = arith.maximumf %add3A_123, %mul3A_126 : vector<16xf32>
          %exp3A = math.exp %max3A : vector<16xf32>
          %swap3A = arith.index_cast %add3A_117 : i32 to index
          %swap3A_127 = arith.constant 0 : index
          %swap3A_128 = tpu.vector_load %arg9[%swap3A, %swap3A_127] {strides = array<i32>} : memref<128x128xf32, #tpu.memory_space<vmem>>, vector<16xf32>,
          tpu.vector_store %arg9[%swap3A, %swap3A_127], %exp3A {strides = array<i32>} : memref<128x128xf32, #tpu.memory_space<vmem>>, vector<16xf32>,
        }
        %scan3A_92 = arith.constant 128 : i32
        %dma_start3A_93 = arith.constant 0 : i32
        %dma_start3A_94 = arith.constant 0 : i32
        %dma_start3A_95 = arith.constant 0 : i32
        %dma_start3A_96 = tpu.memref_slice %arg9[%dma_start3A_94, %dma_start3A_95] : memref<128x128xf32, #tpu.memory_space<vmem>> -> memref<128x128xf32, #tpu.memory_space<vmem>>
        %dma_start3A_97 = arith.constant 0 : i32
        %dma_start3A_98 = tpu.memref_slice %arg8[%dma_start3A_93, %dma_start3A_97] : memref<1x128xi32, #tpu.memory_space<vmem>> -> memref<1x128xi32, #tpu.memory_space<vmem>>
        %dma_start3A_99 = tpu.memref_squeeze %dma_start3A_98 : memref<1x128xi32, #tpu.memory_space<vmem>> -> memref<128xi32, #tpu.memory_space<vmem>>
        %dma_start3A_100 = arith.constant 0 : i32
        %dma_start3A_101 = arith.constant 0 : i32
        %dma_start3A_102 = tpu.memref_slice %arg11[%dma_start3A_100, %dma_start3A_101] : memref<10240x128xf32, #tpu.memory_space<vmem_shared>> -> memref<10240x128xf32, #tpu.memory_space<vmem_shared>>
        tpu.enqueue_indirect_dma source(%dma_start3A_96 : memref<128x128xf32, #tpu.memory_space<vmem>>) target(%dma_start3A_102 : memref<10240x128xf32, #tpu.memory_space<vmem_shared>>) offsets(%dma_start3A_99 : memref<128xi32, #tpu.memory_space<vmem>>) semaphore(%arg12 : memref<!tpu.dma_semaphore, #tpu.memory_space<semaphore_mem>>) {add = true}
        %dma_wait3A_103 = arith.constant 0 : i32
        %dma_wait3A_104 = arith.constant 0 : i32
        %dma_wait3A_105 = arith.constant 0 : i32
        %dma_wait3A_106 = tpu.memref_slice %arg9[%dma_wait3A_104, %dma_wait3A_105] : memref<128x128xf32, #tpu.memory_space<vmem>> -> memref<128x128xf32, #tpu.memory_space<vmem>>
        %dma_wait3A_107 = arith.constant 0 : i32
        %dma_wait3A_108 = tpu.memref_slice %arg8[%dma_wait3A_103, %dma_wait3A_107] : memref<1x128xi32, #tpu.memory_space<vmem>> -> memref<1x128xi32, #tpu.memory_space<vmem>>
        %dma_wait3A_109 = tpu.memref_squeeze %dma_wait3A_108 : memref<1x128xi32, #tpu.memory_space<vmem>> -> memref<128xi32, #tpu.memory_space<vmem>>
        %dma_wait3A_110 = arith.constant 0 : i32
        %dma_wait3A_111 = arith.constant 0 : i32
        %dma_wait3A_112 = tpu.memref_slice %arg11[%dma_wait3A_110, %dma_wait3A_111] : memref<10240x128xf32, #tpu.memory_space<vmem_shared>> -> memref<10240x128xf32, #tpu.memory_space<vmem_shared>>
        tpu.wait_indirect_dma semaphore(%arg12 : memref<!tpu.dma_semaphore, #tpu.memory_space<semaphore_mem>>) src(%dma_wait3A_106 : memref<128x128xf32, #tpu.memory_space<vmem>>) dst(%dma_wait3A_112 : memref<10240x128xf32, #tpu.memory_space<vmem_shared>>)
      } else {
      }
    }
    %scan3A_21 = arith.constant 2500 : i32
    %barrier3A_22 = arith.constant 0 : index
    tpu.barrier barrier_id(%barrier3A_22)
    %add3A_23 = arith.constant 0 : i32
    %add3A_24 = arith.addi %mul3A_2, %add3A_23 : i32
    "tpu.region"() ({
      %run_scoped3A = tpu.sem_alloc : memref<!tpu.dma_semaphore, #tpu.memory_space<semaphore_mem>>
      %dma_start3A = arith.constant 0 : i32
      %dma_start3A_43 = tpu.memref_slice %arg11[%add3A_24, %dma_start3A] : memref<10240x128xf32, #tpu.memory_space<vmem_shared>> -> memref<128x128xf32, #tpu.memory_space<vmem_shared>>
      %dma_start3A_44 = arith.constant 0 : i32
      %dma_start3A_45 = tpu.memref_slice %arg11[%add3A_24, %dma_start3A_44] : memref<10240x128xf32, #tpu.memory_space<vmem_shared>> -> memref<128x128xf32, #tpu.memory_space<vmem_shared>>
      tpu.enqueue_dma source(%dma_start3A_45 : memref<128x128xf32, #tpu.memory_space<vmem_shared>>) target(%arg9 : memref<128x128xf32, #tpu.memory_space<vmem>>) target_semaphore(%run_scoped3A : memref<!tpu.dma_semaphore, #tpu.memory_space<semaphore_mem>>)
      %dma_wait3A = arith.constant 0 : i32
      %dma_wait3A_46 = tpu.memref_slice %arg11[%add3A_24, %dma_wait3A] : memref<10240x128xf32, #tpu.memory_space<vmem_shared>> -> memref<128x128xf32, #tpu.memory_space<vmem_shared>>
      %dma_wait3A_47 = arith.constant 0 : i32
      %dma_wait3A_48 = tpu.memref_slice %arg11[%add3A_24, %dma_wait3A_47] : memref<10240x128xf32, #tpu.memory_space<vmem_shared>> -> memref<128x128xf32, #tpu.memory_space<vmem_shared>>
      tpu.wait_dma2 semaphore(%run_scoped3A : memref<!tpu.dma_semaphore, #tpu.memory_space<semaphore_mem>>) src(%dma_wait3A_48 : memref<128x128xf32, #tpu.memory_space<vmem_shared>>) dst(%arg9 : memref<128x128xf32, #tpu.memory_space<vmem>>)
      tpu.yield
    }) : () -> ()
    %add3A_25 = arith.constant 0 : i32
    %add3A_26 = arith.addi %mul3A_2, %add3A_25 : i32
    "tpu.region"() ({
      %run_scoped3A = tpu.sem_alloc : memref<!tpu.dma_semaphore, #tpu.memory_space<semaphore_mem>>
      %dma_start3A = arith.constant 0 : i32
      %dma_start3A_43 = tpu.memref_slice %arg6[%arg0, %add3A_26, %dma_start3A] : memref<2x10240x128xf32, #tpu.memory_space<hbm>> -> memref<1x128x128xf32, #tpu.memory_space<hbm>>
      %dma_start3A_44 = tpu.memref_squeeze %dma_start3A_43 : memref<1x128x128xf32, #tpu.memory_space<hbm>> -> memref<128x128xf32, #tpu.memory_space<hbm>>
      %dma_start3A_45 = arith.constant 0 : i32
      %dma_start3A_46 = tpu.memref_slice %arg6[%arg0, %add3A_26, %dma_start3A_45] : memref<2x10240x128xf32, #tpu.memory_space<hbm>> -> memref<1x128x128xf32, #tpu.memory_space<hbm>>
      %dma_start3A_47 = tpu.memref_squeeze %dma_start3A_46 : memref<1x128x128xf32, #tpu.memory_space<hbm>> -> memref<128x128xf32, #tpu.memory_space<hbm>>
      tpu.enqueue_dma source(%arg9 : memref<128x128xf32, #tpu.memory_space<vmem>>) target(%dma_start3A_47 : memref<128x128xf32, #tpu.memory_space<hbm>>) target_semaphore(%run_scoped3A : memref<!tpu.dma_semaphore, #tpu.memory_space<semaphore_mem>>)
      %dma_wait3A = arith.constant 0 : i32
      %dma_wait3A_48 = tpu.memref_slice %arg6[%arg0, %add3A_26, %dma_wait3A] : memref<2x10240x128xf32, #tpu.memory_space<hbm>> -> memref<1x128x128xf32, #tpu.memory_space<hbm>>
      %dma_wait3A_49 = tpu.memref_squeeze %dma_wait3A_48 : memref<1x128x128xf32, #tpu.memory_space<hbm>> -> memref<128x128xf32, #tpu.memory_space<hbm>>
      %dma_wait3A_50 = arith.constant 0 : i32
      %dma_wait3A_51 = tpu.memref_slice %arg6[%arg0, %add3A_26, %dma_wait3A_50] : memref<2x10240x128xf32, #tpu.memory_space<hbm>> -> memref<1x128x128xf32, #tpu.memory_space<hbm>>
      %dma_wait3A_52 = tpu.memref_squeeze %dma_wait3A_51 : memref<1x128x128xf32, #tpu.memory_space<hbm>> -> memref<128x128xf32, #tpu.memory_space<hbm>>
      tpu.wait_dma2 semaphore(%run_scoped3A : memref<!tpu.dma_semaphore, #tpu.memory_space<semaphore_mem>>) src(%arg9 : memref<128x128xf32, #tpu.memory_space<vmem>>) dst(%dma_wait3A_52 : memref<128x128xf32, #tpu.memory_space<hbm>>)
      tpu.yield
    }) : () -> ()
    %add3A_27 = arith.constant 128 : i32
    %add3A_28 = arith.addi %mul3A_2, %add3A_27 : i32
    "tpu.region"() ({
      %run_scoped3A = tpu.sem_alloc : memref<!tpu.dma_semaphore, #tpu.memory_space<semaphore_mem>>
      %dma_start3A = arith.constant 0 : i32
      %dma_start3A_43 = tpu.memref_slice %arg11[%add3A_28, %dma_start3A] : memref<10240x128xf32, #tpu.memory_space<vmem_shared>> -> memref<128x128xf32, #tpu.memory_space<vmem_shared>>
      %dma_start3A_44 = arith.constant 0 : i32
      %dma_start3A_45 = tpu.memref_slice %arg11[%add3A_28, %dma_start3A_44] : memref<10240x128xf32, #tpu.memory_space<vmem_shared>> -> memref<128x128xf32, #tpu.memory_space<vmem_shared>>
      tpu.enqueue_dma source(%dma_start3A_45 : memref<128x128xf32, #tpu.memory_space<vmem_shared>>) target(%arg9 : memref<128x128xf32, #tpu.memory_space<vmem>>) target_semaphore(%run_scoped3A : memref<!tpu.dma_semaphore, #tpu.memory_space<semaphore_mem>>)
      %dma_wait3A = arith.constant 0 : i32
      %dma_wait3A_46 = tpu.memref_slice %arg11[%add3A_28, %dma_wait3A] : memref<10240x128xf32, #tpu.memory_space<vmem_shared>> -> memref<128x128xf32, #tpu.memory_space<vmem_shared>>
      %dma_wait3A_47 = arith.constant 0 : i32
      %dma_wait3A_48 = tpu.memref_slice %arg11[%add3A_28, %dma_wait3A_47] : memref<10240x128xf32, #tpu.memory_space<vmem_shared>> -> memref<128x128xf32, #tpu.memory_space<vmem_shared>>
      tpu.wait_dma2 semaphore(%run_scoped3A : memref<!tpu.dma_semaphore, #tpu.memory_space<semaphore_mem>>) src(%dma_wait3A_48 : memref<128x128xf32, #tpu.memory_space<vmem_shared>>) dst(%arg9 : memref<128x128xf32, #tpu.memory_space<vmem>>)
      tpu.yield
    }) : () -> ()
    %add3A_29 = arith.constant 128 : i32
    %add3A_30 = arith.addi %mul3A_2, %add3A_29 : i32
    "tpu.region"() ({
      %run_scoped3A = tpu.sem_alloc : memref<!tpu.dma_semaphore, #tpu.memory_space<semaphore_mem>>
      %dma_start3A = arith.constant 0 : i32
      %dma_start3A_43 = tpu.memref_slice %arg6[%arg0, %add3A_30, %dma_start3A] : memref<2x10240x128xf32, #tpu.memory_space<hbm>> -> memref<1x128x128xf32, #tpu.memory_space<hbm>>
      %dma_start3A_44 = tpu.memref_squeeze %dma_start3A_43 : memref<1x128x128xf32, #tpu.memory_space<hbm>> -> memref<128x128xf32, #tpu.memory_space<hbm>>
      %dma_start3A_45 = arith.constant 0 : i32
      %dma_start3A_46 = tpu.memref_slice %arg6[%arg0, %add3A_30, %dma_start3A_45] : memref<2x10240x128xf32, #tpu.memory_space<hbm>> -> memref<1x128x128xf32, #tpu.memory_space<hbm>>
      %dma_start3A_47 = tpu.memref_squeeze %dma_start3A_46 : memref<1x128x128xf32, #tpu.memory_space<hbm>> -> memref<128x128xf32, #tpu.memory_space<hbm>>
      tpu.enqueue_dma source(%arg9 : memref<128x128xf32, #tpu.memory_space<vmem>>) target(%dma_start3A_47 : memref<128x128xf32, #tpu.memory_space<hbm>>) target_semaphore(%run_scoped3A : memref<!tpu.dma_semaphore, #tpu.memory_space<semaphore_mem>>)
      %dma_wait3A = arith.constant 0 : i32
      %dma_wait3A_48 = tpu.memref_slice %arg6[%arg0, %add3A_30, %dma_wait3A] : memref<2x10240x128xf32, #tpu.memory_space<hbm>> -> memref<1x128x128xf32, #tpu.memory_space<hbm>>
      %dma_wait3A_49 = tpu.memref_squeeze %dma_wait3A_48 : memref<1x128x128xf32, #tpu.memory_space<hbm>> -> memref<128x128xf32, #tpu.memory_space<hbm>>
      %dma_wait3A_50 = arith.constant 0 : i32
      %dma_wait3A_51 = tpu.memref_slice %arg6[%arg0, %add3A_30, %dma_wait3A_50] : memref<2x10240x128xf32, #tpu.memory_space<hbm>> -> memref<1x128x128xf32, #tpu.memory_space<hbm>>
      %dma_wait3A_52 = tpu.memref_squeeze %dma_wait3A_51 : memref<1x128x128xf32, #tpu.memory_space<hbm>> -> memref<128x128xf32, #tpu.memory_space<hbm>>
      tpu.wait_dma2 semaphore(%run_scoped3A : memref<!tpu.dma_semaphore, #tpu.memory_space<semaphore_mem>>) src(%arg9 : memref<128x128xf32, #tpu.memory_space<vmem>>) dst(%dma_wait3A_52 : memref<128x128xf32, #tpu.memory_space<hbm>>)
      tpu.yield
    }) : () -> ()
    %add3A_31 = arith.constant 256 : i32
    %add3A_32 = arith.addi %mul3A_2, %add3A_31 : i32
    "tpu.region"() ({
      %run_scoped3A = tpu.sem_alloc : memref<!tpu.dma_semaphore, #tpu.memory_space<semaphore_mem>>
      %dma_start3A = arith.constant 0 : i32
      %dma_start3A_43 = tpu.memref_slice %arg11[%add3A_32, %dma_start3A] : memref<10240x128xf32, #tpu.memory_space<vmem_shared>> -> memref<128x128xf32, #tpu.memory_space<vmem_shared>>
      %dma_start3A_44 = arith.constant 0 : i32
      %dma_start3A_45 = tpu.memref_slice %arg11[%add3A_32, %dma_start3A_44] : memref<10240x128xf32, #tpu.memory_space<vmem_shared>> -> memref<128x128xf32, #tpu.memory_space<vmem_shared>>
      tpu.enqueue_dma source(%dma_start3A_45 : memref<128x128xf32, #tpu.memory_space<vmem_shared>>) target(%arg9 : memref<128x128xf32, #tpu.memory_space<vmem>>) target_semaphore(%run_scoped3A : memref<!tpu.dma_semaphore, #tpu.memory_space<semaphore_mem>>)
      %dma_wait3A = arith.constant 0 : i32
      %dma_wait3A_46 = tpu.memref_slice %arg11[%add3A_32, %dma_wait3A] : memref<10240x128xf32, #tpu.memory_space<vmem_shared>> -> memref<128x128xf32, #tpu.memory_space<vmem_shared>>
      %dma_wait3A_47 = arith.constant 0 : i32
      %dma_wait3A_48 = tpu.memref_slice %arg11[%add3A_32, %dma_wait3A_47] : memref<10240x128xf32, #tpu.memory_space<vmem_shared>> -> memref<128x128xf32, #tpu.memory_space<vmem_shared>>
      tpu.wait_dma2 semaphore(%run_scoped3A : memref<!tpu.dma_semaphore, #tpu.memory_space<semaphore_mem>>) src(%dma_wait3A_48 : memref<128x128xf32, #tpu.memory_space<vmem_shared>>) dst(%arg9 : memref<128x128xf32, #tpu.memory_space<vmem>>)
      tpu.yield
    }) : () -> ()
    %add3A_33 = arith.constant 256 : i32
    %add3A_34 = arith.addi %mul3A_2, %add3A_33 : i32
    "tpu.region"() ({
      %run_scoped3A = tpu.sem_alloc : memref<!tpu.dma_semaphore, #tpu.memory_space<semaphore_mem>>
      %dma_start3A = arith.constant 0 : i32
      %dma_start3A_43 = tpu.memref_slice %arg6[%arg0, %add3A_34, %dma_start3A] : memref<2x10240x128xf32, #tpu.memory_space<hbm>> -> memref<1x128x128xf32, #tpu.memory_space<hbm>>
      %dma_start3A_44 = tpu.memref_squeeze %dma_start3A_43 : memref<1x128x128xf32, #tpu.memory_space<hbm>> -> memref<128x128xf32, #tpu.memory_space<hbm>>
      %dma_start3A_45 = arith.constant 0 : i32
      %dma_start3A_46 = tpu.memref_slice %arg6[%arg0, %add3A_34, %dma_start3A_45] : memref<2x10240x128xf32, #tpu.memory_space<hbm>> -> memref<1x128x128xf32, #tpu.memory_space<hbm>>
      %dma_start3A_47 = tpu.memref_squeeze %dma_start3A_46 : memref<1x128x128xf32, #tpu.memory_space<hbm>> -> memref<128x128xf32, #tpu.memory_space<hbm>>
      tpu.enqueue_dma source(%arg9 : memref<128x128xf32, #tpu.memory_space<vmem>>) target(%dma_start3A_47 : memref<128x128xf32, #tpu.memory_space<hbm>>) target_semaphore(%run_scoped3A : memref<!tpu.dma_semaphore, #tpu.memory_space<semaphore_mem>>)
      %dma_wait3A = arith.constant 0 : i32
      %dma_wait3A_48 = tpu.memref_slice %arg6[%arg0, %add3A_34, %dma_wait3A] : memref<2x10240x128xf32, #tpu.memory_space<hbm>> -> memref<1x128x128xf32, #tpu.memory_space<hbm>>
      %dma_wait3A_49 = tpu.memref_squeeze %dma_wait3A_48 : memref<1x128x128xf32, #tpu.memory_space<hbm>> -> memref<128x128xf32, #tpu.memory_space<hbm>>
      %dma_wait3A_50 = arith.constant 0 : i32
      %dma_wait3A_51 = tpu.memref_slice %arg6[%arg0, %add3A_34, %dma_wait3A_50] : memref<2x10240x128xf32, #tpu.memory_space<hbm>> -> memref<1x128x128xf32, #tpu.memory_space<hbm>>
      %dma_wait3A_52 = tpu.memref_squeeze %dma_wait3A_51 : memref<1x128x128xf32, #tpu.memory_space<hbm>> -> memref<128x128xf32, #tpu.memory_space<hbm>>
      tpu.wait_dma2 semaphore(%run_scoped3A : memref<!tpu.dma_semaphore, #tpu.memory_space<semaphore_mem>>) src(%arg9 : memref<128x128xf32, #tpu.memory_space<vmem>>) dst(%dma_wait3A_52 : memref<128x128xf32, #tpu.memory_space<hbm>>)
      tpu.yield
    }) : () -> ()
    %add3A_35 = arith.constant 384 : i32
    %add3A_36 = arith.addi %mul3A_2, %add3A_35 : i32
    "tpu.region"() ({
      %run_scoped3A = tpu.sem_alloc : memref<!tpu.dma_semaphore, #tpu.memory_space<semaphore_mem>>
      %dma_start3A = arith.constant 0 : i32
      %dma_start3A_43 = tpu.memref_slice %arg11[%add3A_36, %dma_start3A] : memref<10240x128xf32, #tpu.memory_space<vmem_shared>> -> memref<128x128xf32, #tpu.memory_space<vmem_shared>>
      %dma_start3A_44 = arith.constant 0 : i32
      %dma_start3A_45 = tpu.memref_slice %arg11[%add3A_36, %dma_start3A_44] : memref<10240x128xf32, #tpu.memory_space<vmem_shared>> -> memref<128x128xf32, #tpu.memory_space<vmem_shared>>
      tpu.enqueue_dma source(%dma_start3A_45 : memref<128x128xf32, #tpu.memory_space<vmem_shared>>) target(%arg9 : memref<128x128xf32, #tpu.memory_space<vmem>>) target_semaphore(%run_scoped3A : memref<!tpu.dma_semaphore, #tpu.memory_space<semaphore_mem>>)
      %dma_wait3A = arith.constant 0 : i32
      %dma_wait3A_46 = tpu.memref_slice %arg11[%add3A_36, %dma_wait3A] : memref<10240x128xf32, #tpu.memory_space<vmem_shared>> -> memref<128x128xf32, #tpu.memory_space<vmem_shared>>
      %dma_wait3A_47 = arith.constant 0 : i32
      %dma_wait3A_48 = tpu.memref_slice %arg11[%add3A_36, %dma_wait3A_47] : memref<10240x128xf32, #tpu.memory_space<vmem_shared>> -> memref<128x128xf32, #tpu.memory_space<vmem_shared>>
      tpu.wait_dma2 semaphore(%run_scoped3A : memref<!tpu.dma_semaphore, #tpu.memory_space<semaphore_mem>>) src(%dma_wait3A_48 : memref<128x128xf32, #tpu.memory_space<vmem_shared>>) dst(%arg9 : memref<128x128xf32, #tpu.memory_space<vmem>>)
      tpu.yield
    }) : () -> ()
    %add3A_37 = arith.constant 384 : i32
    %add3A_38 = arith.addi %mul3A_2, %add3A_37 : i32
    "tpu.region"() ({
      %run_scoped3A = tpu.sem_alloc : memref<!tpu.dma_semaphore, #tpu.memory_space<semaphore_mem>>
      %dma_start3A = arith.constant 0 : i32
      %dma_start3A_43 = tpu.memref_slice %arg6[%arg0, %add3A_38, %dma_start3A] : memref<2x10240x128xf32, #tpu.memory_space<hbm>> -> memref<1x128x128xf32, #tpu.memory_space<hbm>>
      %dma_start3A_44 = tpu.memref_squeeze %dma_start3A_43 : memref<1x128x128xf32, #tpu.memory_space<hbm>> -> memref<128x128xf32, #tpu.memory_space<hbm>>
      %dma_start3A_45 = arith.constant 0 : i32
      %dma_start3A_46 = tpu.memref_slice %arg6[%arg0, %add3A_38, %dma_start3A_45] : memref<2x10240x128xf32, #tpu.memory_space<hbm>> -> memref<1x128x128xf32, #tpu.memory_space<hbm>>
      %dma_start3A_47 = tpu.memref_squeeze %dma_start3A_46 : memref<1x128x128xf32, #tpu.memory_space<hbm>> -> memref<128x128xf32, #tpu.memory_space<hbm>>
      tpu.enqueue_dma source(%arg9 : memref<128x128xf32, #tpu.memory_space<vmem>>) target(%dma_start3A_47 : memref<128x128xf32, #tpu.memory_space<hbm>>) target_semaphore(%run_scoped3A : memref<!tpu.dma_semaphore, #tpu.memory_space<semaphore_mem>>)
      %dma_wait3A = arith.constant 0 : i32
      %dma_wait3A_48 = tpu.memref_slice %arg6[%arg0, %add3A_38, %dma_wait3A] : memref<2x10240x128xf32, #tpu.memory_space<hbm>> -> memref<1x128x128xf32, #tpu.memory_space<hbm>>
      %dma_wait3A_49 = tpu.memref_squeeze %dma_wait3A_48 : memref<1x128x128xf32, #tpu.memory_space<hbm>> -> memref<128x128xf32, #tpu.memory_space<hbm>>
      %dma_wait3A_50 = arith.constant 0 : i32
      %dma_wait3A_51 = tpu.memref_slice %arg6[%arg0, %add3A_38, %dma_wait3A_50] : memref<2x10240x128xf32, #tpu.memory_space<hbm>> -> memref<1x128x128xf32, #tpu.memory_space<hbm>>
      %dma_wait3A_52 = tpu.memref_squeeze %dma_wait3A_51 : memref<1x128x128xf32, #tpu.memory_space<hbm>> -> memref<128x128xf32, #tpu.memory_space<hbm>>
      tpu.wait_dma2 semaphore(%run_scoped3A : memref<!tpu.dma_semaphore, #tpu.memory_space<semaphore_mem>>) src(%arg9 : memref<128x128xf32, #tpu.memory_space<vmem>>) dst(%dma_wait3A_52 : memref<128x128xf32, #tpu.memory_space<hbm>>)
      tpu.yield
    }) : () -> ()
    %add3A_39 = arith.constant 512 : i32
    %add3A_40 = arith.addi %mul3A_2, %add3A_39 : i32
    "tpu.region"() ({
      %run_scoped3A = tpu.sem_alloc : memref<!tpu.dma_semaphore, #tpu.memory_space<semaphore_mem>>
      %dma_start3A = arith.constant 0 : i32
      %dma_start3A_43 = tpu.memref_slice %arg11[%add3A_40, %dma_start3A] : memref<10240x128xf32, #tpu.memory_space<vmem_shared>> -> memref<128x128xf32, #tpu.memory_space<vmem_shared>>
      %dma_start3A_44 = arith.constant 0 : i32
      %dma_start3A_45 = tpu.memref_slice %arg11[%add3A_40, %dma_start3A_44] : memref<10240x128xf32, #tpu.memory_space<vmem_shared>> -> memref<128x128xf32, #tpu.memory_space<vmem_shared>>
      tpu.enqueue_dma source(%dma_start3A_45 : memref<128x128xf32, #tpu.memory_space<vmem_shared>>) target(%arg9 : memref<128x128xf32, #tpu.memory_space<vmem>>) target_semaphore(%run_scoped3A : memref<!tpu.dma_semaphore, #tpu.memory_space<semaphore_mem>>)
      %dma_wait3A = arith.constant 0 : i32
      %dma_wait3A_46 = tpu.memref_slice %arg11[%add3A_40, %dma_wait3A] : memref<10240x128xf32, #tpu.memory_space<vmem_shared>> -> memref<128x128xf32, #tpu.memory_space<vmem_shared>>
      %dma_wait3A_47 = arith.constant 0 : i32
      %dma_wait3A_48 = tpu.memref_slice %arg11[%add3A_40, %dma_wait3A_47] : memref<10240x128xf32, #tpu.memory_space<vmem_shared>> -> memref<128x128xf32, #tpu.memory_space<vmem_shared>>
      tpu.wait_dma2 semaphore(%run_scoped3A : memref<!tpu.dma_semaphore, #tpu.memory_space<semaphore_mem>>) src(%dma_wait3A_48 : memref<128x128xf32, #tpu.memory_space<vmem_shared>>) dst(%arg9 : memref<128x128xf32, #tpu.memory_space<vmem>>)
      tpu.yield
    }) : () -> ()
    %add3A_41 = arith.constant 512 : i32
    %add3A_42 = arith.addi %mul3A_2, %add3A_41 : i32
    "tpu.region"() ({
      %run_scoped3A = tpu.sem_alloc : memref<!tpu.dma_semaphore, #tpu.memory_space<semaphore_mem>>
      %dma_start3A = arith.constant 0 : i32
      %dma_start3A_43 = tpu.memref_slice %arg6[%arg0, %add3A_42, %dma_start3A] : memref<2x10240x128xf32, #tpu.memory_space<hbm>> -> memref<1x128x128xf32, #tpu.memory_space<hbm>>
      %dma_start3A_44 = tpu.memref_squeeze %dma_start3A_43 : memref<1x128x128xf32, #tpu.memory_space<hbm>> -> memref<128x128xf32, #tpu.memory_space<hbm>>
      %dma_start3A_45 = arith.constant 0 : i32
      %dma_start3A_46 = tpu.memref_slice %arg6[%arg0, %add3A_42, %dma_start3A_45] : memref<2x10240x128xf32, #tpu.memory_space<hbm>> -> memref<1x128x128xf32, #tpu.memory_space<hbm>>
      %dma_start3A_47 = tpu.memref_squeeze %dma_start3A_46 : memref<1x128x128xf32, #tpu.memory_space<hbm>> -> memref<128x128xf32, #tpu.memory_space<hbm>>
      tpu.enqueue_dma source(%arg9 : memref<128x128xf32, #tpu.memory_space<vmem>>) target(%dma_start3A_47 : memref<128x128xf32, #tpu.memory_space<hbm>>) target_semaphore(%run_scoped3A : memref<!tpu.dma_semaphore, #tpu.memory_space<semaphore_mem>>)
      %dma_wait3A = arith.constant 0 : i32
      %dma_wait3A_48 = tpu.memref_slice %arg6[%arg0, %add3A_42, %dma_wait3A] : memref<2x10240x128xf32, #tpu.memory_space<hbm>> -> memref<1x128x128xf32, #tpu.memory_space<hbm>>
      %dma_wait3A_49 = tpu.memref_squeeze %dma_wait3A_48 : memref<1x128x128xf32, #tpu.memory_space<hbm>> -> memref<128x128xf32, #tpu.memory_space<hbm>>
      %dma_wait3A_50 = arith.constant 0 : i32
      %dma_wait3A_51 = tpu.memref_slice %arg6[%arg0, %add3A_42, %dma_wait3A_50] : memref<2x10240x128xf32, #tpu.memory_space<hbm>> -> memref<1x128x128xf32, #tpu.memory_space<hbm>>
      %dma_wait3A_52 = tpu.memref_squeeze %dma_wait3A_51 : memref<1x128x128xf32, #tpu.memory_space<hbm>> -> memref<128x128xf32, #tpu.memory_space<hbm>>
      tpu.wait_dma2 semaphore(%run_scoped3A : memref<!tpu.dma_semaphore, #tpu.memory_space<semaphore_mem>>) src(%arg9 : memref<128x128xf32, #tpu.memory_space<vmem>>) dst(%dma_wait3A_52 : memref<128x128xf32, #tpu.memory_space<hbm>>)
      tpu.yield
    }) : () -> ()
    return
  }
}

#map = affine_map<(d0, d1) -> (0, 0, 0)>
#map1 = affine_map<(d0, d1) -> (0, 0)>
module attributes {stable_mosaic.version = 14 : i64} {
  func.func @k(%arg0: i32, %arg1: i32, %arg2: memref<2500x1x128xi32, #tpu.memory_space<hbm>>, %arg3: memref<2500x1x128xi32, #tpu.memory_space<hbm>>, %arg4: memref<10000x128xf32, #tpu.memory_space<hbm>>, %arg5: memref<10000x128xf32, #tpu.memory_space<hbm>>, %arg6: memref<10000x128xf32, #tpu.memory_space<hbm>>, %arg7: memref<320000x16xf32, #tpu.memory_space<hbm>>, %arg8: memref<1x128xi32, #tpu.memory_space<vmem>>, %arg9: memref<1x128xi32, #tpu.memory_space<vmem>>, %arg10: memref<128x128xf32, #tpu.memory_space<vmem>>, %arg11: memref<128x128xf32, #tpu.memory_space<vmem>>, %arg12: memref<128x128xf32, #tpu.memory_space<vmem>>, %arg13: memref<128x16xf32, #tpu.memory_space<vmem>>, %arg14: memref<!tpu.dma_semaphore, #tpu.memory_space<semaphore_mem>>) attributes {dimension_semantics = [#tpu.dimension_semantics<core_parallel>, #tpu.dimension_semantics<subcore_parallel>], iteration_bounds = array<i64: 2, 16>, scalar_prefetch = 0 : i64, scratch_operands = 7 : i64, tpu.core_type = #tpu.core_type<sc_vector_subcore>, window_params = [{transform_indices = #map}, {transform_indices = #map}, {transform_indices = #map1}, {transform_indices = #map1}, {transform_indices = #map1}, {transform_indices = #map1}]} {
    %mul3A = arith.constant 2 : i32
    %mul3A_0 = arith.muli %arg1, %mul3A : i32
    %add3A = arith.addi %mul3A_0, %arg0 : i32
    %scan3A = arith.constant 0 : i32
    %scan3A_1 = arith.constant 2500 : i32
    %scan3A_2 = arith.addi %scan3A, %scan3A_1 : i32
    %scan3A_3 = arith.constant 1 : i32
    scf.for %scan3A_5 = %scan3A to %scan3A_2 step %scan3A_3  : i32 {
      %mul3A_6 = arith.constant 1 : i32
      %mul3A_7 = arith.muli %scan3A_5, %mul3A_6 : i32
      %add3A_8 = arith.constant 0 : i32
      %add3A_9 = arith.addi %add3A_8, %mul3A_7 : i32
      %rem3A = arith.constant 32 : i32
      %rem3A_10 = arith.remsi %add3A_9, %rem3A : i32
      %eq3A = arith.cmpi eq, %rem3A_10, %add3A : i32
      %convert_element_type3A = arith.extui %eq3A : i1 to i32
      %cond3A = arith.constant 0 : i32
      %cond3A_11 = arith.cmpi ne, %convert_element_type3A, %cond3A : i32
      scf.if %cond3A_11 {
        "tpu.region"() ({
          %run_scoped3A = tpu.sem_alloc : memref<!tpu.dma_semaphore, #tpu.memory_space<semaphore_mem>>
          %dma_start3A_77 = arith.constant 0 : i32
          %dma_start3A_78 = arith.constant 0 : i32
          %dma_start3A_79 = tpu.memref_slice %arg2[%add3A_9, %dma_start3A_77, %dma_start3A_78] : memref<2500x1x128xi32, #tpu.memory_space<hbm>> -> memref<1x1x128xi32, #tpu.memory_space<hbm>>
          %dma_start3A_80 = tpu.memref_squeeze %dma_start3A_79 : memref<1x1x128xi32, #tpu.memory_space<hbm>> -> memref<1x128xi32, #tpu.memory_space<hbm>>
          %dma_start3A_81 = arith.constant 0 : i32
          %dma_start3A_82 = arith.constant 0 : i32
          %dma_start3A_83 = tpu.memref_slice %arg2[%add3A_9, %dma_start3A_81, %dma_start3A_82] : memref<2500x1x128xi32, #tpu.memory_space<hbm>> -> memref<1x1x128xi32, #tpu.memory_space<hbm>>
          %dma_start3A_84 = tpu.memref_squeeze %dma_start3A_83 : memref<1x1x128xi32, #tpu.memory_space<hbm>> -> memref<1x128xi32, #tpu.memory_space<hbm>>
          tpu.enqueue_dma source(%dma_start3A_84 : memref<1x128xi32, #tpu.memory_space<hbm>>) target(%arg8 : memref<1x128xi32, #tpu.memory_space<vmem>>) target_semaphore(%run_scoped3A : memref<!tpu.dma_semaphore, #tpu.memory_space<semaphore_mem>>)
          %dma_wait3A_85 = arith.constant 0 : i32
          %dma_wait3A_86 = arith.constant 0 : i32
          %dma_wait3A_87 = tpu.memref_slice %arg2[%add3A_9, %dma_wait3A_85, %dma_wait3A_86] : memref<2500x1x128xi32, #tpu.memory_space<hbm>> -> memref<1x1x128xi32, #tpu.memory_space<hbm>>
          %dma_wait3A_88 = tpu.memref_squeeze %dma_wait3A_87 : memref<1x1x128xi32, #tpu.memory_space<hbm>> -> memref<1x128xi32, #tpu.memory_space<hbm>>
          %dma_wait3A_89 = arith.constant 0 : i32
          %dma_wait3A_90 = arith.constant 0 : i32
          %dma_wait3A_91 = tpu.memref_slice %arg2[%add3A_9, %dma_wait3A_89, %dma_wait3A_90] : memref<2500x1x128xi32, #tpu.memory_space<hbm>> -> memref<1x1x128xi32, #tpu.memory_space<hbm>>
          %dma_wait3A_92 = tpu.memref_squeeze %dma_wait3A_91 : memref<1x1x128xi32, #tpu.memory_space<hbm>> -> memref<1x128xi32, #tpu.memory_space<hbm>>
          tpu.wait_dma2 semaphore(%run_scoped3A : memref<!tpu.dma_semaphore, #tpu.memory_space<semaphore_mem>>) src(%dma_wait3A_92 : memref<1x128xi32, #tpu.memory_space<hbm>>) dst(%arg8 : memref<1x128xi32, #tpu.memory_space<vmem>>)
          tpu.yield
        }) : () -> ()
        "tpu.region"() ({
          %run_scoped3A = tpu.sem_alloc : memref<!tpu.dma_semaphore, #tpu.memory_space<semaphore_mem>>
          %dma_start3A_77 = arith.constant 0 : i32
          %dma_start3A_78 = arith.constant 0 : i32
          %dma_start3A_79 = tpu.memref_slice %arg3[%add3A_9, %dma_start3A_77, %dma_start3A_78] : memref<2500x1x128xi32, #tpu.memory_space<hbm>> -> memref<1x1x128xi32, #tpu.memory_space<hbm>>
          %dma_start3A_80 = tpu.memref_squeeze %dma_start3A_79 : memref<1x1x128xi32, #tpu.memory_space<hbm>> -> memref<1x128xi32, #tpu.memory_space<hbm>>
          %dma_start3A_81 = arith.constant 0 : i32
          %dma_start3A_82 = arith.constant 0 : i32
          %dma_start3A_83 = tpu.memref_slice %arg3[%add3A_9, %dma_start3A_81, %dma_start3A_82] : memref<2500x1x128xi32, #tpu.memory_space<hbm>> -> memref<1x1x128xi32, #tpu.memory_space<hbm>>
          %dma_start3A_84 = tpu.memref_squeeze %dma_start3A_83 : memref<1x1x128xi32, #tpu.memory_space<hbm>> -> memref<1x128xi32, #tpu.memory_space<hbm>>
          tpu.enqueue_dma source(%dma_start3A_84 : memref<1x128xi32, #tpu.memory_space<hbm>>) target(%arg9 : memref<1x128xi32, #tpu.memory_space<vmem>>) target_semaphore(%run_scoped3A : memref<!tpu.dma_semaphore, #tpu.memory_space<semaphore_mem>>)
          %dma_wait3A_85 = arith.constant 0 : i32
          %dma_wait3A_86 = arith.constant 0 : i32
          %dma_wait3A_87 = tpu.memref_slice %arg3[%add3A_9, %dma_wait3A_85, %dma_wait3A_86] : memref<2500x1x128xi32, #tpu.memory_space<hbm>> -> memref<1x1x128xi32, #tpu.memory_space<hbm>>
          %dma_wait3A_88 = tpu.memref_squeeze %dma_wait3A_87 : memref<1x1x128xi32, #tpu.memory_space<hbm>> -> memref<1x128xi32, #tpu.memory_space<hbm>>
          %dma_wait3A_89 = arith.constant 0 : i32
          %dma_wait3A_90 = arith.constant 0 : i32
          %dma_wait3A_91 = tpu.memref_slice %arg3[%add3A_9, %dma_wait3A_89, %dma_wait3A_90] : memref<2500x1x128xi32, #tpu.memory_space<hbm>> -> memref<1x1x128xi32, #tpu.memory_space<hbm>>
          %dma_wait3A_92 = tpu.memref_squeeze %dma_wait3A_91 : memref<1x1x128xi32, #tpu.memory_space<hbm>> -> memref<1x128xi32, #tpu.memory_space<hbm>>
          tpu.wait_dma2 semaphore(%run_scoped3A : memref<!tpu.dma_semaphore, #tpu.memory_space<semaphore_mem>>) src(%dma_wait3A_92 : memref<1x128xi32, #tpu.memory_space<hbm>>) dst(%arg9 : memref<1x128xi32, #tpu.memory_space<vmem>>)
          tpu.yield
        }) : () -> ()
        %dma_start3A = arith.constant 0 : i32
        %dma_start3A_12 = arith.constant 0 : i32
        %dma_start3A_13 = arith.constant 0 : i32
        %dma_start3A_14 = tpu.memref_slice %arg10[%dma_start3A_12, %dma_start3A_13] : memref<128x128xf32, #tpu.memory_space<vmem>> -> memref<128x128xf32, #tpu.memory_space<vmem>>
        %dma_start3A_15 = arith.constant 0 : i32
        %dma_start3A_16 = tpu.memref_slice %arg8[%dma_start3A, %dma_start3A_15] : memref<1x128xi32, #tpu.memory_space<vmem>> -> memref<1x128xi32, #tpu.memory_space<vmem>>
        %dma_start3A_17 = tpu.memref_squeeze %dma_start3A_16 : memref<1x128xi32, #tpu.memory_space<vmem>> -> memref<128xi32, #tpu.memory_space<vmem>>
        %dma_start3A_18 = arith.constant 0 : i32
        %dma_start3A_19 = arith.constant 0 : i32
        %dma_start3A_20 = tpu.memref_slice %arg4[%dma_start3A_18, %dma_start3A_19] : memref<10000x128xf32, #tpu.memory_space<hbm>> -> memref<10000x128xf32, #tpu.memory_space<hbm>>
        tpu.enqueue_indirect_dma source(%dma_start3A_20 : memref<10000x128xf32, #tpu.memory_space<hbm>>) target(%dma_start3A_14 : memref<128x128xf32, #tpu.memory_space<vmem>>) offsets(%dma_start3A_17 : memref<128xi32, #tpu.memory_space<vmem>>) semaphore(%arg14 : memref<!tpu.dma_semaphore, #tpu.memory_space<semaphore_mem>>)
        %dma_start3A_21 = arith.constant 0 : i32
        %dma_start3A_22 = arith.constant 0 : i32
        %dma_start3A_23 = arith.constant 0 : i32
        %dma_start3A_24 = tpu.memref_slice %arg11[%dma_start3A_22, %dma_start3A_23] : memref<128x128xf32, #tpu.memory_space<vmem>> -> memref<128x128xf32, #tpu.memory_space<vmem>>
        %dma_start3A_25 = arith.constant 0 : i32
        %dma_start3A_26 = tpu.memref_slice %arg9[%dma_start3A_21, %dma_start3A_25] : memref<1x128xi32, #tpu.memory_space<vmem>> -> memref<1x128xi32, #tpu.memory_space<vmem>>
        %dma_start3A_27 = tpu.memref_squeeze %dma_start3A_26 : memref<1x128xi32, #tpu.memory_space<vmem>> -> memref<128xi32, #tpu.memory_space<vmem>>
        %dma_start3A_28 = arith.constant 0 : i32
        %dma_start3A_29 = arith.constant 0 : i32
        %dma_start3A_30 = tpu.memref_slice %arg5[%dma_start3A_28, %dma_start3A_29] : memref<10000x128xf32, #tpu.memory_space<hbm>> -> memref<10000x128xf32, #tpu.memory_space<hbm>>
        tpu.enqueue_indirect_dma source(%dma_start3A_30 : memref<10000x128xf32, #tpu.memory_space<hbm>>) target(%dma_start3A_24 : memref<128x128xf32, #tpu.memory_space<vmem>>) offsets(%dma_start3A_27 : memref<128xi32, #tpu.memory_space<vmem>>) semaphore(%arg14 : memref<!tpu.dma_semaphore, #tpu.memory_space<semaphore_mem>>)
        %dma_start3A_31 = arith.constant 0 : i32
        %dma_start3A_32 = arith.constant 0 : i32
        %dma_start3A_33 = arith.constant 0 : i32
        %dma_start3A_34 = tpu.memref_slice %arg12[%dma_start3A_32, %dma_start3A_33] : memref<128x128xf32, #tpu.memory_space<vmem>> -> memref<128x128xf32, #tpu.memory_space<vmem>>
        %dma_start3A_35 = arith.constant 0 : i32
        %dma_start3A_36 = tpu.memref_slice %arg9[%dma_start3A_31, %dma_start3A_35] : memref<1x128xi32, #tpu.memory_space<vmem>> -> memref<1x128xi32, #tpu.memory_space<vmem>>
        %dma_start3A_37 = tpu.memref_squeeze %dma_start3A_36 : memref<1x128xi32, #tpu.memory_space<vmem>> -> memref<128xi32, #tpu.memory_space<vmem>>
        %dma_start3A_38 = arith.constant 0 : i32
        %dma_start3A_39 = arith.constant 0 : i32
        %dma_start3A_40 = tpu.memref_slice %arg6[%dma_start3A_38, %dma_start3A_39] : memref<10000x128xf32, #tpu.memory_space<hbm>> -> memref<10000x128xf32, #tpu.memory_space<hbm>>
        tpu.enqueue_indirect_dma source(%dma_start3A_40 : memref<10000x128xf32, #tpu.memory_space<hbm>>) target(%dma_start3A_34 : memref<128x128xf32, #tpu.memory_space<vmem>>) offsets(%dma_start3A_37 : memref<128xi32, #tpu.memory_space<vmem>>) semaphore(%arg14 : memref<!tpu.dma_semaphore, #tpu.memory_space<semaphore_mem>>)
        %dma_wait3A = arith.constant 0 : i32
        %dma_wait3A_41 = arith.constant 0 : i32
        %dma_wait3A_42 = arith.constant 0 : i32
        %dma_wait3A_43 = tpu.memref_slice %arg10[%dma_wait3A_41, %dma_wait3A_42] : memref<128x128xf32, #tpu.memory_space<vmem>> -> memref<128x128xf32, #tpu.memory_space<vmem>>
        %dma_wait3A_44 = arith.constant 0 : i32
        %dma_wait3A_45 = tpu.memref_slice %arg8[%dma_wait3A, %dma_wait3A_44] : memref<1x128xi32, #tpu.memory_space<vmem>> -> memref<1x128xi32, #tpu.memory_space<vmem>>
        %dma_wait3A_46 = tpu.memref_squeeze %dma_wait3A_45 : memref<1x128xi32, #tpu.memory_space<vmem>> -> memref<128xi32, #tpu.memory_space<vmem>>
        %dma_wait3A_47 = arith.constant 0 : i32
        %dma_wait3A_48 = arith.constant 0 : i32
        %dma_wait3A_49 = tpu.memref_slice %arg4[%dma_wait3A_47, %dma_wait3A_48] : memref<10000x128xf32, #tpu.memory_space<hbm>> -> memref<10000x128xf32, #tpu.memory_space<hbm>>
        tpu.wait_indirect_dma semaphore(%arg14 : memref<!tpu.dma_semaphore, #tpu.memory_space<semaphore_mem>>) src(%dma_wait3A_49 : memref<10000x128xf32, #tpu.memory_space<hbm>>) dst(%dma_wait3A_43 : memref<128x128xf32, #tpu.memory_space<vmem>>)
        %dma_wait3A_50 = arith.constant 0 : i32
        %dma_wait3A_51 = arith.constant 0 : i32
        %dma_wait3A_52 = arith.constant 0 : i32
        %dma_wait3A_53 = tpu.memref_slice %arg11[%dma_wait3A_51, %dma_wait3A_52] : memref<128x128xf32, #tpu.memory_space<vmem>> -> memref<128x128xf32, #tpu.memory_space<vmem>>
        %dma_wait3A_54 = arith.constant 0 : i32
        %dma_wait3A_55 = tpu.memref_slice %arg9[%dma_wait3A_50, %dma_wait3A_54] : memref<1x128xi32, #tpu.memory_space<vmem>> -> memref<1x128xi32, #tpu.memory_space<vmem>>
        %dma_wait3A_56 = tpu.memref_squeeze %dma_wait3A_55 : memref<1x128xi32, #tpu.memory_space<vmem>> -> memref<128xi32, #tpu.memory_space<vmem>>
        %dma_wait3A_57 = arith.constant 0 : i32
        %dma_wait3A_58 = arith.constant 0 : i32
        %dma_wait3A_59 = tpu.memref_slice %arg5[%dma_wait3A_57, %dma_wait3A_58] : memref<10000x128xf32, #tpu.memory_space<hbm>> -> memref<10000x128xf32, #tpu.memory_space<hbm>>
        tpu.wait_indirect_dma semaphore(%arg14 : memref<!tpu.dma_semaphore, #tpu.memory_space<semaphore_mem>>) src(%dma_wait3A_59 : memref<10000x128xf32, #tpu.memory_space<hbm>>) dst(%dma_wait3A_53 : memref<128x128xf32, #tpu.memory_space<vmem>>)
        %dma_wait3A_60 = arith.constant 0 : i32
        %dma_wait3A_61 = arith.constant 0 : i32
        %dma_wait3A_62 = arith.constant 0 : i32
        %dma_wait3A_63 = tpu.memref_slice %arg12[%dma_wait3A_61, %dma_wait3A_62] : memref<128x128xf32, #tpu.memory_space<vmem>> -> memref<128x128xf32, #tpu.memory_space<vmem>>
        %dma_wait3A_64 = arith.constant 0 : i32
        %dma_wait3A_65 = tpu.memref_slice %arg9[%dma_wait3A_60, %dma_wait3A_64] : memref<1x128xi32, #tpu.memory_space<vmem>> -> memref<1x128xi32, #tpu.memory_space<vmem>>
        %dma_wait3A_66 = tpu.memref_squeeze %dma_wait3A_65 : memref<1x128xi32, #tpu.memory_space<vmem>> -> memref<128xi32, #tpu.memory_space<vmem>>
        %dma_wait3A_67 = arith.constant 0 : i32
        %dma_wait3A_68 = arith.constant 0 : i32
        %dma_wait3A_69 = tpu.memref_slice %arg6[%dma_wait3A_67, %dma_wait3A_68] : memref<10000x128xf32, #tpu.memory_space<hbm>> -> memref<10000x128xf32, #tpu.memory_space<hbm>>
        tpu.wait_indirect_dma semaphore(%arg14 : memref<!tpu.dma_semaphore, #tpu.memory_space<semaphore_mem>>) src(%dma_wait3A_69 : memref<10000x128xf32, #tpu.memory_space<hbm>>) dst(%dma_wait3A_63 : memref<128x128xf32, #tpu.memory_space<vmem>>)
        %scan3A_70 = arith.constant 0 : i32
        %scan3A_71 = arith.constant 128 : i32
        %scan3A_72 = arith.addi %scan3A_70, %scan3A_71 : i32
        %scan3A_73 = arith.constant 1 : i32
        scf.for %scan3A_77 = %scan3A_70 to %scan3A_72 step %scan3A_73  : i32 {
          %mul3A_78 = arith.constant 1 : i32
          %mul3A_79 = arith.muli %scan3A_77, %mul3A_78 : i32
          %add3A_80 = arith.constant 0 : i32
          %add3A_81 = arith.addi %add3A_80, %mul3A_79 : i32
          %get3A = arith.index_cast %add3A_81 : i32 to index
          %get3A_82 = arith.constant 0 : index
          %get3A_83 = tpu.vector_load %arg10[%get3A, %get3A_82] {strides = array<i32>} : memref<128x128xf32, #tpu.memory_space<vmem>>, vector<16xf32>,
          %get3A_84 = arith.index_cast %add3A_81 : i32 to index
          %get3A_85 = arith.constant 0 : index
          %get3A_86 = tpu.vector_load %arg11[%get3A_84, %get3A_85] {strides = array<i32>} : memref<128x128xf32, #tpu.memory_space<vmem>>, vector<16xf32>,
          %add3A_87 = arith.addf %get3A_83, %get3A_86 : vector<16xf32>
          %mul3A_88 = arith.constant 2.000000e-01 : f32
          %mul3A_89 = vector.broadcast %mul3A_88 : f32 to vector<16xf32>
          %mul3A_90 = arith.mulf %add3A_87, %mul3A_89 : vector<16xf32>
          %max3A = arith.maximumf %add3A_87, %mul3A_90 : vector<16xf32>
          %exp3A = math.exp %max3A : vector<16xf32>
          %get3A_91 = arith.index_cast %add3A_81 : i32 to index
          %get3A_92 = arith.constant 0 : index
          %get3A_93 = tpu.vector_load %arg12[%get3A_91, %get3A_92] {strides = array<i32>} : memref<128x128xf32, #tpu.memory_space<vmem>>, vector<16xf32>,
          %div3A = arith.divf %exp3A, %get3A_93 : vector<16xf32>
          %swap3A = arith.index_cast %add3A_81 : i32 to index
          %swap3A_94 = arith.constant 0 : index
          %swap3A_95 = tpu.vector_load %arg13[%swap3A, %swap3A_94] {strides = array<i32>} : memref<128x16xf32, #tpu.memory_space<vmem>>, vector<16xf32>,
          tpu.vector_store %arg13[%swap3A, %swap3A_94], %div3A {strides = array<i32>} : memref<128x16xf32, #tpu.memory_space<vmem>>, vector<16xf32>,
        }
        %scan3A_74 = arith.constant 128 : i32
        %mul3A_75 = arith.constant 128 : i32
        %mul3A_76 = arith.muli %add3A_9, %mul3A_75 : i32
        "tpu.region"() ({
          %run_scoped3A = tpu.sem_alloc : memref<!tpu.dma_semaphore, #tpu.memory_space<semaphore_mem>>
          %dma_start3A_77 = arith.constant 0 : i32
          %dma_start3A_78 = tpu.memref_slice %arg7[%mul3A_76, %dma_start3A_77] : memref<320000x16xf32, #tpu.memory_space<hbm>> -> memref<128x16xf32, #tpu.memory_space<hbm>>
          %dma_start3A_79 = arith.constant 0 : i32
          %dma_start3A_80 = tpu.memref_slice %arg7[%mul3A_76, %dma_start3A_79] : memref<320000x16xf32, #tpu.memory_space<hbm>> -> memref<128x16xf32, #tpu.memory_space<hbm>>
          tpu.enqueue_dma source(%arg13 : memref<128x16xf32, #tpu.memory_space<vmem>>) target(%dma_start3A_80 : memref<128x16xf32, #tpu.memory_space<hbm>>) target_semaphore(%run_scoped3A : memref<!tpu.dma_semaphore, #tpu.memory_space<semaphore_mem>>)
          %dma_wait3A_81 = arith.constant 0 : i32
          %dma_wait3A_82 = tpu.memref_slice %arg7[%mul3A_76, %dma_wait3A_81] : memref<320000x16xf32, #tpu.memory_space<hbm>> -> memref<128x16xf32, #tpu.memory_space<hbm>>
          %dma_wait3A_83 = arith.constant 0 : i32
          %dma_wait3A_84 = tpu.memref_slice %arg7[%mul3A_76, %dma_wait3A_83] : memref<320000x16xf32, #tpu.memory_space<hbm>> -> memref<128x16xf32, #tpu.memory_space<hbm>>
          tpu.wait_dma2 semaphore(%run_scoped3A : memref<!tpu.dma_semaphore, #tpu.memory_space<semaphore_mem>>) src(%arg13 : memref<128x16xf32, #tpu.memory_space<vmem>>) dst(%dma_wait3A_84 : memref<128x16xf32, #tpu.memory_space<hbm>>)
          tpu.yield
        }) : () -> ()
      } else {
      }
    }
    %scan3A_4 = arith.constant 2500 : i32
    return
  }
}

#map = affine_map<(d0, d1) -> (0, 0, 0)>
#map1 = affine_map<(d0, d1) -> (0, 0)>
module attributes {stable_mosaic.version = 14 : i64} {
  func.func @k(%arg0: i32, %arg1: i32, %arg2: memref<2500x1x128xi32, #tpu.memory_space<hbm>>, %arg3: memref<2500x1x128xi32, #tpu.memory_space<hbm>>, %arg4: memref<10000x128xf32, #tpu.memory_space<hbm>>, %arg5: memref<10000x128xf32, #tpu.memory_space<hbm>>, %arg6: memref<10000x128xf32, #tpu.memory_space<hbm>>, %arg7: memref<320000x16xf32, #tpu.memory_space<hbm>>, %arg8: memref<1x128xi32, #tpu.memory_space<vmem>>, %arg9: memref<1x128xi32, #tpu.memory_space<vmem>>, %arg10: memref<128x128xf32, #tpu.memory_space<vmem>>, %arg11: memref<128x128xf32, #tpu.memory_space<vmem>>, %arg12: memref<128x128xf32, #tpu.memory_space<vmem>>, %arg13: memref<128x16xf32, #tpu.memory_space<vmem>>, %arg14: memref<!tpu.dma_semaphore, #tpu.memory_space<semaphore_mem>>) attributes {dimension_semantics = [#tpu.dimension_semantics<core_parallel>, #tpu.dimension_semantics<subcore_parallel>], iteration_bounds = array<i64: 2, 16>, scalar_prefetch = 0 : i64, scratch_operands = 7 : i64, tpu.core_type = #tpu.core_type<sc_vector_subcore>, window_params = [{transform_indices = #map}, {transform_indices = #map}, {transform_indices = #map1}, {transform_indices = #map1}, {transform_indices = #map1}, {transform_indices = #map1}]} {
    %mul3A = arith.constant 2 : i32
    %mul3A_0 = arith.muli %arg1, %mul3A : i32
    %add3A = arith.addi %mul3A_0, %arg0 : i32
    %scan3A = arith.constant 0 : i32
    %scan3A_1 = arith.constant 2500 : i32
    %scan3A_2 = arith.addi %scan3A, %scan3A_1 : i32
    %scan3A_3 = arith.constant 1 : i32
    scf.for %scan3A_5 = %scan3A to %scan3A_2 step %scan3A_3  : i32 {
      %mul3A_6 = arith.constant 1 : i32
      %mul3A_7 = arith.muli %scan3A_5, %mul3A_6 : i32
      %add3A_8 = arith.constant 0 : i32
      %add3A_9 = arith.addi %add3A_8, %mul3A_7 : i32
      %rem3A = arith.constant 32 : i32
      %rem3A_10 = arith.remsi %add3A_9, %rem3A : i32
      %eq3A = arith.cmpi eq, %rem3A_10, %add3A : i32
      %convert_element_type3A = arith.extui %eq3A : i1 to i32
      %cond3A = arith.constant 0 : i32
      %cond3A_11 = arith.cmpi ne, %convert_element_type3A, %cond3A : i32
      scf.if %cond3A_11 {
        "tpu.region"() ({
          %run_scoped3A = tpu.sem_alloc : memref<!tpu.dma_semaphore, #tpu.memory_space<semaphore_mem>>
          %dma_start3A_77 = arith.constant 0 : i32
          %dma_start3A_78 = arith.constant 0 : i32
          %dma_start3A_79 = tpu.memref_slice %arg2[%add3A_9, %dma_start3A_77, %dma_start3A_78] : memref<2500x1x128xi32, #tpu.memory_space<hbm>> -> memref<1x1x128xi32, #tpu.memory_space<hbm>>
          %dma_start3A_80 = tpu.memref_squeeze %dma_start3A_79 : memref<1x1x128xi32, #tpu.memory_space<hbm>> -> memref<1x128xi32, #tpu.memory_space<hbm>>
          %dma_start3A_81 = arith.constant 0 : i32
          %dma_start3A_82 = arith.constant 0 : i32
          %dma_start3A_83 = tpu.memref_slice %arg2[%add3A_9, %dma_start3A_81, %dma_start3A_82] : memref<2500x1x128xi32, #tpu.memory_space<hbm>> -> memref<1x1x128xi32, #tpu.memory_space<hbm>>
          %dma_start3A_84 = tpu.memref_squeeze %dma_start3A_83 : memref<1x1x128xi32, #tpu.memory_space<hbm>> -> memref<1x128xi32, #tpu.memory_space<hbm>>
          tpu.enqueue_dma source(%dma_start3A_84 : memref<1x128xi32, #tpu.memory_space<hbm>>) target(%arg8 : memref<1x128xi32, #tpu.memory_space<vmem>>) target_semaphore(%run_scoped3A : memref<!tpu.dma_semaphore, #tpu.memory_space<semaphore_mem>>)
          %dma_wait3A_85 = arith.constant 0 : i32
          %dma_wait3A_86 = arith.constant 0 : i32
          %dma_wait3A_87 = tpu.memref_slice %arg2[%add3A_9, %dma_wait3A_85, %dma_wait3A_86] : memref<2500x1x128xi32, #tpu.memory_space<hbm>> -> memref<1x1x128xi32, #tpu.memory_space<hbm>>
          %dma_wait3A_88 = tpu.memref_squeeze %dma_wait3A_87 : memref<1x1x128xi32, #tpu.memory_space<hbm>> -> memref<1x128xi32, #tpu.memory_space<hbm>>
          %dma_wait3A_89 = arith.constant 0 : i32
          %dma_wait3A_90 = arith.constant 0 : i32
          %dma_wait3A_91 = tpu.memref_slice %arg2[%add3A_9, %dma_wait3A_89, %dma_wait3A_90] : memref<2500x1x128xi32, #tpu.memory_space<hbm>> -> memref<1x1x128xi32, #tpu.memory_space<hbm>>
          %dma_wait3A_92 = tpu.memref_squeeze %dma_wait3A_91 : memref<1x1x128xi32, #tpu.memory_space<hbm>> -> memref<1x128xi32, #tpu.memory_space<hbm>>
          tpu.wait_dma2 semaphore(%run_scoped3A : memref<!tpu.dma_semaphore, #tpu.memory_space<semaphore_mem>>) src(%dma_wait3A_92 : memref<1x128xi32, #tpu.memory_space<hbm>>) dst(%arg8 : memref<1x128xi32, #tpu.memory_space<vmem>>)
          tpu.yield
        }) : () -> ()
        "tpu.region"() ({
          %run_scoped3A = tpu.sem_alloc : memref<!tpu.dma_semaphore, #tpu.memory_space<semaphore_mem>>
          %dma_start3A_77 = arith.constant 0 : i32
          %dma_start3A_78 = arith.constant 0 : i32
          %dma_start3A_79 = tpu.memref_slice %arg3[%add3A_9, %dma_start3A_77, %dma_start3A_78] : memref<2500x1x128xi32, #tpu.memory_space<hbm>> -> memref<1x1x128xi32, #tpu.memory_space<hbm>>
          %dma_start3A_80 = tpu.memref_squeeze %dma_start3A_79 : memref<1x1x128xi32, #tpu.memory_space<hbm>> -> memref<1x128xi32, #tpu.memory_space<hbm>>
          %dma_start3A_81 = arith.constant 0 : i32
          %dma_start3A_82 = arith.constant 0 : i32
          %dma_start3A_83 = tpu.memref_slice %arg3[%add3A_9, %dma_start3A_81, %dma_start3A_82] : memref<2500x1x128xi32, #tpu.memory_space<hbm>> -> memref<1x1x128xi32, #tpu.memory_space<hbm>>
          %dma_start3A_84 = tpu.memref_squeeze %dma_start3A_83 : memref<1x1x128xi32, #tpu.memory_space<hbm>> -> memref<1x128xi32, #tpu.memory_space<hbm>>
          tpu.enqueue_dma source(%dma_start3A_84 : memref<1x128xi32, #tpu.memory_space<hbm>>) target(%arg9 : memref<1x128xi32, #tpu.memory_space<vmem>>) target_semaphore(%run_scoped3A : memref<!tpu.dma_semaphore, #tpu.memory_space<semaphore_mem>>)
          %dma_wait3A_85 = arith.constant 0 : i32
          %dma_wait3A_86 = arith.constant 0 : i32
          %dma_wait3A_87 = tpu.memref_slice %arg3[%add3A_9, %dma_wait3A_85, %dma_wait3A_86] : memref<2500x1x128xi32, #tpu.memory_space<hbm>> -> memref<1x1x128xi32, #tpu.memory_space<hbm>>
          %dma_wait3A_88 = tpu.memref_squeeze %dma_wait3A_87 : memref<1x1x128xi32, #tpu.memory_space<hbm>> -> memref<1x128xi32, #tpu.memory_space<hbm>>
          %dma_wait3A_89 = arith.constant 0 : i32
          %dma_wait3A_90 = arith.constant 0 : i32
          %dma_wait3A_91 = tpu.memref_slice %arg3[%add3A_9, %dma_wait3A_89, %dma_wait3A_90] : memref<2500x1x128xi32, #tpu.memory_space<hbm>> -> memref<1x1x128xi32, #tpu.memory_space<hbm>>
          %dma_wait3A_92 = tpu.memref_squeeze %dma_wait3A_91 : memref<1x1x128xi32, #tpu.memory_space<hbm>> -> memref<1x128xi32, #tpu.memory_space<hbm>>
          tpu.wait_dma2 semaphore(%run_scoped3A : memref<!tpu.dma_semaphore, #tpu.memory_space<semaphore_mem>>) src(%dma_wait3A_92 : memref<1x128xi32, #tpu.memory_space<hbm>>) dst(%arg9 : memref<1x128xi32, #tpu.memory_space<vmem>>)
          tpu.yield
        }) : () -> ()
        %dma_start3A = arith.constant 0 : i32
        %dma_start3A_12 = arith.constant 0 : i32
        %dma_start3A_13 = arith.constant 0 : i32
        %dma_start3A_14 = tpu.memref_slice %arg10[%dma_start3A_12, %dma_start3A_13] : memref<128x128xf32, #tpu.memory_space<vmem>> -> memref<128x128xf32, #tpu.memory_space<vmem>>
        %dma_start3A_15 = arith.constant 0 : i32
        %dma_start3A_16 = tpu.memref_slice %arg8[%dma_start3A, %dma_start3A_15] : memref<1x128xi32, #tpu.memory_space<vmem>> -> memref<1x128xi32, #tpu.memory_space<vmem>>
        %dma_start3A_17 = tpu.memref_squeeze %dma_start3A_16 : memref<1x128xi32, #tpu.memory_space<vmem>> -> memref<128xi32, #tpu.memory_space<vmem>>
        %dma_start3A_18 = arith.constant 0 : i32
        %dma_start3A_19 = arith.constant 0 : i32
        %dma_start3A_20 = tpu.memref_slice %arg4[%dma_start3A_18, %dma_start3A_19] : memref<10000x128xf32, #tpu.memory_space<hbm>> -> memref<10000x128xf32, #tpu.memory_space<hbm>>
        tpu.enqueue_indirect_dma source(%dma_start3A_20 : memref<10000x128xf32, #tpu.memory_space<hbm>>) target(%dma_start3A_14 : memref<128x128xf32, #tpu.memory_space<vmem>>) offsets(%dma_start3A_17 : memref<128xi32, #tpu.memory_space<vmem>>) semaphore(%arg14 : memref<!tpu.dma_semaphore, #tpu.memory_space<semaphore_mem>>)
        %dma_start3A_21 = arith.constant 0 : i32
        %dma_start3A_22 = arith.constant 0 : i32
        %dma_start3A_23 = arith.constant 0 : i32
        %dma_start3A_24 = tpu.memref_slice %arg11[%dma_start3A_22, %dma_start3A_23] : memref<128x128xf32, #tpu.memory_space<vmem>> -> memref<128x128xf32, #tpu.memory_space<vmem>>
        %dma_start3A_25 = arith.constant 0 : i32
        %dma_start3A_26 = tpu.memref_slice %arg9[%dma_start3A_21, %dma_start3A_25] : memref<1x128xi32, #tpu.memory_space<vmem>> -> memref<1x128xi32, #tpu.memory_space<vmem>>
        %dma_start3A_27 = tpu.memref_squeeze %dma_start3A_26 : memref<1x128xi32, #tpu.memory_space<vmem>> -> memref<128xi32, #tpu.memory_space<vmem>>
        %dma_start3A_28 = arith.constant 0 : i32
        %dma_start3A_29 = arith.constant 0 : i32
        %dma_start3A_30 = tpu.memref_slice %arg5[%dma_start3A_28, %dma_start3A_29] : memref<10000x128xf32, #tpu.memory_space<hbm>> -> memref<10000x128xf32, #tpu.memory_space<hbm>>
        tpu.enqueue_indirect_dma source(%dma_start3A_30 : memref<10000x128xf32, #tpu.memory_space<hbm>>) target(%dma_start3A_24 : memref<128x128xf32, #tpu.memory_space<vmem>>) offsets(%dma_start3A_27 : memref<128xi32, #tpu.memory_space<vmem>>) semaphore(%arg14 : memref<!tpu.dma_semaphore, #tpu.memory_space<semaphore_mem>>)
        %dma_start3A_31 = arith.constant 0 : i32
        %dma_start3A_32 = arith.constant 0 : i32
        %dma_start3A_33 = arith.constant 0 : i32
        %dma_start3A_34 = tpu.memref_slice %arg12[%dma_start3A_32, %dma_start3A_33] : memref<128x128xf32, #tpu.memory_space<vmem>> -> memref<128x128xf32, #tpu.memory_space<vmem>>
        %dma_start3A_35 = arith.constant 0 : i32
        %dma_start3A_36 = tpu.memref_slice %arg9[%dma_start3A_31, %dma_start3A_35] : memref<1x128xi32, #tpu.memory_space<vmem>> -> memref<1x128xi32, #tpu.memory_space<vmem>>
        %dma_start3A_37 = tpu.memref_squeeze %dma_start3A_36 : memref<1x128xi32, #tpu.memory_space<vmem>> -> memref<128xi32, #tpu.memory_space<vmem>>
        %dma_start3A_38 = arith.constant 0 : i32
        %dma_start3A_39 = arith.constant 0 : i32
        %dma_start3A_40 = tpu.memref_slice %arg6[%dma_start3A_38, %dma_start3A_39] : memref<10000x128xf32, #tpu.memory_space<hbm>> -> memref<10000x128xf32, #tpu.memory_space<hbm>>
        tpu.enqueue_indirect_dma source(%dma_start3A_40 : memref<10000x128xf32, #tpu.memory_space<hbm>>) target(%dma_start3A_34 : memref<128x128xf32, #tpu.memory_space<vmem>>) offsets(%dma_start3A_37 : memref<128xi32, #tpu.memory_space<vmem>>) semaphore(%arg14 : memref<!tpu.dma_semaphore, #tpu.memory_space<semaphore_mem>>)
        %dma_wait3A = arith.constant 0 : i32
        %dma_wait3A_41 = arith.constant 0 : i32
        %dma_wait3A_42 = arith.constant 0 : i32
        %dma_wait3A_43 = tpu.memref_slice %arg10[%dma_wait3A_41, %dma_wait3A_42] : memref<128x128xf32, #tpu.memory_space<vmem>> -> memref<128x128xf32, #tpu.memory_space<vmem>>
        %dma_wait3A_44 = arith.constant 0 : i32
        %dma_wait3A_45 = tpu.memref_slice %arg8[%dma_wait3A, %dma_wait3A_44] : memref<1x128xi32, #tpu.memory_space<vmem>> -> memref<1x128xi32, #tpu.memory_space<vmem>>
        %dma_wait3A_46 = tpu.memref_squeeze %dma_wait3A_45 : memref<1x128xi32, #tpu.memory_space<vmem>> -> memref<128xi32, #tpu.memory_space<vmem>>
        %dma_wait3A_47 = arith.constant 0 : i32
        %dma_wait3A_48 = arith.constant 0 : i32
        %dma_wait3A_49 = tpu.memref_slice %arg4[%dma_wait3A_47, %dma_wait3A_48] : memref<10000x128xf32, #tpu.memory_space<hbm>> -> memref<10000x128xf32, #tpu.memory_space<hbm>>
        tpu.wait_indirect_dma semaphore(%arg14 : memref<!tpu.dma_semaphore, #tpu.memory_space<semaphore_mem>>) src(%dma_wait3A_49 : memref<10000x128xf32, #tpu.memory_space<hbm>>) dst(%dma_wait3A_43 : memref<128x128xf32, #tpu.memory_space<vmem>>)
        %dma_wait3A_50 = arith.constant 0 : i32
        %dma_wait3A_51 = arith.constant 0 : i32
        %dma_wait3A_52 = arith.constant 0 : i32
        %dma_wait3A_53 = tpu.memref_slice %arg11[%dma_wait3A_51, %dma_wait3A_52] : memref<128x128xf32, #tpu.memory_space<vmem>> -> memref<128x128xf32, #tpu.memory_space<vmem>>
        %dma_wait3A_54 = arith.constant 0 : i32
        %dma_wait3A_55 = tpu.memref_slice %arg9[%dma_wait3A_50, %dma_wait3A_54] : memref<1x128xi32, #tpu.memory_space<vmem>> -> memref<1x128xi32, #tpu.memory_space<vmem>>
        %dma_wait3A_56 = tpu.memref_squeeze %dma_wait3A_55 : memref<1x128xi32, #tpu.memory_space<vmem>> -> memref<128xi32, #tpu.memory_space<vmem>>
        %dma_wait3A_57 = arith.constant 0 : i32
        %dma_wait3A_58 = arith.constant 0 : i32
        %dma_wait3A_59 = tpu.memref_slice %arg5[%dma_wait3A_57, %dma_wait3A_58] : memref<10000x128xf32, #tpu.memory_space<hbm>> -> memref<10000x128xf32, #tpu.memory_space<hbm>>
        tpu.wait_indirect_dma semaphore(%arg14 : memref<!tpu.dma_semaphore, #tpu.memory_space<semaphore_mem>>) src(%dma_wait3A_59 : memref<10000x128xf32, #tpu.memory_space<hbm>>) dst(%dma_wait3A_53 : memref<128x128xf32, #tpu.memory_space<vmem>>)
        %dma_wait3A_60 = arith.constant 0 : i32
        %dma_wait3A_61 = arith.constant 0 : i32
        %dma_wait3A_62 = arith.constant 0 : i32
        %dma_wait3A_63 = tpu.memref_slice %arg12[%dma_wait3A_61, %dma_wait3A_62] : memref<128x128xf32, #tpu.memory_space<vmem>> -> memref<128x128xf32, #tpu.memory_space<vmem>>
        %dma_wait3A_64 = arith.constant 0 : i32
        %dma_wait3A_65 = tpu.memref_slice %arg9[%dma_wait3A_60, %dma_wait3A_64] : memref<1x128xi32, #tpu.memory_space<vmem>> -> memref<1x128xi32, #tpu.memory_space<vmem>>
        %dma_wait3A_66 = tpu.memref_squeeze %dma_wait3A_65 : memref<1x128xi32, #tpu.memory_space<vmem>> -> memref<128xi32, #tpu.memory_space<vmem>>
        %dma_wait3A_67 = arith.constant 0 : i32
        %dma_wait3A_68 = arith.constant 0 : i32
        %dma_wait3A_69 = tpu.memref_slice %arg6[%dma_wait3A_67, %dma_wait3A_68] : memref<10000x128xf32, #tpu.memory_space<hbm>> -> memref<10000x128xf32, #tpu.memory_space<hbm>>
        tpu.wait_indirect_dma semaphore(%arg14 : memref<!tpu.dma_semaphore, #tpu.memory_space<semaphore_mem>>) src(%dma_wait3A_69 : memref<10000x128xf32, #tpu.memory_space<hbm>>) dst(%dma_wait3A_63 : memref<128x128xf32, #tpu.memory_space<vmem>>)
        %scan3A_70 = arith.constant 0 : i32
        %scan3A_71 = arith.constant 128 : i32
        %scan3A_72 = arith.addi %scan3A_70, %scan3A_71 : i32
        %scan3A_73 = arith.constant 1 : i32
        scf.for %scan3A_77 = %scan3A_70 to %scan3A_72 step %scan3A_73  : i32 {
          %mul3A_78 = arith.constant 1 : i32
          %mul3A_79 = arith.muli %scan3A_77, %mul3A_78 : i32
          %add3A_80 = arith.constant 0 : i32
          %add3A_81 = arith.addi %add3A_80, %mul3A_79 : i32
          %get3A = arith.index_cast %add3A_81 : i32 to index
          %get3A_82 = arith.constant 0 : index
          %get3A_83 = tpu.vector_load %arg10[%get3A, %get3A_82] {strides = array<i32>} : memref<128x128xf32, #tpu.memory_space<vmem>>, vector<16xf32>,
          %get3A_84 = arith.index_cast %add3A_81 : i32 to index
          %get3A_85 = arith.constant 0 : index
          %get3A_86 = tpu.vector_load %arg11[%get3A_84, %get3A_85] {strides = array<i32>} : memref<128x128xf32, #tpu.memory_space<vmem>>, vector<16xf32>,
          %add3A_87 = arith.addf %get3A_83, %get3A_86 : vector<16xf32>
          %mul3A_88 = arith.constant 2.000000e-01 : f32
          %mul3A_89 = vector.broadcast %mul3A_88 : f32 to vector<16xf32>
          %mul3A_90 = arith.mulf %add3A_87, %mul3A_89 : vector<16xf32>
          %max3A = arith.maximumf %add3A_87, %mul3A_90 : vector<16xf32>
          %exp3A = math.exp %max3A : vector<16xf32>
          %get3A_91 = arith.index_cast %add3A_81 : i32 to index
          %get3A_92 = arith.constant 0 : index
          %get3A_93 = tpu.vector_load %arg12[%get3A_91, %get3A_92] {strides = array<i32>} : memref<128x128xf32, #tpu.memory_space<vmem>>, vector<16xf32>,
          %div3A = arith.divf %exp3A, %get3A_93 : vector<16xf32>
          %swap3A = arith.index_cast %add3A_81 : i32 to index
          %swap3A_94 = arith.constant 0 : index
          %swap3A_95 = tpu.vector_load %arg13[%swap3A, %swap3A_94] {strides = array<i32>} : memref<128x16xf32, #tpu.memory_space<vmem>>, vector<16xf32>,
          tpu.vector_store %arg13[%swap3A, %swap3A_94], %div3A {strides = array<i32>} : memref<128x16xf32, #tpu.memory_space<vmem>>, vector<16xf32>,
        }
        %scan3A_74 = arith.constant 128 : i32
        %mul3A_75 = arith.constant 128 : i32
        %mul3A_76 = arith.muli %add3A_9, %mul3A_75 : i32
        "tpu.region"() ({
          %run_scoped3A = tpu.sem_alloc : memref<!tpu.dma_semaphore, #tpu.memory_space<semaphore_mem>>
          %dma_start3A_77 = arith.constant 0 : i32
          %dma_start3A_78 = tpu.memref_slice %arg7[%mul3A_76, %dma_start3A_77] : memref<320000x16xf32, #tpu.memory_space<hbm>> -> memref<128x16xf32, #tpu.memory_space<hbm>>
          %dma_start3A_79 = arith.constant 0 : i32
          %dma_start3A_80 = tpu.memref_slice %arg7[%mul3A_76, %dma_start3A_79] : memref<320000x16xf32, #tpu.memory_space<hbm>> -> memref<128x16xf32, #tpu.memory_space<hbm>>
          tpu.enqueue_dma source(%arg13 : memref<128x16xf32, #tpu.memory_space<vmem>>) target(%dma_start3A_80 : memref<128x16xf32, #tpu.memory_space<hbm>>) target_semaphore(%run_scoped3A : memref<!tpu.dma_semaphore, #tpu.memory_space<semaphore_mem>>)
          %dma_wait3A_81 = arith.constant 0 : i32
          %dma_wait3A_82 = tpu.memref_slice %arg7[%mul3A_76, %dma_wait3A_81] : memref<320000x16xf32, #tpu.memory_space<hbm>> -> memref<128x16xf32, #tpu.memory_space<hbm>>
          %dma_wait3A_83 = arith.constant 0 : i32
          %dma_wait3A_84 = tpu.memref_slice %arg7[%mul3A_76, %dma_wait3A_83] : memref<320000x16xf32, #tpu.memory_space<hbm>> -> memref<128x16xf32, #tpu.memory_space<hbm>>
          tpu.wait_dma2 semaphore(%run_scoped3A : memref<!tpu.dma_semaphore, #tpu.memory_space<semaphore_mem>>) src(%arg13 : memref<128x16xf32, #tpu.memory_space<vmem>>) dst(%dma_wait3A_84 : memref<128x16xf32, #tpu.memory_space<hbm>>)
          tpu.yield
        }) : () -> ()
      } else {
      }
    }
    %scan3A_4 = arith.constant 2500 : i32
    return
  }
}

#map = affine_map<(d0, d1) -> (0, 0, 0)>
#map1 = affine_map<(d0, d1) -> (0, 0)>
module attributes {stable_mosaic.version = 14 : i64} {
  func.func @k(%arg0: i32, %arg1: i32, %arg2: memref<2500x1x128xi32, #tpu.memory_space<hbm>>, %arg3: memref<2500x1x128xi32, #tpu.memory_space<hbm>>, %arg4: memref<10000x128xf32, #tpu.memory_space<hbm>>, %arg5: memref<320000x16xf32, #tpu.memory_space<hbm>>, %arg6: memref<2x10240x128xf32, #tpu.memory_space<hbm>>, %arg7: memref<1x128xi32, #tpu.memory_space<vmem>>, %arg8: memref<1x128xi32, #tpu.memory_space<vmem>>, %arg9: memref<128x128xf32, #tpu.memory_space<vmem>>, %arg10: memref<128x16xf32, #tpu.memory_space<vmem>>, %arg11: memref<10240x128xf32, #tpu.memory_space<vmem_shared>>, %arg12: memref<!tpu.dma_semaphore, #tpu.memory_space<semaphore_mem>>) attributes {dimension_semantics = [#tpu.dimension_semantics<core_parallel>, #tpu.dimension_semantics<subcore_parallel>], iteration_bounds = array<i64: 2, 16>, scalar_prefetch = 0 : i64, scratch_operands = 6 : i64, tpu.core_type = #tpu.core_type<sc_vector_subcore>, window_params = [{transform_indices = #map}, {transform_indices = #map}, {transform_indices = #map1}, {transform_indices = #map1}, {transform_indices = #map}]} {
    %mul3A = arith.constant 2 : i32
    %mul3A_0 = arith.muli %arg1, %mul3A : i32
    %add3A = arith.addi %mul3A_0, %arg0 : i32
    %mul3A_1 = arith.constant 640 : i32
    %mul3A_2 = arith.muli %arg1, %mul3A_1 : i32
    %scan3A = arith.constant 0 : i32
    %scan3A_3 = arith.constant 128 : i32
    %scan3A_4 = arith.addi %scan3A, %scan3A_3 : i32
    %scan3A_5 = arith.constant 1 : i32
    scf.for %scan3A_43 = %scan3A to %scan3A_4 step %scan3A_5  : i32 {
      %mul3A_44 = arith.constant 1 : i32
      %mul3A_45 = arith.muli %scan3A_43, %mul3A_44 : i32
      %add3A_46 = arith.constant 0 : i32
      %add3A_47 = arith.addi %add3A_46, %mul3A_45 : i32
      %broadcast_in_dim3A = arith.constant 0.000000e+00 : f32
      %broadcast_in_dim3A_48 = vector.broadcast %broadcast_in_dim3A : f32 to vector<16xf32>
      %swap3A = arith.index_cast %add3A_47 : i32 to index
      %swap3A_49 = arith.constant 0 : index
      %swap3A_50 = tpu.vector_load %arg9[%swap3A, %swap3A_49] {strides = array<i32>} : memref<128x128xf32, #tpu.memory_space<vmem>>, vector<16xf32>,
      tpu.vector_store %arg9[%swap3A, %swap3A_49], %broadcast_in_dim3A_48 {strides = array<i32>} : memref<128x128xf32, #tpu.memory_space<vmem>>, vector<16xf32>,
      %broadcast_in_dim3A_51 = arith.constant 0.000000e+00 : f32
      %broadcast_in_dim3A_52 = vector.broadcast %broadcast_in_dim3A_51 : f32 to vector<16xf32>
      %swap3A_53 = arith.index_cast %add3A_47 : i32 to index
      %swap3A_54 = arith.constant 16 : index
      %swap3A_55 = tpu.vector_load %arg9[%swap3A_53, %swap3A_54] {strides = array<i32>} : memref<128x128xf32, #tpu.memory_space<vmem>>, vector<16xf32>,
      tpu.vector_store %arg9[%swap3A_53, %swap3A_54], %broadcast_in_dim3A_52 {strides = array<i32>} : memref<128x128xf32, #tpu.memory_space<vmem>>, vector<16xf32>,
      %broadcast_in_dim3A_56 = arith.constant 0.000000e+00 : f32
      %broadcast_in_dim3A_57 = vector.broadcast %broadcast_in_dim3A_56 : f32 to vector<16xf32>
      %swap3A_58 = arith.index_cast %add3A_47 : i32 to index
      %swap3A_59 = arith.constant 32 : index
      %swap3A_60 = tpu.vector_load %arg9[%swap3A_58, %swap3A_59] {strides = array<i32>} : memref<128x128xf32, #tpu.memory_space<vmem>>, vector<16xf32>,
      tpu.vector_store %arg9[%swap3A_58, %swap3A_59], %broadcast_in_dim3A_57 {strides = array<i32>} : memref<128x128xf32, #tpu.memory_space<vmem>>, vector<16xf32>,
      %broadcast_in_dim3A_61 = arith.constant 0.000000e+00 : f32
      %broadcast_in_dim3A_62 = vector.broadcast %broadcast_in_dim3A_61 : f32 to vector<16xf32>
      %swap3A_63 = arith.index_cast %add3A_47 : i32 to index
      %swap3A_64 = arith.constant 48 : index
      %swap3A_65 = tpu.vector_load %arg9[%swap3A_63, %swap3A_64] {strides = array<i32>} : memref<128x128xf32, #tpu.memory_space<vmem>>, vector<16xf32>,
      tpu.vector_store %arg9[%swap3A_63, %swap3A_64], %broadcast_in_dim3A_62 {strides = array<i32>} : memref<128x128xf32, #tpu.memory_space<vmem>>, vector<16xf32>,
      %broadcast_in_dim3A_66 = arith.constant 0.000000e+00 : f32
      %broadcast_in_dim3A_67 = vector.broadcast %broadcast_in_dim3A_66 : f32 to vector<16xf32>
      %swap3A_68 = arith.index_cast %add3A_47 : i32 to index
      %swap3A_69 = arith.constant 64 : index
      %swap3A_70 = tpu.vector_load %arg9[%swap3A_68, %swap3A_69] {strides = array<i32>} : memref<128x128xf32, #tpu.memory_space<vmem>>, vector<16xf32>,
      tpu.vector_store %arg9[%swap3A_68, %swap3A_69], %broadcast_in_dim3A_67 {strides = array<i32>} : memref<128x128xf32, #tpu.memory_space<vmem>>, vector<16xf32>,
      %broadcast_in_dim3A_71 = arith.constant 0.000000e+00 : f32
      %broadcast_in_dim3A_72 = vector.broadcast %broadcast_in_dim3A_71 : f32 to vector<16xf32>
      %swap3A_73 = arith.index_cast %add3A_47 : i32 to index
      %swap3A_74 = arith.constant 80 : index
      %swap3A_75 = tpu.vector_load %arg9[%swap3A_73, %swap3A_74] {strides = array<i32>} : memref<128x128xf32, #tpu.memory_space<vmem>>, vector<16xf32>,
      tpu.vector_store %arg9[%swap3A_73, %swap3A_74], %broadcast_in_dim3A_72 {strides = array<i32>} : memref<128x128xf32, #tpu.memory_space<vmem>>, vector<16xf32>,
      %broadcast_in_dim3A_76 = arith.constant 0.000000e+00 : f32
      %broadcast_in_dim3A_77 = vector.broadcast %broadcast_in_dim3A_76 : f32 to vector<16xf32>
      %swap3A_78 = arith.index_cast %add3A_47 : i32 to index
      %swap3A_79 = arith.constant 96 : index
      %swap3A_80 = tpu.vector_load %arg9[%swap3A_78, %swap3A_79] {strides = array<i32>} : memref<128x128xf32, #tpu.memory_space<vmem>>, vector<16xf32>,
      tpu.vector_store %arg9[%swap3A_78, %swap3A_79], %broadcast_in_dim3A_77 {strides = array<i32>} : memref<128x128xf32, #tpu.memory_space<vmem>>, vector<16xf32>,
      %broadcast_in_dim3A_81 = arith.constant 0.000000e+00 : f32
      %broadcast_in_dim3A_82 = vector.broadcast %broadcast_in_dim3A_81 : f32 to vector<16xf32>
      %swap3A_83 = arith.index_cast %add3A_47 : i32 to index
      %swap3A_84 = arith.constant 112 : index
      %swap3A_85 = tpu.vector_load %arg9[%swap3A_83, %swap3A_84] {strides = array<i32>} : memref<128x128xf32, #tpu.memory_space<vmem>>, vector<16xf32>,
      tpu.vector_store %arg9[%swap3A_83, %swap3A_84], %broadcast_in_dim3A_82 {strides = array<i32>} : memref<128x128xf32, #tpu.memory_space<vmem>>, vector<16xf32>,
    }
    %scan3A_6 = arith.constant 128 : i32
    %add3A_7 = arith.constant 0 : i32
    %add3A_8 = arith.addi %mul3A_2, %add3A_7 : i32
    "tpu.region"() ({
      %run_scoped3A = tpu.sem_alloc : memref<!tpu.dma_semaphore, #tpu.memory_space<semaphore_mem>>
      %dma_start3A = arith.constant 0 : i32
      %dma_start3A_43 = tpu.memref_slice %arg11[%add3A_8, %dma_start3A] : memref<10240x128xf32, #tpu.memory_space<vmem_shared>> -> memref<128x128xf32, #tpu.memory_space<vmem_shared>>
      %dma_start3A_44 = arith.constant 0 : i32
      %dma_start3A_45 = tpu.memref_slice %arg11[%add3A_8, %dma_start3A_44] : memref<10240x128xf32, #tpu.memory_space<vmem_shared>> -> memref<128x128xf32, #tpu.memory_space<vmem_shared>>
      tpu.enqueue_dma source(%arg9 : memref<128x128xf32, #tpu.memory_space<vmem>>) target(%dma_start3A_45 : memref<128x128xf32, #tpu.memory_space<vmem_shared>>) target_semaphore(%run_scoped3A : memref<!tpu.dma_semaphore, #tpu.memory_space<semaphore_mem>>)
      %dma_wait3A = arith.constant 0 : i32
      %dma_wait3A_46 = tpu.memref_slice %arg11[%add3A_8, %dma_wait3A] : memref<10240x128xf32, #tpu.memory_space<vmem_shared>> -> memref<128x128xf32, #tpu.memory_space<vmem_shared>>
      %dma_wait3A_47 = arith.constant 0 : i32
      %dma_wait3A_48 = tpu.memref_slice %arg11[%add3A_8, %dma_wait3A_47] : memref<10240x128xf32, #tpu.memory_space<vmem_shared>> -> memref<128x128xf32, #tpu.memory_space<vmem_shared>>
      tpu.wait_dma2 semaphore(%run_scoped3A : memref<!tpu.dma_semaphore, #tpu.memory_space<semaphore_mem>>) src(%arg9 : memref<128x128xf32, #tpu.memory_space<vmem>>) dst(%dma_wait3A_48 : memref<128x128xf32, #tpu.memory_space<vmem_shared>>)
      tpu.yield
    }) : () -> ()
    %add3A_9 = arith.constant 128 : i32
    %add3A_10 = arith.addi %mul3A_2, %add3A_9 : i32
    "tpu.region"() ({
      %run_scoped3A = tpu.sem_alloc : memref<!tpu.dma_semaphore, #tpu.memory_space<semaphore_mem>>
      %dma_start3A = arith.constant 0 : i32
      %dma_start3A_43 = tpu.memref_slice %arg11[%add3A_10, %dma_start3A] : memref<10240x128xf32, #tpu.memory_space<vmem_shared>> -> memref<128x128xf32, #tpu.memory_space<vmem_shared>>
      %dma_start3A_44 = arith.constant 0 : i32
      %dma_start3A_45 = tpu.memref_slice %arg11[%add3A_10, %dma_start3A_44] : memref<10240x128xf32, #tpu.memory_space<vmem_shared>> -> memref<128x128xf32, #tpu.memory_space<vmem_shared>>
      tpu.enqueue_dma source(%arg9 : memref<128x128xf32, #tpu.memory_space<vmem>>) target(%dma_start3A_45 : memref<128x128xf32, #tpu.memory_space<vmem_shared>>) target_semaphore(%run_scoped3A : memref<!tpu.dma_semaphore, #tpu.memory_space<semaphore_mem>>)
      %dma_wait3A = arith.constant 0 : i32
      %dma_wait3A_46 = tpu.memref_slice %arg11[%add3A_10, %dma_wait3A] : memref<10240x128xf32, #tpu.memory_space<vmem_shared>> -> memref<128x128xf32, #tpu.memory_space<vmem_shared>>
      %dma_wait3A_47 = arith.constant 0 : i32
      %dma_wait3A_48 = tpu.memref_slice %arg11[%add3A_10, %dma_wait3A_47] : memref<10240x128xf32, #tpu.memory_space<vmem_shared>> -> memref<128x128xf32, #tpu.memory_space<vmem_shared>>
      tpu.wait_dma2 semaphore(%run_scoped3A : memref<!tpu.dma_semaphore, #tpu.memory_space<semaphore_mem>>) src(%arg9 : memref<128x128xf32, #tpu.memory_space<vmem>>) dst(%dma_wait3A_48 : memref<128x128xf32, #tpu.memory_space<vmem_shared>>)
      tpu.yield
    }) : () -> ()
    %add3A_11 = arith.constant 256 : i32
    %add3A_12 = arith.addi %mul3A_2, %add3A_11 : i32
    "tpu.region"() ({
      %run_scoped3A = tpu.sem_alloc : memref<!tpu.dma_semaphore, #tpu.memory_space<semaphore_mem>>
      %dma_start3A = arith.constant 0 : i32
      %dma_start3A_43 = tpu.memref_slice %arg11[%add3A_12, %dma_start3A] : memref<10240x128xf32, #tpu.memory_space<vmem_shared>> -> memref<128x128xf32, #tpu.memory_space<vmem_shared>>
      %dma_start3A_44 = arith.constant 0 : i32
      %dma_start3A_45 = tpu.memref_slice %arg11[%add3A_12, %dma_start3A_44] : memref<10240x128xf32, #tpu.memory_space<vmem_shared>> -> memref<128x128xf32, #tpu.memory_space<vmem_shared>>
      tpu.enqueue_dma source(%arg9 : memref<128x128xf32, #tpu.memory_space<vmem>>) target(%dma_start3A_45 : memref<128x128xf32, #tpu.memory_space<vmem_shared>>) target_semaphore(%run_scoped3A : memref<!tpu.dma_semaphore, #tpu.memory_space<semaphore_mem>>)
      %dma_wait3A = arith.constant 0 : i32
      %dma_wait3A_46 = tpu.memref_slice %arg11[%add3A_12, %dma_wait3A] : memref<10240x128xf32, #tpu.memory_space<vmem_shared>> -> memref<128x128xf32, #tpu.memory_space<vmem_shared>>
      %dma_wait3A_47 = arith.constant 0 : i32
      %dma_wait3A_48 = tpu.memref_slice %arg11[%add3A_12, %dma_wait3A_47] : memref<10240x128xf32, #tpu.memory_space<vmem_shared>> -> memref<128x128xf32, #tpu.memory_space<vmem_shared>>
      tpu.wait_dma2 semaphore(%run_scoped3A : memref<!tpu.dma_semaphore, #tpu.memory_space<semaphore_mem>>) src(%arg9 : memref<128x128xf32, #tpu.memory_space<vmem>>) dst(%dma_wait3A_48 : memref<128x128xf32, #tpu.memory_space<vmem_shared>>)
      tpu.yield
    }) : () -> ()
    %add3A_13 = arith.constant 384 : i32
    %add3A_14 = arith.addi %mul3A_2, %add3A_13 : i32
    "tpu.region"() ({
      %run_scoped3A = tpu.sem_alloc : memref<!tpu.dma_semaphore, #tpu.memory_space<semaphore_mem>>
      %dma_start3A = arith.constant 0 : i32
      %dma_start3A_43 = tpu.memref_slice %arg11[%add3A_14, %dma_start3A] : memref<10240x128xf32, #tpu.memory_space<vmem_shared>> -> memref<128x128xf32, #tpu.memory_space<vmem_shared>>
      %dma_start3A_44 = arith.constant 0 : i32
      %dma_start3A_45 = tpu.memref_slice %arg11[%add3A_14, %dma_start3A_44] : memref<10240x128xf32, #tpu.memory_space<vmem_shared>> -> memref<128x128xf32, #tpu.memory_space<vmem_shared>>
      tpu.enqueue_dma source(%arg9 : memref<128x128xf32, #tpu.memory_space<vmem>>) target(%dma_start3A_45 : memref<128x128xf32, #tpu.memory_space<vmem_shared>>) target_semaphore(%run_scoped3A : memref<!tpu.dma_semaphore, #tpu.memory_space<semaphore_mem>>)
      %dma_wait3A = arith.constant 0 : i32
      %dma_wait3A_46 = tpu.memref_slice %arg11[%add3A_14, %dma_wait3A] : memref<10240x128xf32, #tpu.memory_space<vmem_shared>> -> memref<128x128xf32, #tpu.memory_space<vmem_shared>>
      %dma_wait3A_47 = arith.constant 0 : i32
      %dma_wait3A_48 = tpu.memref_slice %arg11[%add3A_14, %dma_wait3A_47] : memref<10240x128xf32, #tpu.memory_space<vmem_shared>> -> memref<128x128xf32, #tpu.memory_space<vmem_shared>>
      tpu.wait_dma2 semaphore(%run_scoped3A : memref<!tpu.dma_semaphore, #tpu.memory_space<semaphore_mem>>) src(%arg9 : memref<128x128xf32, #tpu.memory_space<vmem>>) dst(%dma_wait3A_48 : memref<128x128xf32, #tpu.memory_space<vmem_shared>>)
      tpu.yield
    }) : () -> ()
    %add3A_15 = arith.constant 512 : i32
    %add3A_16 = arith.addi %mul3A_2, %add3A_15 : i32
    "tpu.region"() ({
      %run_scoped3A = tpu.sem_alloc : memref<!tpu.dma_semaphore, #tpu.memory_space<semaphore_mem>>
      %dma_start3A = arith.constant 0 : i32
      %dma_start3A_43 = tpu.memref_slice %arg11[%add3A_16, %dma_start3A] : memref<10240x128xf32, #tpu.memory_space<vmem_shared>> -> memref<128x128xf32, #tpu.memory_space<vmem_shared>>
      %dma_start3A_44 = arith.constant 0 : i32
      %dma_start3A_45 = tpu.memref_slice %arg11[%add3A_16, %dma_start3A_44] : memref<10240x128xf32, #tpu.memory_space<vmem_shared>> -> memref<128x128xf32, #tpu.memory_space<vmem_shared>>
      tpu.enqueue_dma source(%arg9 : memref<128x128xf32, #tpu.memory_space<vmem>>) target(%dma_start3A_45 : memref<128x128xf32, #tpu.memory_space<vmem_shared>>) target_semaphore(%run_scoped3A : memref<!tpu.dma_semaphore, #tpu.memory_space<semaphore_mem>>)
      %dma_wait3A = arith.constant 0 : i32
      %dma_wait3A_46 = tpu.memref_slice %arg11[%add3A_16, %dma_wait3A] : memref<10240x128xf32, #tpu.memory_space<vmem_shared>> -> memref<128x128xf32, #tpu.memory_space<vmem_shared>>
      %dma_wait3A_47 = arith.constant 0 : i32
      %dma_wait3A_48 = tpu.memref_slice %arg11[%add3A_16, %dma_wait3A_47] : memref<10240x128xf32, #tpu.memory_space<vmem_shared>> -> memref<128x128xf32, #tpu.memory_space<vmem_shared>>
      tpu.wait_dma2 semaphore(%run_scoped3A : memref<!tpu.dma_semaphore, #tpu.memory_space<semaphore_mem>>) src(%arg9 : memref<128x128xf32, #tpu.memory_space<vmem>>) dst(%dma_wait3A_48 : memref<128x128xf32, #tpu.memory_space<vmem_shared>>)
      tpu.yield
    }) : () -> ()
    %barrier3A = arith.constant 0 : index
    tpu.barrier barrier_id(%barrier3A)
    %scan3A_17 = arith.constant 0 : i32
    %scan3A_18 = arith.constant 2500 : i32
    %scan3A_19 = arith.addi %scan3A_17, %scan3A_18 : i32
    %scan3A_20 = arith.constant 1 : i32
    scf.for %scan3A_43 = %scan3A_17 to %scan3A_19 step %scan3A_20  : i32 {
      %mul3A_44 = arith.constant 1 : i32
      %mul3A_45 = arith.muli %scan3A_43, %mul3A_44 : i32
      %add3A_46 = arith.constant 0 : i32
      %add3A_47 = arith.addi %add3A_46, %mul3A_45 : i32
      %rem3A = arith.constant 32 : i32
      %rem3A_48 = arith.remsi %add3A_47, %rem3A : i32
      %eq3A = arith.cmpi eq, %rem3A_48, %add3A : i32
      %convert_element_type3A = arith.extui %eq3A : i1 to i32
      %cond3A = arith.constant 0 : i32
      %cond3A_49 = arith.cmpi ne, %convert_element_type3A, %cond3A : i32
      scf.if %cond3A_49 {
        "tpu.region"() ({
          %run_scoped3A = tpu.sem_alloc : memref<!tpu.dma_semaphore, #tpu.memory_space<semaphore_mem>>
          %dma_start3A_95 = arith.constant 0 : i32
          %dma_start3A_96 = arith.constant 0 : i32
          %dma_start3A_97 = tpu.memref_slice %arg2[%add3A_47, %dma_start3A_95, %dma_start3A_96] : memref<2500x1x128xi32, #tpu.memory_space<hbm>> -> memref<1x1x128xi32, #tpu.memory_space<hbm>>
          %dma_start3A_98 = tpu.memref_squeeze %dma_start3A_97 : memref<1x1x128xi32, #tpu.memory_space<hbm>> -> memref<1x128xi32, #tpu.memory_space<hbm>>
          %dma_start3A_99 = arith.constant 0 : i32
          %dma_start3A_100 = arith.constant 0 : i32
          %dma_start3A_101 = tpu.memref_slice %arg2[%add3A_47, %dma_start3A_99, %dma_start3A_100] : memref<2500x1x128xi32, #tpu.memory_space<hbm>> -> memref<1x1x128xi32, #tpu.memory_space<hbm>>
          %dma_start3A_102 = tpu.memref_squeeze %dma_start3A_101 : memref<1x1x128xi32, #tpu.memory_space<hbm>> -> memref<1x128xi32, #tpu.memory_space<hbm>>
          tpu.enqueue_dma source(%dma_start3A_102 : memref<1x128xi32, #tpu.memory_space<hbm>>) target(%arg7 : memref<1x128xi32, #tpu.memory_space<vmem>>) target_semaphore(%run_scoped3A : memref<!tpu.dma_semaphore, #tpu.memory_space<semaphore_mem>>)
          %dma_wait3A_103 = arith.constant 0 : i32
          %dma_wait3A_104 = arith.constant 0 : i32
          %dma_wait3A_105 = tpu.memref_slice %arg2[%add3A_47, %dma_wait3A_103, %dma_wait3A_104] : memref<2500x1x128xi32, #tpu.memory_space<hbm>> -> memref<1x1x128xi32, #tpu.memory_space<hbm>>
          %dma_wait3A_106 = tpu.memref_squeeze %dma_wait3A_105 : memref<1x1x128xi32, #tpu.memory_space<hbm>> -> memref<1x128xi32, #tpu.memory_space<hbm>>
          %dma_wait3A_107 = arith.constant 0 : i32
          %dma_wait3A_108 = arith.constant 0 : i32
          %dma_wait3A_109 = tpu.memref_slice %arg2[%add3A_47, %dma_wait3A_107, %dma_wait3A_108] : memref<2500x1x128xi32, #tpu.memory_space<hbm>> -> memref<1x1x128xi32, #tpu.memory_space<hbm>>
          %dma_wait3A_110 = tpu.memref_squeeze %dma_wait3A_109 : memref<1x1x128xi32, #tpu.memory_space<hbm>> -> memref<1x128xi32, #tpu.memory_space<hbm>>
          tpu.wait_dma2 semaphore(%run_scoped3A : memref<!tpu.dma_semaphore, #tpu.memory_space<semaphore_mem>>) src(%dma_wait3A_110 : memref<1x128xi32, #tpu.memory_space<hbm>>) dst(%arg7 : memref<1x128xi32, #tpu.memory_space<vmem>>)
          tpu.yield
        }) : () -> ()
        "tpu.region"() ({
          %run_scoped3A = tpu.sem_alloc : memref<!tpu.dma_semaphore, #tpu.memory_space<semaphore_mem>>
          %dma_start3A_95 = arith.constant 0 : i32
          %dma_start3A_96 = arith.constant 0 : i32
          %dma_start3A_97 = tpu.memref_slice %arg3[%add3A_47, %dma_start3A_95, %dma_start3A_96] : memref<2500x1x128xi32, #tpu.memory_space<hbm>> -> memref<1x1x128xi32, #tpu.memory_space<hbm>>
          %dma_start3A_98 = tpu.memref_squeeze %dma_start3A_97 : memref<1x1x128xi32, #tpu.memory_space<hbm>> -> memref<1x128xi32, #tpu.memory_space<hbm>>
          %dma_start3A_99 = arith.constant 0 : i32
          %dma_start3A_100 = arith.constant 0 : i32
          %dma_start3A_101 = tpu.memref_slice %arg3[%add3A_47, %dma_start3A_99, %dma_start3A_100] : memref<2500x1x128xi32, #tpu.memory_space<hbm>> -> memref<1x1x128xi32, #tpu.memory_space<hbm>>
          %dma_start3A_102 = tpu.memref_squeeze %dma_start3A_101 : memref<1x1x128xi32, #tpu.memory_space<hbm>> -> memref<1x128xi32, #tpu.memory_space<hbm>>
          tpu.enqueue_dma source(%dma_start3A_102 : memref<1x128xi32, #tpu.memory_space<hbm>>) target(%arg8 : memref<1x128xi32, #tpu.memory_space<vmem>>) target_semaphore(%run_scoped3A : memref<!tpu.dma_semaphore, #tpu.memory_space<semaphore_mem>>)
          %dma_wait3A_103 = arith.constant 0 : i32
          %dma_wait3A_104 = arith.constant 0 : i32
          %dma_wait3A_105 = tpu.memref_slice %arg3[%add3A_47, %dma_wait3A_103, %dma_wait3A_104] : memref<2500x1x128xi32, #tpu.memory_space<hbm>> -> memref<1x1x128xi32, #tpu.memory_space<hbm>>
          %dma_wait3A_106 = tpu.memref_squeeze %dma_wait3A_105 : memref<1x1x128xi32, #tpu.memory_space<hbm>> -> memref<1x128xi32, #tpu.memory_space<hbm>>
          %dma_wait3A_107 = arith.constant 0 : i32
          %dma_wait3A_108 = arith.constant 0 : i32
          %dma_wait3A_109 = tpu.memref_slice %arg3[%add3A_47, %dma_wait3A_107, %dma_wait3A_108] : memref<2500x1x128xi32, #tpu.memory_space<hbm>> -> memref<1x1x128xi32, #tpu.memory_space<hbm>>
          %dma_wait3A_110 = tpu.memref_squeeze %dma_wait3A_109 : memref<1x1x128xi32, #tpu.memory_space<hbm>> -> memref<1x128xi32, #tpu.memory_space<hbm>>
          tpu.wait_dma2 semaphore(%run_scoped3A : memref<!tpu.dma_semaphore, #tpu.memory_space<semaphore_mem>>) src(%dma_wait3A_110 : memref<1x128xi32, #tpu.memory_space<hbm>>) dst(%arg8 : memref<1x128xi32, #tpu.memory_space<vmem>>)
          tpu.yield
        }) : () -> ()
        %mul3A_50 = arith.constant 128 : i32
        %mul3A_51 = arith.muli %add3A_47, %mul3A_50 : i32
        "tpu.region"() ({
          %run_scoped3A = tpu.sem_alloc : memref<!tpu.dma_semaphore, #tpu.memory_space<semaphore_mem>>
          %dma_start3A_95 = arith.constant 0 : i32
          %dma_start3A_96 = tpu.memref_slice %arg5[%mul3A_51, %dma_start3A_95] : memref<320000x16xf32, #tpu.memory_space<hbm>> -> memref<128x16xf32, #tpu.memory_space<hbm>>
          %dma_start3A_97 = arith.constant 0 : i32
          %dma_start3A_98 = tpu.memref_slice %arg5[%mul3A_51, %dma_start3A_97] : memref<320000x16xf32, #tpu.memory_space<hbm>> -> memref<128x16xf32, #tpu.memory_space<hbm>>
          tpu.enqueue_dma source(%dma_start3A_98 : memref<128x16xf32, #tpu.memory_space<hbm>>) target(%arg10 : memref<128x16xf32, #tpu.memory_space<vmem>>) target_semaphore(%run_scoped3A : memref<!tpu.dma_semaphore, #tpu.memory_space<semaphore_mem>>)
          %dma_wait3A_99 = arith.constant 0 : i32
          %dma_wait3A_100 = tpu.memref_slice %arg5[%mul3A_51, %dma_wait3A_99] : memref<320000x16xf32, #tpu.memory_space<hbm>> -> memref<128x16xf32, #tpu.memory_space<hbm>>
          %dma_wait3A_101 = arith.constant 0 : i32
          %dma_wait3A_102 = tpu.memref_slice %arg5[%mul3A_51, %dma_wait3A_101] : memref<320000x16xf32, #tpu.memory_space<hbm>> -> memref<128x16xf32, #tpu.memory_space<hbm>>
          tpu.wait_dma2 semaphore(%run_scoped3A : memref<!tpu.dma_semaphore, #tpu.memory_space<semaphore_mem>>) src(%dma_wait3A_102 : memref<128x16xf32, #tpu.memory_space<hbm>>) dst(%arg10 : memref<128x16xf32, #tpu.memory_space<vmem>>)
          tpu.yield
        }) : () -> ()
        %dma_start3A = arith.constant 0 : i32
        %dma_start3A_52 = arith.constant 0 : i32
        %dma_start3A_53 = arith.constant 0 : i32
        %dma_start3A_54 = tpu.memref_slice %arg9[%dma_start3A_52, %dma_start3A_53] : memref<128x128xf32, #tpu.memory_space<vmem>> -> memref<128x128xf32, #tpu.memory_space<vmem>>
        %dma_start3A_55 = arith.constant 0 : i32
        %dma_start3A_56 = tpu.memref_slice %arg7[%dma_start3A, %dma_start3A_55] : memref<1x128xi32, #tpu.memory_space<vmem>> -> memref<1x128xi32, #tpu.memory_space<vmem>>
        %dma_start3A_57 = tpu.memref_squeeze %dma_start3A_56 : memref<1x128xi32, #tpu.memory_space<vmem>> -> memref<128xi32, #tpu.memory_space<vmem>>
        %dma_start3A_58 = arith.constant 0 : i32
        %dma_start3A_59 = arith.constant 0 : i32
        %dma_start3A_60 = tpu.memref_slice %arg4[%dma_start3A_58, %dma_start3A_59] : memref<10000x128xf32, #tpu.memory_space<hbm>> -> memref<10000x128xf32, #tpu.memory_space<hbm>>
        tpu.enqueue_indirect_dma source(%dma_start3A_60 : memref<10000x128xf32, #tpu.memory_space<hbm>>) target(%dma_start3A_54 : memref<128x128xf32, #tpu.memory_space<vmem>>) offsets(%dma_start3A_57 : memref<128xi32, #tpu.memory_space<vmem>>) semaphore(%arg12 : memref<!tpu.dma_semaphore, #tpu.memory_space<semaphore_mem>>)
        %dma_wait3A = arith.constant 0 : i32
        %dma_wait3A_61 = arith.constant 0 : i32
        %dma_wait3A_62 = arith.constant 0 : i32
        %dma_wait3A_63 = tpu.memref_slice %arg9[%dma_wait3A_61, %dma_wait3A_62] : memref<128x128xf32, #tpu.memory_space<vmem>> -> memref<128x128xf32, #tpu.memory_space<vmem>>
        %dma_wait3A_64 = arith.constant 0 : i32
        %dma_wait3A_65 = tpu.memref_slice %arg7[%dma_wait3A, %dma_wait3A_64] : memref<1x128xi32, #tpu.memory_space<vmem>> -> memref<1x128xi32, #tpu.memory_space<vmem>>
        %dma_wait3A_66 = tpu.memref_squeeze %dma_wait3A_65 : memref<1x128xi32, #tpu.memory_space<vmem>> -> memref<128xi32, #tpu.memory_space<vmem>>
        %dma_wait3A_67 = arith.constant 0 : i32
        %dma_wait3A_68 = arith.constant 0 : i32
        %dma_wait3A_69 = tpu.memref_slice %arg4[%dma_wait3A_67, %dma_wait3A_68] : memref<10000x128xf32, #tpu.memory_space<hbm>> -> memref<10000x128xf32, #tpu.memory_space<hbm>>
        tpu.wait_indirect_dma semaphore(%arg12 : memref<!tpu.dma_semaphore, #tpu.memory_space<semaphore_mem>>) src(%dma_wait3A_69 : memref<10000x128xf32, #tpu.memory_space<hbm>>) dst(%dma_wait3A_63 : memref<128x128xf32, #tpu.memory_space<vmem>>)
        %scan3A_70 = arith.constant 0 : i32
        %scan3A_71 = arith.constant 128 : i32
        %scan3A_72 = arith.addi %scan3A_70, %scan3A_71 : i32
        %scan3A_73 = arith.constant 1 : i32
        scf.for %scan3A_95 = %scan3A_70 to %scan3A_72 step %scan3A_73  : i32 {
          %mul3A_96 = arith.constant 1 : i32
          %mul3A_97 = arith.muli %scan3A_95, %mul3A_96 : i32
          %add3A_98 = arith.constant 0 : i32
          %add3A_99 = arith.addi %add3A_98, %mul3A_97 : i32
          %get3A = arith.index_cast %add3A_99 : i32 to index
          %get3A_100 = arith.constant 0 : index
          %get3A_101 = tpu.vector_load %arg10[%get3A, %get3A_100] {strides = array<i32>} : memref<128x16xf32, #tpu.memory_space<vmem>>, vector<16xf32>,
          %get3A_102 = arith.index_cast %add3A_99 : i32 to index
          %get3A_103 = arith.constant 0 : index
          %get3A_104 = tpu.vector_load %arg9[%get3A_102, %get3A_103] {strides = array<i32>} : memref<128x128xf32, #tpu.memory_space<vmem>>, vector<16xf32>,
          %mul3A_105 = arith.mulf %get3A_104, %get3A_101 : vector<16xf32>
          %swap3A = arith.index_cast %add3A_99 : i32 to index
          %swap3A_106 = arith.constant 0 : index
          %swap3A_107 = tpu.vector_load %arg9[%swap3A, %swap3A_106] {strides = array<i32>} : memref<128x128xf32, #tpu.memory_space<vmem>>, vector<16xf32>,
          tpu.vector_store %arg9[%swap3A, %swap3A_106], %mul3A_105 {strides = array<i32>} : memref<128x128xf32, #tpu.memory_space<vmem>>, vector<16xf32>,
          %get3A_108 = arith.index_cast %add3A_99 : i32 to index
          %get3A_109 = arith.constant 16 : index
          %get3A_110 = tpu.vector_load %arg9[%get3A_108, %get3A_109] {strides = array<i32>} : memref<128x128xf32, #tpu.memory_space<vmem>>, vector<16xf32>,
          %mul3A_111 = arith.mulf %get3A_110, %get3A_101 : vector<16xf32>
          %swap3A_112 = arith.index_cast %add3A_99 : i32 to index
          %swap3A_113 = arith.constant 16 : index
          %swap3A_114 = tpu.vector_load %arg9[%swap3A_112, %swap3A_113] {strides = array<i32>} : memref<128x128xf32, #tpu.memory_space<vmem>>, vector<16xf32>,
          tpu.vector_store %arg9[%swap3A_112, %swap3A_113], %mul3A_111 {strides = array<i32>} : memref<128x128xf32, #tpu.memory_space<vmem>>, vector<16xf32>,
          %get3A_115 = arith.index_cast %add3A_99 : i32 to index
          %get3A_116 = arith.constant 32 : index
          %get3A_117 = tpu.vector_load %arg9[%get3A_115, %get3A_116] {strides = array<i32>} : memref<128x128xf32, #tpu.memory_space<vmem>>, vector<16xf32>,
          %mul3A_118 = arith.mulf %get3A_117, %get3A_101 : vector<16xf32>
          %swap3A_119 = arith.index_cast %add3A_99 : i32 to index
          %swap3A_120 = arith.constant 32 : index
          %swap3A_121 = tpu.vector_load %arg9[%swap3A_119, %swap3A_120] {strides = array<i32>} : memref<128x128xf32, #tpu.memory_space<vmem>>, vector<16xf32>,
          tpu.vector_store %arg9[%swap3A_119, %swap3A_120], %mul3A_118 {strides = array<i32>} : memref<128x128xf32, #tpu.memory_space<vmem>>, vector<16xf32>,
          %get3A_122 = arith.index_cast %add3A_99 : i32 to index
          %get3A_123 = arith.constant 48 : index
          %get3A_124 = tpu.vector_load %arg9[%get3A_122, %get3A_123] {strides = array<i32>} : memref<128x128xf32, #tpu.memory_space<vmem>>, vector<16xf32>,
          %mul3A_125 = arith.mulf %get3A_124, %get3A_101 : vector<16xf32>
          %swap3A_126 = arith.index_cast %add3A_99 : i32 to index
          %swap3A_127 = arith.constant 48 : index
          %swap3A_128 = tpu.vector_load %arg9[%swap3A_126, %swap3A_127] {strides = array<i32>} : memref<128x128xf32, #tpu.memory_space<vmem>>, vector<16xf32>,
          tpu.vector_store %arg9[%swap3A_126, %swap3A_127], %mul3A_125 {strides = array<i32>} : memref<128x128xf32, #tpu.memory_space<vmem>>, vector<16xf32>,
          %get3A_129 = arith.index_cast %add3A_99 : i32 to index
          %get3A_130 = arith.constant 64 : index
          %get3A_131 = tpu.vector_load %arg9[%get3A_129, %get3A_130] {strides = array<i32>} : memref<128x128xf32, #tpu.memory_space<vmem>>, vector<16xf32>,
          %mul3A_132 = arith.mulf %get3A_131, %get3A_101 : vector<16xf32>
          %swap3A_133 = arith.index_cast %add3A_99 : i32 to index
          %swap3A_134 = arith.constant 64 : index
          %swap3A_135 = tpu.vector_load %arg9[%swap3A_133, %swap3A_134] {strides = array<i32>} : memref<128x128xf32, #tpu.memory_space<vmem>>, vector<16xf32>,
          tpu.vector_store %arg9[%swap3A_133, %swap3A_134], %mul3A_132 {strides = array<i32>} : memref<128x128xf32, #tpu.memory_space<vmem>>, vector<16xf32>,
          %get3A_136 = arith.index_cast %add3A_99 : i32 to index
          %get3A_137 = arith.constant 80 : index
          %get3A_138 = tpu.vector_load %arg9[%get3A_136, %get3A_137] {strides = array<i32>} : memref<128x128xf32, #tpu.memory_space<vmem>>, vector<16xf32>,
          %mul3A_139 = arith.mulf %get3A_138, %get3A_101 : vector<16xf32>
          %swap3A_140 = arith.index_cast %add3A_99 : i32 to index
          %swap3A_141 = arith.constant 80 : index
          %swap3A_142 = tpu.vector_load %arg9[%swap3A_140, %swap3A_141] {strides = array<i32>} : memref<128x128xf32, #tpu.memory_space<vmem>>, vector<16xf32>,
          tpu.vector_store %arg9[%swap3A_140, %swap3A_141], %mul3A_139 {strides = array<i32>} : memref<128x128xf32, #tpu.memory_space<vmem>>, vector<16xf32>,
          %get3A_143 = arith.index_cast %add3A_99 : i32 to index
          %get3A_144 = arith.constant 96 : index
          %get3A_145 = tpu.vector_load %arg9[%get3A_143, %get3A_144] {strides = array<i32>} : memref<128x128xf32, #tpu.memory_space<vmem>>, vector<16xf32>,
          %mul3A_146 = arith.mulf %get3A_145, %get3A_101 : vector<16xf32>
          %swap3A_147 = arith.index_cast %add3A_99 : i32 to index
          %swap3A_148 = arith.constant 96 : index
          %swap3A_149 = tpu.vector_load %arg9[%swap3A_147, %swap3A_148] {strides = array<i32>} : memref<128x128xf32, #tpu.memory_space<vmem>>, vector<16xf32>,
          tpu.vector_store %arg9[%swap3A_147, %swap3A_148], %mul3A_146 {strides = array<i32>} : memref<128x128xf32, #tpu.memory_space<vmem>>, vector<16xf32>,
          %get3A_150 = arith.index_cast %add3A_99 : i32 to index
          %get3A_151 = arith.constant 112 : index
          %get3A_152 = tpu.vector_load %arg9[%get3A_150, %get3A_151] {strides = array<i32>} : memref<128x128xf32, #tpu.memory_space<vmem>>, vector<16xf32>,
          %mul3A_153 = arith.mulf %get3A_152, %get3A_101 : vector<16xf32>
          %swap3A_154 = arith.index_cast %add3A_99 : i32 to index
          %swap3A_155 = arith.constant 112 : index
          %swap3A_156 = tpu.vector_load %arg9[%swap3A_154, %swap3A_155] {strides = array<i32>} : memref<128x128xf32, #tpu.memory_space<vmem>>, vector<16xf32>,
          tpu.vector_store %arg9[%swap3A_154, %swap3A_155], %mul3A_153 {strides = array<i32>} : memref<128x128xf32, #tpu.memory_space<vmem>>, vector<16xf32>,
        }
        %scan3A_74 = arith.constant 128 : i32
        %dma_start3A_75 = arith.constant 0 : i32
        %dma_start3A_76 = arith.constant 0 : i32
        %dma_start3A_77 = arith.constant 0 : i32
        %dma_start3A_78 = tpu.memref_slice %arg9[%dma_start3A_76, %dma_start3A_77] : memref<128x128xf32, #tpu.memory_space<vmem>> -> memref<128x128xf32, #tpu.memory_space<vmem>>
        %dma_start3A_79 = arith.constant 0 : i32
        %dma_start3A_80 = tpu.memref_slice %arg8[%dma_start3A_75, %dma_start3A_79] : memref<1x128xi32, #tpu.memory_space<vmem>> -> memref<1x128xi32, #tpu.memory_space<vmem>>
        %dma_start3A_81 = tpu.memref_squeeze %dma_start3A_80 : memref<1x128xi32, #tpu.memory_space<vmem>> -> memref<128xi32, #tpu.memory_space<vmem>>
        %dma_start3A_82 = arith.constant 0 : i32
        %dma_start3A_83 = arith.constant 0 : i32
        %dma_start3A_84 = tpu.memref_slice %arg11[%dma_start3A_82, %dma_start3A_83] : memref<10240x128xf32, #tpu.memory_space<vmem_shared>> -> memref<10240x128xf32, #tpu.memory_space<vmem_shared>>
        tpu.enqueue_indirect_dma source(%dma_start3A_78 : memref<128x128xf32, #tpu.memory_space<vmem>>) target(%dma_start3A_84 : memref<10240x128xf32, #tpu.memory_space<vmem_shared>>) offsets(%dma_start3A_81 : memref<128xi32, #tpu.memory_space<vmem>>) semaphore(%arg12 : memref<!tpu.dma_semaphore, #tpu.memory_space<semaphore_mem>>) {add = true}
        %dma_wait3A_85 = arith.constant 0 : i32
        %dma_wait3A_86 = arith.constant 0 : i32
        %dma_wait3A_87 = arith.constant 0 : i32
        %dma_wait3A_88 = tpu.memref_slice %arg9[%dma_wait3A_86, %dma_wait3A_87] : memref<128x128xf32, #tpu.memory_space<vmem>> -> memref<128x128xf32, #tpu.memory_space<vmem>>
        %dma_wait3A_89 = arith.constant 0 : i32
        %dma_wait3A_90 = tpu.memref_slice %arg8[%dma_wait3A_85, %dma_wait3A_89] : memref<1x128xi32, #tpu.memory_space<vmem>> -> memref<1x128xi32, #tpu.memory_space<vmem>>
        %dma_wait3A_91 = tpu.memref_squeeze %dma_wait3A_90 : memref<1x128xi32, #tpu.memory_space<vmem>> -> memref<128xi32, #tpu.memory_space<vmem>>
        %dma_wait3A_92 = arith.constant 0 : i32
        %dma_wait3A_93 = arith.constant 0 : i32
        %dma_wait3A_94 = tpu.memref_slice %arg11[%dma_wait3A_92, %dma_wait3A_93] : memref<10240x128xf32, #tpu.memory_space<vmem_shared>> -> memref<10240x128xf32, #tpu.memory_space<vmem_shared>>
        tpu.wait_indirect_dma semaphore(%arg12 : memref<!tpu.dma_semaphore, #tpu.memory_space<semaphore_mem>>) src(%dma_wait3A_88 : memref<128x128xf32, #tpu.memory_space<vmem>>) dst(%dma_wait3A_94 : memref<10240x128xf32, #tpu.memory_space<vmem_shared>>)
      } else {
      }
    }
    %scan3A_21 = arith.constant 2500 : i32
    %barrier3A_22 = arith.constant 0 : index
    tpu.barrier barrier_id(%barrier3A_22)
    %add3A_23 = arith.constant 0 : i32
    %add3A_24 = arith.addi %mul3A_2, %add3A_23 : i32
    "tpu.region"() ({
      %run_scoped3A = tpu.sem_alloc : memref<!tpu.dma_semaphore, #tpu.memory_space<semaphore_mem>>
      %dma_start3A = arith.constant 0 : i32
      %dma_start3A_43 = tpu.memref_slice %arg11[%add3A_24, %dma_start3A] : memref<10240x128xf32, #tpu.memory_space<vmem_shared>> -> memref<128x128xf32, #tpu.memory_space<vmem_shared>>
      %dma_start3A_44 = arith.constant 0 : i32
      %dma_start3A_45 = tpu.memref_slice %arg11[%add3A_24, %dma_start3A_44] : memref<10240x128xf32, #tpu.memory_space<vmem_shared>> -> memref<128x128xf32, #tpu.memory_space<vmem_shared>>
      tpu.enqueue_dma source(%dma_start3A_45 : memref<128x128xf32, #tpu.memory_space<vmem_shared>>) target(%arg9 : memref<128x128xf32, #tpu.memory_space<vmem>>) target_semaphore(%run_scoped3A : memref<!tpu.dma_semaphore, #tpu.memory_space<semaphore_mem>>)
      %dma_wait3A = arith.constant 0 : i32
      %dma_wait3A_46 = tpu.memref_slice %arg11[%add3A_24, %dma_wait3A] : memref<10240x128xf32, #tpu.memory_space<vmem_shared>> -> memref<128x128xf32, #tpu.memory_space<vmem_shared>>
      %dma_wait3A_47 = arith.constant 0 : i32
      %dma_wait3A_48 = tpu.memref_slice %arg11[%add3A_24, %dma_wait3A_47] : memref<10240x128xf32, #tpu.memory_space<vmem_shared>> -> memref<128x128xf32, #tpu.memory_space<vmem_shared>>
      tpu.wait_dma2 semaphore(%run_scoped3A : memref<!tpu.dma_semaphore, #tpu.memory_space<semaphore_mem>>) src(%dma_wait3A_48 : memref<128x128xf32, #tpu.memory_space<vmem_shared>>) dst(%arg9 : memref<128x128xf32, #tpu.memory_space<vmem>>)
      tpu.yield
    }) : () -> ()
    %add3A_25 = arith.constant 0 : i32
    %add3A_26 = arith.addi %mul3A_2, %add3A_25 : i32
    "tpu.region"() ({
      %run_scoped3A = tpu.sem_alloc : memref<!tpu.dma_semaphore, #tpu.memory_space<semaphore_mem>>
      %dma_start3A = arith.constant 0 : i32
      %dma_start3A_43 = tpu.memref_slice %arg6[%arg0, %add3A_26, %dma_start3A] : memref<2x10240x128xf32, #tpu.memory_space<hbm>> -> memref<1x128x128xf32, #tpu.memory_space<hbm>>
      %dma_start3A_44 = tpu.memref_squeeze %dma_start3A_43 : memref<1x128x128xf32, #tpu.memory_space<hbm>> -> memref<128x128xf32, #tpu.memory_space<hbm>>
      %dma_start3A_45 = arith.constant 0 : i32
      %dma_start3A_46 = tpu.memref_slice %arg6[%arg0, %add3A_26, %dma_start3A_45] : memref<2x10240x128xf32, #tpu.memory_space<hbm>> -> memref<1x128x128xf32, #tpu.memory_space<hbm>>
      %dma_start3A_47 = tpu.memref_squeeze %dma_start3A_46 : memref<1x128x128xf32, #tpu.memory_space<hbm>> -> memref<128x128xf32, #tpu.memory_space<hbm>>
      tpu.enqueue_dma source(%arg9 : memref<128x128xf32, #tpu.memory_space<vmem>>) target(%dma_start3A_47 : memref<128x128xf32, #tpu.memory_space<hbm>>) target_semaphore(%run_scoped3A : memref<!tpu.dma_semaphore, #tpu.memory_space<semaphore_mem>>)
      %dma_wait3A = arith.constant 0 : i32
      %dma_wait3A_48 = tpu.memref_slice %arg6[%arg0, %add3A_26, %dma_wait3A] : memref<2x10240x128xf32, #tpu.memory_space<hbm>> -> memref<1x128x128xf32, #tpu.memory_space<hbm>>
      %dma_wait3A_49 = tpu.memref_squeeze %dma_wait3A_48 : memref<1x128x128xf32, #tpu.memory_space<hbm>> -> memref<128x128xf32, #tpu.memory_space<hbm>>
      %dma_wait3A_50 = arith.constant 0 : i32
      %dma_wait3A_51 = tpu.memref_slice %arg6[%arg0, %add3A_26, %dma_wait3A_50] : memref<2x10240x128xf32, #tpu.memory_space<hbm>> -> memref<1x128x128xf32, #tpu.memory_space<hbm>>
      %dma_wait3A_52 = tpu.memref_squeeze %dma_wait3A_51 : memref<1x128x128xf32, #tpu.memory_space<hbm>> -> memref<128x128xf32, #tpu.memory_space<hbm>>
      tpu.wait_dma2 semaphore(%run_scoped3A : memref<!tpu.dma_semaphore, #tpu.memory_space<semaphore_mem>>) src(%arg9 : memref<128x128xf32, #tpu.memory_space<vmem>>) dst(%dma_wait3A_52 : memref<128x128xf32, #tpu.memory_space<hbm>>)
      tpu.yield
    }) : () -> ()
    %add3A_27 = arith.constant 128 : i32
    %add3A_28 = arith.addi %mul3A_2, %add3A_27 : i32
    "tpu.region"() ({
      %run_scoped3A = tpu.sem_alloc : memref<!tpu.dma_semaphore, #tpu.memory_space<semaphore_mem>>
      %dma_start3A = arith.constant 0 : i32
      %dma_start3A_43 = tpu.memref_slice %arg11[%add3A_28, %dma_start3A] : memref<10240x128xf32, #tpu.memory_space<vmem_shared>> -> memref<128x128xf32, #tpu.memory_space<vmem_shared>>
      %dma_start3A_44 = arith.constant 0 : i32
      %dma_start3A_45 = tpu.memref_slice %arg11[%add3A_28, %dma_start3A_44] : memref<10240x128xf32, #tpu.memory_space<vmem_shared>> -> memref<128x128xf32, #tpu.memory_space<vmem_shared>>
      tpu.enqueue_dma source(%dma_start3A_45 : memref<128x128xf32, #tpu.memory_space<vmem_shared>>) target(%arg9 : memref<128x128xf32, #tpu.memory_space<vmem>>) target_semaphore(%run_scoped3A : memref<!tpu.dma_semaphore, #tpu.memory_space<semaphore_mem>>)
      %dma_wait3A = arith.constant 0 : i32
      %dma_wait3A_46 = tpu.memref_slice %arg11[%add3A_28, %dma_wait3A] : memref<10240x128xf32, #tpu.memory_space<vmem_shared>> -> memref<128x128xf32, #tpu.memory_space<vmem_shared>>
      %dma_wait3A_47 = arith.constant 0 : i32
      %dma_wait3A_48 = tpu.memref_slice %arg11[%add3A_28, %dma_wait3A_47] : memref<10240x128xf32, #tpu.memory_space<vmem_shared>> -> memref<128x128xf32, #tpu.memory_space<vmem_shared>>
      tpu.wait_dma2 semaphore(%run_scoped3A : memref<!tpu.dma_semaphore, #tpu.memory_space<semaphore_mem>>) src(%dma_wait3A_48 : memref<128x128xf32, #tpu.memory_space<vmem_shared>>) dst(%arg9 : memref<128x128xf32, #tpu.memory_space<vmem>>)
      tpu.yield
    }) : () -> ()
    %add3A_29 = arith.constant 128 : i32
    %add3A_30 = arith.addi %mul3A_2, %add3A_29 : i32
    "tpu.region"() ({
      %run_scoped3A = tpu.sem_alloc : memref<!tpu.dma_semaphore, #tpu.memory_space<semaphore_mem>>
      %dma_start3A = arith.constant 0 : i32
      %dma_start3A_43 = tpu.memref_slice %arg6[%arg0, %add3A_30, %dma_start3A] : memref<2x10240x128xf32, #tpu.memory_space<hbm>> -> memref<1x128x128xf32, #tpu.memory_space<hbm>>
      %dma_start3A_44 = tpu.memref_squeeze %dma_start3A_43 : memref<1x128x128xf32, #tpu.memory_space<hbm>> -> memref<128x128xf32, #tpu.memory_space<hbm>>
      %dma_start3A_45 = arith.constant 0 : i32
      %dma_start3A_46 = tpu.memref_slice %arg6[%arg0, %add3A_30, %dma_start3A_45] : memref<2x10240x128xf32, #tpu.memory_space<hbm>> -> memref<1x128x128xf32, #tpu.memory_space<hbm>>
      %dma_start3A_47 = tpu.memref_squeeze %dma_start3A_46 : memref<1x128x128xf32, #tpu.memory_space<hbm>> -> memref<128x128xf32, #tpu.memory_space<hbm>>
      tpu.enqueue_dma source(%arg9 : memref<128x128xf32, #tpu.memory_space<vmem>>) target(%dma_start3A_47 : memref<128x128xf32, #tpu.memory_space<hbm>>) target_semaphore(%run_scoped3A : memref<!tpu.dma_semaphore, #tpu.memory_space<semaphore_mem>>)
      %dma_wait3A = arith.constant 0 : i32
      %dma_wait3A_48 = tpu.memref_slice %arg6[%arg0, %add3A_30, %dma_wait3A] : memref<2x10240x128xf32, #tpu.memory_space<hbm>> -> memref<1x128x128xf32, #tpu.memory_space<hbm>>
      %dma_wait3A_49 = tpu.memref_squeeze %dma_wait3A_48 : memref<1x128x128xf32, #tpu.memory_space<hbm>> -> memref<128x128xf32, #tpu.memory_space<hbm>>
      %dma_wait3A_50 = arith.constant 0 : i32
      %dma_wait3A_51 = tpu.memref_slice %arg6[%arg0, %add3A_30, %dma_wait3A_50] : memref<2x10240x128xf32, #tpu.memory_space<hbm>> -> memref<1x128x128xf32, #tpu.memory_space<hbm>>
      %dma_wait3A_52 = tpu.memref_squeeze %dma_wait3A_51 : memref<1x128x128xf32, #tpu.memory_space<hbm>> -> memref<128x128xf32, #tpu.memory_space<hbm>>
      tpu.wait_dma2 semaphore(%run_scoped3A : memref<!tpu.dma_semaphore, #tpu.memory_space<semaphore_mem>>) src(%arg9 : memref<128x128xf32, #tpu.memory_space<vmem>>) dst(%dma_wait3A_52 : memref<128x128xf32, #tpu.memory_space<hbm>>)
      tpu.yield
    }) : () -> ()
    %add3A_31 = arith.constant 256 : i32
    %add3A_32 = arith.addi %mul3A_2, %add3A_31 : i32
    "tpu.region"() ({
      %run_scoped3A = tpu.sem_alloc : memref<!tpu.dma_semaphore, #tpu.memory_space<semaphore_mem>>
      %dma_start3A = arith.constant 0 : i32
      %dma_start3A_43 = tpu.memref_slice %arg11[%add3A_32, %dma_start3A] : memref<10240x128xf32, #tpu.memory_space<vmem_shared>> -> memref<128x128xf32, #tpu.memory_space<vmem_shared>>
      %dma_start3A_44 = arith.constant 0 : i32
      %dma_start3A_45 = tpu.memref_slice %arg11[%add3A_32, %dma_start3A_44] : memref<10240x128xf32, #tpu.memory_space<vmem_shared>> -> memref<128x128xf32, #tpu.memory_space<vmem_shared>>
      tpu.enqueue_dma source(%dma_start3A_45 : memref<128x128xf32, #tpu.memory_space<vmem_shared>>) target(%arg9 : memref<128x128xf32, #tpu.memory_space<vmem>>) target_semaphore(%run_scoped3A : memref<!tpu.dma_semaphore, #tpu.memory_space<semaphore_mem>>)
      %dma_wait3A = arith.constant 0 : i32
      %dma_wait3A_46 = tpu.memref_slice %arg11[%add3A_32, %dma_wait3A] : memref<10240x128xf32, #tpu.memory_space<vmem_shared>> -> memref<128x128xf32, #tpu.memory_space<vmem_shared>>
      %dma_wait3A_47 = arith.constant 0 : i32
      %dma_wait3A_48 = tpu.memref_slice %arg11[%add3A_32, %dma_wait3A_47] : memref<10240x128xf32, #tpu.memory_space<vmem_shared>> -> memref<128x128xf32, #tpu.memory_space<vmem_shared>>
      tpu.wait_dma2 semaphore(%run_scoped3A : memref<!tpu.dma_semaphore, #tpu.memory_space<semaphore_mem>>) src(%dma_wait3A_48 : memref<128x128xf32, #tpu.memory_space<vmem_shared>>) dst(%arg9 : memref<128x128xf32, #tpu.memory_space<vmem>>)
      tpu.yield
    }) : () -> ()
    %add3A_33 = arith.constant 256 : i32
    %add3A_34 = arith.addi %mul3A_2, %add3A_33 : i32
    "tpu.region"() ({
      %run_scoped3A = tpu.sem_alloc : memref<!tpu.dma_semaphore, #tpu.memory_space<semaphore_mem>>
      %dma_start3A = arith.constant 0 : i32
      %dma_start3A_43 = tpu.memref_slice %arg6[%arg0, %add3A_34, %dma_start3A] : memref<2x10240x128xf32, #tpu.memory_space<hbm>> -> memref<1x128x128xf32, #tpu.memory_space<hbm>>
      %dma_start3A_44 = tpu.memref_squeeze %dma_start3A_43 : memref<1x128x128xf32, #tpu.memory_space<hbm>> -> memref<128x128xf32, #tpu.memory_space<hbm>>
      %dma_start3A_45 = arith.constant 0 : i32
      %dma_start3A_46 = tpu.memref_slice %arg6[%arg0, %add3A_34, %dma_start3A_45] : memref<2x10240x128xf32, #tpu.memory_space<hbm>> -> memref<1x128x128xf32, #tpu.memory_space<hbm>>
      %dma_start3A_47 = tpu.memref_squeeze %dma_start3A_46 : memref<1x128x128xf32, #tpu.memory_space<hbm>> -> memref<128x128xf32, #tpu.memory_space<hbm>>
      tpu.enqueue_dma source(%arg9 : memref<128x128xf32, #tpu.memory_space<vmem>>) target(%dma_start3A_47 : memref<128x128xf32, #tpu.memory_space<hbm>>) target_semaphore(%run_scoped3A : memref<!tpu.dma_semaphore, #tpu.memory_space<semaphore_mem>>)
      %dma_wait3A = arith.constant 0 : i32
      %dma_wait3A_48 = tpu.memref_slice %arg6[%arg0, %add3A_34, %dma_wait3A] : memref<2x10240x128xf32, #tpu.memory_space<hbm>> -> memref<1x128x128xf32, #tpu.memory_space<hbm>>
      %dma_wait3A_49 = tpu.memref_squeeze %dma_wait3A_48 : memref<1x128x128xf32, #tpu.memory_space<hbm>> -> memref<128x128xf32, #tpu.memory_space<hbm>>
      %dma_wait3A_50 = arith.constant 0 : i32
      %dma_wait3A_51 = tpu.memref_slice %arg6[%arg0, %add3A_34, %dma_wait3A_50] : memref<2x10240x128xf32, #tpu.memory_space<hbm>> -> memref<1x128x128xf32, #tpu.memory_space<hbm>>
      %dma_wait3A_52 = tpu.memref_squeeze %dma_wait3A_51 : memref<1x128x128xf32, #tpu.memory_space<hbm>> -> memref<128x128xf32, #tpu.memory_space<hbm>>
      tpu.wait_dma2 semaphore(%run_scoped3A : memref<!tpu.dma_semaphore, #tpu.memory_space<semaphore_mem>>) src(%arg9 : memref<128x128xf32, #tpu.memory_space<vmem>>) dst(%dma_wait3A_52 : memref<128x128xf32, #tpu.memory_space<hbm>>)
      tpu.yield
    }) : () -> ()
    %add3A_35 = arith.constant 384 : i32
    %add3A_36 = arith.addi %mul3A_2, %add3A_35 : i32
    "tpu.region"() ({
      %run_scoped3A = tpu.sem_alloc : memref<!tpu.dma_semaphore, #tpu.memory_space<semaphore_mem>>
      %dma_start3A = arith.constant 0 : i32
      %dma_start3A_43 = tpu.memref_slice %arg11[%add3A_36, %dma_start3A] : memref<10240x128xf32, #tpu.memory_space<vmem_shared>> -> memref<128x128xf32, #tpu.memory_space<vmem_shared>>
      %dma_start3A_44 = arith.constant 0 : i32
      %dma_start3A_45 = tpu.memref_slice %arg11[%add3A_36, %dma_start3A_44] : memref<10240x128xf32, #tpu.memory_space<vmem_shared>> -> memref<128x128xf32, #tpu.memory_space<vmem_shared>>
      tpu.enqueue_dma source(%dma_start3A_45 : memref<128x128xf32, #tpu.memory_space<vmem_shared>>) target(%arg9 : memref<128x128xf32, #tpu.memory_space<vmem>>) target_semaphore(%run_scoped3A : memref<!tpu.dma_semaphore, #tpu.memory_space<semaphore_mem>>)
      %dma_wait3A = arith.constant 0 : i32
      %dma_wait3A_46 = tpu.memref_slice %arg11[%add3A_36, %dma_wait3A] : memref<10240x128xf32, #tpu.memory_space<vmem_shared>> -> memref<128x128xf32, #tpu.memory_space<vmem_shared>>
      %dma_wait3A_47 = arith.constant 0 : i32
      %dma_wait3A_48 = tpu.memref_slice %arg11[%add3A_36, %dma_wait3A_47] : memref<10240x128xf32, #tpu.memory_space<vmem_shared>> -> memref<128x128xf32, #tpu.memory_space<vmem_shared>>
      tpu.wait_dma2 semaphore(%run_scoped3A : memref<!tpu.dma_semaphore, #tpu.memory_space<semaphore_mem>>) src(%dma_wait3A_48 : memref<128x128xf32, #tpu.memory_space<vmem_shared>>) dst(%arg9 : memref<128x128xf32, #tpu.memory_space<vmem>>)
      tpu.yield
    }) : () -> ()
    %add3A_37 = arith.constant 384 : i32
    %add3A_38 = arith.addi %mul3A_2, %add3A_37 : i32
    "tpu.region"() ({
      %run_scoped3A = tpu.sem_alloc : memref<!tpu.dma_semaphore, #tpu.memory_space<semaphore_mem>>
      %dma_start3A = arith.constant 0 : i32
      %dma_start3A_43 = tpu.memref_slice %arg6[%arg0, %add3A_38, %dma_start3A] : memref<2x10240x128xf32, #tpu.memory_space<hbm>> -> memref<1x128x128xf32, #tpu.memory_space<hbm>>
      %dma_start3A_44 = tpu.memref_squeeze %dma_start3A_43 : memref<1x128x128xf32, #tpu.memory_space<hbm>> -> memref<128x128xf32, #tpu.memory_space<hbm>>
      %dma_start3A_45 = arith.constant 0 : i32
      %dma_start3A_46 = tpu.memref_slice %arg6[%arg0, %add3A_38, %dma_start3A_45] : memref<2x10240x128xf32, #tpu.memory_space<hbm>> -> memref<1x128x128xf32, #tpu.memory_space<hbm>>
      %dma_start3A_47 = tpu.memref_squeeze %dma_start3A_46 : memref<1x128x128xf32, #tpu.memory_space<hbm>> -> memref<128x128xf32, #tpu.memory_space<hbm>>
      tpu.enqueue_dma source(%arg9 : memref<128x128xf32, #tpu.memory_space<vmem>>) target(%dma_start3A_47 : memref<128x128xf32, #tpu.memory_space<hbm>>) target_semaphore(%run_scoped3A : memref<!tpu.dma_semaphore, #tpu.memory_space<semaphore_mem>>)
      %dma_wait3A = arith.constant 0 : i32
      %dma_wait3A_48 = tpu.memref_slice %arg6[%arg0, %add3A_38, %dma_wait3A] : memref<2x10240x128xf32, #tpu.memory_space<hbm>> -> memref<1x128x128xf32, #tpu.memory_space<hbm>>
      %dma_wait3A_49 = tpu.memref_squeeze %dma_wait3A_48 : memref<1x128x128xf32, #tpu.memory_space<hbm>> -> memref<128x128xf32, #tpu.memory_space<hbm>>
      %dma_wait3A_50 = arith.constant 0 : i32
      %dma_wait3A_51 = tpu.memref_slice %arg6[%arg0, %add3A_38, %dma_wait3A_50] : memref<2x10240x128xf32, #tpu.memory_space<hbm>> -> memref<1x128x128xf32, #tpu.memory_space<hbm>>
      %dma_wait3A_52 = tpu.memref_squeeze %dma_wait3A_51 : memref<1x128x128xf32, #tpu.memory_space<hbm>> -> memref<128x128xf32, #tpu.memory_space<hbm>>
      tpu.wait_dma2 semaphore(%run_scoped3A : memref<!tpu.dma_semaphore, #tpu.memory_space<semaphore_mem>>) src(%arg9 : memref<128x128xf32, #tpu.memory_space<vmem>>) dst(%dma_wait3A_52 : memref<128x128xf32, #tpu.memory_space<hbm>>)
      tpu.yield
    }) : () -> ()
    %add3A_39 = arith.constant 512 : i32
    %add3A_40 = arith.addi %mul3A_2, %add3A_39 : i32
    "tpu.region"() ({
      %run_scoped3A = tpu.sem_alloc : memref<!tpu.dma_semaphore, #tpu.memory_space<semaphore_mem>>
      %dma_start3A = arith.constant 0 : i32
      %dma_start3A_43 = tpu.memref_slice %arg11[%add3A_40, %dma_start3A] : memref<10240x128xf32, #tpu.memory_space<vmem_shared>> -> memref<128x128xf32, #tpu.memory_space<vmem_shared>>
      %dma_start3A_44 = arith.constant 0 : i32
      %dma_start3A_45 = tpu.memref_slice %arg11[%add3A_40, %dma_start3A_44] : memref<10240x128xf32, #tpu.memory_space<vmem_shared>> -> memref<128x128xf32, #tpu.memory_space<vmem_shared>>
      tpu.enqueue_dma source(%dma_start3A_45 : memref<128x128xf32, #tpu.memory_space<vmem_shared>>) target(%arg9 : memref<128x128xf32, #tpu.memory_space<vmem>>) target_semaphore(%run_scoped3A : memref<!tpu.dma_semaphore, #tpu.memory_space<semaphore_mem>>)
      %dma_wait3A = arith.constant 0 : i32
      %dma_wait3A_46 = tpu.memref_slice %arg11[%add3A_40, %dma_wait3A] : memref<10240x128xf32, #tpu.memory_space<vmem_shared>> -> memref<128x128xf32, #tpu.memory_space<vmem_shared>>
      %dma_wait3A_47 = arith.constant 0 : i32
      %dma_wait3A_48 = tpu.memref_slice %arg11[%add3A_40, %dma_wait3A_47] : memref<10240x128xf32, #tpu.memory_space<vmem_shared>> -> memref<128x128xf32, #tpu.memory_space<vmem_shared>>
      tpu.wait_dma2 semaphore(%run_scoped3A : memref<!tpu.dma_semaphore, #tpu.memory_space<semaphore_mem>>) src(%dma_wait3A_48 : memref<128x128xf32, #tpu.memory_space<vmem_shared>>) dst(%arg9 : memref<128x128xf32, #tpu.memory_space<vmem>>)
      tpu.yield
    }) : () -> ()
    %add3A_41 = arith.constant 512 : i32
    %add3A_42 = arith.addi %mul3A_2, %add3A_41 : i32
    "tpu.region"() ({
      %run_scoped3A = tpu.sem_alloc : memref<!tpu.dma_semaphore, #tpu.memory_space<semaphore_mem>>
      %dma_start3A = arith.constant 0 : i32
      %dma_start3A_43 = tpu.memref_slice %arg6[%arg0, %add3A_42, %dma_start3A] : memref<2x10240x128xf32, #tpu.memory_space<hbm>> -> memref<1x128x128xf32, #tpu.memory_space<hbm>>
      %dma_start3A_44 = tpu.memref_squeeze %dma_start3A_43 : memref<1x128x128xf32, #tpu.memory_space<hbm>> -> memref<128x128xf32, #tpu.memory_space<hbm>>
      %dma_start3A_45 = arith.constant 0 : i32
      %dma_start3A_46 = tpu.memref_slice %arg6[%arg0, %add3A_42, %dma_start3A_45] : memref<2x10240x128xf32, #tpu.memory_space<hbm>> -> memref<1x128x128xf32, #tpu.memory_space<hbm>>
      %dma_start3A_47 = tpu.memref_squeeze %dma_start3A_46 : memref<1x128x128xf32, #tpu.memory_space<hbm>> -> memref<128x128xf32, #tpu.memory_space<hbm>>
      tpu.enqueue_dma source(%arg9 : memref<128x128xf32, #tpu.memory_space<vmem>>) target(%dma_start3A_47 : memref<128x128xf32, #tpu.memory_space<hbm>>) target_semaphore(%run_scoped3A : memref<!tpu.dma_semaphore, #tpu.memory_space<semaphore_mem>>)
      %dma_wait3A = arith.constant 0 : i32
      %dma_wait3A_48 = tpu.memref_slice %arg6[%arg0, %add3A_42, %dma_wait3A] : memref<2x10240x128xf32, #tpu.memory_space<hbm>> -> memref<1x128x128xf32, #tpu.memory_space<hbm>>
      %dma_wait3A_49 = tpu.memref_squeeze %dma_wait3A_48 : memref<1x128x128xf32, #tpu.memory_space<hbm>> -> memref<128x128xf32, #tpu.memory_space<hbm>>
      %dma_wait3A_50 = arith.constant 0 : i32
      %dma_wait3A_51 = tpu.memref_slice %arg6[%arg0, %add3A_42, %dma_wait3A_50] : memref<2x10240x128xf32, #tpu.memory_space<hbm>> -> memref<1x128x128xf32, #tpu.memory_space<hbm>>
      %dma_wait3A_52 = tpu.memref_squeeze %dma_wait3A_51 : memref<1x128x128xf32, #tpu.memory_space<hbm>> -> memref<128x128xf32, #tpu.memory_space<hbm>>
      tpu.wait_dma2 semaphore(%run_scoped3A : memref<!tpu.dma_semaphore, #tpu.memory_space<semaphore_mem>>) src(%arg9 : memref<128x128xf32, #tpu.memory_space<vmem>>) dst(%dma_wait3A_52 : memref<128x128xf32, #tpu.memory_space<hbm>>)
      tpu.yield
    }) : () -> ()
    return
  }
}

module attributes {stable_mosaic.version = 14 : i64} {
  func.func @body(%arg0: i32, %arg1: memref<2x1000x128xf32, #tpu.memory_space<vmem>>, %arg2: memref<1000x128xf32, #tpu.memory_space<vmem>>) attributes {dimension_semantics = [#tpu.dimension_semantics<arbitrary>], iteration_bounds = array<i64: 10>, scalar_prefetch = 0 : i64, scratch_operands = 0 : i64, tpu.core_type = #tpu.core_type<tc>, window_params = [{transform_indices = @transform_0, window_bounds = array<i64: 2, 1000, 128>}, {transform_indices = @transform_1, window_bounds = array<i64: 1000, 128>}]} {
    %get3A = arith.constant 0 : index
    %get3A_0 = arith.constant 0 : index
    %get3A_1 = arith.constant 0 : index
    %get3A_2 = vector.load %arg1[%get3A, %get3A_0, %get3A_1] : memref<2x1000x128xf32, #tpu.memory_space<vmem>>, vector<1x1000x16xf32>
    %get3A_3 = vector.shape_cast %get3A_2 : vector<1x1000x16xf32> to vector<1000x16xf32>
    %get3A_4 = arith.constant 1 : index
    %get3A_5 = arith.constant 0 : index
    %get3A_6 = arith.constant 0 : index
    %get3A_7 = vector.load %arg1[%get3A_4, %get3A_5, %get3A_6] : memref<2x1000x128xf32, #tpu.memory_space<vmem>>, vector<1x1000x16xf32>
    %get3A_8 = vector.shape_cast %get3A_7 : vector<1x1000x16xf32> to vector<1000x16xf32>
    %add3A = arith.addf %get3A_3, %get3A_8 : vector<1000x16xf32>
    %add3A_9 = arith.constant 1.000000e-16 : f32
    %add3A_10 = vector.broadcast %add3A_9 : f32 to vector<1000x16xf32>
    %add3A_11 = arith.addf %add3A, %add3A_10 : vector<1000x16xf32>
    %concatenate3A = tpu.concatenate %add3A_11, %add3A_11, %add3A_11, %add3A_11, %add3A_11, %add3A_11, %add3A_11, %add3A_11 in 1 : vector<1000x16xf32>, vector<1000x16xf32>, vector<1000x16xf32>, vector<1000x16xf32>, vector<1000x16xf32>, vector<1000x16xf32>, vector<1000x16xf32>, vector<1000x16xf32> -> vector<1000x128xf32>
    %swap3A = arith.constant 0 : index
    %swap3A_12 = arith.constant 0 : index
    %swap3A_13 = vector.load %arg2[%swap3A, %swap3A_12] : memref<1000x128xf32, #tpu.memory_space<vmem>>, vector<1000x128xf32>
    tpu.vector_store %arg2[%swap3A, %swap3A_12], %concatenate3A {strides = array<i32>} : memref<1000x128xf32, #tpu.memory_space<vmem>>, vector<1000x128xf32>,
    return
  }
  func.func @transform_0(%arg0: i32) -> (i32, i32, i32) {
    %c0_i32 = arith.constant 0 : i32
    %c0_i32_0 = arith.constant 0 : i32
    %c0_i32_1 = arith.constant 0 : i32
    return %c0_i32, %arg0, %c0_i32_0 : i32, i32, i32
  }
  func.func @transform_1(%arg0: i32) -> (i32, i32) {
    %c0_i32 = arith.constant 0 : i32
    %c0_i32_0 = arith.constant 0 : i32
    return %arg0, %c0_i32 : i32, i32
  }
}

module attributes {stable_mosaic.version = 14 : i64} {
  func.func @body(%arg0: i32, %arg1: memref<1000x128xf32, #tpu.memory_space<vmem>>, %arg2: memref<128x512xf32, #tpu.memory_space<vmem>>, %arg3: memref<512x128xf32, #tpu.memory_space<vmem>>, %arg4: memref<512x128xf32, #tpu.memory_space<vmem>>, %arg5: memref<1000x512xf32, #tpu.memory_space<vmem>>, %arg6: memref<1000x128xf32, #tpu.memory_space<vmem>>, %arg7: memref<1000x128xf32, #tpu.memory_space<vmem>>) attributes {dimension_semantics = [#tpu.dimension_semantics<arbitrary>], iteration_bounds = array<i64: 10>, scalar_prefetch = 0 : i64, scratch_operands = 0 : i64, tpu.core_type = #tpu.core_type<tc>, window_params = [{transform_indices = @transform_0, window_bounds = array<i64: 1000, 128>}, {pipeline_mode = #tpu.pipeline_mode<synchronous>, transform_indices = @transform_1, window_bounds = array<i64: 128, 512>}, {pipeline_mode = #tpu.pipeline_mode<synchronous>, transform_indices = @transform_2, window_bounds = array<i64: 512, 128>}, {pipeline_mode = #tpu.pipeline_mode<synchronous>, transform_indices = @transform_3, window_bounds = array<i64: 512, 128>}, {transform_indices = @transform_4, window_bounds = array<i64: 1000, 512>}, {transform_indices = @transform_5, window_bounds = array<i64: 1000, 128>}, {transform_indices = @transform_6, window_bounds = array<i64: 1000, 128>}]} {
    %get3A = arith.constant 0 : index
    %get3A_0 = arith.constant 0 : index
    %get3A_1 = vector.load %arg1[%get3A, %get3A_0] : memref<1000x128xf32, #tpu.memory_space<vmem>>, vector<1000x128xf32>
    %get3A_2 = arith.constant 0 : index
    %get3A_3 = arith.constant 0 : index
    %get3A_4 = vector.load %arg2[%get3A_2, %get3A_3] : memref<128x512xf32, #tpu.memory_space<vmem>>, vector<128x512xf32>
    %dot_general3A = arith.constant dense<0.000000e+00> : vector<1000x512xf32>
    %dot_general3A_5 = tpu.matmul %get3A_1, %get3A_4, %dot_general3A {dimension_numbers = #tpu.dot_dimension_numbers<[1], [0], [0], [1], [0, 0, 1, 1], [], []>, transpose_lhs_hint = false} : vector<1000x128xf32>, vector<128x512xf32>, vector<1000x512xf32> -> vector<1000x512xf32>
    %swap3A = arith.constant 0 : index
    %swap3A_6 = arith.constant 0 : index
    %swap3A_7 = vector.load %arg5[%swap3A, %swap3A_6] : memref<1000x512xf32, #tpu.memory_space<vmem>>, vector<1000x512xf32>
    tpu.vector_store %arg5[%swap3A, %swap3A_6], %dot_general3A_5 {strides = array<i32>} : memref<1000x512xf32, #tpu.memory_space<vmem>>, vector<1000x512xf32>,
    %get3A_8 = arith.constant 0 : index
    %get3A_9 = arith.constant 0 : index
    %get3A_10 = vector.load %arg3[%get3A_8, %get3A_9] : memref<512x128xf32, #tpu.memory_space<vmem>>, vector<512x128xf32>
    %dot_general3A_11 = arith.constant dense<0.000000e+00> : vector<1000x128xf32>
    %dot_general3A_12 = tpu.matmul %dot_general3A_5, %get3A_10, %dot_general3A_11 {dimension_numbers = #tpu.dot_dimension_numbers<[1], [0], [0], [1], [0, 0, 1, 1], [], []>, transpose_lhs_hint = false} : vector<1000x512xf32>, vector<512x128xf32>, vector<1000x128xf32> -> vector<1000x128xf32>
    %swap3A_13 = arith.constant 0 : index
    %swap3A_14 = arith.constant 0 : index
    %swap3A_15 = vector.load %arg6[%swap3A_13, %swap3A_14] : memref<1000x128xf32, #tpu.memory_space<vmem>>, vector<1000x128xf32>
    tpu.vector_store %arg6[%swap3A_13, %swap3A_14], %dot_general3A_12 {strides = array<i32>} : memref<1000x128xf32, #tpu.memory_space<vmem>>, vector<1000x128xf32>,
    %get3A_16 = arith.constant 0 : index
    %get3A_17 = arith.constant 0 : index
    %get3A_18 = vector.load %arg4[%get3A_16, %get3A_17] : memref<512x128xf32, #tpu.memory_space<vmem>>, vector<512x128xf32>
    %dot_general3A_19 = arith.constant dense<0.000000e+00> : vector<1000x128xf32>
    %dot_general3A_20 = tpu.matmul %dot_general3A_5, %get3A_18, %dot_general3A_19 {dimension_numbers = #tpu.dot_dimension_numbers<[1], [0], [0], [1], [0, 0, 1, 1], [], []>, transpose_lhs_hint = false} : vector<1000x512xf32>, vector<512x128xf32>, vector<1000x128xf32> -> vector<1000x128xf32>
    %swap3A_21 = arith.constant 0 : index
    %swap3A_22 = arith.constant 0 : index
    %swap3A_23 = vector.load %arg7[%swap3A_21, %swap3A_22] : memref<1000x128xf32, #tpu.memory_space<vmem>>, vector<1000x128xf32>
    tpu.vector_store %arg7[%swap3A_21, %swap3A_22], %dot_general3A_20 {strides = array<i32>} : memref<1000x128xf32, #tpu.memory_space<vmem>>, vector<1000x128xf32>,
    return
  }
  func.func @transform_0(%arg0: i32) -> (i32, i32) {
    %c0_i32 = arith.constant 0 : i32
    %c0_i32_0 = arith.constant 0 : i32
    return %arg0, %c0_i32 : i32, i32
  }
  func.func @transform_1(%arg0: i32) -> (i32, i32) {
    %c0_i32 = arith.constant 0 : i32
    %c0_i32_0 = arith.constant 0 : i32
    %c0_i32_1 = arith.constant 0 : i32
    return %c0_i32, %c0_i32_0 : i32, i32
  }
  func.func @transform_2(%arg0: i32) -> (i32, i32) {
    %c0_i32 = arith.constant 0 : i32
    %c0_i32_0 = arith.constant 0 : i32
    %c0_i32_1 = arith.constant 0 : i32
    return %c0_i32, %c0_i32_0 : i32, i32
  }
  func.func @transform_3(%arg0: i32) -> (i32, i32) {
    %c0_i32 = arith.constant 0 : i32
    %c0_i32_0 = arith.constant 0 : i32
    %c0_i32_1 = arith.constant 0 : i32
    return %c0_i32, %c0_i32_0 : i32, i32
  }
  func.func @transform_4(%arg0: i32) -> (i32, i32) {
    %c0_i32 = arith.constant 0 : i32
    %c0_i32_0 = arith.constant 0 : i32
    return %arg0, %c0_i32 : i32, i32
  }
  func.func @transform_5(%arg0: i32) -> (i32, i32) {
    %c0_i32 = arith.constant 0 : i32
    %c0_i32_0 = arith.constant 0 : i32
    return %arg0, %c0_i32 : i32, i32
  }
  func.func @transform_6(%arg0: i32) -> (i32, i32) {
    %c0_i32 = arith.constant 0 : i32
    %c0_i32_0 = arith.constant 0 : i32
    return %arg0, %c0_i32 : i32, i32
  }
}

module attributes {stable_mosaic.version = 14 : i64} {
  func.func @body(%arg0: i32, %arg1: memref<1000x512xf32, #tpu.memory_space<vmem>>, %arg2: memref<1x512xf32, #tpu.memory_space<vmem>>, %arg3: memref<512x128xf32, #tpu.memory_space<vmem>>, %arg4: memref<128x128xf32, #tpu.memory_space<vmem>>, %arg5: memref<128x128xf32, #tpu.memory_space<vmem>>, %arg6: memref<1000x128xf32, #tpu.memory_space<vmem>>, %arg7: memref<1000x128xf32, #tpu.memory_space<vmem>>, %arg8: memref<1000x128xf32, #tpu.memory_space<vmem>>) attributes {dimension_semantics = [#tpu.dimension_semantics<arbitrary>], iteration_bounds = array<i64: 10>, scalar_prefetch = 0 : i64, scratch_operands = 0 : i64, tpu.core_type = #tpu.core_type<tc>, window_params = [{transform_indices = @transform_0, window_bounds = array<i64: 1000, 512>}, {pipeline_mode = #tpu.pipeline_mode<synchronous>, transform_indices = @transform_1, window_bounds = array<i64: 1, 512>}, {pipeline_mode = #tpu.pipeline_mode<synchronous>, transform_indices = @transform_2, window_bounds = array<i64: 512, 128>}, {pipeline_mode = #tpu.pipeline_mode<synchronous>, transform_indices = @transform_3, window_bounds = array<i64: 128, 128>}, {pipeline_mode = #tpu.pipeline_mode<synchronous>, transform_indices = @transform_4, window_bounds = array<i64: 128, 128>}, {transform_indices = @transform_5, window_bounds = array<i64: 1000, 128>}, {transform_indices = @transform_6, window_bounds = array<i64: 1000, 128>}, {transform_indices = @transform_7, window_bounds = array<i64: 1000, 128>}]} {
    %get3A = arith.constant 0 : index
    %get3A_0 = arith.constant 0 : index
    %get3A_1 = vector.load %arg1[%get3A, %get3A_0] : memref<1000x512xf32, #tpu.memory_space<vmem>>, vector<1000x512xf32>
    %get3A_2 = arith.constant 0 : index
    %get3A_3 = arith.constant 0 : index
    %get3A_4 = vector.load %arg2[%get3A_2, %get3A_3] : memref<1x512xf32, #tpu.memory_space<vmem>>, vector<1x512xf32>
    %add3A = vector.broadcast %get3A_4 : vector<1x512xf32> to vector<1000x512xf32>
    %add3A_5 = arith.addf %get3A_1, %add3A : vector<1000x512xf32>
    %gt3A = arith.constant 0.000000e+00 : f32
    %gt3A_6 = vector.broadcast %gt3A : f32 to vector<1000x512xf32>
    %gt3A_7 = arith.cmpf ogt, %add3A_5, %gt3A_6 : vector<1000x512xf32>
    %exp3A = math.exp %add3A_5 : vector<1000x512xf32>
    %sub3A = arith.constant 1.000000e+00 : f32
    %sub3A_8 = vector.broadcast %sub3A : f32 to vector<1000x512xf32>
    %sub3A_9 = arith.subf %exp3A, %sub3A_8 : vector<1000x512xf32>
    %select_n3A = arith.select %gt3A_7, %add3A_5, %sub3A_9 : vector<1000x512xi1>, vector<1000x512xf32>
    %get3A_10 = arith.constant 0 : index
    %get3A_11 = arith.constant 0 : index
    %get3A_12 = vector.load %arg3[%get3A_10, %get3A_11] : memref<512x128xf32, #tpu.memory_space<vmem>>, vector<512x128xf32>
    %dot_general3A = arith.constant dense<0.000000e+00> : vector<1000x128xf32>
    %dot_general3A_13 = tpu.matmul %select_n3A, %get3A_12, %dot_general3A {dimension_numbers = #tpu.dot_dimension_numbers<[1], [0], [0], [1], [0, 0, 1, 1], [], []>, transpose_lhs_hint = false} : vector<1000x512xf32>, vector<512x128xf32>, vector<1000x128xf32> -> vector<1000x128xf32>
    %swap3A = arith.constant 0 : index
    %swap3A_14 = arith.constant 0 : index
    %swap3A_15 = vector.load %arg6[%swap3A, %swap3A_14] : memref<1000x128xf32, #tpu.memory_space<vmem>>, vector<1000x128xf32>
    tpu.vector_store %arg6[%swap3A, %swap3A_14], %dot_general3A_13 {strides = array<i32>} : memref<1000x128xf32, #tpu.memory_space<vmem>>, vector<1000x128xf32>,
    %get3A_16 = arith.constant 0 : index
    %get3A_17 = arith.constant 0 : index
    %get3A_18 = vector.load %arg4[%get3A_16, %get3A_17] : memref<128x128xf32, #tpu.memory_space<vmem>>, vector<128x128xf32>
    %dot_general3A_19 = arith.constant dense<0.000000e+00> : vector<1000x128xf32>
    %dot_general3A_20 = tpu.matmul %dot_general3A_13, %get3A_18, %dot_general3A_19 {dimension_numbers = #tpu.dot_dimension_numbers<[1], [0], [0], [1], [0, 0, 1, 1], [], []>, transpose_lhs_hint = false} : vector<1000x128xf32>, vector<128x128xf32>, vector<1000x128xf32> -> vector<1000x128xf32>
    %swap3A_21 = arith.constant 0 : index
    %swap3A_22 = arith.constant 0 : index
    %swap3A_23 = vector.load %arg7[%swap3A_21, %swap3A_22] : memref<1000x128xf32, #tpu.memory_space<vmem>>, vector<1000x128xf32>
    tpu.vector_store %arg7[%swap3A_21, %swap3A_22], %dot_general3A_20 {strides = array<i32>} : memref<1000x128xf32, #tpu.memory_space<vmem>>, vector<1000x128xf32>,
    %get3A_24 = arith.constant 0 : index
    %get3A_25 = arith.constant 0 : index
    %get3A_26 = vector.load %arg5[%get3A_24, %get3A_25] : memref<128x128xf32, #tpu.memory_space<vmem>>, vector<128x128xf32>
    %dot_general3A_27 = arith.constant dense<0.000000e+00> : vector<1000x128xf32>
    %dot_general3A_28 = tpu.matmul %dot_general3A_13, %get3A_26, %dot_general3A_27 {dimension_numbers = #tpu.dot_dimension_numbers<[1], [0], [0], [1], [0, 0, 1, 1], [], []>, transpose_lhs_hint = false} : vector<1000x128xf32>, vector<128x128xf32>, vector<1000x128xf32> -> vector<1000x128xf32>
    %swap3A_29 = arith.constant 0 : index
    %swap3A_30 = arith.constant 0 : index
    %swap3A_31 = vector.load %arg8[%swap3A_29, %swap3A_30] : memref<1000x128xf32, #tpu.memory_space<vmem>>, vector<1000x128xf32>
    tpu.vector_store %arg8[%swap3A_29, %swap3A_30], %dot_general3A_28 {strides = array<i32>} : memref<1000x128xf32, #tpu.memory_space<vmem>>, vector<1000x128xf32>,
    return
  }
  func.func @transform_0(%arg0: i32) -> (i32, i32) {
    %c0_i32 = arith.constant 0 : i32
    %c0_i32_0 = arith.constant 0 : i32
    return %arg0, %c0_i32 : i32, i32
  }
  func.func @transform_1(%arg0: i32) -> (i32, i32) {
    %c0_i32 = arith.constant 0 : i32
    %c0_i32_0 = arith.constant 0 : i32
    %c0_i32_1 = arith.constant 0 : i32
    return %c0_i32, %c0_i32_0 : i32, i32
  }
  func.func @transform_2(%arg0: i32) -> (i32, i32) {
    %c0_i32 = arith.constant 0 : i32
    %c0_i32_0 = arith.constant 0 : i32
    %c0_i32_1 = arith.constant 0 : i32
    return %c0_i32, %c0_i32_0 : i32, i32
  }
  func.func @transform_3(%arg0: i32) -> (i32, i32) {
    %c0_i32 = arith.constant 0 : i32
    %c0_i32_0 = arith.constant 0 : i32
    %c0_i32_1 = arith.constant 0 : i32
    return %c0_i32, %c0_i32_0 : i32, i32
  }
  func.func @transform_4(%arg0: i32) -> (i32, i32) {
    %c0_i32 = arith.constant 0 : i32
    %c0_i32_0 = arith.constant 0 : i32
    %c0_i32_1 = arith.constant 0 : i32
    return %c0_i32, %c0_i32_0 : i32, i32
  }
  func.func @transform_5(%arg0: i32) -> (i32, i32) {
    %c0_i32 = arith.constant 0 : i32
    %c0_i32_0 = arith.constant 0 : i32
    return %arg0, %c0_i32 : i32, i32
  }
  func.func @transform_6(%arg0: i32) -> (i32, i32) {
    %c0_i32 = arith.constant 0 : i32
    %c0_i32_0 = arith.constant 0 : i32
    return %arg0, %c0_i32 : i32, i32
  }
  func.func @transform_7(%arg0: i32) -> (i32, i32) {
    %c0_i32 = arith.constant 0 : i32
    %c0_i32_0 = arith.constant 0 : i32
    return %arg0, %c0_i32 : i32, i32
  }
}

module attributes {stable_mosaic.version = 14 : i64} {
  func.func @body(%arg0: i32, %arg1: memref<1000x128xf32, #tpu.memory_space<vmem>>, %arg2: memref<1000x128xf32, #tpu.memory_space<vmem>>, %arg3: memref<1x128xf32, #tpu.memory_space<vmem>>, %arg4: memref<1000x128xf32, #tpu.memory_space<vmem>>) attributes {dimension_semantics = [#tpu.dimension_semantics<arbitrary>], iteration_bounds = array<i64: 10>, scalar_prefetch = 0 : i64, scratch_operands = 0 : i64, tpu.core_type = #tpu.core_type<tc>, window_params = [{transform_indices = @transform_0, window_bounds = array<i64: 1000, 128>}, {transform_indices = @transform_1, window_bounds = array<i64: 1000, 128>}, {pipeline_mode = #tpu.pipeline_mode<synchronous>, transform_indices = @transform_2, window_bounds = array<i64: 1, 128>}, {transform_indices = @transform_3, window_bounds = array<i64: 1000, 128>}]} {
    %get3A = arith.constant 0 : index
    %get3A_0 = arith.constant 0 : index
    %get3A_1 = vector.load %arg1[%get3A, %get3A_0] : memref<1000x128xf32, #tpu.memory_space<vmem>>, vector<1000x128xf32>
    %get3A_2 = arith.constant 0 : index
    %get3A_3 = arith.constant 0 : index
    %get3A_4 = vector.load %arg2[%get3A_2, %get3A_3] : memref<1000x128xf32, #tpu.memory_space<vmem>>, vector<1000x128xf32>
    %add3A = arith.addf %get3A_1, %get3A_4 : vector<1000x128xf32>
    %get3A_5 = arith.constant 0 : index
    %get3A_6 = arith.constant 0 : index
    %get3A_7 = vector.load %arg3[%get3A_5, %get3A_6] : memref<1x128xf32, #tpu.memory_space<vmem>>, vector<1x128xf32>
    %add3A_8 = vector.broadcast %get3A_7 : vector<1x128xf32> to vector<1000x128xf32>
    %add3A_9 = arith.addf %add3A, %add3A_8 : vector<1000x128xf32>
    %reduce_max3A = arith.constant dense<0xFF800000> : vector<1000xf32>
    %reduce_max3A_10 = vector.multi_reduction <maximumf>, %add3A_9, %reduce_max3A [1] : vector<1000x128xf32> to vector<1000xf32>
    %broadcast_in_dim3A = vector.shape_cast %reduce_max3A_10 : vector<1000xf32> to vector<1000x1xf32>
    %sub3A = vector.broadcast %broadcast_in_dim3A : vector<1000x1xf32> to vector<1000x128xf32>
    %sub3A_11 = arith.subf %add3A_9, %sub3A : vector<1000x128xf32>
    %exp3A = math.exp %sub3A_11 : vector<1000x128xf32>
    %reduce_sum3A = arith.constant dense<0.000000e+00> : vector<1000xf32>
    %reduce_sum3A_12 = vector.multi_reduction <add>, %exp3A, %reduce_sum3A [1] : vector<1000x128xf32> to vector<1000xf32>
    %broadcast_in_dim3A_13 = vector.shape_cast %reduce_sum3A_12 : vector<1000xf32> to vector<1000x1xf32>
    %log3A = math.log %broadcast_in_dim3A_13 : vector<1000x1xf32>
    %sub3A_14 = vector.broadcast %broadcast_in_dim3A : vector<1000x1xf32> to vector<1000x128xf32>
    %sub3A_15 = arith.subf %add3A_9, %sub3A_14 : vector<1000x128xf32>
    %sub3A_16 = vector.broadcast %log3A : vector<1000x1xf32> to vector<1000x128xf32>
    %sub3A_17 = arith.subf %sub3A_15, %sub3A_16 : vector<1000x128xf32>
    %swap3A = arith.constant 0 : index
    %swap3A_18 = arith.constant 0 : index
    %swap3A_19 = vector.load %arg4[%swap3A, %swap3A_18] : memref<1000x128xf32, #tpu.memory_space<vmem>>, vector<1000x128xf32>
    tpu.vector_store %arg4[%swap3A, %swap3A_18], %sub3A_17 {strides = array<i32>} : memref<1000x128xf32, #tpu.memory_space<vmem>>, vector<1000x128xf32>,
    return
  }
  func.func @transform_0(%arg0: i32) -> (i32, i32) {
    %c0_i32 = arith.constant 0 : i32
    %c0_i32_0 = arith.constant 0 : i32
    return %arg0, %c0_i32 : i32, i32
  }
  func.func @transform_1(%arg0: i32) -> (i32, i32) {
    %c0_i32 = arith.constant 0 : i32
    %c0_i32_0 = arith.constant 0 : i32
    return %arg0, %c0_i32 : i32, i32
  }
  func.func @transform_2(%arg0: i32) -> (i32, i32) {
    %c0_i32 = arith.constant 0 : i32
    %c0_i32_0 = arith.constant 0 : i32
    %c0_i32_1 = arith.constant 0 : i32
    return %c0_i32, %c0_i32_0 : i32, i32
  }
  func.func @transform_3(%arg0: i32) -> (i32, i32) {
    %c0_i32 = arith.constant 0 : i32
    %c0_i32_0 = arith.constant 0 : i32
    return %arg0, %c0_i32 : i32, i32
  }
}

</mosaic_0001>

<sc_bundles>
// kernel: kernel.13.cloned.1.call-start
scs
__scs_entry_jumppad:
0x0: {  	(pc) =	sbr.rel $0x88, $3  }
0x1: {  	(tag) =	ssettag $0x0;
	lr =	simm.s32 $0x1  }
0x2: {  	[smem:$0x3F97] =	sst lr;
	_ =	strace $0xD0000000  }
0x3: {  	_ = 	snop  }
0x4: {  	_ = 	snop  }
0x5: {  	_ = 	snop  }
0x6: {  	_ = 	snop  }
0x7: {  	_ = 	snop  }
__scs_overlays_trampoline_lowered:
0x8: {  	[smem:$0x3FA6] =	sst s0  }
0x9: {  	[smem:$0x3FA7] =	sst s1  }
0xa: {  	[smem:$0x3FA8] =	sst s2  }
0xb: {  	[smem:$0x3FA9] =	sst s3  }
0xc: {  	[smem:$0x3FAA] =	sst s4  }
0xd: {  	[smem:$0x3FAB] =	sst s5  }
0xe: {  	[smem:$0x3FAC] =	sst s6  }
0xf: {  	[smem:$0x3FAD] =	sst s7  }
0x10: {  	[smem:$0x3FAE] =	sst s8  }
0x11: {  	[smem:$0x3FAF] =	sst s9;
	s0 =	simm.s32 @!p0 $0x0  }
0x12: {  	s1 =	sld [smem:$0x3F95];
	s0 =	simm.s32 @p0 $0x1  }
0x13: {  	[smem:$0x3FB0] =	sst s0;
	s0 =	simm.s32 @!p1 $0x0  }
0x14: {  	s2 =	sld [smem:$0x3F94];
	s0 =	simm.s32 @p1 $0x1  }
0x15: {  	[smem:$0x3FB1] =	sst s0;
	s0 =	simm.s32 @!p2 $0x0  }
0x16: {  	s3 =	sld [smem:$0x3FDB];
	s0 =	simm.s32 @p2 $0x1  }
0x17: {  	s4 =	simm.s32 $0x1BF5;
	[smem:$0x3FB3] =	sst s0  }
0x18: {  	s0 =	sld [smem:$0x3F96];
	_ =	swait.ge [sflag:s4], $0x0  }
0x19: {  	s7 =	sld [smem:$0x3F97]  }
0x1a: {  	s8 =	sadd.s32 $0xFFFFE003, lr  }
0x1b: {  	s9 =	sadd.s32 $0xFFFFFEF7, lr;
	s5 =	simm.s32 $0xFFFFFFFF;
	p2 =	slt.u32 s8, $0xFFFFF086  }
0x1c: {  	p1 =	slt.u32 s9, $0xF7A;
	s5 =	simm.s32 @!p2 $0x0  }
0x1d: {  	s5 =	simm.s32 @p1 $0x1;
	p0 =	seq.s32 s7, s2  }
0x1e: {  	s7 =	smul.u32 @!p0 $0xF7A, s2;
	p2 =	seq.s32 @!p0 s5, $0x0  }
0x1f: {  	s9 =	smul.u32 $0xF7A, s1;
	s8 =	simm.s32 @!p0 $0x1BF5;
	p2 =	por !p2, p0  }
0x20: {  	[sflag:s8] =	ssyncset.s32 @!p0 $0xFFFFF086;
	s6 =	sadd.s32 @!p0 s3, s7;
	s7 =	simm.s32 @!p0 $0x108  }
0x21: {  	s3 =	sadd.s32 s3, s9;
	s6 =	sadd.s32 @!p0 $0x88, s6;
	s7 =	simm.s32 @p2 $0x1082  }
0x22: {  	[simem:s7], [sflag:s8] =	dma.local @!p0 [hbm:s6], $0xF7A  }
0x23: {  	s9 =	sor.u32 $0xD0000000, s2;
	s6 =	simm.s32 $0x108;
	_ =	swait.ge @!p0 [sflag:s8], $0x0  }
0x24: {  	s3 =	sadd.s32 $0x88, s3;
	s6 =	simm.s32 @!p1 $0x1082;
	[sflag:s4] =	ssyncset.s32 $0xFFFFF086  }
0x25: {  	[simem:s6], [sflag:s4] =	dma.local [hbm:s3], $0xF7A  }
0x26: {  	[smem:$0x3F97] =	sst s1;
	(tag) =	ssettag s2;
	_ =	strace s9  }
0x27: {  	s1 =	sld [smem:$0x3FA7]  }
0x28: {  	s2 =	sld [smem:$0x3FA8]  }
0x29: {  	s4 =	sld [smem:$0x3FAA]  }
0x2a: {  	p0 =	seq.s32 s5, $0x0;
	s5 =	sld [smem:$0x3FAB]  }
0x2b: {  	s6 =	sld [smem:$0x3FAC]  }
0x2c: {  	s7 =	sld [smem:$0x3FAD]  }
0x2d: {  	s3 =	simm.s32 $0x108;
	s8 =	sld [smem:$0x3FAE]  }
0x2e: {  	s3 =	simm.s32 @!p0 $0x1082;
	s9 =	sld [smem:$0x3FAF]  }
0x2f: {  	lr =	sadd.s32 s0, s3;
	s0 =	sld [smem:$0x3FA6]  }
0x30: {  	s3 =	sld [smem:$0x3FA9]  }
0x31: {  	[smem:$0x3FB2] =	sst s10  }
0x32: {  	s10 =	sld [smem:$0x3FB0];
	_ =	sdelay $0x3  }
0x33: {  	p0 =	seq.s32 s10, $0x1;
	s10 =	sld [smem:$0x3FB2];
	_ =	sdelay $0x3  }
0x34: {  	[smem:$0x3FB2] =	sst s10  }
0x35: {  	s10 =	sld [smem:$0x3FB1];
	_ =	sdelay $0x3  }
0x36: {  	p1 =	seq.s32 s10, $0x1;
	s10 =	sld [smem:$0x3FB2];
	_ =	sdelay $0x3  }
0x37: {  	[smem:$0x3FB2] =	sst s10  }
0x38: {  	s10 =	sld [smem:$0x3FB3]  }
0x39: {  	_ = 	snop;
	(pc) =	sbr.ind lr, $3  }
0x3a: {  	_ = 	snop  }
0x3b: {  	_ = 	snop  }
0x3c: {  	p2 =	seq.s32 s10, $0x1;
	s10 =	sld [smem:$0x3FB2]  }
0x3d: {  	_ =	shalt  }
0x3e: {  	_ =	shalt  }
0x3f: {  	_ =	shalt  }
0x40: {  	_ =	shalt  }
0x41: {  	_ =	shalt  }
0x42: {  	_ =	shalt  }
0x43: {  	_ =	shalt  }
0x44: {  	_ =	shalt  }
0x45: {  	_ =	shalt  }
0x46: {  	_ =	shalt  }
0x47: {  	_ =	shalt  }
0x48: {  	_ =	shalt  }
0x49: {  	_ =	shalt  }
0x4a: {  	_ =	shalt  }
0x4b: {  	_ =	shalt  }
0x4c: {  	_ =	shalt  }
0x4d: {  	_ =	shalt  }
0x4e: {  	_ =	shalt  }
0x4f: {  	_ =	shalt  }
0x50: {  	_ =	shalt  }
0x51: {  	_ =	shalt  }
0x52: {  	_ =	shalt  }
0x53: {  	_ =	shalt  }
0x54: {  	_ =	shalt  }
0x55: {  	_ =	shalt  }
0x56: {  	_ =	shalt  }
0x57: {  	_ =	shalt  }
0x58: {  	_ =	shalt  }
0x59: {  	_ =	shalt  }
0x5a: {  	_ =	shalt  }
0x5b: {  	_ =	shalt  }
0x5c: {  	_ =	shalt  }
0x5d: {  	_ =	shalt  }
0x5e: {  	_ =	shalt  }
0x5f: {  	_ =	shalt  }
0x60: {  	_ =	shalt  }
0x61: {  	_ =	shalt  }
0x62: {  	_ =	shalt  }
0x63: {  	_ =	shalt  }
0x64: {  	_ =	shalt  }
0x65: {  	_ =	shalt  }
0x66: {  	_ =	shalt  }
0x67: {  	_ =	shalt  }
0x68: {  	_ =	shalt  }
0x69: {  	_ =	shalt  }
0x6a: {  	_ =	shalt  }
0x6b: {  	_ =	shalt  }
0x6c: {  	_ =	shalt  }
0x6d: {  	_ =	shalt  }
0x6e: {  	_ =	shalt  }
0x6f: {  	_ =	shalt  }
0x70: {  	_ =	shalt  }
0x71: {  	_ =	shalt  }
0x72: {  	_ =	shalt  }
0x73: {  	_ =	shalt  }
0x74: {  	_ =	shalt  }
0x75: {  	_ =	shalt  }
0x76: {  	_ =	shalt  }
0x77: {  	_ =	shalt  }
0x78: {  	_ =	shalt  }
0x79: {  	_ =	shalt  }
0x7a: {  	_ =	shalt  }
0x7b: {  	_ =	shalt  }
0x7c: {  	_ =	shalt  }
0x7d: {  	_ =	shalt  }
0x7e: {  	_ =	shalt  }
0x7f: {  	_ =	shalt  }
0x80: {  	_ =	shalt  }
0x81: {  	_ =	shalt  }
0x82: {  	_ =	shalt  }
0x83: {  	_ =	shalt  }
0x84: {  	_ =	shalt  }
0x85: {  	_ =	shalt  }
0x86: {  	_ =	shalt  }
0x87: {  	_ =	shalt  }
.Lfunc_end0:
.L_simem_size_0:
called_computation_lowered:
.L_overlay_start_0:
0x88: {  	s2 =	sld [smem:$0x3FD9]  }
0x89: {  	s3 =	sld [smem:$0x3FFE];
	_ =	sdelay $0x1  }
0x8a: {  	s1 =	srdreg.scid  }
0x8b: {  	s0 =	sand.u32 $0x1, s1  }
0x8c: {  	s16 =	sshll.u32 s0, $0xA;
	s2 =	sadd.s32 s3, s2  }
0x8d: {  	s2 =	sadd.s32 s2, s16  }
0x8e: {  	[smem:$0x3FBE] =	sst s2  }
0x8f: {  	_ = 	snop  }
0x90: {  	(tm) =	ssettm $0x1  }
0x91: {  	s17 =	sld [smem:$0x3FFB];
	_ =	sdelay $0x3  }
0x92: {  	_ =	strace s17  }
0x93: {  	s2 =	sld [smem:$0x3FFC];
	_ =	sdelay $0x3  }
0x94: {  	_ =	strace s2  }
0x95: {  	s2 =	sld [smem:$0x3FFD];
	_ =	sdelay $0x3  }
0x96: {  	_ =	strace s2  }
0x97: {  	_ =	strace $0x8FFFFFFF  }
0x98: {  	s18 =	sld [smem:$0x3FDB];
	_ =	sdelay $0x1  }
0x99: {  	s19 =	simm.s32 $_scs_section_size  }
0x9a: {  	s4 =	simm.s32 $_size__tile_overlayer_lowered;
	s5 =	simm.s32 $_tile_overlayer_lowered  }
0x9b: {  	s22 =	simm.s32 $0x1BFF;
	s21 =	sshll.u32 s5, $0x1;
	s2 =	sadd.s32 s19, s18  }
0x9c: {  	s6 =	simm.s32 $0x0;
	s20 =	sshll.u32 s4, $0x1;
	s4 =	sadd.s32 s21, s2  }
0x9d: {  	[timem:s6], [sflag:s22] =	dma.local [hbm:s4], s20  }
0x9e: {  	_ =	swait.ge [sflag:s22], s20  }
0x9f: {  	s3 =	ssub.s32 $0x0, s20;
	[sflag:s22] =	ssyncset.done $0x0  }
0xa0: {  	[sflag:s22] =	ssyncadd.s32 s3;
	_ =	sdelay $0x1  }
0xa1: {  	s23 =	simm.s32 $0x1B8B  }
0xa2: {  	_ =	swait.ge [sflag:s23], $0x1  }
0xa3: {  	[sflag:s23] =	ssyncset.done $0x0  }
0xa4: {  	s25 =	simm.s32 $0x1B8E;
	s24 =	sld [smem:$0x3FFE];
	[sflag:s23] =	ssyncadd.s32 $0xFFFFFFFF  }
0xa5: {  	s26 =	simm.s32 $execute0_lowered;
	[smem:$0x3FD2] =	sst s25  }
0xa6: {  	s4 =	sshll.u32 s26, $0x1;
	_ =	strace $0x80000046;
	[dreg:$0x1] =	wrdreg $0xFFFFFFFF  }
0xa7: {  	s28 =	simm.s32 $_size_execute0_lowered;
	s2 =	sadd.s32 s2, s4;
	[dreg:$0x0] =	wrdreg $0x0  }
0xa8: {  	s4 =	sshll.u32 s28, $0x1;
	[dreg:$0x2] =	wrdreg s2  }
0xa9: {  	[dreg:$0x3] =	wrdreg s4  }
0xaa: {  	[dreg:$0x4] =	wrdreg $0xC0  }
0xab: {  	_ =	task [dreg:s6], $0x5FFFF  }
0xac: {  	[dreg:$0x1] =	wrdreg $0xFFFFFFFF  }
0xad: {  	[dreg:$0x0] =	wrdreg $0x60  }
0xae: {  	[dreg:$0x2] =	wrdreg s24  }
0xaf: {  	[dreg:$0x3] =	wrdreg $0x81000  }
0xb0: {  	[dreg:$0x4] =	wrdreg $0x9  }
0xb1: {  	_ =	task.clear_ibuf [dreg:s6], $0x5FFFF;
	_ =	strace $0x90000046  }
0xb2: {  	s29 =	simm.s32 $0x9;
	_ =	strace $0x80000048  }
0xb3: {  	_ =	swait.ge [sflag:s29], $0x1  }
0xb4: {  	[sflag:s29] =	ssyncadd.s32 $0xFFFFFFFF  }
0xb5: {  	_ =	strace $0x90000048  }
0xb6: {  	_ =	sfence  }
0xb7: {  	s30 =	sld [smem:$0x0];
	_ =	sdelay $0x2  }
0xb8: {  	s31 =	sshll.u32 s1, $0xD;
	s1 =	sshrl.u32 s1, $0x2  }
0xb9: {  	s3 =	sand.u32 $0x4000, s31;
	s1 =	sadd.s32 s1, s30  }
0xba: {  	s0 =	sor.u32 s3, s0;
	s1 =	sshll.u32 s1, $0x11  }
0xbb: {  	s0 =	sor.u32 s1, s0  }
0xbc: {  	s0 =	sadd.s32 $0x8F2B, s0  }
0xbd: {  	[sflag:s0] =	ssyncadd.remote.s32 $0x1  }
0xbe: {  	_ =	sfence.sel $0xFFFF  }
0xbf: {  	[dreg:$0x0] =	wrdreg $0xFFFFFFFF;
	(pc) =	sbr.abs _section_cstart, $3  }
0xc0: {  	[dreg:$0x1] =	wrdreg $0xFFFFFFFF  }
0xc1: {  	_ =	task.clear_ibuf [dreg:s6], $0x2FFFF;
	_ =	strace $0x9FFFFFFF  }
0xc2: {  	(tm) =	ssettm $0x7FFFFFFF  }
0xc3: {  	_ =	shalt  }
tec
execute0_lowered:
.L_overlay_start_1:
0x0: {  	(tag) =	ssettag $0x1  }
0x1: {  	s8 =	rddreg [dreg:$0x0]  }
0x2: {  	s1 =	rddreg [dreg:$0x1]  }
0x3: {  	s0 =	rddreg [dreg:$0x2];
	s2 =	simm.s32 $0x0  }
0x4: {  	s7 =	srdreg.scid;
	s3 =	stileid.u32;
	s23 =	simm.s32 $0x4100  }
0x5: {  	s24 =	simm.s32 $0x1;
	s25 =	simm.s32 $0x0;
	[smem:$0x7FF] =	sst s2  }
0x6: {  	s4 =	sadd.s32 $0xE200, s8;
	s5 =	sadd.s32 $0x4400, s8;
	s6 =	sadd.s32 $0xB4400, s8  }
0x7: {  	s10 =	sand.u32 $0x1, s7;
	s7 =	sadd.s32 $0xDB600, s8;
	s11 =	smul.u32 $0x50000, s3  }
0x8: {  	s18 =	sadd.s32 $0x102800, s8;
	s13 =	smul.u32 $0x14000, s3;
	s30 =	sshll.u32 s3, $0x1  }
0x9: {  	_ =	strace $0x80000047;
	s9 =	ssub.s32 $0x2, s10;
	s8 =	sor.u32 s10, s30  }
0xa: {  	s20 =	smul.u32 $0x140000, s10;
	s29 =	sshrl.u32 s9, $0x1;
	s31 =	sshrl.u32 s11, $0x2  }
0xb: {  	s14 =	sadd.s32 $0x4000, s13;
	s16 =	sadd.s32 $0x8000, s13;
	s17 =	sadd.s32 $0xC000, s13  }
0xc: {  	s21 =	sadd.s32 $0x10000, s13;
	s19 =	ssub.s32 s9, s29;
	s9 =	sadd.s32 s31, s1  }
0xd: {  	s10 =	sadd.s32 s14, s1;
	s11 =	sadd.s32 s16, s1;
	s12 =	sadd.s32 s17, s1  }
0xe: {  	s15 =	sadd.s32 s13, s20;
	s14 =	sadd.s32 s20, s14;
	s13 =	sadd.s32 s21, s1  }
0xf: {  	s16 =	sadd.s32 s20, s16;
	s17 =	sadd.s32 s20, s17;
	s20 =	sadd.s32 s20, s21  }
.Ltmp0:
0x10: {  	s21 =	simm.s32 $0x2;
	s15 =	sshrl.u32 s15, $0x3;
	(pc) =	sbr.rel .LBB2_1-.Ltmp0, $4  }
0x11: {  	s22 =	sshrl.u32 s14, $0x3;
	s16 =	sshrl.u32 s16, $0x3;
	s17 =	sshrl.u32 s17, $0x3  }
0x12: {  	s20 =	sshrl.u32 s20, $0x3;
	s19 =	smax.u32 s19, $0x1;
	s14 =	sadd.s32 s18, s15  }
0x13: {  	s15 =	sadd.s32 s18, s22;
	s16 =	sadd.s32 s18, s16;
	s17 =	sadd.s32 s18, s17  }
0x14: {  	v0 =	vimm.f32 $0.0e+00;
	s18 =	sadd.s32 s18, s20;
	s20 =	simm.s32 $0x100;
	s22 =	simm.s32 $0x80  }
.LBB2_9:
0x15: {  	[bflag:$0x0] =	sbarrier.arrive $0xFFFF  }
0x16: {  	[tilespmem:s20], [sflag:$0x2] =	stream.linear.gather [spmem:s9], $0x4000, $0x38;
	[tilespmem:$0x1C100] =	vst v63  }
0x17: {  	_ =	swait.ge [sflag:s21], $0x4000  }
0x18: {  	[sflag:s21] =	ssyncset.done $0x0  }
0x19: {  	[sflag:s21] =	ssyncadd.s32 $0xFFFFC000  }
0x1a: {  	[hbm4b:s14+s2] =	stream.linear.scatter [tilespmem:s20], [sflag:$0x2], $0x4000, $0x38;
	[tilespmem:$0x1C100] =	vst v63  }
0x1b: {  	_ =	swait.ge [sflag:s21], $0x4000  }
0x1c: {  	[sflag:s21] =	ssyncset.done $0x0  }
0x1d: {  	[sflag:s21] =	ssyncadd.s32 $0xFFFFC000  }
0x1e: {  	[tilespmem:s20], [sflag:$0x2] =	stream.linear.gather [spmem:s10], $0x4000, $0x38;
	[tilespmem:$0x1C100] =	vst v63  }
0x1f: {  	_ =	swait.ge [sflag:s21], $0x4000  }
0x20: {  	[sflag:s21] =	ssyncset.done $0x0  }
0x21: {  	[sflag:s21] =	ssyncadd.s32 $0xFFFFC000  }
0x22: {  	[hbm4b:s15+s2] =	stream.linear.scatter [tilespmem:s20], [sflag:$0x2], $0x4000, $0x38;
	[tilespmem:$0x1C100] =	vst v63  }
0x23: {  	_ =	swait.ge [sflag:s21], $0x4000  }
0x24: {  	[sflag:s21] =	ssyncset.done $0x0  }
0x25: {  	[sflag:s21] =	ssyncadd.s32 $0xFFFFC000  }
0x26: {  	[tilespmem:s20], [sflag:$0x2] =	stream.linear.gather [spmem:s11], $0x4000, $0x38;
	[tilespmem:$0x1C100] =	vst v63  }
0x27: {  	_ =	swait.ge [sflag:s21], $0x4000  }
0x28: {  	[sflag:s21] =	ssyncset.done $0x0  }
0x29: {  	[sflag:s21] =	ssyncadd.s32 $0xFFFFC000  }
0x2a: {  	[hbm4b:s16+s2] =	stream.linear.scatter [tilespmem:s20], [sflag:$0x2], $0x4000, $0x38;
	[tilespmem:$0x1C100] =	vst v63  }
0x2b: {  	_ =	swait.ge [sflag:s21], $0x4000  }
0x2c: {  	[sflag:s21] =	ssyncset.done $0x0  }
0x2d: {  	[sflag:s21] =	ssyncadd.s32 $0xFFFFC000  }
0x2e: {  	[tilespmem:s20], [sflag:$0x2] =	stream.linear.gather [spmem:s12], $0x4000, $0x38;
	[tilespmem:$0x1C100] =	vst v63  }
0x2f: {  	_ =	swait.ge [sflag:s21], $0x4000  }
0x30: {  	[sflag:s21] =	ssyncset.done $0x0  }
0x31: {  	[sflag:s21] =	ssyncadd.s32 $0xFFFFC000  }
0x32: {  	[hbm4b:s17+s2] =	stream.linear.scatter [tilespmem:s20], [sflag:$0x2], $0x4000, $0x38;
	[tilespmem:$0x1C100] =	vst v63  }
0x33: {  	_ =	swait.ge [sflag:s21], $0x4000  }
0x34: {  	[sflag:s21] =	ssyncset.done $0x0  }
0x35: {  	[sflag:s21] =	ssyncadd.s32 $0xFFFFC000  }
0x36: {  	[tilespmem:s20], [sflag:$0x2] =	stream.linear.gather [spmem:s13], $0x4000, $0x38;
	[tilespmem:$0x1C100] =	vst v63  }
0x37: {  	s25 =	sadd.s32 $0x1, s25;
	_ =	swait.ge [sflag:s21], $0x4000  }
0x38: {  	p0 =	sne.s32 s25, s19;
	[sflag:s21] =	ssyncset.done $0x0  }
.Ltmp1:
0x39: {  	[sflag:s21] =	ssyncadd.s32 $0xFFFFC000;
	(pc) =	sbr.rel @!p0 .LBB2_10-.Ltmp1, $4  }
0x3a: {  	[hbm4b:s18+s2] =	stream.linear.scatter [tilespmem:s20], [sflag:$0x2], $0x4000, $0x38;
	[tilespmem:$0x1C100] =	vst v63  }
0x3b: {  	_ =	swait.ge [sflag:s21], $0x4000  }
0x3c: {  	[sflag:s21] =	ssyncset.done $0x0  }
0x3d: {  	[sflag:s21] =	ssyncadd.s32 $0xFFFFC000  }
.LBB2_1:
0x3e: {  	s26 =	simm.s32 $0x0;
	s28 =	simm.s32 $0x200  }
.LBB2_2:
0x3f: {  	p0 =	sne.s32 s28, $0xFE00;
	[tilespmem:s26+$0x170] =	vst v0  }
0x40: {  	[tilespmem:s26+$0x100] =	vst v0  }
0x41: {  	[tilespmem:s26+$0x110] =	vst v0  }
.Ltmp2:
0x42: {  	[tilespmem:s26+$0x120] =	vst v0;
	(pc) =	sbr.rel @p0 .LBB2_2-.Ltmp2, $4  }
0x43: {  	[tilespmem:s26+$0x130] =	vst v0  }
0x44: {  	[tilespmem:s26+$0x140] =	vst v0  }
0x45: {  	[tilespmem:s26+$0x150] =	vst v0  }
0x46: {  	[tilespmem:s26+$0x160] =	vst v0;
	s26 =	sshra.s32 s28, $0x2;
	s28 =	sadd.s32 $0x200, s28  }
0x47: {  	[tilespmem:s26+$0x170] =	vst v0  }
0x48: {  	[tilespmem:s26+$0x100] =	vst v0  }
0x49: {  	[tilespmem:s26+$0x110] =	vst v0  }
0x4a: {  	[tilespmem:s26+$0x120] =	vst v0  }
0x4b: {  	[tilespmem:s26+$0x130] =	vst v0  }
0x4c: {  	[tilespmem:s26+$0x140] =	vst v0  }
0x4d: {  	[tilespmem:s26+$0x150] =	vst v0  }
0x4e: {  	[tilespmem:s26+$0x160] =	vst v0  }
0x4f: {  	[spmem:s9] =	stream.linear.scatter [tilespmem:s20], [sflag:$0x2], $0x4000, $0x38;
	[tilespmem:$0x1C100] =	vst v63  }
0x50: {  	_ =	swait.ge [sflag:s21], $0x4000  }
0x51: {  	[sflag:s21] =	ssyncset.done $0x0  }
0x52: {  	[sflag:s21] =	ssyncadd.s32 $0xFFFFC000  }
0x53: {  	[spmem:s10] =	stream.linear.scatter [tilespmem:s20], [sflag:$0x2], $0x4000, $0x38;
	[tilespmem:$0x1C100] =	vst v63  }
0x54: {  	_ =	swait.ge [sflag:s21], $0x4000  }
0x55: {  	[sflag:s21] =	ssyncset.done $0x0  }
0x56: {  	[sflag:s21] =	ssyncadd.s32 $0xFFFFC000  }
0x57: {  	[spmem:s11] =	stream.linear.scatter [tilespmem:s20], [sflag:$0x2], $0x4000, $0x38;
	[tilespmem:$0x1C100] =	vst v63  }
0x58: {  	_ =	swait.ge [sflag:s21], $0x4000  }
0x59: {  	[sflag:s21] =	ssyncset.done $0x0  }
0x5a: {  	[sflag:s21] =	ssyncadd.s32 $0xFFFFC000  }
0x5b: {  	[spmem:s12] =	stream.linear.scatter [tilespmem:s20], [sflag:$0x2], $0x4000, $0x38;
	[tilespmem:$0x1C100] =	vst v63  }
0x5c: {  	_ =	swait.ge [sflag:s21], $0x4000  }
0x5d: {  	[sflag:s21] =	ssyncset.done $0x0  }
0x5e: {  	[sflag:s21] =	ssyncadd.s32 $0xFFFFC000  }
0x5f: {  	[spmem:s13] =	stream.linear.scatter [tilespmem:s20], [sflag:$0x2], $0x4000, $0x38;
	[tilespmem:$0x1C100] =	vst v63  }
.Ltmp3:
0x60: {  	_ =	swait.ge [sflag:s21], $0x4000;
	(pc) =	sbr.rel .LBB2_4-.Ltmp3, $4  }
0x61: {  	[sflag:s21] =	ssyncset.done $0x0  }
0x62: {  	[sflag:s21] =	ssyncadd.s32 $0xFFFFC000  }
0x63: {  	[bflag:$0x0] =	sbarrier.arrive $0xFFFF  }
0x64: {  	s26 =	simm.s32 $0x0  }
.LBB2_8:
0x65: {  	s26 =	sadd.s32 $0x1, s26  }
0x66: {  	p0 =	sne.s32 s26, $0x9C4  }
.Ltmp4:
0x67: {  	_ = 	snop;
	(pc) =	sbr.rel @!p0 .LBB2_9-.Ltmp4, $1  }
0x68: {  	_ =	sdelay $0x3  }
.LBB2_4:
0x69: {  	s28 =	sand.u32 $0x1F, s26  }
0x6a: {  	p0 =	sne.s32 s28, s8  }
.Ltmp5:
0x6b: {  	_ = 	snop;
	(pc) =	sbr.rel @p0 .LBB2_8-.Ltmp5, $1  }
0x6c: {  	_ =	sdelay $0x3  }
0x6d: {  	s28 =	sshll.u32 s26, $0x4  }
0x6e: {  	s30 =	simm.s32 $0x0;
	s29 =	sadd.s32 s4, s28  }
0x6f: {  	[tilespmem:s30], [sflag:$0x2] =	stream.linear.gather [hbm4b:s29+s30], $0x80, $0x38;
	[tilespmem:$0x1C100] =	vst v63  }
0x70: {  	_ =	swait.ge [sflag:s21], $0x80  }
0x71: {  	[sflag:s21] =	ssyncset.done $0x0  }
0x72: {  	s28 =	sadd.s32 s5, s28;
	[sflag:s21] =	ssyncadd.s32 $0xFFFFFF80  }
0x73: {  	[tilespmem:s22], [sflag:$0x2] =	stream.linear.gather [hbm4b:s28+s30], $0x80, $0x38;
	[tilespmem:$0x1C100] =	vst v63  }
0x74: {  	_ =	swait.ge [sflag:s21], $0x80  }
0x75: {  	[sflag:s21] =	ssyncset.done $0x0  }
0x76: {  	[sflag:s21] =	ssyncadd.s32 $0xFFFFFF80  }
0x77: {  	[tilespmem:s20], [sflag:$0x1] =	stream.indirect.gather [hbm4b:s6+s22], $0x80, s30, s22, $0xb8;
	[tilespmem:$0x1C100] =	vst v63  }
0x78: {  	_ = 	snop  }
0x79: {  	[tilespmem:s23], [sflag:$0x1] =	stream.indirect.gather [hbm4b:s7+s22], $0x80, s22, s22, $0xb8;
	[tilespmem:$0x1C100] =	vst v63  }
0x7a: {  	_ =	swait.ge [sflag:s24], $0x4000  }
0x7b: {  	[sflag:s24] =	ssyncset.done $0x0  }
0x7c: {  	[sflag:s24] =	ssyncadd.s32 $0xFFFFC000  }
0x7d: {  	_ =	swait.ge [sflag:s24], $0x4000  }
0x7e: {  	[sflag:s24] =	ssyncset.done $0x0  }
0x7f: {  	s28 =	simm.s32 $0x0;
	[sflag:s24] =	ssyncadd.s32 $0xFFFFC000  }
0x80: {  	s29 =	simm.s32 $0x200;
	v1 =	vld [tilespmem:s28+$0x4100]  }
.LBB2_6:
0x81: {  	p0 =	sne.s32 s29, $0xFE00;
	v2 =	vld [tilespmem:s28+$0x100];
	_ =	sdelay $0x4  }
0x82: {  	v1 =	vadd.f32 v1, v2;
	_ =	sdelay $0x1  }
0x83: {  	v2 =	vmul.f32 $2.000000030e-01, v1;
	_ =	sdelay $0x1  }
0x84: {  	v1 =	vmax.f32 v1, v2  }
0x85: {  	v1 =	vmul.f32 $1.442695020e+00, v1;
	_ =	sdelay $0x1  }
0x86: {  	(erf) = vpow2.f32 v1;
	_ =	sdelay $0x5  }
.Ltmp6:
0x87: {  	(pc) =	sbr.rel @p0 .LBB2_6-.Ltmp6, $3  }
0x88: {  	_ =	sdelay $0x1  }
0x89: {  	s30 =	sshra.s32 s29, $0x2;
	v2 =	vpop (erf)  }
0x8a: {  	s29 =	sadd.s32 $0x200, s29;
	v1 =	vld [tilespmem:s30+$0x4100];
	[tilespmem:s28+$0x100] =	vst v2;
	s28 =	smov.u32 s30  }
0x8b: {  	v2 =	vld [tilespmem:s28+$0x100];
	_ =	sdelay $0x4  }
0x8c: {  	v1 =	vadd.f32 v1, v2;
	_ =	sdelay $0x1  }
0x8d: {  	v2 =	vmul.f32 $2.000000030e-01, v1;
	_ =	sdelay $0x1  }
0x8e: {  	v1 =	vmax.f32 v1, v2  }
0x8f: {  	v1 =	vmul.f32 $1.442695020e+00, v1;
	_ =	sdelay $0x1  }
0x90: {  	(erf) = vpow2.f32 v1;
	_ =	sdelay $0x8  }
0x91: {  	v1 =	vpop (erf)  }
.Ltmp7:
0x92: {  	[tilespmem:s28+$0x100] =	vst v1;
	(pc) =	sbr.rel .LBB2_8-.Ltmp7, $4  }
0x93: {  	[spmem:s1] =	stream.indirect.scatter.add.f32 [tilespmem:s20], [sflag:$0x1], $0x80, s22, s22, $0xb8;
	[tilespmem:$0x1C100] =	vst v63  }
0x94: {  	_ =	swait.ge [sflag:s24], $0x4000  }
0x95: {  	[sflag:s24] =	ssyncset.done $0x0  }
0x96: {  	[sflag:s24] =	ssyncadd.s32 $0xFFFFC000  }
.LBB2_10:
0x97: {  	_ =	sfence.sel $0x180000  }
0x98: {  	[bflag:$0x0] =	sbarrier.arrive $0xFFFF  }
0x99: {  	p0 =	sne.s32 s3, $0x0;
	_ =	strace $0x90000047  }
0x9a: {  	s0 =	sadd.s32 @!p0 $0x100000, s0;
	[bflag:$0x2] =	sbarrier.arrive $0xFFFF  }
0x9b: {  	[sflag:s0] =	ssyncadd.tile.s32 @!p0 $0x1;
	_ =	shalt  }
.Lfunc_end2:
_tile_overlayer_lowered:
.L_overlay_start_2:
0x9c: {  	(tag) =	ssettag $0x2  }
0x9d: {  	s0 =	rddreg [dreg:$0x0];
	s2 =	stileid.u32  }
0x9e: {  	s1 =	rddreg [dreg:$0x1];
	p0 =	sne.s32 s2, $0x0  }
0x9f: {  	s3 =	rddreg [dreg:$0x2];
	[bflag:$0x3] =	sbarrier.arrive $0xFFFF;
	s2 =	simm.s32 @!p0 $0x1C02  }
0xa0: {  	[timem:s3], [sflag:s2] =	dma.local @!p0 [hbm:s0], s1  }
0xa1: {  	s0 =	simm.s32 @!p0 $0x2  }
0xa2: {  	_ =	swait.ge @!p0 [sflag:s0], s1  }
0xa3: {  	s1 =	ssub.s32 @!p0 $0x0, s1;
	[sflag:s0] =	ssyncset.done @!p0 $0x0  }
0xa4: {  	[sflag:s0] =	ssyncadd.s32 @!p0 s1  }
0xa5: {  	[bflag:$0x3] =	sbarrier.arrive $0xFFFF  }
0xa6: {  	_ =	shalt  }

// kernel: kernel.16.cloned.1.call-start
scs
__scs_entry_jumppad:
0x0: {  	(pc) =	sbr.rel $0x88, $3  }
0x1: {  	(tag) =	ssettag $0x0;
	lr =	simm.s32 $0x1  }
0x2: {  	[smem:$0x3F97] =	sst lr;
	_ =	strace $0xD0000000  }
0x3: {  	_ = 	snop  }
0x4: {  	_ = 	snop  }
0x5: {  	_ = 	snop  }
0x6: {  	_ = 	snop  }
0x7: {  	_ = 	snop  }
__scs_overlays_trampoline_lowered:
0x8: {  	[smem:$0x3FA6] =	sst s0  }
0x9: {  	[smem:$0x3FA7] =	sst s1  }
0xa: {  	[smem:$0x3FA8] =	sst s2  }
0xb: {  	[smem:$0x3FA9] =	sst s3  }
0xc: {  	[smem:$0x3FAA] =	sst s4  }
0xd: {  	[smem:$0x3FAB] =	sst s5  }
0xe: {  	[smem:$0x3FAC] =	sst s6  }
0xf: {  	[smem:$0x3FAD] =	sst s7  }
0x10: {  	[smem:$0x3FAE] =	sst s8  }
0x11: {  	[smem:$0x3FAF] =	sst s9;
	s0 =	simm.s32 @!p0 $0x0  }
0x12: {  	s1 =	sld [smem:$0x3F95];
	s0 =	simm.s32 @p0 $0x1  }
0x13: {  	[smem:$0x3FB0] =	sst s0;
	s0 =	simm.s32 @!p1 $0x0  }
0x14: {  	s2 =	sld [smem:$0x3F94];
	s0 =	simm.s32 @p1 $0x1  }
0x15: {  	[smem:$0x3FB1] =	sst s0;
	s0 =	simm.s32 @!p2 $0x0  }
0x16: {  	s3 =	sld [smem:$0x3FDB];
	s0 =	simm.s32 @p2 $0x1  }
0x17: {  	s4 =	simm.s32 $0x1BF5;
	[smem:$0x3FB3] =	sst s0  }
0x18: {  	s0 =	sld [smem:$0x3F96];
	_ =	swait.ge [sflag:s4], $0x0  }
0x19: {  	s7 =	sld [smem:$0x3F97]  }
0x1a: {  	s8 =	sadd.s32 $0xFFFFE003, lr  }
0x1b: {  	s9 =	sadd.s32 $0xFFFFFEF7, lr;
	s5 =	simm.s32 $0xFFFFFFFF;
	p2 =	slt.u32 s8, $0xFFFFF086  }
0x1c: {  	p1 =	slt.u32 s9, $0xF7A;
	s5 =	simm.s32 @!p2 $0x0  }
0x1d: {  	s5 =	simm.s32 @p1 $0x1;
	p0 =	seq.s32 s7, s2  }
0x1e: {  	s7 =	smul.u32 @!p0 $0xF7A, s2;
	p2 =	seq.s32 @!p0 s5, $0x0  }
0x1f: {  	s9 =	smul.u32 $0xF7A, s1;
	s8 =	simm.s32 @!p0 $0x1BF5;
	p2 =	por !p2, p0  }
0x20: {  	[sflag:s8] =	ssyncset.s32 @!p0 $0xFFFFF086;
	s6 =	sadd.s32 @!p0 s3, s7;
	s7 =	simm.s32 @!p0 $0x108  }
0x21: {  	s3 =	sadd.s32 s3, s9;
	s6 =	sadd.s32 @!p0 $0x88, s6;
	s7 =	simm.s32 @p2 $0x1082  }
0x22: {  	[simem:s7], [sflag:s8] =	dma.local @!p0 [hbm:s6], $0xF7A  }
0x23: {  	s9 =	sor.u32 $0xD0000000, s2;
	s6 =	simm.s32 $0x108;
	_ =	swait.ge @!p0 [sflag:s8], $0x0  }
0x24: {  	s3 =	sadd.s32 $0x88, s3;
	s6 =	simm.s32 @!p1 $0x1082;
	[sflag:s4] =	ssyncset.s32 $0xFFFFF086  }
0x25: {  	[simem:s6], [sflag:s4] =	dma.local [hbm:s3], $0xF7A  }
0x26: {  	[smem:$0x3F97] =	sst s1;
	(tag) =	ssettag s2;
	_ =	strace s9  }
0x27: {  	s1 =	sld [smem:$0x3FA7]  }
0x28: {  	s2 =	sld [smem:$0x3FA8]  }
0x29: {  	s4 =	sld [smem:$0x3FAA]  }
0x2a: {  	p0 =	seq.s32 s5, $0x0;
	s5 =	sld [smem:$0x3FAB]  }
0x2b: {  	s6 =	sld [smem:$0x3FAC]  }
0x2c: {  	s7 =	sld [smem:$0x3FAD]  }
0x2d: {  	s3 =	simm.s32 $0x108;
	s8 =	sld [smem:$0x3FAE]  }
0x2e: {  	s3 =	simm.s32 @!p0 $0x1082;
	s9 =	sld [smem:$0x3FAF]  }
0x2f: {  	lr =	sadd.s32 s0, s3;
	s0 =	sld [smem:$0x3FA6]  }
0x30: {  	s3 =	sld [smem:$0x3FA9]  }
0x31: {  	[smem:$0x3FB2] =	sst s10  }
0x32: {  	s10 =	sld [smem:$0x3FB0];
	_ =	sdelay $0x3  }
0x33: {  	p0 =	seq.s32 s10, $0x1;
	s10 =	sld [smem:$0x3FB2];
	_ =	sdelay $0x3  }
0x34: {  	[smem:$0x3FB2] =	sst s10  }
0x35: {  	s10 =	sld [smem:$0x3FB1];
	_ =	sdelay $0x3  }
0x36: {  	p1 =	seq.s32 s10, $0x1;
	s10 =	sld [smem:$0x3FB2];
	_ =	sdelay $0x3  }
0x37: {  	[smem:$0x3FB2] =	sst s10  }
0x38: {  	s10 =	sld [smem:$0x3FB3]  }
0x39: {  	_ = 	snop;
	(pc) =	sbr.ind lr, $3  }
0x3a: {  	_ = 	snop  }
0x3b: {  	_ = 	snop  }
0x3c: {  	p2 =	seq.s32 s10, $0x1;
	s10 =	sld [smem:$0x3FB2]  }
0x3d: {  	_ =	shalt  }
0x3e: {  	_ =	shalt  }
0x3f: {  	_ =	shalt  }
0x40: {  	_ =	shalt  }
0x41: {  	_ =	shalt  }
0x42: {  	_ =	shalt  }
0x43: {  	_ =	shalt  }
0x44: {  	_ =	shalt  }
0x45: {  	_ =	shalt  }
0x46: {  	_ =	shalt  }
0x47: {  	_ =	shalt  }
0x48: {  	_ =	shalt  }
0x49: {  	_ =	shalt  }
0x4a: {  	_ =	shalt  }
0x4b: {  	_ =	shalt  }
0x4c: {  	_ =	shalt  }
0x4d: {  	_ =	shalt  }
0x4e: {  	_ =	shalt  }
0x4f: {  	_ =	shalt  }
0x50: {  	_ =	shalt  }
0x51: {  	_ =	shalt  }
0x52: {  	_ =	shalt  }
0x53: {  	_ =	shalt  }
0x54: {  	_ =	shalt  }
0x55: {  	_ =	shalt  }
0x56: {  	_ =	shalt  }
0x57: {  	_ =	shalt  }
0x58: {  	_ =	shalt  }
0x59: {  	_ =	shalt  }
0x5a: {  	_ =	shalt  }
0x5b: {  	_ =	shalt  }
0x5c: {  	_ =	shalt  }
0x5d: {  	_ =	shalt  }
0x5e: {  	_ =	shalt  }
0x5f: {  	_ =	shalt  }
0x60: {  	_ =	shalt  }
0x61: {  	_ =	shalt  }
0x62: {  	_ =	shalt  }
0x63: {  	_ =	shalt  }
0x64: {  	_ =	shalt  }
0x65: {  	_ =	shalt  }
0x66: {  	_ =	shalt  }
0x67: {  	_ =	shalt  }
0x68: {  	_ =	shalt  }
0x69: {  	_ =	shalt  }
0x6a: {  	_ =	shalt  }
0x6b: {  	_ =	shalt  }
0x6c: {  	_ =	shalt  }
0x6d: {  	_ =	shalt  }
0x6e: {  	_ =	shalt  }
0x6f: {  	_ =	shalt  }
0x70: {  	_ =	shalt  }
0x71: {  	_ =	shalt  }
0x72: {  	_ =	shalt  }
0x73: {  	_ =	shalt  }
0x74: {  	_ =	shalt  }
0x75: {  	_ =	shalt  }
0x76: {  	_ =	shalt  }
0x77: {  	_ =	shalt  }
0x78: {  	_ =	shalt  }
0x79: {  	_ =	shalt  }
0x7a: {  	_ =	shalt  }
0x7b: {  	_ =	shalt  }
0x7c: {  	_ =	shalt  }
0x7d: {  	_ =	shalt  }
0x7e: {  	_ =	shalt  }
0x7f: {  	_ =	shalt  }
0x80: {  	_ =	shalt  }
0x81: {  	_ =	shalt  }
0x82: {  	_ =	shalt  }
0x83: {  	_ =	shalt  }
0x84: {  	_ =	shalt  }
0x85: {  	_ =	shalt  }
0x86: {  	_ =	shalt  }
0x87: {  	_ =	shalt  }
.Lfunc_end0:
.L_simem_size_0:
called_computation.1_lowered:
.L_overlay_start_0:
0x88: {  	s2 =	sld [smem:$0x3FD9]  }
0x89: {  	s3 =	sld [smem:$0x3FFE];
	_ =	sdelay $0x1  }
0x8a: {  	s1 =	srdreg.scid  }
0x8b: {  	s0 =	sand.u32 $0x1, s1  }
0x8c: {  	s16 =	sshll.u32 s0, $0xA;
	s2 =	sadd.s32 s3, s2  }
0x8d: {  	s2 =	sadd.s32 s2, s16  }
0x8e: {  	[smem:$0x3FBE] =	sst s2  }
0x8f: {  	_ = 	snop  }
0x90: {  	(tm) =	ssettm $0x1  }
0x91: {  	s17 =	sld [smem:$0x3FFB];
	_ =	sdelay $0x3  }
0x92: {  	_ =	strace s17  }
0x93: {  	s2 =	sld [smem:$0x3FFC];
	_ =	sdelay $0x3  }
0x94: {  	_ =	strace s2  }
0x95: {  	s2 =	sld [smem:$0x3FFD];
	_ =	sdelay $0x3  }
0x96: {  	_ =	strace s2  }
0x97: {  	_ =	strace $0x8FFFFFFF  }
0x98: {  	s18 =	sld [smem:$0x3FDB];
	_ =	sdelay $0x1  }
0x99: {  	s19 =	simm.s32 $_scs_section_size  }
0x9a: {  	s4 =	simm.s32 $_size__tile_overlayer_lowered;
	s5 =	simm.s32 $_tile_overlayer_lowered  }
0x9b: {  	s22 =	simm.s32 $0x1BFF;
	s21 =	sshll.u32 s5, $0x1;
	s2 =	sadd.s32 s19, s18  }
0x9c: {  	s6 =	simm.s32 $0x0;
	s20 =	sshll.u32 s4, $0x1;
	s4 =	sadd.s32 s21, s2  }
0x9d: {  	[timem:s6], [sflag:s22] =	dma.local [hbm:s4], s20  }
0x9e: {  	_ =	swait.ge [sflag:s22], s20  }
0x9f: {  	s3 =	ssub.s32 $0x0, s20;
	[sflag:s22] =	ssyncset.done $0x0  }
0xa0: {  	[sflag:s22] =	ssyncadd.s32 s3;
	_ =	sdelay $0x1  }
0xa1: {  	s23 =	simm.s32 $0x1B8B  }
0xa2: {  	_ =	swait.ge [sflag:s23], $0x1  }
0xa3: {  	[sflag:s23] =	ssyncset.done $0x0  }
0xa4: {  	s25 =	simm.s32 $0x1B8E;
	s24 =	sld [smem:$0x3FFE];
	[sflag:s23] =	ssyncadd.s32 $0xFFFFFFFF  }
0xa5: {  	s26 =	simm.s32 $execute0_lowered;
	[smem:$0x3FD2] =	sst s25  }
0xa6: {  	s4 =	sshll.u32 s26, $0x1;
	_ =	strace $0x80000049;
	[dreg:$0x1] =	wrdreg $0xFFFFFFFF  }
0xa7: {  	s28 =	simm.s32 $_size_execute0_lowered;
	s2 =	sadd.s32 s2, s4;
	[dreg:$0x0] =	wrdreg $0x0  }
0xa8: {  	s4 =	sshll.u32 s28, $0x1;
	[dreg:$0x2] =	wrdreg s2  }
0xa9: {  	[dreg:$0x3] =	wrdreg s4  }
0xaa: {  	[dreg:$0x4] =	wrdreg $0xC0  }
0xab: {  	_ =	task [dreg:s6], $0x5FFFF  }
0xac: {  	[dreg:$0x1] =	wrdreg $0xFFFFFFFF  }
0xad: {  	[dreg:$0x0] =	wrdreg $0x60  }
0xae: {  	[dreg:$0x2] =	wrdreg s24  }
0xaf: {  	[dreg:$0x3] =	wrdreg $0x9  }
0xb0: {  	_ =	task.clear_ibuf [dreg:s6], $0x4FFFF;
	_ =	strace $0x90000049  }
0xb1: {  	s29 =	simm.s32 $0x9;
	_ =	strace $0x8000004B  }
0xb2: {  	_ =	swait.ge [sflag:s29], $0x1  }
0xb3: {  	[sflag:s29] =	ssyncadd.s32 $0xFFFFFFFF  }
0xb4: {  	_ =	strace $0x9000004B  }
0xb5: {  	_ =	sfence  }
0xb6: {  	s30 =	sld [smem:$0x0];
	_ =	sdelay $0x2  }
0xb7: {  	s31 =	sshll.u32 s1, $0xD;
	s1 =	sshrl.u32 s1, $0x2  }
0xb8: {  	s3 =	sand.u32 $0x4000, s31;
	s1 =	sadd.s32 s1, s30  }
0xb9: {  	s0 =	sor.u32 s3, s0;
	s1 =	sshll.u32 s1, $0x11  }
0xba: {  	s0 =	sor.u32 s1, s0  }
0xbb: {  	s0 =	sadd.s32 $0x8F2B, s0  }
0xbc: {  	[sflag:s0] =	ssyncadd.remote.s32 $0x1  }
0xbd: {  	_ =	sfence.sel $0xFFFF  }
0xbe: {  	[dreg:$0x0] =	wrdreg $0xFFFFFFFF;
	(pc) =	sbr.abs _section_cstart, $3  }
0xbf: {  	[dreg:$0x1] =	wrdreg $0xFFFFFFFF  }
0xc0: {  	_ =	task.clear_ibuf [dreg:s6], $0x2FFFF;
	_ =	strace $0x9FFFFFFF  }
0xc1: {  	(tm) =	ssettm $0x7FFFFFFF  }
tec
execute0_lowered:
.L_overlay_start_1:
0x0: {  	(tag) =	ssettag $0x1  }
0x1: {  	s8 =	rddreg [dreg:$0x0]  }
0x2: {  	s0 =	rddreg [dreg:$0x1];
	s1 =	simm.s32 $0x0  }
0x3: {  	s3 =	srdreg.scid;
	s12 =	simm.s32 $0x80;
	s13 =	simm.s32 $0x100  }
0x4: {  	s14 =	simm.s32 $0x4100;
	s15 =	simm.s32 $0x8100;
	s16 =	simm.s32 $0x1  }
0x5: {  	s17 =	simm.s32 $0xC100;
	s18 =	simm.s32 $0x2;
	s19 =	simm.s32 $0x0  }
0x6: {  	[smem:$0x7FF] =	sst s1;
	s2 =	sadd.s32 $0xE200, s8;
	s9 =	sand.u32 $0x1, s3  }
.Ltmp0:
0x7: {  	s4 =	sadd.s32 $0x4400, s8;
	s5 =	sadd.s32 $0xB4400, s8;
	(pc) =	sbr.rel .LBB2_1-.Ltmp0, $4  }
0x8: {  	s6 =	sadd.s32 $0xDB600, s8;
	s3 =	stileid.u32;
	s10 =	ssub.s32 $0x2, s9  }
0x9: {  	s7 =	sadd.s32 $0x102800, s8;
	s8 =	sadd.s32 $0x129A00, s8;
	s11 =	sshrl.u32 s10, $0x1  }
0xa: {  	_ =	strace $0x8000004A;
	s31 =	sshll.u32 s3, $0x1;
	s10 =	ssub.s32 s10, s11  }
0xb: {  	s9 =	sor.u32 s9, s31;
	s11 =	simm.s32 $0x3;
	s10 =	smax.u32 s10, $0x1  }
.LBB2_7:
0xc: {  	s19 =	sadd.s32 $0x1, s19  }
0xd: {  	p0 =	sne.s32 s19, s10  }
.Ltmp1:
0xe: {  	_ = 	snop;
	(pc) =	sbr.rel @!p0 .LBB2_8-.Ltmp1, $1  }
0xf: {  	_ =	sdelay $0x3  }
.LBB2_1:
.Ltmp2:
0x10: {  	(pc) =	sbr.rel .LBB2_2-.Ltmp2, $2  }
0x11: {  	_ =	sdelay $0x2  }
0x12: {  	s20 =	simm.s32 $0x0  }
.LBB2_6:
0x13: {  	s20 =	sadd.s32 $0x1, s20  }
0x14: {  	p0 =	sne.s32 s20, $0x9C4  }
.Ltmp3:
0x15: {  	_ = 	snop;
	(pc) =	sbr.rel @!p0 .LBB2_7-.Ltmp3, $1  }
0x16: {  	_ =	sdelay $0x3  }
.LBB2_2:
0x17: {  	s21 =	sand.u32 $0x1F, s20  }
0x18: {  	p0 =	sne.s32 s21, s9  }
.Ltmp4:
0x19: {  	_ = 	snop;
	(pc) =	sbr.rel @p0 .LBB2_6-.Ltmp4, $1  }
0x1a: {  	_ =	sdelay $0x3  }
0x1b: {  	s21 =	sshll.u32 s20, $0x4  }
0x1c: {  	s23 =	simm.s32 $0x0;
	s22 =	sadd.s32 s2, s21  }
0x1d: {  	[tilespmem:s23], [sflag:$0x3] =	stream.linear.gather [hbm4b:s22+s23], $0x80, $0x38;
	[tilespmem:$0x10100] =	vst v63  }
0x1e: {  	_ =	swait.ge [sflag:s11], $0x80  }
0x1f: {  	[sflag:s11] =	ssyncset.done $0x0  }
0x20: {  	s21 =	sadd.s32 s4, s21;
	[sflag:s11] =	ssyncadd.s32 $0xFFFFFF80  }
0x21: {  	[tilespmem:s12], [sflag:$0x3] =	stream.linear.gather [hbm4b:s21+s23], $0x80, $0x38;
	[tilespmem:$0x10100] =	vst v63  }
0x22: {  	_ =	swait.ge [sflag:s11], $0x80  }
0x23: {  	[sflag:s11] =	ssyncset.done $0x0  }
0x24: {  	[sflag:s11] =	ssyncadd.s32 $0xFFFFFF80  }
0x25: {  	[tilespmem:s13], [sflag:$0x1] =	stream.indirect.gather [hbm4b:s5+s12], $0x80, s23, s12, $0xb8;
	[tilespmem:$0x10100] =	vst v63  }
0x26: {  	_ = 	snop  }
0x27: {  	[tilespmem:s14], [sflag:$0x1] =	stream.indirect.gather [hbm4b:s6+s12], $0x80, s12, s12, $0xb8;
	[tilespmem:$0x10100] =	vst v63  }
0x28: {  	_ = 	snop  }
0x29: {  	[tilespmem:s15], [sflag:$0x1] =	stream.indirect.gather [hbm4b:s7+s12], $0x80, s12, s12, $0xb8;
	[tilespmem:$0x10100] =	vst v63  }
0x2a: {  	_ =	swait.ge [sflag:s16], $0x4000  }
0x2b: {  	[sflag:s16] =	ssyncset.done $0x0  }
0x2c: {  	[sflag:s16] =	ssyncadd.s32 $0xFFFFC000  }
0x2d: {  	_ =	swait.ge [sflag:s16], $0x4000  }
0x2e: {  	[sflag:s16] =	ssyncset.done $0x0  }
0x2f: {  	[sflag:s16] =	ssyncadd.s32 $0xFFFFC000  }
0x30: {  	_ =	swait.ge [sflag:s16], $0x4000  }
0x31: {  	[sflag:s16] =	ssyncset.done $0x0  }
0x32: {  	s21 =	simm.s32 $0x0;
	[sflag:s16] =	ssyncadd.s32 $0xFFFFC000  }
0x33: {  	v0 =	vld [tilespmem:s21+$0x100]  }
0x34: {  	v1 =	vld [tilespmem:s21+$0x4100];
	_ =	sdelay $0x4  }
0x35: {  	s22 =	simm.s32 $0x80;
	v0 =	vadd.f32 v1, v0;
	v1 =	vld [tilespmem:s21+$0x8100]  }
0x36: {  	v3 =	vld [tilespmem:s22+$0x100]  }
0x37: {  	v4 =	vld [tilespmem:s22+$0x4100];
	v2 =	vmul.f32 $2.000000030e-01, v0;
	_ =	sdelay $0x1  }
0x38: {  	v0 =	vmax.f32 v0, v2  }
0x39: {  	s23 =	simm.s32 $0x100;
	v0 =	vmul.f32 $1.442695020e+00, v0;
	(erf) = vrcp.f32 v1  }
0x3a: {  	v2 =	vld [tilespmem:s23+$0x100]  }
0x3b: {  	v1 =	vld [tilespmem:s23+$0x4100];
	(erf) = vpow2.f32 v0;
	v0 =	vadd.f32 v4, v3  }
0x3c: {  	v3 =	vld [tilespmem:s22+$0x8100]  }
0x3d: {  	v4 =	vmul.f32 $2.000000030e-01, v0;
	_ =	sdelay $0x1  }
0x3e: {  	v0 =	vmax.f32 v0, v4  }
0x3f: {  	s24 =	simm.s32 $0x180;
	v5 =	vadd.f32 v1, v2;
	v2 =	vld [tilespmem:s23+$0x8100];
	v4 =	vmul.f32 $1.442695020e+00, v0  }
0x40: {  	v0 =	vld [tilespmem:s24+$0x100];
	(erf) = vrcp.f32 v3  }
0x41: {  	v3 =	vld [tilespmem:s24+$0x4100];
	v1 =	vpop (erf);
	(erf) = vpow2.f32 v4  }
0x42: {  	v6 =	vmul.f32 $2.000000030e-01, v5;
	_ =	sdelay $0x1  }
0x43: {  	s25 =	simm.s32 $0x800;
	v5 =	vmax.f32 v5, v6;
	v4 =	vpop (erf)  }
.LBB2_4:
0x44: {  	s26 =	sshra.s32 s25, $0x2;
	v6 =	vld [tilespmem:s24+$0x8100];
	v5 =	vmul.f32 $1.442695020e+00, v5;
	v1 =	vmul.f32 v4, v1;
	p0 =	sne.s32 s25, $0xFE00  }
.Ltmp5:
0x45: {  	s25 =	sadd.s32 $0x200, s25;
	v4 =	vadd.f32 v3, v0;
	v0 =	vld [tilespmem:s26+$0x100];
	(erf) = vrcp.f32 v2;
	(pc) =	sbr.rel @p0 .LBB2_4-.Ltmp5, $4  }
0x46: {  	v3 =	vld [tilespmem:s26+$0x4100];
	(erf) = vpow2.f32 v5;
	[tilespmem:s21+$0xC100] =	vst v1;
	s21 =	smov.u32 s22;
	s22 =	smov.u32 s23;
	s23 =	smov.u32 s24  }
0x47: {  	s24 =	smov.u32 s26;
	v7 =	vmul.f32 $2.000000030e-01, v4  }
0x48: {  	v1 =	vpop (erf)  }
0x49: {  	v5 =	vmax.f32 v4, v7;
	v4 =	vpop (erf);
	v2 =	vmov v6  }
0x4a: {  	_ = 	snop  }
0x4b: {  	v0 =	vadd.f32 v3, v0  }
0x4c: {  	v55 =	vld [tilespmem:s24+$0x8100]  }
0x4d: {  	v6 =	vmul.f32 $2.000000030e-01, v0  }
0x4e: {  	v5 =	vmul.f32 $1.442695020e+00, v5  }
0x4f: {  	(erf) = vrcp.f32 v2;
	v0 =	vmax.f32 v0, v6  }
0x50: {  	(erf) = vpow2.f32 v5;
	v0 =	vmul.f32 $1.442695020e+00, v0  }
0x51: {  	(erf) = vrcp.f32 v55  }
0x52: {  	(erf) = vpow2.f32 v0;
	_ =	sdelay $0x3  }
0x53: {  	v56 =	vpop (erf)  }
0x54: {  	v57 =	vpop (erf)  }
0x55: {  	v58 =	vpop (erf)  }
0x56: {  	v1 =	vmul.f32 v4, v1;
	v59 =	vpop (erf)  }
0x57: {  	v0 =	vmul.f32 v57, v56;
	v60 =	vpop (erf)  }
0x58: {  	[tilespmem:s21+$0xC100] =	vst v1;
	v61 =	vmul.f32 v59, v58;
	v62 =	vpop (erf)  }
0x59: {  	[tilespmem:s22+$0xC100] =	vst v0;
	v63 =	vmul.f32 v62, v60  }
0x5a: {  	s31 =	sshll.u32 s20, $0xB;
	[tilespmem:s23+$0xC100] =	vst v61  }
.Ltmp6:
0x5b: {  	s21 =	sadd.s32 s8, s31;
	[tilespmem:s24+$0xC100] =	vst v63;
	(pc) =	sbr.rel .LBB2_6-.Ltmp6, $4  }
0x5c: {  	[hbm4b:s21+s1] =	stream.linear.scatter [tilespmem:s17], [sflag:$0x2], $0x4000, $0x38;
	[tilespmem:$0x10100] =	vst v63  }
0x5d: {  	_ =	swait.ge [sflag:s18], $0x4000  }
0x5e: {  	[sflag:s18] =	ssyncset.done $0x0  }
0x5f: {  	[sflag:s18] =	ssyncadd.s32 $0xFFFFC000  }
.LBB2_8:
0x60: {  	_ =	sfence.sel $0x180000  }
0x61: {  	[bflag:$0x0] =	sbarrier.arrive $0xFFFF  }
0x62: {  	p0 =	sne.s32 s3, $0x0;
	_ =	strace $0x9000004A  }
0x63: {  	s0 =	sadd.s32 @!p0 $0x100000, s0;
	[bflag:$0x2] =	sbarrier.arrive $0xFFFF  }
0x64: {  	[sflag:s0] =	ssyncadd.tile.s32 @!p0 $0x1;
	_ =	shalt  }
.Lfunc_end2:
_tile_overlayer_lowered:
.L_overlay_start_2:
0x65: {  	(tag) =	ssettag $0x2  }
0x66: {  	s0 =	rddreg [dreg:$0x0];
	s2 =	stileid.u32  }
0x67: {  	s1 =	rddreg [dreg:$0x1];
	p0 =	sne.s32 s2, $0x0  }
0x68: {  	s3 =	rddreg [dreg:$0x2];
	[bflag:$0x3] =	sbarrier.arrive $0xFFFF;
	s2 =	simm.s32 @!p0 $0x1C02  }
0x69: {  	[timem:s3], [sflag:s2] =	dma.local @!p0 [hbm:s0], s1  }
0x6a: {  	s0 =	simm.s32 @!p0 $0x2  }
0x6b: {  	_ =	swait.ge @!p0 [sflag:s0], s1  }
0x6c: {  	s1 =	ssub.s32 @!p0 $0x0, s1;
	[sflag:s0] =	ssyncset.done @!p0 $0x0  }
0x6d: {  	[sflag:s0] =	ssyncadd.s32 @!p0 s1  }
0x6e: {  	[bflag:$0x3] =	sbarrier.arrive $0xFFFF  }
0x6f: {  	_ =	shalt  }

// kernel: kernel.19.cloned.1.call-start
scs
__scs_entry_jumppad:
0x0: {  	(pc) =	sbr.rel $0x88, $3  }
0x1: {  	(tag) =	ssettag $0x0;
	lr =	simm.s32 $0x1  }
0x2: {  	[smem:$0x3F97] =	sst lr;
	_ =	strace $0xD0000000  }
0x3: {  	_ = 	snop  }
0x4: {  	_ = 	snop  }
0x5: {  	_ = 	snop  }
0x6: {  	_ = 	snop  }
0x7: {  	_ = 	snop  }
__scs_overlays_trampoline_lowered:
0x8: {  	[smem:$0x3FA6] =	sst s0  }
0x9: {  	[smem:$0x3FA7] =	sst s1  }
0xa: {  	[smem:$0x3FA8] =	sst s2  }
0xb: {  	[smem:$0x3FA9] =	sst s3  }
0xc: {  	[smem:$0x3FAA] =	sst s4  }
0xd: {  	[smem:$0x3FAB] =	sst s5  }
0xe: {  	[smem:$0x3FAC] =	sst s6  }
0xf: {  	[smem:$0x3FAD] =	sst s7  }
0x10: {  	[smem:$0x3FAE] =	sst s8  }
0x11: {  	[smem:$0x3FAF] =	sst s9;
	s0 =	simm.s32 @!p0 $0x0  }
0x12: {  	s1 =	sld [smem:$0x3F95];
	s0 =	simm.s32 @p0 $0x1  }
0x13: {  	[smem:$0x3FB0] =	sst s0;
	s0 =	simm.s32 @!p1 $0x0  }
0x14: {  	s2 =	sld [smem:$0x3F94];
	s0 =	simm.s32 @p1 $0x1  }
0x15: {  	[smem:$0x3FB1] =	sst s0;
	s0 =	simm.s32 @!p2 $0x0  }
0x16: {  	s3 =	sld [smem:$0x3FDB];
	s0 =	simm.s32 @p2 $0x1  }
0x17: {  	s4 =	simm.s32 $0x1BF5;
	[smem:$0x3FB3] =	sst s0  }
0x18: {  	s0 =	sld [smem:$0x3F96];
	_ =	swait.ge [sflag:s4], $0x0  }
0x19: {  	s7 =	sld [smem:$0x3F97]  }
0x1a: {  	s8 =	sadd.s32 $0xFFFFE003, lr  }
0x1b: {  	s9 =	sadd.s32 $0xFFFFFEF7, lr;
	s5 =	simm.s32 $0xFFFFFFFF;
	p2 =	slt.u32 s8, $0xFFFFF086  }
0x1c: {  	p1 =	slt.u32 s9, $0xF7A;
	s5 =	simm.s32 @!p2 $0x0  }
0x1d: {  	s5 =	simm.s32 @p1 $0x1;
	p0 =	seq.s32 s7, s2  }
0x1e: {  	s7 =	smul.u32 @!p0 $0xF7A, s2;
	p2 =	seq.s32 @!p0 s5, $0x0  }
0x1f: {  	s9 =	smul.u32 $0xF7A, s1;
	s8 =	simm.s32 @!p0 $0x1BF5;
	p2 =	por !p2, p0  }
0x20: {  	[sflag:s8] =	ssyncset.s32 @!p0 $0xFFFFF086;
	s6 =	sadd.s32 @!p0 s3, s7;
	s7 =	simm.s32 @!p0 $0x108  }
0x21: {  	s3 =	sadd.s32 s3, s9;
	s6 =	sadd.s32 @!p0 $0x88, s6;
	s7 =	simm.s32 @p2 $0x1082  }
0x22: {  	[simem:s7], [sflag:s8] =	dma.local @!p0 [hbm:s6], $0xF7A  }
0x23: {  	s9 =	sor.u32 $0xD0000000, s2;
	s6 =	simm.s32 $0x108;
	_ =	swait.ge @!p0 [sflag:s8], $0x0  }
0x24: {  	s3 =	sadd.s32 $0x88, s3;
	s6 =	simm.s32 @!p1 $0x1082;
	[sflag:s4] =	ssyncset.s32 $0xFFFFF086  }
0x25: {  	[simem:s6], [sflag:s4] =	dma.local [hbm:s3], $0xF7A  }
0x26: {  	[smem:$0x3F97] =	sst s1;
	(tag) =	ssettag s2;
	_ =	strace s9  }
0x27: {  	s1 =	sld [smem:$0x3FA7]  }
0x28: {  	s2 =	sld [smem:$0x3FA8]  }
0x29: {  	s4 =	sld [smem:$0x3FAA]  }
0x2a: {  	p0 =	seq.s32 s5, $0x0;
	s5 =	sld [smem:$0x3FAB]  }
0x2b: {  	s6 =	sld [smem:$0x3FAC]  }
0x2c: {  	s7 =	sld [smem:$0x3FAD]  }
0x2d: {  	s3 =	simm.s32 $0x108;
	s8 =	sld [smem:$0x3FAE]  }
0x2e: {  	s3 =	simm.s32 @!p0 $0x1082;
	s9 =	sld [smem:$0x3FAF]  }
0x2f: {  	lr =	sadd.s32 s0, s3;
	s0 =	sld [smem:$0x3FA6]  }
0x30: {  	s3 =	sld [smem:$0x3FA9]  }
0x31: {  	[smem:$0x3FB2] =	sst s10  }
0x32: {  	s10 =	sld [smem:$0x3FB0];
	_ =	sdelay $0x3  }
0x33: {  	p0 =	seq.s32 s10, $0x1;
	s10 =	sld [smem:$0x3FB2];
	_ =	sdelay $0x3  }
0x34: {  	[smem:$0x3FB2] =	sst s10  }
0x35: {  	s10 =	sld [smem:$0x3FB1];
	_ =	sdelay $0x3  }
0x36: {  	p1 =	seq.s32 s10, $0x1;
	s10 =	sld [smem:$0x3FB2];
	_ =	sdelay $0x3  }
0x37: {  	[smem:$0x3FB2] =	sst s10  }
0x38: {  	s10 =	sld [smem:$0x3FB3]  }
0x39: {  	_ = 	snop;
	(pc) =	sbr.ind lr, $3  }
0x3a: {  	_ = 	snop  }
0x3b: {  	_ = 	snop  }
0x3c: {  	p2 =	seq.s32 s10, $0x1;
	s10 =	sld [smem:$0x3FB2]  }
0x3d: {  	_ =	shalt  }
0x3e: {  	_ =	shalt  }
0x3f: {  	_ =	shalt  }
0x40: {  	_ =	shalt  }
0x41: {  	_ =	shalt  }
0x42: {  	_ =	shalt  }
0x43: {  	_ =	shalt  }
0x44: {  	_ =	shalt  }
0x45: {  	_ =	shalt  }
0x46: {  	_ =	shalt  }
0x47: {  	_ =	shalt  }
0x48: {  	_ =	shalt  }
0x49: {  	_ =	shalt  }
0x4a: {  	_ =	shalt  }
0x4b: {  	_ =	shalt  }
0x4c: {  	_ =	shalt  }
0x4d: {  	_ =	shalt  }
0x4e: {  	_ =	shalt  }
0x4f: {  	_ =	shalt  }
0x50: {  	_ =	shalt  }
0x51: {  	_ =	shalt  }
0x52: {  	_ =	shalt  }
0x53: {  	_ =	shalt  }
0x54: {  	_ =	shalt  }
0x55: {  	_ =	shalt  }
0x56: {  	_ =	shalt  }
0x57: {  	_ =	shalt  }
0x58: {  	_ =	shalt  }
0x59: {  	_ =	shalt  }
0x5a: {  	_ =	shalt  }
0x5b: {  	_ =	shalt  }
0x5c: {  	_ =	shalt  }
0x5d: {  	_ =	shalt  }
0x5e: {  	_ =	shalt  }
0x5f: {  	_ =	shalt  }
0x60: {  	_ =	shalt  }
0x61: {  	_ =	shalt  }
0x62: {  	_ =	shalt  }
0x63: {  	_ =	shalt  }
0x64: {  	_ =	shalt  }
0x65: {  	_ =	shalt  }
0x66: {  	_ =	shalt  }
0x67: {  	_ =	shalt  }
0x68: {  	_ =	shalt  }
0x69: {  	_ =	shalt  }
0x6a: {  	_ =	shalt  }
0x6b: {  	_ =	shalt  }
0x6c: {  	_ =	shalt  }
0x6d: {  	_ =	shalt  }
0x6e: {  	_ =	shalt  }
0x6f: {  	_ =	shalt  }
0x70: {  	_ =	shalt  }
0x71: {  	_ =	shalt  }
0x72: {  	_ =	shalt  }
0x73: {  	_ =	shalt  }
0x74: {  	_ =	shalt  }
0x75: {  	_ =	shalt  }
0x76: {  	_ =	shalt  }
0x77: {  	_ =	shalt  }
0x78: {  	_ =	shalt  }
0x79: {  	_ =	shalt  }
0x7a: {  	_ =	shalt  }
0x7b: {  	_ =	shalt  }
0x7c: {  	_ =	shalt  }
0x7d: {  	_ =	shalt  }
0x7e: {  	_ =	shalt  }
0x7f: {  	_ =	shalt  }
0x80: {  	_ =	shalt  }
0x81: {  	_ =	shalt  }
0x82: {  	_ =	shalt  }
0x83: {  	_ =	shalt  }
0x84: {  	_ =	shalt  }
0x85: {  	_ =	shalt  }
0x86: {  	_ =	shalt  }
0x87: {  	_ =	shalt  }
.Lfunc_end0:
.L_simem_size_0:
called_computation.2_lowered:
.L_overlay_start_0:
0x88: {  	s2 =	sld [smem:$0x3FD9]  }
0x89: {  	s3 =	sld [smem:$0x3FFE];
	_ =	sdelay $0x1  }
0x8a: {  	s1 =	srdreg.scid  }
0x8b: {  	s0 =	sand.u32 $0x1, s1  }
0x8c: {  	s17 =	sshll.u32 s0, $0xA;
	s2 =	sadd.s32 s3, s2  }
0x8d: {  	s2 =	sadd.s32 s2, s17  }
0x8e: {  	[smem:$0x3FBE] =	sst s2  }
0x8f: {  	_ = 	snop  }
0x90: {  	s2 =	sld [smem:$0x3FD0];
	(tm) =	ssettm $0x1  }
0x91: {  	s18 =	sld [smem:$0x3FFB];
	_ =	sdelay $0x3  }
0x92: {  	_ =	strace s18  }
0x93: {  	s3 =	sld [smem:$0x3FFC];
	_ =	sdelay $0x3  }
0x94: {  	_ =	strace s3  }
0x95: {  	s3 =	sld [smem:$0x3FFD];
	_ =	sdelay $0x3  }
0x96: {  	_ =	strace s3  }
0x97: {  	_ =	strace $0x8FFFFFFF  }
0x98: {  	s19 =	sld [smem:$0x3FDB];
	_ =	sdelay $0x1  }
0x99: {  	s4 =	simm.s32 $_scs_section_size  }
0x9a: {  	s5 =	simm.s32 $_size__tile_overlayer_lowered;
	s6 =	simm.s32 $_tile_overlayer_lowered  }
0x9b: {  	s22 =	simm.s32 $0x1BFF;
	s21 =	sshll.u32 s6, $0x1;
	s3 =	sadd.s32 s4, s19  }
0x9c: {  	s7 =	simm.s32 $0x0;
	s20 =	sshll.u32 s5, $0x1;
	s5 =	sadd.s32 s21, s3  }
0x9d: {  	[timem:s7], [sflag:s22] =	dma.local [hbm:s5], s20  }
0x9e: {  	_ =	swait.ge [sflag:s22], s20  }
0x9f: {  	s4 =	ssub.s32 $0x0, s20;
	[sflag:s22] =	ssyncset.done $0x0  }
0xa0: {  	[sflag:s22] =	ssyncadd.s32 s4;
	_ =	sdelay $0x1  }
0xa1: {  	s23 =	simm.s32 $0x1B8B  }
0xa2: {  	_ =	swait.ge [sflag:s23], $0x1  }
0xa3: {  	[sflag:s23] =	ssyncset.done $0x0  }
0xa4: {  	s25 =	simm.s32 $0x1B8E;
	s24 =	sld [smem:$0x3FFE];
	[sflag:s23] =	ssyncadd.s32 $0xFFFFFFFF  }
0xa5: {  	s26 =	simm.s32 $execute0_lowered;
	[smem:$0x3FD2] =	sst s25  }
0xa6: {  	s5 =	sshll.u32 s26, $0x1;
	_ =	strace $0x8000004C;
	[dreg:$0x1] =	wrdreg $0xFFFFFFFF  }
0xa7: {  	s28 =	simm.s32 $_size_execute0_lowered;
	s3 =	sadd.s32 s3, s5;
	[dreg:$0x0] =	wrdreg $0x0  }
0xa8: {  	s5 =	sshll.u32 s28, $0x1;
	[dreg:$0x2] =	wrdreg s3  }
0xa9: {  	[dreg:$0x3] =	wrdreg s5  }
0xaa: {  	[dreg:$0x4] =	wrdreg $0xC0  }
0xab: {  	_ =	task [dreg:s7], $0x5FFFF  }
0xac: {  	[dreg:$0x1] =	wrdreg $0xFFFFFFFF  }
0xad: {  	[dreg:$0x0] =	wrdreg $0x60  }
0xae: {  	[dreg:$0x2] =	wrdreg s2  }
0xaf: {  	[dreg:$0x3] =	wrdreg s24  }
0xb0: {  	[dreg:$0x4] =	wrdreg $0x81000  }
0xb1: {  	[dreg:$0x5] =	wrdreg $0x9  }
0xb2: {  	_ =	task.clear_ibuf [dreg:s7], $0x6FFFF;
	_ =	strace $0x9000004C  }
0xb3: {  	s29 =	simm.s32 $0x9;
	_ =	strace $0x8000004E  }
0xb4: {  	_ =	swait.ge [sflag:s29], $0x1  }
0xb5: {  	[sflag:s29] =	ssyncadd.s32 $0xFFFFFFFF  }
0xb6: {  	_ =	strace $0x9000004E  }
0xb7: {  	_ =	sfence  }
0xb8: {  	s30 =	sld [smem:$0x0];
	_ =	sdelay $0x2  }
0xb9: {  	s31 =	sshll.u32 s1, $0xD;
	s1 =	sshrl.u32 s1, $0x2  }
0xba: {  	s3 =	sand.u32 $0x4000, s31;
	s1 =	sadd.s32 s1, s30  }
0xbb: {  	s0 =	sor.u32 s3, s0;
	s1 =	sshll.u32 s1, $0x11  }
0xbc: {  	s0 =	sor.u32 s1, s0  }
0xbd: {  	s0 =	sadd.s32 $0x8F2B, s0  }
0xbe: {  	[sflag:s0] =	ssyncadd.remote.s32 $0x1  }
0xbf: {  	_ =	sfence.sel $0xFFFF  }
0xc0: {  	[dreg:$0x0] =	wrdreg $0xFFFFFFFF;
	(pc) =	sbr.abs _section_cstart, $3  }
0xc1: {  	[dreg:$0x1] =	wrdreg $0xFFFFFFFF  }
0xc2: {  	_ =	task.clear_ibuf [dreg:s7], $0x2FFFF;
	_ =	strace $0x9FFFFFFF  }
0xc3: {  	(tm) =	ssettm $0x7FFFFFFF  }
tec
execute0_lowered:
.L_overlay_start_1:
0x0: {  	(tag) =	ssettag $0x1  }
0x1: {  	s1 =	rddreg [dreg:$0x0]  }
0x2: {  	s7 =	rddreg [dreg:$0x1]  }
0x3: {  	s2 =	rddreg [dreg:$0x2]  }
0x4: {  	s0 =	srdreg.scid;
	s4 =	simm.s32 $0x0;
	s3 =	stileid.u32  }
0x5: {  	s28 =	simm.s32 $0x2;
	s29 =	simm.s32 $0x80;
	s30 =	simm.s32 $0x4100  }
0x6: {  	s31 =	simm.s32 $0x1;
	s0 =	sand.u32 $0x1, s0;
	[smem:$0x7FF] =	sst s4  }
0x7: {  	s9 =	smul.u32 $0x50000, s3;
	s5 =	sadd.s32 $0x4400, s7;
	s10 =	sadd.s32 $0x18000, s7  }
0x8: {  	s6 =	ssub.s32 $0x2, s0;
	_ =	strace $0x8000004D;
	s12 =	sshll.u32 s0, $0xB  }
0x9: {  	s8 =	sshrl.u32 s6, $0x1;
	s11 =	sadd.s32 $0x20000, s9;
	s21 =	sadd.s32 $0x30000, s9  }
0xa: {  	s13 =	sor.u32 s12, s9;
	s22 =	sadd.s32 $0x40000, s9;
	s6 =	ssub.s32 s6, s8  }
0xb: {  	s8 =	sadd.s32 $0x10000, s9;
	s13 =	sshrl.u32 s13, $0x3;
	s25 =	sor.u32 s12, s11  }
0xc: {  	s26 =	sor.u32 s12, s21;
	s14 =	sor.u32 s12, s8;
	s13 =	sadd.s32 s10, s13  }
0xd: {  	s15 =	sshrl.u32 s26, $0x3;
	s12 =	sor.u32 s12, s22;
	s14 =	sshrl.u32 s14, $0x3  }
0xe: {  	[dreg:$0x4] =	wrdreg s13;
	s13 =	sshrl.u32 s25, $0x3;
	s24 =	sadd.s32 s10, s14  }
0xf: {  	s12 =	sshrl.u32 s12, $0x3;
	s13 =	sadd.s32 s10, s13;
	[dreg:$0x5] =	wrdreg s24  }
0x10: {  	s12 =	sadd.s32 s10, s12;
	s24 =	sshllo.u32 s0, $0x1;
	[dreg:$0x6] =	wrdreg s13  }
0x11: {  	s13 =	sadd.s32 s10, s15;
	[dreg:$0x8] =	wrdreg s12;
	s16 =	sshll.u32 s24, $0xA  }
0x12: {  	[dreg:$0x7] =	wrdreg s13;
	s17 =	sor.u32 s9, s16;
	s15 =	sor.u32 s8, s16  }
0x13: {  	s20 =	sor.u32 s11, s16;
	s23 =	sor.u32 s21, s16;
	s16 =	sor.u32 s22, s16  }
0x14: {  	s9 =	sshrl.u32 s9, $0x2;
	s11 =	sshrl.u32 s11, $0x2;
	s13 =	sshrl.u32 s17, $0x3  }
0x15: {  	s19 =	sshrl.u32 s15, $0x3;
	s25 =	sshrl.u32 s23, $0x3;
	s26 =	sshrl.u32 s16, $0x3  }
0x16: {  	s16 =	sadd.s32 $0x60BA00, s7;
	s17 =	sadd.s32 $0x129A00, s7;
	s23 =	sshrl.u32 s22, $0x2  }
0x17: {  	s18 =	sadd.s32 s10, s13;
	s12 =	sadd.s32 s10, s19;
	s14 =	sadd.s32 s10, s25  }
0x18: {  	s15 =	sadd.s32 s10, s26;
	s13 =	sshrl.u32 s21, $0x2;
	s25 =	sshll.u32 s24, $0x1  }
0x19: {  	s22 =	sadd.s32 s23, s2;
	[dreg:$0xa] =	wrdreg s12;
	s12 =	sshrl.u32 s20, $0x3  }
0x1a: {  	s23 =	smul.u32 $0x9C400, s0;
	s26 =	sshllo.u32 s24, $0x1;
	s12 =	sadd.s32 s10, s12  }
.Ltmp0:
0x1b: {  	v2 =	vlaneseq.u32;
	v4 =	vimm.s32 $0x0;
	v3 =	vmov s25;
	[dreg:$0xb] =	wrdreg s12;
	s12 =	sshll.u32 s0, $0x2;
	(pc) =	sbr.rel .LBB2_1-.Ltmp0, $4  }
0x1c: {  	s24 =	smul.u32 $0x4E200, s24;
	[dreg:$0x9] =	wrdreg s18;
	v5 =	vmov s26;
	vm15 =	veq.s32 v3, v2;
	s21 =	sor.u32 $0x1, s12;
	v0 =	vmov s12  }
0x1d: {  	s18 =	sadd.s32 s9, s2;
	s20 =	sadd.s32 s11, s2;
	s25 =	smax.u32 s6, $0x1;
	vm1 =	veq.s32 v5, v2;
	v1 =	vmov s21;
	vm0 =	veq.s32 v0, v2  }
0x1e: {  	s26 =	simm.s32 $0x100;
	s6 =	simm.s32 $0x1000;
	s10 =	sshrl.u32 s8, $0x2;
	v3 =	vsel vm1, $0x3F800000, v4;
	v0 =	vsel vm0, $0x3F800000, v4;
	vm14 =	veq.s32 v1, v2  }
0x1f: {  	s19 =	sadd.s32 s10, s2;
	s0 =	simm.s32 $0x400;
	s21 =	sadd.s32 s13, s2;
	v2 =	vsel vm15, $0x3F800000, v4;
	v1 =	vsel vm14, $0x3F800000, v4;
	v4 =	vimm.f32 $0.0e+00  }
.LBB2_17:
0x20: {  	[bflag:$0x0] =	sbarrier.arrive $0xFFFF  }
0x21: {  	[tilespmem:s26], [sflag:$0x2] =	stream.linear.gather [spmem:s18], $0x4000, $0x38;
	[tilespmem:$0x1C100] =	vst v63  }
0x22: {  	_ =	swait.ge [sflag:s28], $0x4000  }
0x23: {  	[sflag:s28] =	ssyncset.done $0x0  }
0x24: {  	s7 =	rddreg [dreg:$0x9];
	[sflag:s28] =	ssyncadd.s32 $0xFFFFC000  }
0x25: {  	[hbm4b:s7+s0] =	stream.strided.scatter [tilespmem:s26], [sflag:$0x2], $0x4000, s6, s0, $0x38;
	[tilespmem:$0x1C100] =	vst v63  }
0x26: {  	_ =	swait.ge [sflag:s28], $0x4000  }
0x27: {  	[sflag:s28] =	ssyncset.done $0x0  }
0x28: {  	[sflag:s28] =	ssyncadd.s32 $0xFFFFC000  }
0x29: {  	[tilespmem:s26], [sflag:$0x2] =	stream.linear.gather [spmem:s19], $0x4000, $0x38;
	[tilespmem:$0x1C100] =	vst v63  }
0x2a: {  	_ =	swait.ge [sflag:s28], $0x4000  }
0x2b: {  	[sflag:s28] =	ssyncset.done $0x0  }
0x2c: {  	s12 =	rddreg [dreg:$0xa];
	[sflag:s28] =	ssyncadd.s32 $0xFFFFC000  }
0x2d: {  	[hbm4b:s12+s0] =	stream.strided.scatter [tilespmem:s26], [sflag:$0x2], $0x4000, s6, s0, $0x38;
	[tilespmem:$0x1C100] =	vst v63  }
0x2e: {  	_ =	swait.ge [sflag:s28], $0x4000  }
0x2f: {  	[sflag:s28] =	ssyncset.done $0x0  }
0x30: {  	[sflag:s28] =	ssyncadd.s32 $0xFFFFC000  }
0x31: {  	[tilespmem:s26], [sflag:$0x2] =	stream.linear.gather [spmem:s20], $0x4000, $0x38;
	[tilespmem:$0x1C100] =	vst v63  }
0x32: {  	_ =	swait.ge [sflag:s28], $0x4000  }
0x33: {  	[sflag:s28] =	ssyncset.done $0x0  }
0x34: {  	s13 =	rddreg [dreg:$0xb];
	[sflag:s28] =	ssyncadd.s32 $0xFFFFC000  }
0x35: {  	[hbm4b:s13+s0] =	stream.strided.scatter [tilespmem:s26], [sflag:$0x2], $0x4000, s6, s0, $0x38;
	[tilespmem:$0x1C100] =	vst v63  }
0x36: {  	_ =	swait.ge [sflag:s28], $0x4000  }
0x37: {  	[sflag:s28] =	ssyncset.done $0x0  }
0x38: {  	[sflag:s28] =	ssyncadd.s32 $0xFFFFC000  }
0x39: {  	[tilespmem:s26], [sflag:$0x2] =	stream.linear.gather [spmem:s21], $0x4000, $0x38;
	[tilespmem:$0x1C100] =	vst v63  }
0x3a: {  	_ =	swait.ge [sflag:s28], $0x4000  }
0x3b: {  	[sflag:s28] =	ssyncset.done $0x0  }
0x3c: {  	[sflag:s28] =	ssyncadd.s32 $0xFFFFC000  }
0x3d: {  	[hbm4b:s14+s0] =	stream.strided.scatter [tilespmem:s26], [sflag:$0x2], $0x4000, s6, s0, $0x38;
	[tilespmem:$0x1C100] =	vst v63  }
0x3e: {  	_ =	swait.ge [sflag:s28], $0x4000  }
0x3f: {  	[sflag:s28] =	ssyncset.done $0x0  }
0x40: {  	[sflag:s28] =	ssyncadd.s32 $0xFFFFC000  }
0x41: {  	[tilespmem:s26], [sflag:$0x2] =	stream.linear.gather [spmem:s22], $0x4000, $0x38;
	[tilespmem:$0x1C100] =	vst v63  }
0x42: {  	_ =	swait.ge [sflag:s28], $0x4000  }
0x43: {  	s4 =	sadd.s32 $0x1, s4;
	[sflag:s28] =	ssyncset.done $0x0  }
0x44: {  	p0 =	sne.s32 s4, s25;
	[sflag:s28] =	ssyncadd.s32 $0xFFFFC000  }
0x45: {  	[hbm4b:s15+s0] =	stream.strided.scatter [tilespmem:s26], [sflag:$0x2], $0x4000, s6, s0, $0x38;
	[tilespmem:$0x1C100] =	vst v63  }
.Ltmp1:
0x46: {  	_ =	swait.ge [sflag:s28], $0x4000;
	(pc) =	sbr.rel @!p0 .LBB2_18-.Ltmp1, $3  }
0x47: {  	[sflag:s28] =	ssyncset.done $0x0  }
0x48: {  	[sflag:s28] =	ssyncadd.s32 $0xFFFFC000  }
0x49: {  	[bflag:$0x0] =	sbarrier.arrive $0xFFFF;
	_ =	sdelay $0x1  }
.LBB2_1:
0x4a: {  	s7 =	simm.s32 $0x0;
	s8 =	simm.s32 $0x200  }
.LBB2_2:
0x4b: {  	p0 =	sne.s32 s8, $0xFE00;
	[tilespmem:s7+$0x170] =	vst v4  }
0x4c: {  	[tilespmem:s7+$0x100] =	vst v4  }
0x4d: {  	[tilespmem:s7+$0x110] =	vst v4  }
.Ltmp2:
0x4e: {  	[tilespmem:s7+$0x120] =	vst v4;
	(pc) =	sbr.rel @p0 .LBB2_2-.Ltmp2, $4  }
0x4f: {  	[tilespmem:s7+$0x130] =	vst v4  }
0x50: {  	[tilespmem:s7+$0x140] =	vst v4  }
0x51: {  	[tilespmem:s7+$0x150] =	vst v4  }
0x52: {  	[tilespmem:s7+$0x160] =	vst v4;
	s7 =	sshra.s32 s8, $0x2;
	s8 =	sadd.s32 $0x200, s8  }
0x53: {  	[tilespmem:s7+$0x170] =	vst v4  }
0x54: {  	[tilespmem:s7+$0x100] =	vst v4  }
0x55: {  	[tilespmem:s7+$0x110] =	vst v4  }
0x56: {  	[tilespmem:s7+$0x120] =	vst v4  }
0x57: {  	[tilespmem:s7+$0x130] =	vst v4  }
0x58: {  	[tilespmem:s7+$0x140] =	vst v4  }
0x59: {  	[tilespmem:s7+$0x150] =	vst v4  }
0x5a: {  	[tilespmem:s7+$0x160] =	vst v4  }
0x5b: {  	[spmem:s18] =	stream.linear.scatter [tilespmem:s26], [sflag:$0x2], $0x4000, $0x38;
	[tilespmem:$0x1C100] =	vst v63  }
0x5c: {  	_ =	swait.ge [sflag:s28], $0x4000  }
0x5d: {  	[sflag:s28] =	ssyncset.done $0x0  }
0x5e: {  	[sflag:s28] =	ssyncadd.s32 $0xFFFFC000  }
0x5f: {  	[spmem:s19] =	stream.linear.scatter [tilespmem:s26], [sflag:$0x2], $0x4000, $0x38;
	[tilespmem:$0x1C100] =	vst v63  }
0x60: {  	_ =	swait.ge [sflag:s28], $0x4000  }
0x61: {  	[sflag:s28] =	ssyncset.done $0x0  }
0x62: {  	[sflag:s28] =	ssyncadd.s32 $0xFFFFC000  }
0x63: {  	[spmem:s20] =	stream.linear.scatter [tilespmem:s26], [sflag:$0x2], $0x4000, $0x38;
	[tilespmem:$0x1C100] =	vst v63  }
0x64: {  	_ =	swait.ge [sflag:s28], $0x4000  }
0x65: {  	[sflag:s28] =	ssyncset.done $0x0  }
0x66: {  	[sflag:s28] =	ssyncadd.s32 $0xFFFFC000  }
0x67: {  	[spmem:s21] =	stream.linear.scatter [tilespmem:s26], [sflag:$0x2], $0x4000, $0x38;
	[tilespmem:$0x1C100] =	vst v63  }
0x68: {  	_ =	swait.ge [sflag:s28], $0x4000  }
0x69: {  	[sflag:s28] =	ssyncset.done $0x0  }
0x6a: {  	[sflag:s28] =	ssyncadd.s32 $0xFFFFC000  }
0x6b: {  	[spmem:s22] =	stream.linear.scatter [tilespmem:s26], [sflag:$0x2], $0x4000, $0x38;
	[tilespmem:$0x1C100] =	vst v63  }
.Ltmp3:
0x6c: {  	_ =	swait.ge [sflag:s28], $0x4000;
	(pc) =	sbr.rel .LBB2_4-.Ltmp3, $4  }
0x6d: {  	[sflag:s28] =	ssyncset.done $0x0  }
0x6e: {  	[sflag:s28] =	ssyncadd.s32 $0xFFFFC000  }
0x6f: {  	[bflag:$0x0] =	sbarrier.arrive $0xFFFF  }
0x70: {  	s7 =	simm.s32 $0x0  }
.LBB2_8:
0x71: {  	s7 =	sadd.s32 $0x1, s7  }
0x72: {  	p0 =	sne.s32 s7, $0x9C4  }
.Ltmp4:
0x73: {  	_ = 	snop;
	(pc) =	sbr.rel @!p0 .LBB2_9-.Ltmp4, $1  }
0x74: {  	_ =	sdelay $0x3  }
.LBB2_4:
0x75: {  	s8 =	sand.u32 $0xF, s7  }
0x76: {  	p0 =	sne.s32 s8, s3  }
.Ltmp5:
0x77: {  	_ = 	snop;
	(pc) =	sbr.rel @p0 .LBB2_8-.Ltmp5, $1  }
0x78: {  	_ =	sdelay $0x3  }
0x79: {  	s8 =	sshll.u32 s7, $0x7  }
0x7a: {  	s8 =	sadd.s32 s23, s8  }
0x7b: {  	s8 =	sshrl.u32 s8, $0x3  }
0x7c: {  	s9 =	simm.s32 $0x0;
	s8 =	sadd.s32 s1, s8  }
0x7d: {  	[tilespmem:s9], [sflag:$0x2] =	stream.linear.gather [hbm4b:s8+s9], $0x80, $0x38;
	[tilespmem:$0x1C100] =	vst v63  }
0x7e: {  	_ =	swait.ge [sflag:s28], $0x80  }
0x7f: {  	s12 =	sshll.u32 s7, $0x4;
	[sflag:s28] =	ssyncset.done $0x0  }
0x80: {  	s8 =	sadd.s32 s5, s12;
	[sflag:s28] =	ssyncadd.s32 $0xFFFFFF80  }
0x81: {  	[tilespmem:s29], [sflag:$0x2] =	stream.linear.gather [hbm4b:s8+s9], $0x80, $0x38;
	[tilespmem:$0x1C100] =	vst v63  }
0x82: {  	_ =	swait.ge [sflag:s28], $0x80  }
0x83: {  	s13 =	sshll.u32 s7, $0xB;
	[sflag:s28] =	ssyncset.done $0x0  }
0x84: {  	s8 =	sadd.s32 s17, s13;
	[sflag:s28] =	ssyncadd.s32 $0xFFFFFF80  }
0x85: {  	[tilespmem:s30], [sflag:$0x2] =	stream.linear.gather [hbm4b:s8+s9], $0x4000, $0x38;
	[tilespmem:$0x1C100] =	vst v63  }
0x86: {  	_ =	swait.ge [sflag:s28], $0x4000  }
0x87: {  	[sflag:s28] =	ssyncset.done $0x0  }
0x88: {  	[sflag:s28] =	ssyncadd.s32 $0xFFFFC000  }
0x89: {  	[tilespmem:s26], [sflag:$0x1] =	stream.indirect.gather [hbm4b:s16+s29], $0x80, s9, s29, $0xb8;
	[tilespmem:$0x1C100] =	vst v63  }
0x8a: {  	_ =	swait.ge [sflag:s31], $0x4000  }
0x8b: {  	[sflag:s31] =	ssyncset.done $0x0  }
0x8c: {  	s11 =	simm.s32 $0x0;
	[sflag:s31] =	ssyncadd.s32 $0xFFFFC000  }
0x8d: {  	v5 =	vld [tilespmem:s11+$0x4100];
	_ =	sdelay $0x4  }
0x8e: {  	v6 =	vmul.f32 v0, v5;
	_ =	sdelay $0x1  }
0x8f: {  	(xrf2) =	vadd.scan.msk.f32 $0xffff, v6  }
0x90: {  	v5 =	vmul.f32 v1, v5;
	_ =	sdelay $0x1  }
0x91: {  	s10 =	simm.s32 $0x80;
	(xrf2) =	vadd.scan.msk.f32 $0xffff, v5  }
0x92: {  	v9 =	vld [tilespmem:s10+$0x4100];
	_ =	sdelay $0x2  }
0x93: {  	v7 =	vld [tilespmem:s11+$0x110]  }
0x94: {  	v6 =	vld [tilespmem:s11+$0x100]  }
0x95: {  	v15 =	vmul.f32 v0, v9;
	v5 =	vld [tilespmem:s11+$0x130]  }
0x96: {  	v11 =	vld [tilespmem:s11+$0x120];
	v8, _, _ =	vpop (xrf2)  }
0x97: {  	v12 =	vld [tilespmem:s11+$0x160];
	v8 =	vbroadcast v8, $0xF;
	_ =	sdelay $0x1  }
0x98: {  	s8 =	simm.s32 $0x100;
	(xrf2) =	vadd.scan.msk.f32 $0xffff, v15;
	v15, _, _ =	vpop (xrf2);
	v6 =	vmul.f32 v8, v6  }
0x99: {  	v10 =	vld [tilespmem:s8+$0x4100];
	v15 =	vbroadcast v15, $0xF;
	v5 =	vmul.f32 v5, v8  }
0x9a: {  	v13 =	vld [tilespmem:s11+$0x150];
	[tilespmem:s11+$0x100] =	vst v6;
	v6 =	vmul.f32 v8, v7;
	v8 =	vmul.f32 v11, v8  }
0x9b: {  	v14 =	vld [tilespmem:s11+$0x170];
	v11 =	vmul.f32 v12, v15;
	v12 =	vmul.f32 v1, v9  }
0x9c: {  	v16 =	vld [tilespmem:s11+$0x140]  }
0x9d: {  	v7 =	vld [tilespmem:s10+$0x100];
	[tilespmem:s11+$0x110] =	vst v6;
	(xrf2) =	vadd.scan.msk.f32 $0xffff, v12  }
0x9e: {  	s9 =	simm.s32 $0x180;
	v6 =	vld [tilespmem:s10+$0x110];
	[tilespmem:s11+$0x130] =	vst v5  }
0x9f: {  	v5 =	vld [tilespmem:s9+$0x4100];
	[tilespmem:s11+$0x120] =	vst v8  }
0xa0: {  	v8 =	vld [tilespmem:s10+$0x130];
	[tilespmem:s11+$0x160] =	vst v11;
	v11 =	vmul.f32 v0, v10;
	_ =	sdelay $0x2  }
0xa1: {  	v17 =	vmul.f32 v1, v10;
	v13 =	vmul.f32 v13, v15;
	(xrf2) =	vadd.scan.msk.f32 $0xffff, v11  }
0xa2: {  	v14 =	vmul.f32 v14, v15;
	v11, _, _ =	vpop (xrf2)  }
0xa3: {  	v12 =	vmul.f32 v16, v15;
	v9 =	vld [tilespmem:s10+$0x120];
	[tilespmem:s11+$0x150] =	vst v13;
	(xrf2) =	vadd.scan.msk.f32 $0xffff, v17;
	v11 =	vbroadcast v11, $0xF  }
0xa4: {  	s12 =	simm.s32 $0x800;
	v10 =	vld [tilespmem:s10+$0x160];
	[tilespmem:s11+$0x170] =	vst v14  }
.LBB2_6:
0xa5: {  	s13 =	sshra.s32 s12, $0x2;
	p0 =	sne.s32 s12, $0xFE00;
	s12 =	sadd.s32 $0x200, s12;
	v7 =	vmul.f32 v11, v7;
	v13 =	vld [tilespmem:s10+$0x150];
	v14, _, _ =	vpop (xrf2);
	[tilespmem:s11+$0x140] =	vst v12  }
0xa6: {  	v6 =	vmul.f32 v11, v6;
	s11 =	smov.u32 s10;
	v15 =	vmul.f32 v1, v5;
	v12 =	vld [tilespmem:s10+$0x170];
	s10 =	smov.u32 s8;
	s8 =	smov.u32 s9  }
0xa7: {  	v14 =	vbroadcast v14, $0xF;
	s9 =	smov.u32 s13;
	[tilespmem:s11+$0x100] =	vst v7;
	v8 =	vmul.f32 v8, v11;
	v16 =	vld [tilespmem:s11+$0x140]  }
0xa8: {  	v17 =	vmul.f32 v0, v5;
	v7 =	vld [tilespmem:s10+$0x100];
	[tilespmem:s11+$0x110] =	vst v6;
	v11 =	vmul.f32 v9, v11  }
.Ltmp6:
0xa9: {  	v6 =	vld [tilespmem:s10+$0x110];
	[tilespmem:s11+$0x130] =	vst v8;
	v10 =	vmul.f32 v10, v14;
	(pc) =	sbr.rel @p0 .LBB2_6-.Ltmp6, $4  }
0xaa: {  	v5 =	vld [tilespmem:s9+$0x4100];
	(xrf2) =	vadd.scan.msk.f32 $0xffff, v17;
	[tilespmem:s11+$0x120] =	vst v11;
	v13 =	vmul.f32 v13, v14  }
0xab: {  	v8 =	vld [tilespmem:s10+$0x130];
	v9, _, _ =	vpop (xrf2);
	[tilespmem:s11+$0x160] =	vst v10;
	v17 =	vmul.f32 v12, v14  }
0xac: {  	v11 =	vbroadcast v9, $0xF;
	v9 =	vld [tilespmem:s10+$0x120];
	v12 =	vmul.f32 v16, v14;
	[tilespmem:s11+$0x150] =	vst v13  }
0xad: {  	(xrf2) =	vadd.scan.msk.f32 $0xffff, v15;
	v10 =	vld [tilespmem:s10+$0x160];
	[tilespmem:s11+$0x170] =	vst v17  }
0xae: {  	v13 =	vld [tilespmem:s10+$0x150];
	v7 =	vmul.f32 v11, v7;
	[tilespmem:s11+$0x140] =	vst v12  }
0xaf: {  	v6 =	vmul.f32 v11, v6;
	v12 =	vld [tilespmem:s10+$0x170]  }
0xb0: {  	v15, _, _ =	vpop (xrf2);
	[tilespmem:s10+$0x100] =	vst v7;
	v7 =	vld [tilespmem:s10+$0x140]  }
0xb1: {  	v8 =	vmul.f32 v8, v11;
	v14 =	vld [tilespmem:s8+$0x100];
	[tilespmem:s10+$0x110] =	vst v6;
	v6 =	vbroadcast v15, $0xF  }
0xb2: {  	v9 =	vmul.f32 v9, v11  }
0xb3: {  	v49 =	vld [tilespmem:s8+$0x110];
	[tilespmem:s10+$0x130] =	vst v8;
	v50 =	vmul.f32 v10, v6  }
0xb4: {  	[tilespmem:s10+$0x120] =	vst v9;
	v51 =	vmul.f32 v13, v6  }
0xb5: {  	v9 =	vld [tilespmem:s8+$0x130];
	v12 =	vmul.f32 v12, v6;
	[tilespmem:s10+$0x160] =	vst v50  }
0xb6: {  	v6 =	vmul.f32 v7, v6;
	v8 =	vld [tilespmem:s8+$0x120];
	[tilespmem:s10+$0x150] =	vst v51  }
0xb7: {  	v53 =	vld [tilespmem:s8+$0x160];
	[tilespmem:s10+$0x170] =	vst v12  }
0xb8: {  	v52, _, _ =	vpop (xrf2);
	v7 =	vld [tilespmem:s8+$0x150];
	[tilespmem:s10+$0x140] =	vst v6;
	v6 =	vmul.f32 v0, v5  }
0xb9: {  	v10 =	vbroadcast v52, $0xF  }
0xba: {  	(xrf2) =	vadd.scan.msk.f32 $0xffff, v6  }
0xbb: {  	v54 =	vmul.f32 v10, v14  }
0xbc: {  	v5 =	vmul.f32 v1, v5;
	v6 =	vmul.f32 v10, v49  }
0xbd: {  	v57, _, _ =	vpop (xrf2);
	[tilespmem:s8+$0x100] =	vst v54  }
0xbe: {  	v12 =	vld [tilespmem:s9+$0x100];
	(xrf2) =	vadd.scan.msk.f32 $0xffff, v5;
	[tilespmem:s8+$0x110] =	vst v6;
	v6 =	vbroadcast v57, $0xF  }
0xbf: {  	v55 =	vld [tilespmem:s8+$0x170];
	v9 =	vmul.f32 v9, v10  }
0xc0: {  	v56 =	vld [tilespmem:s8+$0x140];
	v8 =	vmul.f32 v8, v10;
	v7 =	vmul.f32 v7, v6  }
0xc1: {  	v58 =	vld [tilespmem:s9+$0x110];
	[tilespmem:s8+$0x130] =	vst v9;
	v5 =	vmul.f32 v53, v6  }
0xc2: {  	[tilespmem:s8+$0x120] =	vst v8  }
0xc3: {  	v8 =	vld [tilespmem:s9+$0x130];
	[tilespmem:s8+$0x160] =	vst v5  }
0xc4: {  	v59 =	vmul.f32 v55, v6;
	v5 =	vld [tilespmem:s9+$0x120];
	[tilespmem:s8+$0x150] =	vst v7;
	v7, _, _ =	vpop (xrf2)  }
0xc5: {  	v6 =	vmul.f32 v56, v6;
	v7 =	vbroadcast v7, $0xF  }
0xc6: {  	v60 =	vld [tilespmem:s9+$0x160];
	[tilespmem:s8+$0x170] =	vst v59  }
0xc7: {  	v9 =	vld [tilespmem:s9+$0x150];
	[tilespmem:s8+$0x140] =	vst v6;
	v61 =	vmul.f32 v7, v12  }
0xc8: {  	v6 =	vld [tilespmem:s9+$0x170];
	v62, _, _ =	vpop (xrf2);
	v10 =	vmul.f32 v7, v58  }
0xc9: {  	v63 =	vld [tilespmem:s9+$0x140];
	v8 =	vmul.f32 v8, v7;
	v12 =	vbroadcast v62, $0xF;
	[tilespmem:s9+$0x100] =	vst v61  }
0xca: {  	v5 =	vmul.f32 v5, v7;
	[tilespmem:s9+$0x110] =	vst v10  }
0xcb: {  	[tilespmem:s9+$0x130] =	vst v8;
	v7 =	vmul.f32 v60, v12  }
0xcc: {  	[tilespmem:s9+$0x120] =	vst v5;
	v5 =	vmul.f32 v9, v12  }
0xcd: {  	v6 =	vmul.f32 v6, v12;
	[tilespmem:s9+$0x160] =	vst v7  }
0xce: {  	v7 =	vmul.f32 v63, v12;
	[tilespmem:s9+$0x150] =	vst v5  }
0xcf: {  	[tilespmem:s9+$0x170] =	vst v6  }
.Ltmp7:
0xd0: {  	[tilespmem:s9+$0x140] =	vst v7;
	(pc) =	sbr.rel .LBB2_8-.Ltmp7, $4  }
0xd1: {  	[spmem:s2] =	stream.indirect.scatter.add.f32 [tilespmem:s26], [sflag:$0x1], $0x80, s29, s29, $0xb8;
	[tilespmem:$0x1C100] =	vst v63  }
0xd2: {  	_ =	swait.ge [sflag:s31], $0x4000  }
0xd3: {  	[sflag:s31] =	ssyncset.done $0x0  }
0xd4: {  	[sflag:s31] =	ssyncadd.s32 $0xFFFFC000  }
.LBB2_9:
0xd5: {  	[bflag:$0x0] =	sbarrier.arrive $0xFFFF  }
0xd6: {  	[tilespmem:s26], [sflag:$0x2] =	stream.linear.gather [spmem:s18], $0x4000, $0x38;
	[tilespmem:$0x1C100] =	vst v63  }
0xd7: {  	_ =	swait.ge [sflag:s28], $0x4000  }
0xd8: {  	[sflag:s28] =	ssyncset.done $0x0  }
0xd9: {  	s7 =	rddreg [dreg:$0x4];
	[sflag:s28] =	ssyncadd.s32 $0xFFFFC000  }
0xda: {  	[hbm4b:s7+s0] =	stream.strided.scatter [tilespmem:s26], [sflag:$0x2], $0x4000, s6, s0, $0x38;
	[tilespmem:$0x1C100] =	vst v63  }
0xdb: {  	_ =	swait.ge [sflag:s28], $0x4000  }
0xdc: {  	[sflag:s28] =	ssyncset.done $0x0  }
0xdd: {  	[sflag:s28] =	ssyncadd.s32 $0xFFFFC000  }
0xde: {  	[tilespmem:s26], [sflag:$0x2] =	stream.linear.gather [spmem:s19], $0x4000, $0x38;
	[tilespmem:$0x1C100] =	vst v63  }
0xdf: {  	_ =	swait.ge [sflag:s28], $0x4000  }
0xe0: {  	[sflag:s28] =	ssyncset.done $0x0  }
0xe1: {  	s10 =	rddreg [dreg:$0x5];
	[sflag:s28] =	ssyncadd.s32 $0xFFFFC000  }
0xe2: {  	[hbm4b:s10+s0] =	stream.strided.scatter [tilespmem:s26], [sflag:$0x2], $0x4000, s6, s0, $0x38;
	[tilespmem:$0x1C100] =	vst v63  }
0xe3: {  	_ =	swait.ge [sflag:s28], $0x4000  }
0xe4: {  	[sflag:s28] =	ssyncset.done $0x0  }
0xe5: {  	[sflag:s28] =	ssyncadd.s32 $0xFFFFC000  }
0xe6: {  	[tilespmem:s26], [sflag:$0x2] =	stream.linear.gather [spmem:s20], $0x4000, $0x38;
	[tilespmem:$0x1C100] =	vst v63  }
0xe7: {  	_ =	swait.ge [sflag:s28], $0x4000  }
0xe8: {  	[sflag:s28] =	ssyncset.done $0x0  }
0xe9: {  	s11 =	rddreg [dreg:$0x6];
	[sflag:s28] =	ssyncadd.s32 $0xFFFFC000  }
0xea: {  	[hbm4b:s11+s0] =	stream.strided.scatter [tilespmem:s26], [sflag:$0x2], $0x4000, s6, s0, $0x38;
	[tilespmem:$0x1C100] =	vst v63  }
0xeb: {  	_ =	swait.ge [sflag:s28], $0x4000  }
0xec: {  	[sflag:s28] =	ssyncset.done $0x0  }
0xed: {  	[sflag:s28] =	ssyncadd.s32 $0xFFFFC000  }
0xee: {  	[tilespmem:s26], [sflag:$0x2] =	stream.linear.gather [spmem:s21], $0x4000, $0x38;
	[tilespmem:$0x1C100] =	vst v63  }
0xef: {  	_ =	swait.ge [sflag:s28], $0x4000  }
0xf0: {  	[sflag:s28] =	ssyncset.done $0x0  }
0xf1: {  	s12 =	rddreg [dreg:$0x7];
	[sflag:s28] =	ssyncadd.s32 $0xFFFFC000  }
0xf2: {  	[hbm4b:s12+s0] =	stream.strided.scatter [tilespmem:s26], [sflag:$0x2], $0x4000, s6, s0, $0x38;
	[tilespmem:$0x1C100] =	vst v63  }
0xf3: {  	_ =	swait.ge [sflag:s28], $0x4000  }
0xf4: {  	[sflag:s28] =	ssyncset.done $0x0  }
0xf5: {  	[sflag:s28] =	ssyncadd.s32 $0xFFFFC000  }
0xf6: {  	[tilespmem:s26], [sflag:$0x2] =	stream.linear.gather [spmem:s22], $0x4000, $0x38;
	[tilespmem:$0x1C100] =	vst v63  }
0xf7: {  	_ =	swait.ge [sflag:s28], $0x4000  }
0xf8: {  	[sflag:s28] =	ssyncset.done $0x0  }
0xf9: {  	s13 =	rddreg [dreg:$0x8];
	[sflag:s28] =	ssyncadd.s32 $0xFFFFC000  }
0xfa: {  	[hbm4b:s13+s0] =	stream.strided.scatter [tilespmem:s26], [sflag:$0x2], $0x4000, s6, s0, $0x38;
	[tilespmem:$0x1C100] =	vst v63  }
0xfb: {  	_ =	swait.ge [sflag:s28], $0x4000  }
0xfc: {  	[sflag:s28] =	ssyncset.done $0x0  }
0xfd: {  	[sflag:s28] =	ssyncadd.s32 $0xFFFFC000  }
0xfe: {  	s8 =	simm.s32 $0x200;
	s7 =	simm.s32 $0x0;
	[bflag:$0x0] =	sbarrier.arrive $0xFFFF  }
.LBB2_10:
0xff: {  	p0 =	sne.s32 s8, $0xFE00;
	[tilespmem:s7+$0x170] =	vst v4  }
0x100: {  	[tilespmem:s7+$0x100] =	vst v4  }
0x101: {  	[tilespmem:s7+$0x110] =	vst v4  }
.Ltmp8:
0x102: {  	[tilespmem:s7+$0x120] =	vst v4;
	(pc) =	sbr.rel @p0 .LBB2_10-.Ltmp8, $4  }
0x103: {  	[tilespmem:s7+$0x130] =	vst v4  }
0x104: {  	[tilespmem:s7+$0x140] =	vst v4  }
0x105: {  	[tilespmem:s7+$0x150] =	vst v4  }
0x106: {  	[tilespmem:s7+$0x160] =	vst v4;
	s7 =	sshra.s32 s8, $0x2;
	s8 =	sadd.s32 $0x200, s8  }
0x107: {  	[tilespmem:s7+$0x170] =	vst v4  }
0x108: {  	[tilespmem:s7+$0x100] =	vst v4  }
0x109: {  	[tilespmem:s7+$0x110] =	vst v4  }
0x10a: {  	[tilespmem:s7+$0x120] =	vst v4  }
0x10b: {  	[tilespmem:s7+$0x130] =	vst v4  }
0x10c: {  	[tilespmem:s7+$0x140] =	vst v4  }
0x10d: {  	[tilespmem:s7+$0x150] =	vst v4  }
0x10e: {  	[tilespmem:s7+$0x160] =	vst v4  }
0x10f: {  	[spmem:s18] =	stream.linear.scatter [tilespmem:s26], [sflag:$0x2], $0x4000, $0x38;
	[tilespmem:$0x1C100] =	vst v63  }
0x110: {  	_ =	swait.ge [sflag:s28], $0x4000  }
0x111: {  	[sflag:s28] =	ssyncset.done $0x0  }
0x112: {  	[sflag:s28] =	ssyncadd.s32 $0xFFFFC000  }
0x113: {  	[spmem:s19] =	stream.linear.scatter [tilespmem:s26], [sflag:$0x2], $0x4000, $0x38;
	[tilespmem:$0x1C100] =	vst v63  }
0x114: {  	_ =	swait.ge [sflag:s28], $0x4000  }
0x115: {  	[sflag:s28] =	ssyncset.done $0x0  }
0x116: {  	[sflag:s28] =	ssyncadd.s32 $0xFFFFC000  }
0x117: {  	[spmem:s20] =	stream.linear.scatter [tilespmem:s26], [sflag:$0x2], $0x4000, $0x38;
	[tilespmem:$0x1C100] =	vst v63  }
0x118: {  	_ =	swait.ge [sflag:s28], $0x4000  }
0x119: {  	[sflag:s28] =	ssyncset.done $0x0  }
0x11a: {  	[sflag:s28] =	ssyncadd.s32 $0xFFFFC000  }
0x11b: {  	[spmem:s21] =	stream.linear.scatter [tilespmem:s26], [sflag:$0x2], $0x4000, $0x38;
	[tilespmem:$0x1C100] =	vst v63  }
0x11c: {  	_ =	swait.ge [sflag:s28], $0x4000  }
0x11d: {  	[sflag:s28] =	ssyncset.done $0x0  }
0x11e: {  	[sflag:s28] =	ssyncadd.s32 $0xFFFFC000  }
0x11f: {  	[spmem:s22] =	stream.linear.scatter [tilespmem:s26], [sflag:$0x2], $0x4000, $0x38;
	[tilespmem:$0x1C100] =	vst v63  }
.Ltmp9:
0x120: {  	_ =	swait.ge [sflag:s28], $0x4000;
	(pc) =	sbr.rel .LBB2_12-.Ltmp9, $4  }
0x121: {  	[sflag:s28] =	ssyncset.done $0x0  }
0x122: {  	[sflag:s28] =	ssyncadd.s32 $0xFFFFC000  }
0x123: {  	[bflag:$0x0] =	sbarrier.arrive $0xFFFF  }
0x124: {  	s7 =	simm.s32 $0x0  }
.LBB2_16:
0x125: {  	s7 =	sadd.s32 $0x1, s7  }
0x126: {  	p0 =	sne.s32 s7, $0x9C4  }
.Ltmp10:
0x127: {  	_ = 	snop;
	(pc) =	sbr.rel @!p0 .LBB2_17-.Ltmp10, $1  }
0x128: {  	_ =	sdelay $0x3  }
.LBB2_12:
0x129: {  	s8 =	sand.u32 $0xF, s7  }
0x12a: {  	p0 =	sne.s32 s8, s3  }
.Ltmp11:
0x12b: {  	_ = 	snop;
	(pc) =	sbr.rel @p0 .LBB2_16-.Ltmp11, $1  }
0x12c: {  	_ =	sdelay $0x3  }
0x12d: {  	s8 =	sshll.u32 s7, $0x7  }
0x12e: {  	s8 =	sadd.s32 s24, s8  }
0x12f: {  	s8 =	sshrl.u32 s8, $0x3  }
0x130: {  	s9 =	simm.s32 $0x0;
	s8 =	sadd.s32 s1, s8  }
0x131: {  	[tilespmem:s9], [sflag:$0x2] =	stream.linear.gather [hbm4b:s8+s9], $0x80, $0x38;
	[tilespmem:$0x1C100] =	vst v63  }
0x132: {  	_ =	swait.ge [sflag:s28], $0x80  }
0x133: {  	s12 =	sshll.u32 s7, $0x4;
	[sflag:s28] =	ssyncset.done $0x0  }
0x134: {  	s8 =	sadd.s32 s5, s12;
	[sflag:s28] =	ssyncadd.s32 $0xFFFFFF80  }
0x135: {  	[tilespmem:s29], [sflag:$0x2] =	stream.linear.gather [hbm4b:s8+s9], $0x80, $0x38;
	[tilespmem:$0x1C100] =	vst v63  }
0x136: {  	_ =	swait.ge [sflag:s28], $0x80  }
0x137: {  	s13 =	sshll.u32 s7, $0xB;
	[sflag:s28] =	ssyncset.done $0x0  }
0x138: {  	s8 =	sadd.s32 s17, s13;
	[sflag:s28] =	ssyncadd.s32 $0xFFFFFF80  }
0x139: {  	[tilespmem:s30], [sflag:$0x2] =	stream.linear.gather [hbm4b:s8+s9], $0x4000, $0x38;
	[tilespmem:$0x1C100] =	vst v63  }
0x13a: {  	_ =	swait.ge [sflag:s28], $0x4000  }
0x13b: {  	[sflag:s28] =	ssyncset.done $0x0  }
0x13c: {  	[sflag:s28] =	ssyncadd.s32 $0xFFFFC000  }
0x13d: {  	[tilespmem:s26], [sflag:$0x1] =	stream.indirect.gather [hbm4b:s16+s29], $0x80, s9, s29, $0xb8;
	[tilespmem:$0x1C100] =	vst v63  }
0x13e: {  	_ =	swait.ge [sflag:s31], $0x4000  }
0x13f: {  	[sflag:s31] =	ssyncset.done $0x0  }
0x140: {  	s11 =	simm.s32 $0x0;
	[sflag:s31] =	ssyncadd.s32 $0xFFFFC000  }
0x141: {  	v5 =	vld [tilespmem:s11+$0x4100];
	_ =	sdelay $0x4  }
0x142: {  	v6 =	vmul.f32 v2, v5;
	_ =	sdelay $0x1  }
0x143: {  	(xrf2) =	vadd.scan.msk.f32 $0xffff, v6  }
0x144: {  	v5 =	vmul.f32 v3, v5;
	_ =	sdelay $0x1  }
0x145: {  	s10 =	simm.s32 $0x80;
	(xrf2) =	vadd.scan.msk.f32 $0xffff, v5  }
0x146: {  	v9 =	vld [tilespmem:s10+$0x4100];
	_ =	sdelay $0x2  }
0x147: {  	v7 =	vld [tilespmem:s11+$0x110]  }
0x148: {  	v6 =	vld [tilespmem:s11+$0x100]  }
0x149: {  	v15 =	vmul.f32 v2, v9;
	v5 =	vld [tilespmem:s11+$0x130]  }
0x14a: {  	v11 =	vld [tilespmem:s11+$0x120];
	v8, _, _ =	vpop (xrf2)  }
0x14b: {  	v12 =	vld [tilespmem:s11+$0x160];
	v8 =	vbroadcast v8, $0xF;
	_ =	sdelay $0x1  }
0x14c: {  	s8 =	simm.s32 $0x100;
	(xrf2) =	vadd.scan.msk.f32 $0xffff, v15;
	v15, _, _ =	vpop (xrf2);
	v6 =	vmul.f32 v8, v6  }
0x14d: {  	v10 =	vld [tilespmem:s8+$0x4100];
	v15 =	vbroadcast v15, $0xF;
	v5 =	vmul.f32 v5, v8  }
0x14e: {  	v13 =	vld [tilespmem:s11+$0x150];
	[tilespmem:s11+$0x100] =	vst v6;
	v6 =	vmul.f32 v8, v7;
	v8 =	vmul.f32 v11, v8  }
0x14f: {  	v14 =	vld [tilespmem:s11+$0x170];
	v11 =	vmul.f32 v12, v15;
	v12 =	vmul.f32 v3, v9  }
0x150: {  	v16 =	vld [tilespmem:s11+$0x140]  }
0x151: {  	v7 =	vld [tilespmem:s10+$0x100];
	[tilespmem:s11+$0x110] =	vst v6;
	(xrf2) =	vadd.scan.msk.f32 $0xffff, v12  }
0x152: {  	s9 =	simm.s32 $0x180;
	v6 =	vld [tilespmem:s10+$0x110];
	[tilespmem:s11+$0x130] =	vst v5  }
0x153: {  	v5 =	vld [tilespmem:s9+$0x4100];
	[tilespmem:s11+$0x120] =	vst v8  }
0x154: {  	v8 =	vld [tilespmem:s10+$0x130];
	[tilespmem:s11+$0x160] =	vst v11;
	v11 =	vmul.f32 v2, v10;
	_ =	sdelay $0x2  }
0x155: {  	v17 =	vmul.f32 v3, v10;
	v13 =	vmul.f32 v13, v15;
	(xrf2) =	vadd.scan.msk.f32 $0xffff, v11  }
0x156: {  	v14 =	vmul.f32 v14, v15;
	v11, _, _ =	vpop (xrf2)  }
0x157: {  	v12 =	vmul.f32 v16, v15;
	v9 =	vld [tilespmem:s10+$0x120];
	[tilespmem:s11+$0x150] =	vst v13;
	(xrf2) =	vadd.scan.msk.f32 $0xffff, v17;
	v11 =	vbroadcast v11, $0xF  }
0x158: {  	s12 =	simm.s32 $0x800;
	v10 =	vld [tilespmem:s10+$0x160];
	[tilespmem:s11+$0x170] =	vst v14  }
.LBB2_14:
0x159: {  	s13 =	sshra.s32 s12, $0x2;
	p0 =	sne.s32 s12, $0xFE00;
	s12 =	sadd.s32 $0x200, s12;
	v7 =	vmul.f32 v11, v7;
	v13 =	vld [tilespmem:s10+$0x150];
	v14, _, _ =	vpop (xrf2);
	[tilespmem:s11+$0x140] =	vst v12  }
0x15a: {  	v6 =	vmul.f32 v11, v6;
	s11 =	smov.u32 s10;
	v15 =	vmul.f32 v3, v5;
	v12 =	vld [tilespmem:s10+$0x170];
	s10 =	smov.u32 s8;
	s8 =	smov.u32 s9  }
0x15b: {  	v14 =	vbroadcast v14, $0xF;
	s9 =	smov.u32 s13;
	[tilespmem:s11+$0x100] =	vst v7;
	v8 =	vmul.f32 v8, v11;
	v16 =	vld [tilespmem:s11+$0x140]  }
0x15c: {  	v17 =	vmul.f32 v2, v5;
	v7 =	vld [tilespmem:s10+$0x100];
	[tilespmem:s11+$0x110] =	vst v6;
	v11 =	vmul.f32 v9, v11  }
.Ltmp12:
0x15d: {  	v6 =	vld [tilespmem:s10+$0x110];
	[tilespmem:s11+$0x130] =	vst v8;
	v10 =	vmul.f32 v10, v14;
	(pc) =	sbr.rel @p0 .LBB2_14-.Ltmp12, $4  }
0x15e: {  	v5 =	vld [tilespmem:s9+$0x4100];
	(xrf2) =	vadd.scan.msk.f32 $0xffff, v17;
	[tilespmem:s11+$0x120] =	vst v11;
	v13 =	vmul.f32 v13, v14  }
0x15f: {  	v8 =	vld [tilespmem:s10+$0x130];
	v9, _, _ =	vpop (xrf2);
	[tilespmem:s11+$0x160] =	vst v10;
	v17 =	vmul.f32 v12, v14  }
0x160: {  	v11 =	vbroadcast v9, $0xF;
	v9 =	vld [tilespmem:s10+$0x120];
	v12 =	vmul.f32 v16, v14;
	[tilespmem:s11+$0x150] =	vst v13  }
0x161: {  	(xrf2) =	vadd.scan.msk.f32 $0xffff, v15;
	v10 =	vld [tilespmem:s10+$0x160];
	[tilespmem:s11+$0x170] =	vst v17  }
0x162: {  	v13 =	vld [tilespmem:s10+$0x150];
	v7 =	vmul.f32 v11, v7;
	[tilespmem:s11+$0x140] =	vst v12  }
0x163: {  	v6 =	vmul.f32 v11, v6;
	v12 =	vld [tilespmem:s10+$0x170]  }
0x164: {  	v15, _, _ =	vpop (xrf2);
	[tilespmem:s10+$0x100] =	vst v7;
	v7 =	vld [tilespmem:s10+$0x140]  }
0x165: {  	v8 =	vmul.f32 v8, v11;
	v14 =	vld [tilespmem:s8+$0x100];
	[tilespmem:s10+$0x110] =	vst v6;
	v6 =	vbroadcast v15, $0xF  }
0x166: {  	v9 =	vmul.f32 v9, v11  }
0x167: {  	v49 =	vld [tilespmem:s8+$0x110];
	[tilespmem:s10+$0x130] =	vst v8;
	v50 =	vmul.f32 v10, v6  }
0x168: {  	[tilespmem:s10+$0x120] =	vst v9;
	v51 =	vmul.f32 v13, v6  }
0x169: {  	v9 =	vld [tilespmem:s8+$0x130];
	v12 =	vmul.f32 v12, v6;
	[tilespmem:s10+$0x160] =	vst v50  }
0x16a: {  	v6 =	vmul.f32 v7, v6;
	v8 =	vld [tilespmem:s8+$0x120];
	[tilespmem:s10+$0x150] =	vst v51  }
0x16b: {  	v53 =	vld [tilespmem:s8+$0x160];
	[tilespmem:s10+$0x170] =	vst v12  }
0x16c: {  	v52, _, _ =	vpop (xrf2);
	v7 =	vld [tilespmem:s8+$0x150];
	[tilespmem:s10+$0x140] =	vst v6;
	v6 =	vmul.f32 v2, v5  }
0x16d: {  	v10 =	vbroadcast v52, $0xF  }
0x16e: {  	(xrf2) =	vadd.scan.msk.f32 $0xffff, v6  }
0x16f: {  	v54 =	vmul.f32 v10, v14  }
0x170: {  	v5 =	vmul.f32 v3, v5;
	v6 =	vmul.f32 v10, v49  }
0x171: {  	v57, _, _ =	vpop (xrf2);
	[tilespmem:s8+$0x100] =	vst v54  }
0x172: {  	v12 =	vld [tilespmem:s9+$0x100];
	(xrf2) =	vadd.scan.msk.f32 $0xffff, v5;
	[tilespmem:s8+$0x110] =	vst v6;
	v6 =	vbroadcast v57, $0xF  }
0x173: {  	v55 =	vld [tilespmem:s8+$0x170];
	v9 =	vmul.f32 v9, v10  }
0x174: {  	v56 =	vld [tilespmem:s8+$0x140];
	v8 =	vmul.f32 v8, v10;
	v7 =	vmul.f32 v7, v6  }
0x175: {  	v58 =	vld [tilespmem:s9+$0x110];
	[tilespmem:s8+$0x130] =	vst v9;
	v5 =	vmul.f32 v53, v6  }
0x176: {  	[tilespmem:s8+$0x120] =	vst v8  }
0x177: {  	v8 =	vld [tilespmem:s9+$0x130];
	[tilespmem:s8+$0x160] =	vst v5  }
0x178: {  	v59 =	vmul.f32 v55, v6;
	v5 =	vld [tilespmem:s9+$0x120];
	[tilespmem:s8+$0x150] =	vst v7;
	v7, _, _ =	vpop (xrf2)  }
0x179: {  	v6 =	vmul.f32 v56, v6;
	v7 =	vbroadcast v7, $0xF  }
0x17a: {  	v60 =	vld [tilespmem:s9+$0x160];
	[tilespmem:s8+$0x170] =	vst v59  }
0x17b: {  	v9 =	vld [tilespmem:s9+$0x150];
	[tilespmem:s8+$0x140] =	vst v6;
	v61 =	vmul.f32 v7, v12  }
0x17c: {  	v6 =	vld [tilespmem:s9+$0x170];
	v62, _, _ =	vpop (xrf2);
	v10 =	vmul.f32 v7, v58  }
0x17d: {  	v63 =	vld [tilespmem:s9+$0x140];
	v8 =	vmul.f32 v8, v7;
	v12 =	vbroadcast v62, $0xF;
	[tilespmem:s9+$0x100] =	vst v61  }
0x17e: {  	v5 =	vmul.f32 v5, v7;
	[tilespmem:s9+$0x110] =	vst v10  }
0x17f: {  	[tilespmem:s9+$0x130] =	vst v8;
	v7 =	vmul.f32 v60, v12  }
0x180: {  	[tilespmem:s9+$0x120] =	vst v5;
	v5 =	vmul.f32 v9, v12  }
0x181: {  	v6 =	vmul.f32 v6, v12;
	[tilespmem:s9+$0x160] =	vst v7  }
0x182: {  	v7 =	vmul.f32 v63, v12;
	[tilespmem:s9+$0x150] =	vst v5  }
0x183: {  	[tilespmem:s9+$0x170] =	vst v6  }
.Ltmp13:
0x184: {  	[tilespmem:s9+$0x140] =	vst v7;
	(pc) =	sbr.rel .LBB2_16-.Ltmp13, $4  }
0x185: {  	[spmem:s2] =	stream.indirect.scatter.add.f32 [tilespmem:s26], [sflag:$0x1], $0x80, s29, s29, $0xb8;
	[tilespmem:$0x1C100] =	vst v63  }
0x186: {  	_ =	swait.ge [sflag:s31], $0x4000  }
0x187: {  	[sflag:s31] =	ssyncset.done $0x0  }
0x188: {  	[sflag:s31] =	ssyncadd.s32 $0xFFFFC000  }
.LBB2_18:
0x189: {  	_ =	sfence.sel $0x180000  }
0x18a: {  	[bflag:$0x0] =	sbarrier.arrive $0xFFFF  }
0x18b: {  	_ =	strace $0x9000004D  }
0x18c: {  	[bflag:$0x2] =	sbarrier.arrive $0xFFFF  }
0x18d: {  	p0 =	sne.s32 s3, $0x0;
	s0 =	rddreg [dreg:$0x3]  }
0x18e: {  	s0 =	sadd.s32 @!p0 $0x100000, s0  }
0x18f: {  	[sflag:s0] =	ssyncadd.tile.s32 @!p0 $0x1;
	_ =	shalt  }
.Lfunc_end2:
_tile_overlayer_lowered:
.L_overlay_start_2:
0x190: {  	(tag) =	ssettag $0x2  }
0x191: {  	s0 =	rddreg [dreg:$0x0];
	s2 =	stileid.u32  }
0x192: {  	s1 =	rddreg [dreg:$0x1];
	p0 =	sne.s32 s2, $0x0  }
0x193: {  	s3 =	rddreg [dreg:$0x2];
	[bflag:$0x3] =	sbarrier.arrive $0xFFFF;
	s2 =	simm.s32 @!p0 $0x1C02  }
0x194: {  	[timem:s3], [sflag:s2] =	dma.local @!p0 [hbm:s0], s1  }
0x195: {  	s0 =	simm.s32 @!p0 $0x2  }
0x196: {  	_ =	swait.ge @!p0 [sflag:s0], s1  }
0x197: {  	s1 =	ssub.s32 @!p0 $0x0, s1;
	[sflag:s0] =	ssyncset.done @!p0 $0x0  }
0x198: {  	[sflag:s0] =	ssyncadd.s32 @!p0 s1  }
0x199: {  	[bflag:$0x3] =	sbarrier.arrive $0xFFFF  }
0x19a: {  	_ =	shalt  }

// kernel: kernel.22.cloned.1.call-start
scs
__scs_entry_jumppad:
0x0: {  	(pc) =	sbr.rel $0x88, $3  }
0x1: {  	(tag) =	ssettag $0x0;
	lr =	simm.s32 $0x1  }
0x2: {  	[smem:$0x3F97] =	sst lr;
	_ =	strace $0xD0000000  }
0x3: {  	_ = 	snop  }
0x4: {  	_ = 	snop  }
0x5: {  	_ = 	snop  }
0x6: {  	_ = 	snop  }
0x7: {  	_ = 	snop  }
__scs_overlays_trampoline_lowered:
0x8: {  	[smem:$0x3FA6] =	sst s0  }
0x9: {  	[smem:$0x3FA7] =	sst s1  }
0xa: {  	[smem:$0x3FA8] =	sst s2  }
0xb: {  	[smem:$0x3FA9] =	sst s3  }
0xc: {  	[smem:$0x3FAA] =	sst s4  }
0xd: {  	[smem:$0x3FAB] =	sst s5  }
0xe: {  	[smem:$0x3FAC] =	sst s6  }
0xf: {  	[smem:$0x3FAD] =	sst s7  }
0x10: {  	[smem:$0x3FAE] =	sst s8  }
0x11: {  	[smem:$0x3FAF] =	sst s9;
	s0 =	simm.s32 @!p0 $0x0  }
0x12: {  	s1 =	sld [smem:$0x3F95];
	s0 =	simm.s32 @p0 $0x1  }
0x13: {  	[smem:$0x3FB0] =	sst s0;
	s0 =	simm.s32 @!p1 $0x0  }
0x14: {  	s2 =	sld [smem:$0x3F94];
	s0 =	simm.s32 @p1 $0x1  }
0x15: {  	[smem:$0x3FB1] =	sst s0;
	s0 =	simm.s32 @!p2 $0x0  }
0x16: {  	s3 =	sld [smem:$0x3FDB];
	s0 =	simm.s32 @p2 $0x1  }
0x17: {  	s4 =	simm.s32 $0x1BF5;
	[smem:$0x3FB3] =	sst s0  }
0x18: {  	s0 =	sld [smem:$0x3F96];
	_ =	swait.ge [sflag:s4], $0x0  }
0x19: {  	s7 =	sld [smem:$0x3F97]  }
0x1a: {  	s8 =	sadd.s32 $0xFFFFE003, lr  }
0x1b: {  	s9 =	sadd.s32 $0xFFFFFEF7, lr;
	s5 =	simm.s32 $0xFFFFFFFF;
	p2 =	slt.u32 s8, $0xFFFFF086  }
0x1c: {  	p1 =	slt.u32 s9, $0xF7A;
	s5 =	simm.s32 @!p2 $0x0  }
0x1d: {  	s5 =	simm.s32 @p1 $0x1;
	p0 =	seq.s32 s7, s2  }
0x1e: {  	s7 =	smul.u32 @!p0 $0xF7A, s2;
	p2 =	seq.s32 @!p0 s5, $0x0  }
0x1f: {  	s9 =	smul.u32 $0xF7A, s1;
	s8 =	simm.s32 @!p0 $0x1BF5;
	p2 =	por !p2, p0  }
0x20: {  	[sflag:s8] =	ssyncset.s32 @!p0 $0xFFFFF086;
	s6 =	sadd.s32 @!p0 s3, s7;
	s7 =	simm.s32 @!p0 $0x108  }
0x21: {  	s3 =	sadd.s32 s3, s9;
	s6 =	sadd.s32 @!p0 $0x88, s6;
	s7 =	simm.s32 @p2 $0x1082  }
0x22: {  	[simem:s7], [sflag:s8] =	dma.local @!p0 [hbm:s6], $0xF7A  }
0x23: {  	s9 =	sor.u32 $0xD0000000, s2;
	s6 =	simm.s32 $0x108;
	_ =	swait.ge @!p0 [sflag:s8], $0x0  }
0x24: {  	s3 =	sadd.s32 $0x88, s3;
	s6 =	simm.s32 @!p1 $0x1082;
	[sflag:s4] =	ssyncset.s32 $0xFFFFF086  }
0x25: {  	[simem:s6], [sflag:s4] =	dma.local [hbm:s3], $0xF7A  }
0x26: {  	[smem:$0x3F97] =	sst s1;
	(tag) =	ssettag s2;
	_ =	strace s9  }
0x27: {  	s1 =	sld [smem:$0x3FA7]  }
0x28: {  	s2 =	sld [smem:$0x3FA8]  }
0x29: {  	s4 =	sld [smem:$0x3FAA]  }
0x2a: {  	p0 =	seq.s32 s5, $0x0;
	s5 =	sld [smem:$0x3FAB]  }
0x2b: {  	s6 =	sld [smem:$0x3FAC]  }
0x2c: {  	s7 =	sld [smem:$0x3FAD]  }
0x2d: {  	s3 =	simm.s32 $0x108;
	s8 =	sld [smem:$0x3FAE]  }
0x2e: {  	s3 =	simm.s32 @!p0 $0x1082;
	s9 =	sld [smem:$0x3FAF]  }
0x2f: {  	lr =	sadd.s32 s0, s3;
	s0 =	sld [smem:$0x3FA6]  }
0x30: {  	s3 =	sld [smem:$0x3FA9]  }
0x31: {  	[smem:$0x3FB2] =	sst s10  }
0x32: {  	s10 =	sld [smem:$0x3FB0];
	_ =	sdelay $0x3  }
0x33: {  	p0 =	seq.s32 s10, $0x1;
	s10 =	sld [smem:$0x3FB2];
	_ =	sdelay $0x3  }
0x34: {  	[smem:$0x3FB2] =	sst s10  }
0x35: {  	s10 =	sld [smem:$0x3FB1];
	_ =	sdelay $0x3  }
0x36: {  	p1 =	seq.s32 s10, $0x1;
	s10 =	sld [smem:$0x3FB2];
	_ =	sdelay $0x3  }
0x37: {  	[smem:$0x3FB2] =	sst s10  }
0x38: {  	s10 =	sld [smem:$0x3FB3]  }
0x39: {  	_ = 	snop;
	(pc) =	sbr.ind lr, $3  }
0x3a: {  	_ = 	snop  }
0x3b: {  	_ = 	snop  }
0x3c: {  	p2 =	seq.s32 s10, $0x1;
	s10 =	sld [smem:$0x3FB2]  }
0x3d: {  	_ =	shalt  }
0x3e: {  	_ =	shalt  }
0x3f: {  	_ =	shalt  }
0x40: {  	_ =	shalt  }
0x41: {  	_ =	shalt  }
0x42: {  	_ =	shalt  }
0x43: {  	_ =	shalt  }
0x44: {  	_ =	shalt  }
0x45: {  	_ =	shalt  }
0x46: {  	_ =	shalt  }
0x47: {  	_ =	shalt  }
0x48: {  	_ =	shalt  }
0x49: {  	_ =	shalt  }
0x4a: {  	_ =	shalt  }
0x4b: {  	_ =	shalt  }
0x4c: {  	_ =	shalt  }
0x4d: {  	_ =	shalt  }
0x4e: {  	_ =	shalt  }
0x4f: {  	_ =	shalt  }
0x50: {  	_ =	shalt  }
0x51: {  	_ =	shalt  }
0x52: {  	_ =	shalt  }
0x53: {  	_ =	shalt  }
0x54: {  	_ =	shalt  }
0x55: {  	_ =	shalt  }
0x56: {  	_ =	shalt  }
0x57: {  	_ =	shalt  }
0x58: {  	_ =	shalt  }
0x59: {  	_ =	shalt  }
0x5a: {  	_ =	shalt  }
0x5b: {  	_ =	shalt  }
0x5c: {  	_ =	shalt  }
0x5d: {  	_ =	shalt  }
0x5e: {  	_ =	shalt  }
0x5f: {  	_ =	shalt  }
0x60: {  	_ =	shalt  }
0x61: {  	_ =	shalt  }
0x62: {  	_ =	shalt  }
0x63: {  	_ =	shalt  }
0x64: {  	_ =	shalt  }
0x65: {  	_ =	shalt  }
0x66: {  	_ =	shalt  }
0x67: {  	_ =	shalt  }
0x68: {  	_ =	shalt  }
0x69: {  	_ =	shalt  }
0x6a: {  	_ =	shalt  }
0x6b: {  	_ =	shalt  }
0x6c: {  	_ =	shalt  }
0x6d: {  	_ =	shalt  }
0x6e: {  	_ =	shalt  }
0x6f: {  	_ =	shalt  }
0x70: {  	_ =	shalt  }
0x71: {  	_ =	shalt  }
0x72: {  	_ =	shalt  }
0x73: {  	_ =	shalt  }
0x74: {  	_ =	shalt  }
0x75: {  	_ =	shalt  }
0x76: {  	_ =	shalt  }
0x77: {  	_ =	shalt  }
0x78: {  	_ =	shalt  }
0x79: {  	_ =	shalt  }
0x7a: {  	_ =	shalt  }
0x7b: {  	_ =	shalt  }
0x7c: {  	_ =	shalt  }
0x7d: {  	_ =	shalt  }
0x7e: {  	_ =	shalt  }
0x7f: {  	_ =	shalt  }
0x80: {  	_ =	shalt  }
0x81: {  	_ =	shalt  }
0x82: {  	_ =	shalt  }
0x83: {  	_ =	shalt  }
0x84: {  	_ =	shalt  }
0x85: {  	_ =	shalt  }
0x86: {  	_ =	shalt  }
0x87: {  	_ =	shalt  }
.Lfunc_end0:
.L_simem_size_0:
called_computation.3_lowered:
.L_overlay_start_0:
0x88: {  	s2 =	sld [smem:$0x3FD9]  }
0x89: {  	s3 =	sld [smem:$0x3FFE];
	_ =	sdelay $0x1  }
0x8a: {  	s1 =	srdreg.scid  }
0x8b: {  	s0 =	sand.u32 $0x1, s1  }
0x8c: {  	s16 =	sshll.u32 s0, $0xA;
	s2 =	sadd.s32 s3, s2  }
0x8d: {  	s2 =	sadd.s32 s2, s16  }
0x8e: {  	[smem:$0x3FBE] =	sst s2  }
0x8f: {  	_ = 	snop  }
0x90: {  	(tm) =	ssettm $0x1  }
0x91: {  	s17 =	sld [smem:$0x3FFB];
	_ =	sdelay $0x3  }
0x92: {  	_ =	strace s17  }
0x93: {  	s2 =	sld [smem:$0x3FFC];
	_ =	sdelay $0x3  }
0x94: {  	_ =	strace s2  }
0x95: {  	s2 =	sld [smem:$0x3FFD];
	_ =	sdelay $0x3  }
0x96: {  	_ =	strace s2  }
0x97: {  	_ =	strace $0x8FFFFFFF  }
0x98: {  	s18 =	sld [smem:$0x3FDB];
	_ =	sdelay $0x1  }
0x99: {  	s19 =	simm.s32 $_scs_section_size  }
0x9a: {  	s4 =	simm.s32 $_size__tile_overlayer_lowered;
	s5 =	simm.s32 $_tile_overlayer_lowered  }
0x9b: {  	s22 =	simm.s32 $0x1BFF;
	s21 =	sshll.u32 s5, $0x1;
	s2 =	sadd.s32 s19, s18  }
0x9c: {  	s6 =	simm.s32 $0x0;
	s20 =	sshll.u32 s4, $0x1;
	s4 =	sadd.s32 s21, s2  }
0x9d: {  	[timem:s6], [sflag:s22] =	dma.local [hbm:s4], s20  }
0x9e: {  	_ =	swait.ge [sflag:s22], s20  }
0x9f: {  	s3 =	ssub.s32 $0x0, s20;
	[sflag:s22] =	ssyncset.done $0x0  }
0xa0: {  	[sflag:s22] =	ssyncadd.s32 s3;
	_ =	sdelay $0x1  }
0xa1: {  	s23 =	simm.s32 $0x1B8B  }
0xa2: {  	_ =	swait.ge [sflag:s23], $0x1  }
0xa3: {  	[sflag:s23] =	ssyncset.done $0x0  }
0xa4: {  	s25 =	simm.s32 $0x1B8E;
	s24 =	sld [smem:$0x3FFE];
	[sflag:s23] =	ssyncadd.s32 $0xFFFFFFFF  }
0xa5: {  	s26 =	simm.s32 $execute0_lowered;
	[smem:$0x3FD2] =	sst s25  }
0xa6: {  	s4 =	sshll.u32 s26, $0x1;
	_ =	strace $0x8000004F;
	[dreg:$0x1] =	wrdreg $0xFFFFFFFF  }
0xa7: {  	s28 =	simm.s32 $_size_execute0_lowered;
	s2 =	sadd.s32 s2, s4;
	[dreg:$0x0] =	wrdreg $0x0  }
0xa8: {  	s4 =	sshll.u32 s28, $0x1;
	[dreg:$0x2] =	wrdreg s2  }
0xa9: {  	[dreg:$0x3] =	wrdreg s4  }
0xaa: {  	[dreg:$0x4] =	wrdreg $0xC0  }
0xab: {  	_ =	task [dreg:s6], $0x5FFFF  }
0xac: {  	[dreg:$0x1] =	wrdreg $0xFFFFFFFF  }
0xad: {  	[dreg:$0x0] =	wrdreg $0x60  }
0xae: {  	[dreg:$0x2] =	wrdreg s24  }
0xaf: {  	[dreg:$0x3] =	wrdreg $0x81000  }
0xb0: {  	[dreg:$0x4] =	wrdreg $0x9  }
0xb1: {  	_ =	task.clear_ibuf [dreg:s6], $0x5FFFF;
	_ =	strace $0x9000004F  }
0xb2: {  	s29 =	simm.s32 $0x9;
	_ =	strace $0x80000051  }
0xb3: {  	_ =	swait.ge [sflag:s29], $0x1  }
0xb4: {  	[sflag:s29] =	ssyncadd.s32 $0xFFFFFFFF  }
0xb5: {  	_ =	strace $0x90000051  }
0xb6: {  	_ =	sfence  }
0xb7: {  	s30 =	sld [smem:$0x0];
	_ =	sdelay $0x2  }
0xb8: {  	s31 =	sshll.u32 s1, $0xD;
	s1 =	sshrl.u32 s1, $0x2  }
0xb9: {  	s3 =	sand.u32 $0x4000, s31;
	s1 =	sadd.s32 s1, s30  }
0xba: {  	s0 =	sor.u32 s3, s0;
	s1 =	sshll.u32 s1, $0x11  }
0xbb: {  	s0 =	sor.u32 s1, s0  }
0xbc: {  	s0 =	sadd.s32 $0x8F2B, s0  }
0xbd: {  	[sflag:s0] =	ssyncadd.remote.s32 $0x1  }
0xbe: {  	_ =	sfence.sel $0xFFFF  }
0xbf: {  	[dreg:$0x0] =	wrdreg $0xFFFFFFFF;
	(pc) =	sbr.abs _section_cstart, $3  }
0xc0: {  	[dreg:$0x1] =	wrdreg $0xFFFFFFFF  }
0xc1: {  	_ =	task.clear_ibuf [dreg:s6], $0x2FFFF;
	_ =	strace $0x9FFFFFFF  }
0xc2: {  	(tm) =	ssettm $0x7FFFFFFF  }
0xc3: {  	_ =	shalt  }
tec
execute0_lowered:
.L_overlay_start_1:
0x0: {  	(tag) =	ssettag $0x1  }
0x1: {  	s8 =	rddreg [dreg:$0x0]  }
0x2: {  	s1 =	rddreg [dreg:$0x1]  }
0x3: {  	s0 =	rddreg [dreg:$0x2];
	s2 =	simm.s32 $0x0  }
0x4: {  	s7 =	srdreg.scid;
	s3 =	stileid.u32;
	s23 =	simm.s32 $0x4100  }
0x5: {  	s24 =	simm.s32 $0x1;
	s25 =	simm.s32 $0x0;
	[smem:$0x7FF] =	sst s2  }
0x6: {  	s4 =	sadd.s32 $0xE200, s8;
	s5 =	sadd.s32 $0x4400, s8;
	s6 =	sadd.s32 $0x18000, s8  }
0x7: {  	s10 =	sand.u32 $0x1, s7;
	s7 =	sadd.s32 $0x3F200, s8;
	s11 =	smul.u32 $0x50000, s3  }
0x8: {  	s18 =	sadd.s32 $0x66400, s8;
	s13 =	smul.u32 $0x14000, s3;
	s30 =	sshll.u32 s3, $0x1  }
0x9: {  	_ =	strace $0x80000050;
	s9 =	ssub.s32 $0x2, s10;
	s8 =	sor.u32 s10, s30  }
0xa: {  	s20 =	smul.u32 $0x140000, s10;
	s29 =	sshrl.u32 s9, $0x1;
	s31 =	sshrl.u32 s11, $0x2  }
0xb: {  	s14 =	sadd.s32 $0x4000, s13;
	s16 =	sadd.s32 $0x8000, s13;
	s17 =	sadd.s32 $0xC000, s13  }
0xc: {  	s21 =	sadd.s32 $0x10000, s13;
	s19 =	ssub.s32 s9, s29;
	s9 =	sadd.s32 s31, s1  }
0xd: {  	s10 =	sadd.s32 s14, s1;
	s11 =	sadd.s32 s16, s1;
	s12 =	sadd.s32 s17, s1  }
0xe: {  	s15 =	sadd.s32 s13, s20;
	s14 =	sadd.s32 s20, s14;
	s13 =	sadd.s32 s21, s1  }
0xf: {  	s16 =	sadd.s32 s20, s16;
	s17 =	sadd.s32 s20, s17;
	s20 =	sadd.s32 s20, s21  }
.Ltmp0:
0x10: {  	s21 =	simm.s32 $0x2;
	s15 =	sshrl.u32 s15, $0x3;
	(pc) =	sbr.rel .LBB2_1-.Ltmp0, $4  }
0x11: {  	s22 =	sshrl.u32 s14, $0x3;
	s16 =	sshrl.u32 s16, $0x3;
	s17 =	sshrl.u32 s17, $0x3  }
0x12: {  	s20 =	sshrl.u32 s20, $0x3;
	s19 =	smax.u32 s19, $0x1;
	s14 =	sadd.s32 s18, s15  }
0x13: {  	s15 =	sadd.s32 s18, s22;
	s16 =	sadd.s32 s18, s16;
	s17 =	sadd.s32 s18, s17  }
0x14: {  	v0 =	vimm.f32 $0.0e+00;
	s18 =	sadd.s32 s18, s20;
	s20 =	simm.s32 $0x100;
	s22 =	simm.s32 $0x80  }
.LBB2_9:
0x15: {  	[bflag:$0x0] =	sbarrier.arrive $0xFFFF  }
0x16: {  	[tilespmem:s20], [sflag:$0x2] =	stream.linear.gather [spmem:s9], $0x4000, $0x38;
	[tilespmem:$0x1C100] =	vst v63  }
0x17: {  	_ =	swait.ge [sflag:s21], $0x4000  }
0x18: {  	[sflag:s21] =	ssyncset.done $0x0  }
0x19: {  	[sflag:s21] =	ssyncadd.s32 $0xFFFFC000  }
0x1a: {  	[hbm4b:s14+s2] =	stream.linear.scatter [tilespmem:s20], [sflag:$0x2], $0x4000, $0x38;
	[tilespmem:$0x1C100] =	vst v63  }
0x1b: {  	_ =	swait.ge [sflag:s21], $0x4000  }
0x1c: {  	[sflag:s21] =	ssyncset.done $0x0  }
0x1d: {  	[sflag:s21] =	ssyncadd.s32 $0xFFFFC000  }
0x1e: {  	[tilespmem:s20], [sflag:$0x2] =	stream.linear.gather [spmem:s10], $0x4000, $0x38;
	[tilespmem:$0x1C100] =	vst v63  }
0x1f: {  	_ =	swait.ge [sflag:s21], $0x4000  }
0x20: {  	[sflag:s21] =	ssyncset.done $0x0  }
0x21: {  	[sflag:s21] =	ssyncadd.s32 $0xFFFFC000  }
0x22: {  	[hbm4b:s15+s2] =	stream.linear.scatter [tilespmem:s20], [sflag:$0x2], $0x4000, $0x38;
	[tilespmem:$0x1C100] =	vst v63  }
0x23: {  	_ =	swait.ge [sflag:s21], $0x4000  }
0x24: {  	[sflag:s21] =	ssyncset.done $0x0  }
0x25: {  	[sflag:s21] =	ssyncadd.s32 $0xFFFFC000  }
0x26: {  	[tilespmem:s20], [sflag:$0x2] =	stream.linear.gather [spmem:s11], $0x4000, $0x38;
	[tilespmem:$0x1C100] =	vst v63  }
0x27: {  	_ =	swait.ge [sflag:s21], $0x4000  }
0x28: {  	[sflag:s21] =	ssyncset.done $0x0  }
0x29: {  	[sflag:s21] =	ssyncadd.s32 $0xFFFFC000  }
0x2a: {  	[hbm4b:s16+s2] =	stream.linear.scatter [tilespmem:s20], [sflag:$0x2], $0x4000, $0x38;
	[tilespmem:$0x1C100] =	vst v63  }
0x2b: {  	_ =	swait.ge [sflag:s21], $0x4000  }
0x2c: {  	[sflag:s21] =	ssyncset.done $0x0  }
0x2d: {  	[sflag:s21] =	ssyncadd.s32 $0xFFFFC000  }
0x2e: {  	[tilespmem:s20], [sflag:$0x2] =	stream.linear.gather [spmem:s12], $0x4000, $0x38;
	[tilespmem:$0x1C100] =	vst v63  }
0x2f: {  	_ =	swait.ge [sflag:s21], $0x4000  }
0x30: {  	[sflag:s21] =	ssyncset.done $0x0  }
0x31: {  	[sflag:s21] =	ssyncadd.s32 $0xFFFFC000  }
0x32: {  	[hbm4b:s17+s2] =	stream.linear.scatter [tilespmem:s20], [sflag:$0x2], $0x4000, $0x38;
	[tilespmem:$0x1C100] =	vst v63  }
0x33: {  	_ =	swait.ge [sflag:s21], $0x4000  }
0x34: {  	[sflag:s21] =	ssyncset.done $0x0  }
0x35: {  	[sflag:s21] =	ssyncadd.s32 $0xFFFFC000  }
0x36: {  	[tilespmem:s20], [sflag:$0x2] =	stream.linear.gather [spmem:s13], $0x4000, $0x38;
	[tilespmem:$0x1C100] =	vst v63  }
0x37: {  	s25 =	sadd.s32 $0x1, s25;
	_ =	swait.ge [sflag:s21], $0x4000  }
0x38: {  	p0 =	sne.s32 s25, s19;
	[sflag:s21] =	ssyncset.done $0x0  }
.Ltmp1:
0x39: {  	[sflag:s21] =	ssyncadd.s32 $0xFFFFC000;
	(pc) =	sbr.rel @!p0 .LBB2_10-.Ltmp1, $4  }
0x3a: {  	[hbm4b:s18+s2] =	stream.linear.scatter [tilespmem:s20], [sflag:$0x2], $0x4000, $0x38;
	[tilespmem:$0x1C100] =	vst v63  }
0x3b: {  	_ =	swait.ge [sflag:s21], $0x4000  }
0x3c: {  	[sflag:s21] =	ssyncset.done $0x0  }
0x3d: {  	[sflag:s21] =	ssyncadd.s32 $0xFFFFC000  }
.LBB2_1:
0x3e: {  	s26 =	simm.s32 $0x0;
	s28 =	simm.s32 $0x200  }
.LBB2_2:
0x3f: {  	p0 =	sne.s32 s28, $0xFE00;
	[tilespmem:s26+$0x170] =	vst v0  }
0x40: {  	[tilespmem:s26+$0x100] =	vst v0  }
0x41: {  	[tilespmem:s26+$0x110] =	vst v0  }
.Ltmp2:
0x42: {  	[tilespmem:s26+$0x120] =	vst v0;
	(pc) =	sbr.rel @p0 .LBB2_2-.Ltmp2, $4  }
0x43: {  	[tilespmem:s26+$0x130] =	vst v0  }
0x44: {  	[tilespmem:s26+$0x140] =	vst v0  }
0x45: {  	[tilespmem:s26+$0x150] =	vst v0  }
0x46: {  	[tilespmem:s26+$0x160] =	vst v0;
	s26 =	sshra.s32 s28, $0x2;
	s28 =	sadd.s32 $0x200, s28  }
0x47: {  	[tilespmem:s26+$0x170] =	vst v0  }
0x48: {  	[tilespmem:s26+$0x100] =	vst v0  }
0x49: {  	[tilespmem:s26+$0x110] =	vst v0  }
0x4a: {  	[tilespmem:s26+$0x120] =	vst v0  }
0x4b: {  	[tilespmem:s26+$0x130] =	vst v0  }
0x4c: {  	[tilespmem:s26+$0x140] =	vst v0  }
0x4d: {  	[tilespmem:s26+$0x150] =	vst v0  }
0x4e: {  	[tilespmem:s26+$0x160] =	vst v0  }
0x4f: {  	[spmem:s9] =	stream.linear.scatter [tilespmem:s20], [sflag:$0x2], $0x4000, $0x38;
	[tilespmem:$0x1C100] =	vst v63  }
0x50: {  	_ =	swait.ge [sflag:s21], $0x4000  }
0x51: {  	[sflag:s21] =	ssyncset.done $0x0  }
0x52: {  	[sflag:s21] =	ssyncadd.s32 $0xFFFFC000  }
0x53: {  	[spmem:s10] =	stream.linear.scatter [tilespmem:s20], [sflag:$0x2], $0x4000, $0x38;
	[tilespmem:$0x1C100] =	vst v63  }
0x54: {  	_ =	swait.ge [sflag:s21], $0x4000  }
0x55: {  	[sflag:s21] =	ssyncset.done $0x0  }
0x56: {  	[sflag:s21] =	ssyncadd.s32 $0xFFFFC000  }
0x57: {  	[spmem:s11] =	stream.linear.scatter [tilespmem:s20], [sflag:$0x2], $0x4000, $0x38;
	[tilespmem:$0x1C100] =	vst v63  }
0x58: {  	_ =	swait.ge [sflag:s21], $0x4000  }
0x59: {  	[sflag:s21] =	ssyncset.done $0x0  }
0x5a: {  	[sflag:s21] =	ssyncadd.s32 $0xFFFFC000  }
0x5b: {  	[spmem:s12] =	stream.linear.scatter [tilespmem:s20], [sflag:$0x2], $0x4000, $0x38;
	[tilespmem:$0x1C100] =	vst v63  }
0x5c: {  	_ =	swait.ge [sflag:s21], $0x4000  }
0x5d: {  	[sflag:s21] =	ssyncset.done $0x0  }
0x5e: {  	[sflag:s21] =	ssyncadd.s32 $0xFFFFC000  }
0x5f: {  	[spmem:s13] =	stream.linear.scatter [tilespmem:s20], [sflag:$0x2], $0x4000, $0x38;
	[tilespmem:$0x1C100] =	vst v63  }
.Ltmp3:
0x60: {  	_ =	swait.ge [sflag:s21], $0x4000;
	(pc) =	sbr.rel .LBB2_4-.Ltmp3, $4  }
0x61: {  	[sflag:s21] =	ssyncset.done $0x0  }
0x62: {  	[sflag:s21] =	ssyncadd.s32 $0xFFFFC000  }
0x63: {  	[bflag:$0x0] =	sbarrier.arrive $0xFFFF  }
0x64: {  	s26 =	simm.s32 $0x0  }
.LBB2_8:
0x65: {  	s26 =	sadd.s32 $0x1, s26  }
0x66: {  	p0 =	sne.s32 s26, $0x9C4  }
.Ltmp4:
0x67: {  	_ = 	snop;
	(pc) =	sbr.rel @!p0 .LBB2_9-.Ltmp4, $1  }
0x68: {  	_ =	sdelay $0x3  }
.LBB2_4:
0x69: {  	s28 =	sand.u32 $0x1F, s26  }
0x6a: {  	p0 =	sne.s32 s28, s8  }
.Ltmp5:
0x6b: {  	_ = 	snop;
	(pc) =	sbr.rel @p0 .LBB2_8-.Ltmp5, $1  }
0x6c: {  	_ =	sdelay $0x3  }
0x6d: {  	s28 =	sshll.u32 s26, $0x4  }
0x6e: {  	s30 =	simm.s32 $0x0;
	s29 =	sadd.s32 s4, s28  }
0x6f: {  	[tilespmem:s30], [sflag:$0x2] =	stream.linear.gather [hbm4b:s29+s30], $0x80, $0x38;
	[tilespmem:$0x1C100] =	vst v63  }
0x70: {  	_ =	swait.ge [sflag:s21], $0x80  }
0x71: {  	[sflag:s21] =	ssyncset.done $0x0  }
0x72: {  	s28 =	sadd.s32 s5, s28;
	[sflag:s21] =	ssyncadd.s32 $0xFFFFFF80  }
0x73: {  	[tilespmem:s22], [sflag:$0x2] =	stream.linear.gather [hbm4b:s28+s30], $0x80, $0x38;
	[tilespmem:$0x1C100] =	vst v63  }
0x74: {  	_ =	swait.ge [sflag:s21], $0x80  }
0x75: {  	[sflag:s21] =	ssyncset.done $0x0  }
0x76: {  	[sflag:s21] =	ssyncadd.s32 $0xFFFFFF80  }
0x77: {  	[tilespmem:s20], [sflag:$0x1] =	stream.indirect.gather [hbm4b:s6+s22], $0x80, s30, s22, $0xb8;
	[tilespmem:$0x1C100] =	vst v63  }
0x78: {  	_ = 	snop  }
0x79: {  	[tilespmem:s23], [sflag:$0x1] =	stream.indirect.gather [hbm4b:s7+s22], $0x80, s22, s22, $0xb8;
	[tilespmem:$0x1C100] =	vst v63  }
0x7a: {  	_ =	swait.ge [sflag:s24], $0x4000  }
0x7b: {  	[sflag:s24] =	ssyncset.done $0x0  }
0x7c: {  	[sflag:s24] =	ssyncadd.s32 $0xFFFFC000  }
0x7d: {  	_ =	swait.ge [sflag:s24], $0x4000  }
0x7e: {  	[sflag:s24] =	ssyncset.done $0x0  }
0x7f: {  	s28 =	simm.s32 $0x0;
	[sflag:s24] =	ssyncadd.s32 $0xFFFFC000  }
0x80: {  	s29 =	simm.s32 $0x200;
	v1 =	vld [tilespmem:s28+$0x4100]  }
.LBB2_6:
0x81: {  	p0 =	sne.s32 s29, $0xFE00;
	v2 =	vld [tilespmem:s28+$0x100];
	_ =	sdelay $0x4  }
0x82: {  	v1 =	vadd.f32 v1, v2;
	_ =	sdelay $0x1  }
0x83: {  	v2 =	vmul.f32 $2.000000030e-01, v1;
	_ =	sdelay $0x1  }
0x84: {  	v1 =	vmax.f32 v1, v2  }
0x85: {  	v1 =	vmul.f32 $1.442695020e+00, v1;
	_ =	sdelay $0x1  }
0x86: {  	(erf) = vpow2.f32 v1;
	_ =	sdelay $0x5  }
.Ltmp6:
0x87: {  	(pc) =	sbr.rel @p0 .LBB2_6-.Ltmp6, $3  }
0x88: {  	_ =	sdelay $0x1  }
0x89: {  	s30 =	sshra.s32 s29, $0x2;
	v2 =	vpop (erf)  }
0x8a: {  	s29 =	sadd.s32 $0x200, s29;
	v1 =	vld [tilespmem:s30+$0x4100];
	[tilespmem:s28+$0x100] =	vst v2;
	s28 =	smov.u32 s30  }
0x8b: {  	v2 =	vld [tilespmem:s28+$0x100];
	_ =	sdelay $0x4  }
0x8c: {  	v1 =	vadd.f32 v1, v2;
	_ =	sdelay $0x1  }
0x8d: {  	v2 =	vmul.f32 $2.000000030e-01, v1;
	_ =	sdelay $0x1  }
0x8e: {  	v1 =	vmax.f32 v1, v2  }
0x8f: {  	v1 =	vmul.f32 $1.442695020e+00, v1;
	_ =	sdelay $0x1  }
0x90: {  	(erf) = vpow2.f32 v1;
	_ =	sdelay $0x8  }
0x91: {  	v1 =	vpop (erf)  }
.Ltmp7:
0x92: {  	[tilespmem:s28+$0x100] =	vst v1;
	(pc) =	sbr.rel .LBB2_8-.Ltmp7, $4  }
0x93: {  	[spmem:s1] =	stream.indirect.scatter.add.f32 [tilespmem:s20], [sflag:$0x1], $0x80, s22, s22, $0xb8;
	[tilespmem:$0x1C100] =	vst v63  }
0x94: {  	_ =	swait.ge [sflag:s24], $0x4000  }
0x95: {  	[sflag:s24] =	ssyncset.done $0x0  }
0x96: {  	[sflag:s24] =	ssyncadd.s32 $0xFFFFC000  }
.LBB2_10:
0x97: {  	_ =	sfence.sel $0x180000  }
0x98: {  	[bflag:$0x0] =	sbarrier.arrive $0xFFFF  }
0x99: {  	p0 =	sne.s32 s3, $0x0;
	_ =	strace $0x90000050  }
0x9a: {  	s0 =	sadd.s32 @!p0 $0x100000, s0;
	[bflag:$0x2] =	sbarrier.arrive $0xFFFF  }
0x9b: {  	[sflag:s0] =	ssyncadd.tile.s32 @!p0 $0x1;
	_ =	shalt  }
.Lfunc_end2:
_tile_overlayer_lowered:
.L_overlay_start_2:
0x9c: {  	(tag) =	ssettag $0x2  }
0x9d: {  	s0 =	rddreg [dreg:$0x0];
	s2 =	stileid.u32  }
0x9e: {  	s1 =	rddreg [dreg:$0x1];
	p0 =	sne.s32 s2, $0x0  }
0x9f: {  	s3 =	rddreg [dreg:$0x2];
	[bflag:$0x3] =	sbarrier.arrive $0xFFFF;
	s2 =	simm.s32 @!p0 $0x1C02  }
0xa0: {  	[timem:s3], [sflag:s2] =	dma.local @!p0 [hbm:s0], s1  }
0xa1: {  	s0 =	simm.s32 @!p0 $0x2  }
0xa2: {  	_ =	swait.ge @!p0 [sflag:s0], s1  }
0xa3: {  	s1 =	ssub.s32 @!p0 $0x0, s1;
	[sflag:s0] =	ssyncset.done @!p0 $0x0  }
0xa4: {  	[sflag:s0] =	ssyncadd.s32 @!p0 s1  }
0xa5: {  	[bflag:$0x3] =	sbarrier.arrive $0xFFFF  }
0xa6: {  	_ =	shalt  }

// kernel: kernel.25.cloned.1.call-start
scs
__scs_entry_jumppad:
0x0: {  	(pc) =	sbr.rel $0x88, $3  }
0x1: {  	(tag) =	ssettag $0x0;
	lr =	simm.s32 $0x1  }
0x2: {  	[smem:$0x3F97] =	sst lr;
	_ =	strace $0xD0000000  }
0x3: {  	_ = 	snop  }
0x4: {  	_ = 	snop  }
0x5: {  	_ = 	snop  }
0x6: {  	_ = 	snop  }
0x7: {  	_ = 	snop  }
__scs_overlays_trampoline_lowered:
0x8: {  	[smem:$0x3FA6] =	sst s0  }
0x9: {  	[smem:$0x3FA7] =	sst s1  }
0xa: {  	[smem:$0x3FA8] =	sst s2  }
0xb: {  	[smem:$0x3FA9] =	sst s3  }
0xc: {  	[smem:$0x3FAA] =	sst s4  }
0xd: {  	[smem:$0x3FAB] =	sst s5  }
0xe: {  	[smem:$0x3FAC] =	sst s6  }
0xf: {  	[smem:$0x3FAD] =	sst s7  }
0x10: {  	[smem:$0x3FAE] =	sst s8  }
0x11: {  	[smem:$0x3FAF] =	sst s9;
	s0 =	simm.s32 @!p0 $0x0  }
0x12: {  	s1 =	sld [smem:$0x3F95];
	s0 =	simm.s32 @p0 $0x1  }
0x13: {  	[smem:$0x3FB0] =	sst s0;
	s0 =	simm.s32 @!p1 $0x0  }
0x14: {  	s2 =	sld [smem:$0x3F94];
	s0 =	simm.s32 @p1 $0x1  }
0x15: {  	[smem:$0x3FB1] =	sst s0;
	s0 =	simm.s32 @!p2 $0x0  }
0x16: {  	s3 =	sld [smem:$0x3FDB];
	s0 =	simm.s32 @p2 $0x1  }
0x17: {  	s4 =	simm.s32 $0x1BF5;
	[smem:$0x3FB3] =	sst s0  }
0x18: {  	s0 =	sld [smem:$0x3F96];
	_ =	swait.ge [sflag:s4], $0x0  }
0x19: {  	s7 =	sld [smem:$0x3F97]  }
0x1a: {  	s8 =	sadd.s32 $0xFFFFE003, lr  }
0x1b: {  	s9 =	sadd.s32 $0xFFFFFEF7, lr;
	s5 =	simm.s32 $0xFFFFFFFF;
	p2 =	slt.u32 s8, $0xFFFFF086  }
0x1c: {  	p1 =	slt.u32 s9, $0xF7A;
	s5 =	simm.s32 @!p2 $0x0  }
0x1d: {  	s5 =	simm.s32 @p1 $0x1;
	p0 =	seq.s32 s7, s2  }
0x1e: {  	s7 =	smul.u32 @!p0 $0xF7A, s2;
	p2 =	seq.s32 @!p0 s5, $0x0  }
0x1f: {  	s9 =	smul.u32 $0xF7A, s1;
	s8 =	simm.s32 @!p0 $0x1BF5;
	p2 =	por !p2, p0  }
0x20: {  	[sflag:s8] =	ssyncset.s32 @!p0 $0xFFFFF086;
	s6 =	sadd.s32 @!p0 s3, s7;
	s7 =	simm.s32 @!p0 $0x108  }
0x21: {  	s3 =	sadd.s32 s3, s9;
	s6 =	sadd.s32 @!p0 $0x88, s6;
	s7 =	simm.s32 @p2 $0x1082  }
0x22: {  	[simem:s7], [sflag:s8] =	dma.local @!p0 [hbm:s6], $0xF7A  }
0x23: {  	s9 =	sor.u32 $0xD0000000, s2;
	s6 =	simm.s32 $0x108;
	_ =	swait.ge @!p0 [sflag:s8], $0x0  }
0x24: {  	s3 =	sadd.s32 $0x88, s3;
	s6 =	simm.s32 @!p1 $0x1082;
	[sflag:s4] =	ssyncset.s32 $0xFFFFF086  }
0x25: {  	[simem:s6], [sflag:s4] =	dma.local [hbm:s3], $0xF7A  }
0x26: {  	[smem:$0x3F97] =	sst s1;
	(tag) =	ssettag s2;
	_ =	strace s9  }
0x27: {  	s1 =	sld [smem:$0x3FA7]  }
0x28: {  	s2 =	sld [smem:$0x3FA8]  }
0x29: {  	s4 =	sld [smem:$0x3FAA]  }
0x2a: {  	p0 =	seq.s32 s5, $0x0;
	s5 =	sld [smem:$0x3FAB]  }
0x2b: {  	s6 =	sld [smem:$0x3FAC]  }
0x2c: {  	s7 =	sld [smem:$0x3FAD]  }
0x2d: {  	s3 =	simm.s32 $0x108;
	s8 =	sld [smem:$0x3FAE]  }
0x2e: {  	s3 =	simm.s32 @!p0 $0x1082;
	s9 =	sld [smem:$0x3FAF]  }
0x2f: {  	lr =	sadd.s32 s0, s3;
	s0 =	sld [smem:$0x3FA6]  }
0x30: {  	s3 =	sld [smem:$0x3FA9]  }
0x31: {  	[smem:$0x3FB2] =	sst s10  }
0x32: {  	s10 =	sld [smem:$0x3FB0];
	_ =	sdelay $0x3  }
0x33: {  	p0 =	seq.s32 s10, $0x1;
	s10 =	sld [smem:$0x3FB2];
	_ =	sdelay $0x3  }
0x34: {  	[smem:$0x3FB2] =	sst s10  }
0x35: {  	s10 =	sld [smem:$0x3FB1];
	_ =	sdelay $0x3  }
0x36: {  	p1 =	seq.s32 s10, $0x1;
	s10 =	sld [smem:$0x3FB2];
	_ =	sdelay $0x3  }
0x37: {  	[smem:$0x3FB2] =	sst s10  }
0x38: {  	s10 =	sld [smem:$0x3FB3]  }
0x39: {  	_ = 	snop;
	(pc) =	sbr.ind lr, $3  }
0x3a: {  	_ = 	snop  }
0x3b: {  	_ = 	snop  }
0x3c: {  	p2 =	seq.s32 s10, $0x1;
	s10 =	sld [smem:$0x3FB2]  }
0x3d: {  	_ =	shalt  }
0x3e: {  	_ =	shalt  }
0x3f: {  	_ =	shalt  }
0x40: {  	_ =	shalt  }
0x41: {  	_ =	shalt  }
0x42: {  	_ =	shalt  }
0x43: {  	_ =	shalt  }
0x44: {  	_ =	shalt  }
0x45: {  	_ =	shalt  }
0x46: {  	_ =	shalt  }
0x47: {  	_ =	shalt  }
0x48: {  	_ =	shalt  }
0x49: {  	_ =	shalt  }
0x4a: {  	_ =	shalt  }
0x4b: {  	_ =	shalt  }
0x4c: {  	_ =	shalt  }
0x4d: {  	_ =	shalt  }
0x4e: {  	_ =	shalt  }
0x4f: {  	_ =	shalt  }
0x50: {  	_ =	shalt  }
0x51: {  	_ =	shalt  }
0x52: {  	_ =	shalt  }
0x53: {  	_ =	shalt  }
0x54: {  	_ =	shalt  }
0x55: {  	_ =	shalt  }
0x56: {  	_ =	shalt  }
0x57: {  	_ =	shalt  }
0x58: {  	_ =	shalt  }
0x59: {  	_ =	shalt  }
0x5a: {  	_ =	shalt  }
0x5b: {  	_ =	shalt  }
0x5c: {  	_ =	shalt  }
0x5d: {  	_ =	shalt  }
0x5e: {  	_ =	shalt  }
0x5f: {  	_ =	shalt  }
0x60: {  	_ =	shalt  }
0x61: {  	_ =	shalt  }
0x62: {  	_ =	shalt  }
0x63: {  	_ =	shalt  }
0x64: {  	_ =	shalt  }
0x65: {  	_ =	shalt  }
0x66: {  	_ =	shalt  }
0x67: {  	_ =	shalt  }
0x68: {  	_ =	shalt  }
0x69: {  	_ =	shalt  }
0x6a: {  	_ =	shalt  }
0x6b: {  	_ =	shalt  }
0x6c: {  	_ =	shalt  }
0x6d: {  	_ =	shalt  }
0x6e: {  	_ =	shalt  }
0x6f: {  	_ =	shalt  }
0x70: {  	_ =	shalt  }
0x71: {  	_ =	shalt  }
0x72: {  	_ =	shalt  }
0x73: {  	_ =	shalt  }
0x74: {  	_ =	shalt  }
0x75: {  	_ =	shalt  }
0x76: {  	_ =	shalt  }
0x77: {  	_ =	shalt  }
0x78: {  	_ =	shalt  }
0x79: {  	_ =	shalt  }
0x7a: {  	_ =	shalt  }
0x7b: {  	_ =	shalt  }
0x7c: {  	_ =	shalt  }
0x7d: {  	_ =	shalt  }
0x7e: {  	_ =	shalt  }
0x7f: {  	_ =	shalt  }
0x80: {  	_ =	shalt  }
0x81: {  	_ =	shalt  }
0x82: {  	_ =	shalt  }
0x83: {  	_ =	shalt  }
0x84: {  	_ =	shalt  }
0x85: {  	_ =	shalt  }
0x86: {  	_ =	shalt  }
0x87: {  	_ =	shalt  }
.Lfunc_end0:
.L_simem_size_0:
called_computation.4_lowered:
.L_overlay_start_0:
0x88: {  	s2 =	sld [smem:$0x3FD9]  }
0x89: {  	s3 =	sld [smem:$0x3FFE];
	_ =	sdelay $0x1  }
0x8a: {  	s1 =	srdreg.scid  }
0x8b: {  	s0 =	sand.u32 $0x1, s1  }
0x8c: {  	s16 =	sshll.u32 s0, $0xA;
	s2 =	sadd.s32 s3, s2  }
0x8d: {  	s2 =	sadd.s32 s2, s16  }
0x8e: {  	[smem:$0x3FBE] =	sst s2  }
0x8f: {  	_ = 	snop  }
0x90: {  	(tm) =	ssettm $0x1  }
0x91: {  	s17 =	sld [smem:$0x3FFB];
	_ =	sdelay $0x3  }
0x92: {  	_ =	strace s17  }
0x93: {  	s2 =	sld [smem:$0x3FFC];
	_ =	sdelay $0x3  }
0x94: {  	_ =	strace s2  }
0x95: {  	s2 =	sld [smem:$0x3FFD];
	_ =	sdelay $0x3  }
0x96: {  	_ =	strace s2  }
0x97: {  	_ =	strace $0x8FFFFFFF  }
0x98: {  	s18 =	sld [smem:$0x3FDB];
	_ =	sdelay $0x1  }
0x99: {  	s19 =	simm.s32 $_scs_section_size  }
0x9a: {  	s4 =	simm.s32 $_size__tile_overlayer_lowered;
	s5 =	simm.s32 $_tile_overlayer_lowered  }
0x9b: {  	s22 =	simm.s32 $0x1BFF;
	s21 =	sshll.u32 s5, $0x1;
	s2 =	sadd.s32 s19, s18  }
0x9c: {  	s6 =	simm.s32 $0x0;
	s20 =	sshll.u32 s4, $0x1;
	s4 =	sadd.s32 s21, s2  }
0x9d: {  	[timem:s6], [sflag:s22] =	dma.local [hbm:s4], s20  }
0x9e: {  	_ =	swait.ge [sflag:s22], s20  }
0x9f: {  	s3 =	ssub.s32 $0x0, s20;
	[sflag:s22] =	ssyncset.done $0x0  }
0xa0: {  	[sflag:s22] =	ssyncadd.s32 s3;
	_ =	sdelay $0x1  }
0xa1: {  	s23 =	simm.s32 $0x1B8B  }
0xa2: {  	_ =	swait.ge [sflag:s23], $0x1  }
0xa3: {  	[sflag:s23] =	ssyncset.done $0x0  }
0xa4: {  	s25 =	simm.s32 $0x1B8E;
	s24 =	sld [smem:$0x3FFE];
	[sflag:s23] =	ssyncadd.s32 $0xFFFFFFFF  }
0xa5: {  	s26 =	simm.s32 $execute0_lowered;
	[smem:$0x3FD2] =	sst s25  }
0xa6: {  	s4 =	sshll.u32 s26, $0x1;
	_ =	strace $0x80000052;
	[dreg:$0x1] =	wrdreg $0xFFFFFFFF  }
0xa7: {  	s28 =	simm.s32 $_size_execute0_lowered;
	s2 =	sadd.s32 s2, s4;
	[dreg:$0x0] =	wrdreg $0x0  }
0xa8: {  	s4 =	sshll.u32 s28, $0x1;
	[dreg:$0x2] =	wrdreg s2  }
0xa9: {  	[dreg:$0x3] =	wrdreg s4  }
0xaa: {  	[dreg:$0x4] =	wrdreg $0xC0  }
0xab: {  	_ =	task [dreg:s6], $0x5FFFF  }
0xac: {  	[dreg:$0x1] =	wrdreg $0xFFFFFFFF  }
0xad: {  	[dreg:$0x0] =	wrdreg $0x60  }
0xae: {  	[dreg:$0x2] =	wrdreg s24  }
0xaf: {  	[dreg:$0x3] =	wrdreg $0x9  }
0xb0: {  	_ =	task.clear_ibuf [dreg:s6], $0x4FFFF;
	_ =	strace $0x90000052  }
0xb1: {  	s29 =	simm.s32 $0x9;
	_ =	strace $0x80000054  }
0xb2: {  	_ =	swait.ge [sflag:s29], $0x1  }
0xb3: {  	[sflag:s29] =	ssyncadd.s32 $0xFFFFFFFF  }
0xb4: {  	_ =	strace $0x90000054  }
0xb5: {  	_ =	sfence  }
0xb6: {  	s30 =	sld [smem:$0x0];
	_ =	sdelay $0x2  }
0xb7: {  	s31 =	sshll.u32 s1, $0xD;
	s1 =	sshrl.u32 s1, $0x2  }
0xb8: {  	s3 =	sand.u32 $0x4000, s31;
	s1 =	sadd.s32 s1, s30  }
0xb9: {  	s0 =	sor.u32 s3, s0;
	s1 =	sshll.u32 s1, $0x11  }
0xba: {  	s0 =	sor.u32 s1, s0  }
0xbb: {  	s0 =	sadd.s32 $0x8F2B, s0  }
0xbc: {  	[sflag:s0] =	ssyncadd.remote.s32 $0x1  }
0xbd: {  	_ =	sfence.sel $0xFFFF  }
0xbe: {  	[dreg:$0x0] =	wrdreg $0xFFFFFFFF;
	(pc) =	sbr.abs _section_cstart, $3  }
0xbf: {  	[dreg:$0x1] =	wrdreg $0xFFFFFFFF  }
0xc0: {  	_ =	task.clear_ibuf [dreg:s6], $0x2FFFF;
	_ =	strace $0x9FFFFFFF  }
0xc1: {  	(tm) =	ssettm $0x7FFFFFFF  }
tec
execute0_lowered:
.L_overlay_start_1:
0x0: {  	(tag) =	ssettag $0x1  }
0x1: {  	s8 =	rddreg [dreg:$0x0]  }
0x2: {  	s0 =	rddreg [dreg:$0x1];
	s1 =	simm.s32 $0x0  }
0x3: {  	s3 =	srdreg.scid;
	s12 =	simm.s32 $0x80;
	s13 =	simm.s32 $0x100  }
0x4: {  	s14 =	simm.s32 $0x4100;
	s15 =	simm.s32 $0x8100;
	s16 =	simm.s32 $0x1  }
0x5: {  	s17 =	simm.s32 $0xC100;
	s18 =	simm.s32 $0x2;
	s19 =	simm.s32 $0x0  }
0x6: {  	[smem:$0x7FF] =	sst s1;
	s2 =	sadd.s32 $0xE200, s8;
	s9 =	sand.u32 $0x1, s3  }
.Ltmp0:
0x7: {  	s4 =	sadd.s32 $0x4400, s8;
	s5 =	sadd.s32 $0x18000, s8;
	(pc) =	sbr.rel .LBB2_1-.Ltmp0, $4  }
0x8: {  	s6 =	sadd.s32 $0x3F200, s8;
	s3 =	stileid.u32;
	s10 =	ssub.s32 $0x2, s9  }
0x9: {  	s7 =	sadd.s32 $0x66400, s8;
	s8 =	sadd.s32 $0x8D600, s8;
	s11 =	sshrl.u32 s10, $0x1  }
0xa: {  	_ =	strace $0x80000053;
	s31 =	sshll.u32 s3, $0x1;
	s10 =	ssub.s32 s10, s11  }
0xb: {  	s9 =	sor.u32 s9, s31;
	s11 =	simm.s32 $0x3;
	s10 =	smax.u32 s10, $0x1  }
.LBB2_7:
0xc: {  	s19 =	sadd.s32 $0x1, s19  }
0xd: {  	p0 =	sne.s32 s19, s10  }
.Ltmp1:
0xe: {  	_ = 	snop;
	(pc) =	sbr.rel @!p0 .LBB2_8-.Ltmp1, $1  }
0xf: {  	_ =	sdelay $0x3  }
.LBB2_1:
.Ltmp2:
0x10: {  	(pc) =	sbr.rel .LBB2_2-.Ltmp2, $2  }
0x11: {  	_ =	sdelay $0x2  }
0x12: {  	s20 =	simm.s32 $0x0  }
.LBB2_6:
0x13: {  	s20 =	sadd.s32 $0x1, s20  }
0x14: {  	p0 =	sne.s32 s20, $0x9C4  }
.Ltmp3:
0x15: {  	_ = 	snop;
	(pc) =	sbr.rel @!p0 .LBB2_7-.Ltmp3, $1  }
0x16: {  	_ =	sdelay $0x3  }
.LBB2_2:
0x17: {  	s21 =	sand.u32 $0x1F, s20  }
0x18: {  	p0 =	sne.s32 s21, s9  }
.Ltmp4:
0x19: {  	_ = 	snop;
	(pc) =	sbr.rel @p0 .LBB2_6-.Ltmp4, $1  }
0x1a: {  	_ =	sdelay $0x3  }
0x1b: {  	s21 =	sshll.u32 s20, $0x4  }
0x1c: {  	s23 =	simm.s32 $0x0;
	s22 =	sadd.s32 s2, s21  }
0x1d: {  	[tilespmem:s23], [sflag:$0x3] =	stream.linear.gather [hbm4b:s22+s23], $0x80, $0x38;
	[tilespmem:$0x10100] =	vst v63  }
0x1e: {  	_ =	swait.ge [sflag:s11], $0x80  }
0x1f: {  	[sflag:s11] =	ssyncset.done $0x0  }
0x20: {  	s21 =	sadd.s32 s4, s21;
	[sflag:s11] =	ssyncadd.s32 $0xFFFFFF80  }
0x21: {  	[tilespmem:s12], [sflag:$0x3] =	stream.linear.gather [hbm4b:s21+s23], $0x80, $0x38;
	[tilespmem:$0x10100] =	vst v63  }
0x22: {  	_ =	swait.ge [sflag:s11], $0x80  }
0x23: {  	[sflag:s11] =	ssyncset.done $0x0  }
0x24: {  	[sflag:s11] =	ssyncadd.s32 $0xFFFFFF80  }
0x25: {  	[tilespmem:s13], [sflag:$0x1] =	stream.indirect.gather [hbm4b:s5+s12], $0x80, s23, s12, $0xb8;
	[tilespmem:$0x10100] =	vst v63  }
0x26: {  	_ = 	snop  }
0x27: {  	[tilespmem:s14], [sflag:$0x1] =	stream.indirect.gather [hbm4b:s6+s12], $0x80, s12, s12, $0xb8;
	[tilespmem:$0x10100] =	vst v63  }
0x28: {  	_ = 	snop  }
0x29: {  	[tilespmem:s15], [sflag:$0x1] =	stream.indirect.gather [hbm4b:s7+s12], $0x80, s12, s12, $0xb8;
	[tilespmem:$0x10100] =	vst v63  }
0x2a: {  	_ =	swait.ge [sflag:s16], $0x4000  }
0x2b: {  	[sflag:s16] =	ssyncset.done $0x0  }
0x2c: {  	[sflag:s16] =	ssyncadd.s32 $0xFFFFC000  }
0x2d: {  	_ =	swait.ge [sflag:s16], $0x4000  }
0x2e: {  	[sflag:s16] =	ssyncset.done $0x0  }
0x2f: {  	[sflag:s16] =	ssyncadd.s32 $0xFFFFC000  }
0x30: {  	_ =	swait.ge [sflag:s16], $0x4000  }
0x31: {  	[sflag:s16] =	ssyncset.done $0x0  }
0x32: {  	s21 =	simm.s32 $0x0;
	[sflag:s16] =	ssyncadd.s32 $0xFFFFC000  }
0x33: {  	v0 =	vld [tilespmem:s21+$0x100]  }
0x34: {  	v1 =	vld [tilespmem:s21+$0x4100];
	_ =	sdelay $0x4  }
0x35: {  	s22 =	simm.s32 $0x80;
	v0 =	vadd.f32 v1, v0;
	v1 =	vld [tilespmem:s21+$0x8100]  }
0x36: {  	v3 =	vld [tilespmem:s22+$0x100]  }
0x37: {  	v4 =	vld [tilespmem:s22+$0x4100];
	v2 =	vmul.f32 $2.000000030e-01, v0;
	_ =	sdelay $0x1  }
0x38: {  	v0 =	vmax.f32 v0, v2  }
0x39: {  	s23 =	simm.s32 $0x100;
	v0 =	vmul.f32 $1.442695020e+00, v0;
	(erf) = vrcp.f32 v1  }
0x3a: {  	v2 =	vld [tilespmem:s23+$0x100]  }
0x3b: {  	v1 =	vld [tilespmem:s23+$0x4100];
	(erf) = vpow2.f32 v0;
	v0 =	vadd.f32 v4, v3  }
0x3c: {  	v3 =	vld [tilespmem:s22+$0x8100]  }
0x3d: {  	v4 =	vmul.f32 $2.000000030e-01, v0;
	_ =	sdelay $0x1  }
0x3e: {  	v0 =	vmax.f32 v0, v4  }
0x3f: {  	s24 =	simm.s32 $0x180;
	v5 =	vadd.f32 v1, v2;
	v2 =	vld [tilespmem:s23+$0x8100];
	v4 =	vmul.f32 $1.442695020e+00, v0  }
0x40: {  	v0 =	vld [tilespmem:s24+$0x100];
	(erf) = vrcp.f32 v3  }
0x41: {  	v3 =	vld [tilespmem:s24+$0x4100];
	v1 =	vpop (erf);
	(erf) = vpow2.f32 v4  }
0x42: {  	v6 =	vmul.f32 $2.000000030e-01, v5;
	_ =	sdelay $0x1  }
0x43: {  	s25 =	simm.s32 $0x800;
	v5 =	vmax.f32 v5, v6;
	v4 =	vpop (erf)  }
.LBB2_4:
0x44: {  	s26 =	sshra.s32 s25, $0x2;
	v6 =	vld [tilespmem:s24+$0x8100];
	v5 =	vmul.f32 $1.442695020e+00, v5;
	v1 =	vmul.f32 v4, v1;
	p0 =	sne.s32 s25, $0xFE00  }
.Ltmp5:
0x45: {  	s25 =	sadd.s32 $0x200, s25;
	v4 =	vadd.f32 v3, v0;
	v0 =	vld [tilespmem:s26+$0x100];
	(erf) = vrcp.f32 v2;
	(pc) =	sbr.rel @p0 .LBB2_4-.Ltmp5, $4  }
0x46: {  	v3 =	vld [tilespmem:s26+$0x4100];
	(erf) = vpow2.f32 v5;
	[tilespmem:s21+$0xC100] =	vst v1;
	s21 =	smov.u32 s22;
	s22 =	smov.u32 s23;
	s23 =	smov.u32 s24  }
0x47: {  	s24 =	smov.u32 s26;
	v7 =	vmul.f32 $2.000000030e-01, v4  }
0x48: {  	v1 =	vpop (erf)  }
0x49: {  	v5 =	vmax.f32 v4, v7;
	v4 =	vpop (erf);
	v2 =	vmov v6  }
0x4a: {  	_ = 	snop  }
0x4b: {  	v0 =	vadd.f32 v3, v0  }
0x4c: {  	v55 =	vld [tilespmem:s24+$0x8100]  }
0x4d: {  	v6 =	vmul.f32 $2.000000030e-01, v0  }
0x4e: {  	v5 =	vmul.f32 $1.442695020e+00, v5  }
0x4f: {  	(erf) = vrcp.f32 v2;
	v0 =	vmax.f32 v0, v6  }
0x50: {  	(erf) = vpow2.f32 v5;
	v0 =	vmul.f32 $1.442695020e+00, v0  }
0x51: {  	(erf) = vrcp.f32 v55  }
0x52: {  	(erf) = vpow2.f32 v0;
	_ =	sdelay $0x3  }
0x53: {  	v56 =	vpop (erf)  }
0x54: {  	v57 =	vpop (erf)  }
0x55: {  	v58 =	vpop (erf)  }
0x56: {  	v1 =	vmul.f32 v4, v1;
	v59 =	vpop (erf)  }
0x57: {  	v0 =	vmul.f32 v57, v56;
	v60 =	vpop (erf)  }
0x58: {  	[tilespmem:s21+$0xC100] =	vst v1;
	v61 =	vmul.f32 v59, v58;
	v62 =	vpop (erf)  }
0x59: {  	[tilespmem:s22+$0xC100] =	vst v0;
	v63 =	vmul.f32 v62, v60  }
0x5a: {  	s31 =	sshll.u32 s20, $0xB;
	[tilespmem:s23+$0xC100] =	vst v61  }
.Ltmp6:
0x5b: {  	s21 =	sadd.s32 s8, s31;
	[tilespmem:s24+$0xC100] =	vst v63;
	(pc) =	sbr.rel .LBB2_6-.Ltmp6, $4  }
0x5c: {  	[hbm4b:s21+s1] =	stream.linear.scatter [tilespmem:s17], [sflag:$0x2], $0x4000, $0x38;
	[tilespmem:$0x10100] =	vst v63  }
0x5d: {  	_ =	swait.ge [sflag:s18], $0x4000  }
0x5e: {  	[sflag:s18] =	ssyncset.done $0x0  }
0x5f: {  	[sflag:s18] =	ssyncadd.s32 $0xFFFFC000  }
.LBB2_8:
0x60: {  	_ =	sfence.sel $0x180000  }
0x61: {  	[bflag:$0x0] =	sbarrier.arrive $0xFFFF  }
0x62: {  	p0 =	sne.s32 s3, $0x0;
	_ =	strace $0x90000053  }
0x63: {  	s0 =	sadd.s32 @!p0 $0x100000, s0;
	[bflag:$0x2] =	sbarrier.arrive $0xFFFF  }
0x64: {  	[sflag:s0] =	ssyncadd.tile.s32 @!p0 $0x1;
	_ =	shalt  }
.Lfunc_end2:
_tile_overlayer_lowered:
.L_overlay_start_2:
0x65: {  	(tag) =	ssettag $0x2  }
0x66: {  	s0 =	rddreg [dreg:$0x0];
	s2 =	stileid.u32  }
0x67: {  	s1 =	rddreg [dreg:$0x1];
	p0 =	sne.s32 s2, $0x0  }
0x68: {  	s3 =	rddreg [dreg:$0x2];
	[bflag:$0x3] =	sbarrier.arrive $0xFFFF;
	s2 =	simm.s32 @!p0 $0x1C02  }
0x69: {  	[timem:s3], [sflag:s2] =	dma.local @!p0 [hbm:s0], s1  }
0x6a: {  	s0 =	simm.s32 @!p0 $0x2  }
0x6b: {  	_ =	swait.ge @!p0 [sflag:s0], s1  }
0x6c: {  	s1 =	ssub.s32 @!p0 $0x0, s1;
	[sflag:s0] =	ssyncset.done @!p0 $0x0  }
0x6d: {  	[sflag:s0] =	ssyncadd.s32 @!p0 s1  }
0x6e: {  	[bflag:$0x3] =	sbarrier.arrive $0xFFFF  }
0x6f: {  	_ =	shalt  }

// kernel: kernel.28.cloned.1.call-start
scs
__scs_entry_jumppad:
0x0: {  	(pc) =	sbr.rel $0x88, $3  }
0x1: {  	(tag) =	ssettag $0x0;
	lr =	simm.s32 $0x1  }
0x2: {  	[smem:$0x3F97] =	sst lr;
	_ =	strace $0xD0000000  }
0x3: {  	_ = 	snop  }
0x4: {  	_ = 	snop  }
0x5: {  	_ = 	snop  }
0x6: {  	_ = 	snop  }
0x7: {  	_ = 	snop  }
__scs_overlays_trampoline_lowered:
0x8: {  	[smem:$0x3FA6] =	sst s0  }
0x9: {  	[smem:$0x3FA7] =	sst s1  }
0xa: {  	[smem:$0x3FA8] =	sst s2  }
0xb: {  	[smem:$0x3FA9] =	sst s3  }
0xc: {  	[smem:$0x3FAA] =	sst s4  }
0xd: {  	[smem:$0x3FAB] =	sst s5  }
0xe: {  	[smem:$0x3FAC] =	sst s6  }
0xf: {  	[smem:$0x3FAD] =	sst s7  }
0x10: {  	[smem:$0x3FAE] =	sst s8  }
0x11: {  	[smem:$0x3FAF] =	sst s9;
	s0 =	simm.s32 @!p0 $0x0  }
0x12: {  	s1 =	sld [smem:$0x3F95];
	s0 =	simm.s32 @p0 $0x1  }
0x13: {  	[smem:$0x3FB0] =	sst s0;
	s0 =	simm.s32 @!p1 $0x0  }
0x14: {  	s2 =	sld [smem:$0x3F94];
	s0 =	simm.s32 @p1 $0x1  }
0x15: {  	[smem:$0x3FB1] =	sst s0;
	s0 =	simm.s32 @!p2 $0x0  }
0x16: {  	s3 =	sld [smem:$0x3FDB];
	s0 =	simm.s32 @p2 $0x1  }
0x17: {  	s4 =	simm.s32 $0x1BF5;
	[smem:$0x3FB3] =	sst s0  }
0x18: {  	s0 =	sld [smem:$0x3F96];
	_ =	swait.ge [sflag:s4], $0x0  }
0x19: {  	s7 =	sld [smem:$0x3F97]  }
0x1a: {  	s8 =	sadd.s32 $0xFFFFE003, lr  }
0x1b: {  	s9 =	sadd.s32 $0xFFFFFEF7, lr;
	s5 =	simm.s32 $0xFFFFFFFF;
	p2 =	slt.u32 s8, $0xFFFFF086  }
0x1c: {  	p1 =	slt.u32 s9, $0xF7A;
	s5 =	simm.s32 @!p2 $0x0  }
0x1d: {  	s5 =	simm.s32 @p1 $0x1;
	p0 =	seq.s32 s7, s2  }
0x1e: {  	s7 =	smul.u32 @!p0 $0xF7A, s2;
	p2 =	seq.s32 @!p0 s5, $0x0  }
0x1f: {  	s9 =	smul.u32 $0xF7A, s1;
	s8 =	simm.s32 @!p0 $0x1BF5;
	p2 =	por !p2, p0  }
0x20: {  	[sflag:s8] =	ssyncset.s32 @!p0 $0xFFFFF086;
	s6 =	sadd.s32 @!p0 s3, s7;
	s7 =	simm.s32 @!p0 $0x108  }
0x21: {  	s3 =	sadd.s32 s3, s9;
	s6 =	sadd.s32 @!p0 $0x88, s6;
	s7 =	simm.s32 @p2 $0x1082  }
0x22: {  	[simem:s7], [sflag:s8] =	dma.local @!p0 [hbm:s6], $0xF7A  }
0x23: {  	s9 =	sor.u32 $0xD0000000, s2;
	s6 =	simm.s32 $0x108;
	_ =	swait.ge @!p0 [sflag:s8], $0x0  }
0x24: {  	s3 =	sadd.s32 $0x88, s3;
	s6 =	simm.s32 @!p1 $0x1082;
	[sflag:s4] =	ssyncset.s32 $0xFFFFF086  }
0x25: {  	[simem:s6], [sflag:s4] =	dma.local [hbm:s3], $0xF7A  }
0x26: {  	[smem:$0x3F97] =	sst s1;
	(tag) =	ssettag s2;
	_ =	strace s9  }
0x27: {  	s1 =	sld [smem:$0x3FA7]  }
0x28: {  	s2 =	sld [smem:$0x3FA8]  }
0x29: {  	s4 =	sld [smem:$0x3FAA]  }
0x2a: {  	p0 =	seq.s32 s5, $0x0;
	s5 =	sld [smem:$0x3FAB]  }
0x2b: {  	s6 =	sld [smem:$0x3FAC]  }
0x2c: {  	s7 =	sld [smem:$0x3FAD]  }
0x2d: {  	s3 =	simm.s32 $0x108;
	s8 =	sld [smem:$0x3FAE]  }
0x2e: {  	s3 =	simm.s32 @!p0 $0x1082;
	s9 =	sld [smem:$0x3FAF]  }
0x2f: {  	lr =	sadd.s32 s0, s3;
	s0 =	sld [smem:$0x3FA6]  }
0x30: {  	s3 =	sld [smem:$0x3FA9]  }
0x31: {  	[smem:$0x3FB2] =	sst s10  }
0x32: {  	s10 =	sld [smem:$0x3FB0];
	_ =	sdelay $0x3  }
0x33: {  	p0 =	seq.s32 s10, $0x1;
	s10 =	sld [smem:$0x3FB2];
	_ =	sdelay $0x3  }
0x34: {  	[smem:$0x3FB2] =	sst s10  }
0x35: {  	s10 =	sld [smem:$0x3FB1];
	_ =	sdelay $0x3  }
0x36: {  	p1 =	seq.s32 s10, $0x1;
	s10 =	sld [smem:$0x3FB2];
	_ =	sdelay $0x3  }
0x37: {  	[smem:$0x3FB2] =	sst s10  }
0x38: {  	s10 =	sld [smem:$0x3FB3]  }
0x39: {  	_ = 	snop;
	(pc) =	sbr.ind lr, $3  }
0x3a: {  	_ = 	snop  }
0x3b: {  	_ = 	snop  }
0x3c: {  	p2 =	seq.s32 s10, $0x1;
	s10 =	sld [smem:$0x3FB2]  }
0x3d: {  	_ =	shalt  }
0x3e: {  	_ =	shalt  }
0x3f: {  	_ =	shalt  }
0x40: {  	_ =	shalt  }
0x41: {  	_ =	shalt  }
0x42: {  	_ =	shalt  }
0x43: {  	_ =	shalt  }
0x44: {  	_ =	shalt  }
0x45: {  	_ =	shalt  }
0x46: {  	_ =	shalt  }
0x47: {  	_ =	shalt  }
0x48: {  	_ =	shalt  }
0x49: {  	_ =	shalt  }
0x4a: {  	_ =	shalt  }
0x4b: {  	_ =	shalt  }
0x4c: {  	_ =	shalt  }
0x4d: {  	_ =	shalt  }
0x4e: {  	_ =	shalt  }
0x4f: {  	_ =	shalt  }
0x50: {  	_ =	shalt  }
0x51: {  	_ =	shalt  }
0x52: {  	_ =	shalt  }
0x53: {  	_ =	shalt  }
0x54: {  	_ =	shalt  }
0x55: {  	_ =	shalt  }
0x56: {  	_ =	shalt  }
0x57: {  	_ =	shalt  }
0x58: {  	_ =	shalt  }
0x59: {  	_ =	shalt  }
0x5a: {  	_ =	shalt  }
0x5b: {  	_ =	shalt  }
0x5c: {  	_ =	shalt  }
0x5d: {  	_ =	shalt  }
0x5e: {  	_ =	shalt  }
0x5f: {  	_ =	shalt  }
0x60: {  	_ =	shalt  }
0x61: {  	_ =	shalt  }
0x62: {  	_ =	shalt  }
0x63: {  	_ =	shalt  }
0x64: {  	_ =	shalt  }
0x65: {  	_ =	shalt  }
0x66: {  	_ =	shalt  }
0x67: {  	_ =	shalt  }
0x68: {  	_ =	shalt  }
0x69: {  	_ =	shalt  }
0x6a: {  	_ =	shalt  }
0x6b: {  	_ =	shalt  }
0x6c: {  	_ =	shalt  }
0x6d: {  	_ =	shalt  }
0x6e: {  	_ =	shalt  }
0x6f: {  	_ =	shalt  }
0x70: {  	_ =	shalt  }
0x71: {  	_ =	shalt  }
0x72: {  	_ =	shalt  }
0x73: {  	_ =	shalt  }
0x74: {  	_ =	shalt  }
0x75: {  	_ =	shalt  }
0x76: {  	_ =	shalt  }
0x77: {  	_ =	shalt  }
0x78: {  	_ =	shalt  }
0x79: {  	_ =	shalt  }
0x7a: {  	_ =	shalt  }
0x7b: {  	_ =	shalt  }
0x7c: {  	_ =	shalt  }
0x7d: {  	_ =	shalt  }
0x7e: {  	_ =	shalt  }
0x7f: {  	_ =	shalt  }
0x80: {  	_ =	shalt  }
0x81: {  	_ =	shalt  }
0x82: {  	_ =	shalt  }
0x83: {  	_ =	shalt  }
0x84: {  	_ =	shalt  }
0x85: {  	_ =	shalt  }
0x86: {  	_ =	shalt  }
0x87: {  	_ =	shalt  }
.Lfunc_end0:
.L_simem_size_0:
called_computation.5_lowered:
.L_overlay_start_0:
0x88: {  	s2 =	sld [smem:$0x3FD9]  }
0x89: {  	s3 =	sld [smem:$0x3FFE];
	_ =	sdelay $0x1  }
0x8a: {  	s1 =	srdreg.scid  }
0x8b: {  	s0 =	sand.u32 $0x1, s1  }
0x8c: {  	s17 =	sshll.u32 s0, $0xA;
	s2 =	sadd.s32 s3, s2  }
0x8d: {  	s2 =	sadd.s32 s2, s17  }
0x8e: {  	[smem:$0x3FBE] =	sst s2  }
0x8f: {  	_ = 	snop  }
0x90: {  	s2 =	sld [smem:$0x3FD0];
	(tm) =	ssettm $0x1  }
0x91: {  	s18 =	sld [smem:$0x3FFB];
	_ =	sdelay $0x3  }
0x92: {  	_ =	strace s18  }
0x93: {  	s3 =	sld [smem:$0x3FFC];
	_ =	sdelay $0x3  }
0x94: {  	_ =	strace s3  }
0x95: {  	s3 =	sld [smem:$0x3FFD];
	_ =	sdelay $0x3  }
0x96: {  	_ =	strace s3  }
0x97: {  	_ =	strace $0x8FFFFFFF  }
0x98: {  	s19 =	sld [smem:$0x3FDB];
	_ =	sdelay $0x1  }
0x99: {  	s4 =	simm.s32 $_scs_section_size  }
0x9a: {  	s5 =	simm.s32 $_size__tile_overlayer_lowered;
	s6 =	simm.s32 $_tile_overlayer_lowered  }
0x9b: {  	s22 =	simm.s32 $0x1BFF;
	s21 =	sshll.u32 s6, $0x1;
	s3 =	sadd.s32 s4, s19  }
0x9c: {  	s7 =	simm.s32 $0x0;
	s20 =	sshll.u32 s5, $0x1;
	s5 =	sadd.s32 s21, s3  }
0x9d: {  	[timem:s7], [sflag:s22] =	dma.local [hbm:s5], s20  }
0x9e: {  	_ =	swait.ge [sflag:s22], s20  }
0x9f: {  	s4 =	ssub.s32 $0x0, s20;
	[sflag:s22] =	ssyncset.done $0x0  }
0xa0: {  	[sflag:s22] =	ssyncadd.s32 s4;
	_ =	sdelay $0x1  }
0xa1: {  	s23 =	simm.s32 $0x1B8B  }
0xa2: {  	_ =	swait.ge [sflag:s23], $0x1  }
0xa3: {  	[sflag:s23] =	ssyncset.done $0x0  }
0xa4: {  	s25 =	simm.s32 $0x1B8E;
	s24 =	sld [smem:$0x3FFE];
	[sflag:s23] =	ssyncadd.s32 $0xFFFFFFFF  }
0xa5: {  	s26 =	simm.s32 $execute0_lowered;
	[smem:$0x3FD2] =	sst s25  }
0xa6: {  	s5 =	sshll.u32 s26, $0x1;
	_ =	strace $0x80000055;
	[dreg:$0x1] =	wrdreg $0xFFFFFFFF  }
0xa7: {  	s28 =	simm.s32 $_size_execute0_lowered;
	s3 =	sadd.s32 s3, s5;
	[dreg:$0x0] =	wrdreg $0x0  }
0xa8: {  	s5 =	sshll.u32 s28, $0x1;
	[dreg:$0x2] =	wrdreg s3  }
0xa9: {  	[dreg:$0x3] =	wrdreg s5  }
0xaa: {  	[dreg:$0x4] =	wrdreg $0xC0  }
0xab: {  	_ =	task [dreg:s7], $0x5FFFF  }
0xac: {  	[dreg:$0x1] =	wrdreg $0xFFFFFFFF  }
0xad: {  	[dreg:$0x0] =	wrdreg $0x60  }
0xae: {  	[dreg:$0x2] =	wrdreg s24  }
0xaf: {  	[dreg:$0x3] =	wrdreg s2  }
0xb0: {  	[dreg:$0x4] =	wrdreg $0x81000  }
0xb1: {  	[dreg:$0x5] =	wrdreg $0x9  }
0xb2: {  	_ =	task.clear_ibuf [dreg:s7], $0x6FFFF;
	_ =	strace $0x90000055  }
0xb3: {  	s29 =	simm.s32 $0x9;
	_ =	strace $0x80000057  }
0xb4: {  	_ =	swait.ge [sflag:s29], $0x1  }
0xb5: {  	[sflag:s29] =	ssyncadd.s32 $0xFFFFFFFF  }
0xb6: {  	_ =	strace $0x90000057  }
0xb7: {  	_ =	sfence  }
0xb8: {  	s30 =	sld [smem:$0x0];
	_ =	sdelay $0x2  }
0xb9: {  	s31 =	sshll.u32 s1, $0xD;
	s1 =	sshrl.u32 s1, $0x2  }
0xba: {  	s3 =	sand.u32 $0x4000, s31;
	s1 =	sadd.s32 s1, s30  }
0xbb: {  	s0 =	sor.u32 s3, s0;
	s1 =	sshll.u32 s1, $0x11  }
0xbc: {  	s0 =	sor.u32 s1, s0  }
0xbd: {  	s0 =	sadd.s32 $0x8F2B, s0  }
0xbe: {  	[sflag:s0] =	ssyncadd.remote.s32 $0x1  }
0xbf: {  	_ =	sfence.sel $0xFFFF  }
0xc0: {  	[dreg:$0x0] =	wrdreg $0xFFFFFFFF;
	(pc) =	sbr.abs _section_cstart, $3  }
0xc1: {  	[dreg:$0x1] =	wrdreg $0xFFFFFFFF  }
0xc2: {  	_ =	task.clear_ibuf [dreg:s7], $0x2FFFF;
	_ =	strace $0x9FFFFFFF  }
0xc3: {  	(tm) =	ssettm $0x7FFFFFFF  }
tec
execute0_lowered:
.L_overlay_start_1:
0x0: {  	(tag) =	ssettag $0x1  }
0x1: {  	s8 =	rddreg [dreg:$0x0]  }
0x2: {  	s1 =	rddreg [dreg:$0x1]  }
0x3: {  	s2 =	rddreg [dreg:$0x2]  }
0x4: {  	s0 =	rddreg [dreg:$0x3]  }
0x5: {  	s3 =	simm.s32 $0x0;
	s7 =	srdreg.scid;
	s4 =	stileid.u32  }
0x6: {  	s23 =	simm.s32 $0x4100;
	s24 =	simm.s32 $0x1;
	s25 =	simm.s32 $0x0  }
0x7: {  	[smem:$0x7FF] =	sst s3;
	s5 =	sadd.s32 $0xE200, s8;
	s6 =	sadd.s32 $0x4400, s8  }
0x8: {  	s10 =	sand.u32 $0x1, s7;
	s7 =	sadd.s32 $0x8D600, s8;
	s11 =	smul.u32 $0x50000, s4  }
0x9: {  	s18 =	sadd.s32 $0x18000, s8;
	s13 =	smul.u32 $0x14000, s4;
	s30 =	sshll.u32 s4, $0x1  }
0xa: {  	_ =	strace $0x80000056;
	s9 =	ssub.s32 $0x2, s10;
	s8 =	sor.u32 s10, s30  }
0xb: {  	s20 =	smul.u32 $0x140000, s10;
	s29 =	sshrl.u32 s9, $0x1;
	s31 =	sshrl.u32 s11, $0x2  }
0xc: {  	s14 =	sadd.s32 $0x4000, s13;
	s16 =	sadd.s32 $0x8000, s13;
	s17 =	sadd.s32 $0xC000, s13  }
0xd: {  	s21 =	sadd.s32 $0x10000, s13;
	s19 =	ssub.s32 s9, s29;
	s9 =	sadd.s32 s31, s2  }
0xe: {  	s10 =	sadd.s32 s14, s2;
	s11 =	sadd.s32 s16, s2;
	s12 =	sadd.s32 s17, s2  }
0xf: {  	s15 =	sadd.s32 s13, s20;
	s14 =	sadd.s32 s20, s14;
	s13 =	sadd.s32 s21, s2  }
0x10: {  	s16 =	sadd.s32 s20, s16;
	s17 =	sadd.s32 s20, s17;
	s20 =	sadd.s32 s20, s21  }
.Ltmp0:
0x11: {  	s21 =	simm.s32 $0x2;
	s15 =	sshrl.u32 s15, $0x3;
	(pc) =	sbr.rel .LBB2_1-.Ltmp0, $4  }
0x12: {  	s22 =	sshrl.u32 s14, $0x3;
	s16 =	sshrl.u32 s16, $0x3;
	s17 =	sshrl.u32 s17, $0x3  }
0x13: {  	s20 =	sshrl.u32 s20, $0x3;
	s19 =	smax.u32 s19, $0x1;
	s14 =	sadd.s32 s18, s15  }
0x14: {  	s15 =	sadd.s32 s18, s22;
	s16 =	sadd.s32 s18, s16;
	s17 =	sadd.s32 s18, s17  }
0x15: {  	v0 =	vimm.f32 $0.0e+00;
	s18 =	sadd.s32 s18, s20;
	s20 =	simm.s32 $0x100;
	s22 =	simm.s32 $0x80  }
.LBB2_9:
0x16: {  	[bflag:$0x0] =	sbarrier.arrive $0xFFFF  }
0x17: {  	[tilespmem:s20], [sflag:$0x2] =	stream.linear.gather [spmem:s9], $0x4000, $0x38;
	[tilespmem:$0x1C100] =	vst v63  }
0x18: {  	_ =	swait.ge [sflag:s21], $0x4000  }
0x19: {  	[sflag:s21] =	ssyncset.done $0x0  }
0x1a: {  	[sflag:s21] =	ssyncadd.s32 $0xFFFFC000  }
0x1b: {  	[hbm4b:s14+s3] =	stream.linear.scatter [tilespmem:s20], [sflag:$0x2], $0x4000, $0x38;
	[tilespmem:$0x1C100] =	vst v63  }
0x1c: {  	_ =	swait.ge [sflag:s21], $0x4000  }
0x1d: {  	[sflag:s21] =	ssyncset.done $0x0  }
0x1e: {  	[sflag:s21] =	ssyncadd.s32 $0xFFFFC000  }
0x1f: {  	[tilespmem:s20], [sflag:$0x2] =	stream.linear.gather [spmem:s10], $0x4000, $0x38;
	[tilespmem:$0x1C100] =	vst v63  }
0x20: {  	_ =	swait.ge [sflag:s21], $0x4000  }
0x21: {  	[sflag:s21] =	ssyncset.done $0x0  }
0x22: {  	[sflag:s21] =	ssyncadd.s32 $0xFFFFC000  }
0x23: {  	[hbm4b:s15+s3] =	stream.linear.scatter [tilespmem:s20], [sflag:$0x2], $0x4000, $0x38;
	[tilespmem:$0x1C100] =	vst v63  }
0x24: {  	_ =	swait.ge [sflag:s21], $0x4000  }
0x25: {  	[sflag:s21] =	ssyncset.done $0x0  }
0x26: {  	[sflag:s21] =	ssyncadd.s32 $0xFFFFC000  }
0x27: {  	[tilespmem:s20], [sflag:$0x2] =	stream.linear.gather [spmem:s11], $0x4000, $0x38;
	[tilespmem:$0x1C100] =	vst v63  }
0x28: {  	_ =	swait.ge [sflag:s21], $0x4000  }
0x29: {  	[sflag:s21] =	ssyncset.done $0x0  }
0x2a: {  	[sflag:s21] =	ssyncadd.s32 $0xFFFFC000  }
0x2b: {  	[hbm4b:s16+s3] =	stream.linear.scatter [tilespmem:s20], [sflag:$0x2], $0x4000, $0x38;
	[tilespmem:$0x1C100] =	vst v63  }
0x2c: {  	_ =	swait.ge [sflag:s21], $0x4000  }
0x2d: {  	[sflag:s21] =	ssyncset.done $0x0  }
0x2e: {  	[sflag:s21] =	ssyncadd.s32 $0xFFFFC000  }
0x2f: {  	[tilespmem:s20], [sflag:$0x2] =	stream.linear.gather [spmem:s12], $0x4000, $0x38;
	[tilespmem:$0x1C100] =	vst v63  }
0x30: {  	_ =	swait.ge [sflag:s21], $0x4000  }
0x31: {  	[sflag:s21] =	ssyncset.done $0x0  }
0x32: {  	[sflag:s21] =	ssyncadd.s32 $0xFFFFC000  }
0x33: {  	[hbm4b:s17+s3] =	stream.linear.scatter [tilespmem:s20], [sflag:$0x2], $0x4000, $0x38;
	[tilespmem:$0x1C100] =	vst v63  }
0x34: {  	_ =	swait.ge [sflag:s21], $0x4000  }
0x35: {  	[sflag:s21] =	ssyncset.done $0x0  }
0x36: {  	[sflag:s21] =	ssyncadd.s32 $0xFFFFC000  }
0x37: {  	[tilespmem:s20], [sflag:$0x2] =	stream.linear.gather [spmem:s13], $0x4000, $0x38;
	[tilespmem:$0x1C100] =	vst v63  }
0x38: {  	s25 =	sadd.s32 $0x1, s25;
	_ =	swait.ge [sflag:s21], $0x4000  }
0x39: {  	p0 =	sne.s32 s25, s19;
	[sflag:s21] =	ssyncset.done $0x0  }
.Ltmp1:
0x3a: {  	[sflag:s21] =	ssyncadd.s32 $0xFFFFC000;
	(pc) =	sbr.rel @!p0 .LBB2_10-.Ltmp1, $4  }
0x3b: {  	[hbm4b:s18+s3] =	stream.linear.scatter [tilespmem:s20], [sflag:$0x2], $0x4000, $0x38;
	[tilespmem:$0x1C100] =	vst v63  }
0x3c: {  	_ =	swait.ge [sflag:s21], $0x4000  }
0x3d: {  	[sflag:s21] =	ssyncset.done $0x0  }
0x3e: {  	[sflag:s21] =	ssyncadd.s32 $0xFFFFC000  }
.LBB2_1:
0x3f: {  	s26 =	simm.s32 $0x0;
	s28 =	simm.s32 $0x200  }
.LBB2_2:
0x40: {  	p0 =	sne.s32 s28, $0xFE00;
	[tilespmem:s26+$0x170] =	vst v0  }
0x41: {  	[tilespmem:s26+$0x100] =	vst v0  }
0x42: {  	[tilespmem:s26+$0x110] =	vst v0  }
.Ltmp2:
0x43: {  	[tilespmem:s26+$0x120] =	vst v0;
	(pc) =	sbr.rel @p0 .LBB2_2-.Ltmp2, $4  }
0x44: {  	[tilespmem:s26+$0x130] =	vst v0  }
0x45: {  	[tilespmem:s26+$0x140] =	vst v0  }
0x46: {  	[tilespmem:s26+$0x150] =	vst v0  }
0x47: {  	[tilespmem:s26+$0x160] =	vst v0;
	s26 =	sshra.s32 s28, $0x2;
	s28 =	sadd.s32 $0x200, s28  }
0x48: {  	[tilespmem:s26+$0x170] =	vst v0  }
0x49: {  	[tilespmem:s26+$0x100] =	vst v0  }
0x4a: {  	[tilespmem:s26+$0x110] =	vst v0  }
0x4b: {  	[tilespmem:s26+$0x120] =	vst v0  }
0x4c: {  	[tilespmem:s26+$0x130] =	vst v0  }
0x4d: {  	[tilespmem:s26+$0x140] =	vst v0  }
0x4e: {  	[tilespmem:s26+$0x150] =	vst v0  }
0x4f: {  	[tilespmem:s26+$0x160] =	vst v0  }
0x50: {  	[spmem:s9] =	stream.linear.scatter [tilespmem:s20], [sflag:$0x2], $0x4000, $0x38;
	[tilespmem:$0x1C100] =	vst v63  }
0x51: {  	_ =	swait.ge [sflag:s21], $0x4000  }
0x52: {  	[sflag:s21] =	ssyncset.done $0x0  }
0x53: {  	[sflag:s21] =	ssyncadd.s32 $0xFFFFC000  }
0x54: {  	[spmem:s10] =	stream.linear.scatter [tilespmem:s20], [sflag:$0x2], $0x4000, $0x38;
	[tilespmem:$0x1C100] =	vst v63  }
0x55: {  	_ =	swait.ge [sflag:s21], $0x4000  }
0x56: {  	[sflag:s21] =	ssyncset.done $0x0  }
0x57: {  	[sflag:s21] =	ssyncadd.s32 $0xFFFFC000  }
0x58: {  	[spmem:s11] =	stream.linear.scatter [tilespmem:s20], [sflag:$0x2], $0x4000, $0x38;
	[tilespmem:$0x1C100] =	vst v63  }
0x59: {  	_ =	swait.ge [sflag:s21], $0x4000  }
0x5a: {  	[sflag:s21] =	ssyncset.done $0x0  }
0x5b: {  	[sflag:s21] =	ssyncadd.s32 $0xFFFFC000  }
0x5c: {  	[spmem:s12] =	stream.linear.scatter [tilespmem:s20], [sflag:$0x2], $0x4000, $0x38;
	[tilespmem:$0x1C100] =	vst v63  }
0x5d: {  	_ =	swait.ge [sflag:s21], $0x4000  }
0x5e: {  	[sflag:s21] =	ssyncset.done $0x0  }
0x5f: {  	[sflag:s21] =	ssyncadd.s32 $0xFFFFC000  }
0x60: {  	[spmem:s13] =	stream.linear.scatter [tilespmem:s20], [sflag:$0x2], $0x4000, $0x38;
	[tilespmem:$0x1C100] =	vst v63  }
.Ltmp3:
0x61: {  	_ =	swait.ge [sflag:s21], $0x4000;
	(pc) =	sbr.rel .LBB2_4-.Ltmp3, $4  }
0x62: {  	[sflag:s21] =	ssyncset.done $0x0  }
0x63: {  	[sflag:s21] =	ssyncadd.s32 $0xFFFFC000  }
0x64: {  	[bflag:$0x0] =	sbarrier.arrive $0xFFFF  }
0x65: {  	s26 =	simm.s32 $0x0  }
.LBB2_8:
0x66: {  	s26 =	sadd.s32 $0x1, s26  }
0x67: {  	p0 =	sne.s32 s26, $0x9C4  }
.Ltmp4:
0x68: {  	_ = 	snop;
	(pc) =	sbr.rel @!p0 .LBB2_9-.Ltmp4, $1  }
0x69: {  	_ =	sdelay $0x3  }
.LBB2_4:
0x6a: {  	s28 =	sand.u32 $0x1F, s26  }
0x6b: {  	p0 =	sne.s32 s28, s8  }
.Ltmp5:
0x6c: {  	_ = 	snop;
	(pc) =	sbr.rel @p0 .LBB2_8-.Ltmp5, $1  }
0x6d: {  	_ =	sdelay $0x3  }
0x6e: {  	s28 =	sshll.u32 s26, $0x4  }
0x6f: {  	s30 =	simm.s32 $0x0;
	s29 =	sadd.s32 s5, s28  }
0x70: {  	[tilespmem:s30], [sflag:$0x2] =	stream.linear.gather [hbm4b:s29+s30], $0x80, $0x38;
	[tilespmem:$0x1C100] =	vst v63  }
0x71: {  	_ =	swait.ge [sflag:s21], $0x80  }
0x72: {  	[sflag:s21] =	ssyncset.done $0x0  }
0x73: {  	s28 =	sadd.s32 s6, s28;
	[sflag:s21] =	ssyncadd.s32 $0xFFFFFF80  }
0x74: {  	[tilespmem:s22], [sflag:$0x2] =	stream.linear.gather [hbm4b:s28+s30], $0x80, $0x38;
	[tilespmem:$0x1C100] =	vst v63  }
0x75: {  	_ =	swait.ge [sflag:s21], $0x80  }
0x76: {  	s28 =	sshll.u32 s26, $0xB;
	[sflag:s21] =	ssyncset.done $0x0  }
0x77: {  	s28 =	sadd.s32 s7, s28;
	[sflag:s21] =	ssyncadd.s32 $0xFFFFFF80  }
0x78: {  	[tilespmem:s23], [sflag:$0x2] =	stream.linear.gather [hbm4b:s28+s30], $0x4000, $0x38;
	[tilespmem:$0x1C100] =	vst v63  }
0x79: {  	_ =	swait.ge [sflag:s21], $0x4000  }
0x7a: {  	[sflag:s21] =	ssyncset.done $0x0  }
0x7b: {  	[sflag:s21] =	ssyncadd.s32 $0xFFFFC000  }
0x7c: {  	[tilespmem:s20], [sflag:$0x1] =	stream.indirect.gather [hbm4b:s1+s22], $0x80, s30, s22, $0xb8;
	[tilespmem:$0x1C100] =	vst v63  }
0x7d: {  	_ =	swait.ge [sflag:s24], $0x4000  }
0x7e: {  	[sflag:s24] =	ssyncset.done $0x0  }
0x7f: {  	s28 =	simm.s32 $0x0;
	[sflag:s24] =	ssyncadd.s32 $0xFFFFC000  }
0x80: {  	v1 =	vld [tilespmem:s28+$0x4100]  }
0x81: {  	v5 =	vld [tilespmem:s28+$0x100]  }
0x82: {  	v7 =	vld [tilespmem:s28+$0x110]  }
0x83: {  	v6 =	vld [tilespmem:s28+$0x120]  }
0x84: {  	v4 =	vld [tilespmem:s28+$0x130]  }
0x85: {  	v2 =	vld [tilespmem:s28+$0x140]  }
0x86: {  	v3 =	vld [tilespmem:s28+$0x150];
	v8 =	vmul.f32 v5, v1  }
0x87: {  	s29 =	simm.s32 $0x200;
	v7 =	vmul.f32 v7, v1;
	v5 =	vld [tilespmem:s28+$0x160]  }
.LBB2_6:
0x88: {  	s30 =	sshra.s32 s29, $0x2;
	p0 =	sne.s32 s29, $0xFE00;
	[tilespmem:s28+$0x100] =	vst v8;
	v6 =	vmul.f32 v6, v1;
	v8 =	vld [tilespmem:s28+$0x170]  }
0x89: {  	v9 =	vld [tilespmem:s30+$0x4100];
	[tilespmem:s28+$0x110] =	vst v7;
	v4 =	vmul.f32 v4, v1  }
0x8a: {  	v7 =	vld [tilespmem:s30+$0x100];
	[tilespmem:s28+$0x120] =	vst v6;
	v2 =	vmul.f32 v2, v1  }
0x8b: {  	v10 =	vld [tilespmem:s30+$0x110];
	[tilespmem:s28+$0x130] =	vst v4;
	v3 =	vmul.f32 v3, v1  }
.Ltmp6:
0x8c: {  	v6 =	vld [tilespmem:s30+$0x120];
	[tilespmem:s28+$0x140] =	vst v2;
	v5 =	vmul.f32 v5, v1;
	(pc) =	sbr.rel @p0 .LBB2_6-.Ltmp6, $4  }
0x8d: {  	v4 =	vld [tilespmem:s30+$0x130];
	[tilespmem:s28+$0x150] =	vst v3;
	v11 =	vmul.f32 v8, v1  }
0x8e: {  	v2 =	vld [tilespmem:s30+$0x140];
	[tilespmem:s28+$0x160] =	vst v5;
	v1 =	vmov v9  }
0x8f: {  	v8 =	vmul.f32 v7, v1;
	v3 =	vld [tilespmem:s30+$0x150];
	[tilespmem:s28+$0x170] =	vst v11;
	s28 =	smov.u32 s30  }
0x90: {  	s29 =	sadd.s32 $0x200, s29;
	v7 =	vmul.f32 v10, v1;
	v5 =	vld [tilespmem:s28+$0x160]  }
0x91: {  	[tilespmem:s28+$0x100] =	vst v8;
	v6 =	vmul.f32 v6, v1;
	v63 =	vld [tilespmem:s28+$0x170]  }
0x92: {  	[tilespmem:s28+$0x110] =	vst v7;
	v4 =	vmul.f32 v4, v1  }
0x93: {  	[tilespmem:s28+$0x120] =	vst v6;
	v2 =	vmul.f32 v2, v1  }
0x94: {  	[tilespmem:s28+$0x130] =	vst v4;
	v3 =	vmul.f32 v3, v1  }
0x95: {  	[tilespmem:s28+$0x140] =	vst v2;
	v2 =	vmul.f32 v5, v1  }
0x96: {  	[tilespmem:s28+$0x150] =	vst v3;
	v1 =	vmul.f32 v63, v1  }
0x97: {  	[tilespmem:s28+$0x160] =	vst v2  }
.Ltmp7:
0x98: {  	[tilespmem:s28+$0x170] =	vst v1;
	(pc) =	sbr.rel .LBB2_8-.Ltmp7, $4  }
0x99: {  	[spmem:s2] =	stream.indirect.scatter.add.f32 [tilespmem:s20], [sflag:$0x1], $0x80, s22, s22, $0xb8;
	[tilespmem:$0x1C100] =	vst v63  }
0x9a: {  	_ =	swait.ge [sflag:s24], $0x4000  }
0x9b: {  	[sflag:s24] =	ssyncset.done $0x0  }
0x9c: {  	[sflag:s24] =	ssyncadd.s32 $0xFFFFC000  }
.LBB2_10:
0x9d: {  	_ =	sfence.sel $0x180000  }
0x9e: {  	[bflag:$0x0] =	sbarrier.arrive $0xFFFF  }
0x9f: {  	p0 =	sne.s32 s4, $0x0;
	_ =	strace $0x90000056  }
0xa0: {  	s0 =	sadd.s32 @!p0 $0x100000, s0;
	[bflag:$0x2] =	sbarrier.arrive $0xFFFF  }
0xa1: {  	[sflag:s0] =	ssyncadd.tile.s32 @!p0 $0x1;
	_ =	shalt  }
.Lfunc_end2:
_tile_overlayer_lowered:
.L_overlay_start_2:
0xa2: {  	(tag) =	ssettag $0x2  }
0xa3: {  	s0 =	rddreg [dreg:$0x0];
	s2 =	stileid.u32  }
0xa4: {  	s1 =	rddreg [dreg:$0x1];
	p0 =	sne.s32 s2, $0x0  }
0xa5: {  	s3 =	rddreg [dreg:$0x2];
	[bflag:$0x3] =	sbarrier.arrive $0xFFFF;
	s2 =	simm.s32 @!p0 $0x1C02  }
0xa6: {  	[timem:s3], [sflag:s2] =	dma.local @!p0 [hbm:s0], s1  }
0xa7: {  	s0 =	simm.s32 @!p0 $0x2  }
0xa8: {  	_ =	swait.ge @!p0 [sflag:s0], s1  }
0xa9: {  	s1 =	ssub.s32 @!p0 $0x0, s1;
	[sflag:s0] =	ssyncset.done @!p0 $0x0  }
0xaa: {  	[sflag:s0] =	ssyncadd.s32 @!p0 s1  }
0xab: {  	[bflag:$0x3] =	sbarrier.arrive $0xFFFF  }
0xac: {  	_ =	shalt  }

</sc_bundles>
